<compile_context>
chip_gen: v7x
topology: tpu7x:2x2x1
jax: 0.10.2.dev20260603
libtpu: 0.0.44.dev20260713+nightly
codegen_flags: <defaults>
</compile_context>

<pallas_src>
import functools
import jax
import jax.numpy as jnp
from jax import lax
from jax.experimental import pallas as pl
from jax.experimental.pallas import tpu as pltpu
from jax.experimental.pallas import tpu_sc as plsc

VOCAB = 50257
USERS = 100000
D = 768
TOKENS = 1024 * 200
NC = 2
NS = 16
NW = NC * NS
TPW = TOKENS // NW
NVEC = TPW // 16
CAP = TPW + 16


@functools.partial(
    pl.kernel,
    out_type=jax.ShapeDtypeStruct((TOKENS, D), jnp.float32),
    mesh=plsc.VectorSubcoreMesh(core_axis_name="c", subcore_axis_name="s"),
    scratch_types=[
        pltpu.VMEM((TPW,), jnp.int32),
        pltpu.VMEM((CAP,), jnp.int32),
        pltpu.VMEM((CAP,), jnp.int32),
        pltpu.VMEM((CAP,), jnp.int32),
        pltpu.VMEM((16, D), jnp.float32),
        pltpu.VMEM((16, D), jnp.float32),
        pltpu.VMEM((16, D), jnp.float32),
        pltpu.VMEM((16, D), jnp.float32),
        pltpu.VMEM((16, D), jnp.float32),
        pltpu.VMEM((16, D), jnp.float32),
        pltpu.SemaphoreType.DMA,
        pltpu.SemaphoreType.DMA,
        pltpu.SemaphoreType.DMA,
        pltpu.SemaphoreType.DMA,
        pltpu.SemaphoreType.DMA,
        pltpu.SemaphoreType.DMA,
        pltpu.SemaphoreType.DMA,
        pltpu.SemaphoreType.DMA,
        pltpu.SemaphoreType.DMA,
        pltpu.SemaphoreType.DMA,
        pltpu.SemaphoreType.DMA,
        pltpu.SemaphoreType.DMA,
    ],
    compiler_params=pltpu.CompilerParams(needs_layout_passes=False),
)
def _embed(ids_hbm, wte_hbm, usr_hbm, itm_hbm, out_hbm,
           ids_v, pv, pu, pi, rb0, rb1, rb2, rb3, rb4, rb5,
           gs0, gs1, gs2, gs3, gs4, gs5, ss0, ss1, ss2, ss3, ss4, ss5):
    wid = lax.axis_index("s") * NC + lax.axis_index("c")
    base = wid * TPW
    pltpu.sync_copy(ids_hbm.at[pl.ds(base, TPW)], ids_v)

    iota = lax.iota(jnp.int32, 16)

    def one(plist, off, last, m, pos):
        m32 = m.astype(jnp.int32)
        incl = plsc.cumsum(m32)
        plsc.store_scatter(plist, [off + incl - m32], pos, mask=m)
        cnt = jnp.max(incl)
        lastpos = jnp.max(jnp.where(m, pos, -1))
        return off + cnt, jnp.where(cnt > 0, lastpos, last)

    def compact_v(i, carry):
        ov, lv = carry
        v = ids_v[pl.ds(i * 16, 16)]
        pos = iota + i * 16
        return one(pv, ov, lv, v < VOCAB, pos)

    def compact_ui(i, carry):
        ou, oi, lu, li = carry
        v = ids_v[pl.ds(i * 16, 16)]
        pos = iota + i * 16
        mu = jnp.logical_and(v >= VOCAB, v < VOCAB + USERS)
        ou, lu = one(pu, ou, lu, mu, pos)
        oi, li = one(pi, oi, li, v >= VOCAB + USERS, pos)
        return ou, oi, lu, li

    z = jnp.int32(0)
    nv, lv = lax.fori_loop(0, NVEC, compact_v, (z, z))

    def pad(plist, n, last):
        f = (n // 16) * 16
        rem = n - f
        tail = plist[pl.ds(f, 16)]
        plist[pl.ds(f, 16)] = jnp.where(iota < rem, tail, last)

    pad(pv, nv, lv)

    rbufs = (rb0, rb1, rb2, rb3, rb4, rb5)
    gsems = (gs0, gs1, gs2, gs3, gs4, gs5)
    ssems = (ss0, ss1, ss2, ss3, ss4, ss5)
    NBUF = 6

    SIDE_K = 32

    def do_table(tref, plist, n, off, carry, side):
        trips = (n + 15) // 16
        nround = (trips + NBUF - 1) // NBUF

        def wait_g(b):
            pltpu.make_async_copy(tref.at[pl.ds(0, 16)], rbufs[b],
                                  gsems[b]).wait()

        def wait_s(b):
            pltpu.make_async_copy(rbufs[b], out_hbm.at[pl.ds(0, 16)],
                                  ssems[b]).wait()

        def round_(q, c):
            for b in range(NBUF):
                j = q * NBUF + b

                @pl.when(q > 0)
                def _():
                    wait_s(b)

                @pl.when(j < trips)
                def _():
                    posl = plist[pl.ds(j * 16, 16)]
                    idxv = plsc.load_gather(ids_v, [posl]) - off
                    pltpu.async_copy(tref.at[idxv], rbufs[b], gsems[b])

            if side is not None:
                si = c[0]
                inner = lax.fori_loop(si, jnp.minimum(si + SIDE_K, NVEC),
                                      side, c[1])
                c = (jnp.minimum(si + SIDE_K, NVEC), inner)

            for b in range(NBUF):
                j = q * NBUF + b

                @pl.when(j < trips)
                def _():
                    wait_g(b)
                    posl = plist[pl.ds(j * 16, 16)]
                    pltpu.async_copy(rbufs[b], out_hbm.at[posl + base],
                                     ssems[b])

            return c

        carry = lax.fori_loop(0, nround, round_, carry)
        for b in range(NBUF):
            @pl.when(jnp.logical_and(nround > 0,
                                     (nround - 1) * NBUF + b < trips))
            def _():
                wait_s(b)

        return carry

    si, ui = do_table(wte_hbm, pv, nv, 0,
                      (z, (z, z, z, z)), compact_ui)
    nu, ni, lu, li = lax.fori_loop(si, NVEC, compact_ui, ui)
    pad(pu, nu, lu)
    pad(pi, ni, li)
    do_table(usr_hbm, pu, nu, VOCAB, 0, None)
    do_table(itm_hbm, pi, ni, VOCAB + USERS, 0, None)


def kernel(input_ids, wte, user_embeddings, item_embeddings):
    ids = input_ids.astype(jnp.int32).reshape(-1)
    out = _embed(ids, wte, user_embeddings, item_embeddings)
    return out.reshape(input_ids.shape + (D,))

# --- scband reference (transcript-rebuilt; emitter-appended) ---
"""Pipeline reference for scband-dpellm4-rec-base-model-55009941127313 (READ-ONLY COPY).

The authoritative reference and input builder live on the scoring server;
editing this copy changes nothing except your own understanding.
"""

import jax, jax.numpy as jnp
import numpy as np

VOCAB_SIZE = 50257
NUM_USERS = 100000
NUM_ITEMS = 100000
N_EMBD = 768
INIT_RANGE = 0.02
BATCH = 1024
SEQ = 200


def setup_inputs(seed: int = 0) -> dict:
    key = jax.random.key(seed)
    k1, k2, k3, k4 = jax.random.split(key, 4)
    total_ids = VOCAB_SIZE + NUM_USERS + NUM_ITEMS
    input_ids = jax.random.randint(k1, (BATCH, SEQ), 0, total_ids, dtype=jnp.int32)
    wte = jax.random.normal(k2, (VOCAB_SIZE, N_EMBD), dtype=jnp.float32) * INIT_RANGE
    user_embeddings = jax.random.normal(k3, (NUM_USERS, N_EMBD), dtype=jnp.float32) * INIT_RANGE
    item_embeddings = jax.random.normal(k4, (NUM_ITEMS, N_EMBD), dtype=jnp.float32) * INIT_RANGE
    return {
        "input_ids": input_ids,
        "wte": wte,
        "user_embeddings": user_embeddings,
        "item_embeddings": item_embeddings,
    }


def reference(input_ids, wte, user_embeddings, item_embeddings):
    # Faithful translation of DPELLM4RecBaseModel.embed (LLMmodel treated as
    # consuming inputs_embeds; the SparseCore-relevant work is the mixed lookup).
    ids = input_ids.astype(jnp.int32)
    vocab_mask = (ids < VOCAB_SIZE).astype(jnp.int32)
    user_mask = ((ids >= VOCAB_SIZE) & (ids < VOCAB_SIZE + NUM_USERS)).astype(jnp.int32)
    item_mask = (ids >= VOCAB_SIZE + NUM_USERS).astype(jnp.int32)

    vocab_ids = jnp.clip(ids * vocab_mask, 0, VOCAB_SIZE - 1)
    vocab_emb = jnp.take(wte, vocab_ids, axis=0)
    vocab_emb = vocab_emb * vocab_mask.astype(jnp.float32)[..., None]

    user_ids = jnp.clip((ids - VOCAB_SIZE) * user_mask, 0, NUM_USERS - 1)
    user_emb = jnp.take(user_embeddings, user_ids, axis=0)
    user_emb = user_emb * user_mask.astype(jnp.float32)[..., None]

    item_ids = jnp.clip((ids - VOCAB_SIZE - NUM_USERS) * item_mask, 0, NUM_ITEMS - 1)
    item_emb = jnp.take(item_embeddings, item_ids, axis=0)
    item_emb = item_emb * item_mask.astype(jnp.float32)[..., None]

    input_embeddings = vocab_emb + user_emb + item_emb
    return input_embeddings

if __name__ == "__main__":
    import jax
    _d = setup_inputs()
    print(jax.jit(kernel)(*tuple(_d.values())))

</pallas_src>

<mosaic_0001>
#map = affine_map<(d0, d1) -> (0)>
#map1 = affine_map<(d0, d1) -> (0, 0)>
module attributes {stable_mosaic.version = 14 : i64} {
  func.func @_embed(%arg0: i32, %arg1: i32, %arg2: memref<204800xi32, #tpu.memory_space<hbm>>, %arg3: memref<50257x768xf32, #tpu.memory_space<hbm>>, %arg4: memref<100000x768xf32, #tpu.memory_space<hbm>>, %arg5: memref<100000x768xf32, #tpu.memory_space<hbm>>, %arg6: memref<204800x768xf32, #tpu.memory_space<hbm>>, %arg7: memref<6400xi32, #tpu.memory_space<vmem>>, %arg8: memref<6416xi32, #tpu.memory_space<vmem>>, %arg9: memref<6416xi32, #tpu.memory_space<vmem>>, %arg10: memref<6416xi32, #tpu.memory_space<vmem>>, %arg11: memref<16x768xf32, #tpu.memory_space<vmem>>, %arg12: memref<16x768xf32, #tpu.memory_space<vmem>>, %arg13: memref<16x768xf32, #tpu.memory_space<vmem>>, %arg14: memref<16x768xf32, #tpu.memory_space<vmem>>, %arg15: memref<16x768xf32, #tpu.memory_space<vmem>>, %arg16: memref<16x768xf32, #tpu.memory_space<vmem>>, %arg17: memref<!tpu.dma_semaphore, #tpu.memory_space<semaphore_mem>>, %arg18: memref<!tpu.dma_semaphore, #tpu.memory_space<semaphore_mem>>, %arg19: memref<!tpu.dma_semaphore, #tpu.memory_space<semaphore_mem>>, %arg20: memref<!tpu.dma_semaphore, #tpu.memory_space<semaphore_mem>>, %arg21: memref<!tpu.dma_semaphore, #tpu.memory_space<semaphore_mem>>, %arg22: memref<!tpu.dma_semaphore, #tpu.memory_space<semaphore_mem>>, %arg23: memref<!tpu.dma_semaphore, #tpu.memory_space<semaphore_mem>>, %arg24: memref<!tpu.dma_semaphore, #tpu.memory_space<semaphore_mem>>, %arg25: memref<!tpu.dma_semaphore, #tpu.memory_space<semaphore_mem>>, %arg26: memref<!tpu.dma_semaphore, #tpu.memory_space<semaphore_mem>>, %arg27: memref<!tpu.dma_semaphore, #tpu.memory_space<semaphore_mem>>, %arg28: memref<!tpu.dma_semaphore, #tpu.memory_space<semaphore_mem>>) attributes {dimension_semantics = [#tpu.dimension_semantics<core_parallel>, #tpu.dimension_semantics<subcore_parallel>], iteration_bounds = array<i64: 2, 16>, scalar_prefetch = 0 : i64, scratch_operands = 22 : i64, tpu.core_type = #tpu.core_type<sc_vector_subcore>, window_params = [{transform_indices = #map}, {transform_indices = #map1}, {transform_indices = #map1}, {transform_indices = #map1}, {transform_indices = #map1}]} {
    %mul3A = arith.constant 2 : i32
    %mul3A_0 = arith.muli %arg1, %mul3A : i32
    %add3A = arith.addi %mul3A_0, %arg0 : i32
    %mul3A_1 = arith.constant 6400 : i32
    %mul3A_2 = arith.muli %add3A, %mul3A_1 : i32
    "tpu.region"() ({
      %run_scoped3A = tpu.sem_alloc : memref<!tpu.dma_semaphore, #tpu.memory_space<semaphore_mem>>
      %dma_start3A = tpu.memref_slice %arg2[%mul3A_2] : memref<204800xi32, #tpu.memory_space<hbm>> -> memref<6400xi32, #tpu.memory_space<hbm>>
      %dma_start3A_542 = tpu.memref_slice %arg2[%mul3A_2] : memref<204800xi32, #tpu.memory_space<hbm>> -> memref<6400xi32, #tpu.memory_space<hbm>>
      tpu.enqueue_dma source(%dma_start3A_542 : memref<6400xi32, #tpu.memory_space<hbm>>) target(%arg7 : memref<6400xi32, #tpu.memory_space<vmem>>) target_semaphore(%run_scoped3A : memref<!tpu.dma_semaphore, #tpu.memory_space<semaphore_mem>>)
      %dma_wait3A = tpu.memref_slice %arg2[%mul3A_2] : memref<204800xi32, #tpu.memory_space<hbm>> -> memref<6400xi32, #tpu.memory_space<hbm>>
      %dma_wait3A_543 = tpu.memref_slice %arg2[%mul3A_2] : memref<204800xi32, #tpu.memory_space<hbm>> -> memref<6400xi32, #tpu.memory_space<hbm>>
      tpu.wait_dma2 semaphore(%run_scoped3A : memref<!tpu.dma_semaphore, #tpu.memory_space<semaphore_mem>>) src(%dma_wait3A_543 : memref<6400xi32, #tpu.memory_space<hbm>>) dst(%arg7 : memref<6400xi32, #tpu.memory_space<vmem>>)
      tpu.yield
    }) : () -> ()
    %iota3A = tpu.iota {dimensions = array<i32: 0>} : vector<16xi32>
    %scan3A = arith.constant 0 : i32
    %scan3A_3 = arith.constant 0 : i32
    %scan3A_4 = arith.constant 0 : i32
    %scan3A_5 = arith.constant 400 : i32
    %scan3A_6 = arith.addi %scan3A_4, %scan3A_5 : i32
    %scan3A_7 = arith.constant 1 : i32
    %scan3A_8:2 = scf.for %scan3A_542 = %scan3A_4 to %scan3A_6 step %scan3A_7 iter_args(%scan3A_543 = %scan3A, %scan3A_544 = %scan3A_3) -> (i32, i32)  : i32 {
      %mul3A_545 = arith.constant 16 : i32
      %mul3A_546 = arith.muli %scan3A_542, %mul3A_545 : i32
      %get3A_547 = arith.index_cast %mul3A_546 : i32 to index
      %get3A_548 = tpu.vector_load %arg7[%get3A_547] {strides = array<i32>} : memref<6400xi32, #tpu.memory_space<vmem>>, vector<16xi32>,
      %mul3A_549 = arith.constant 16 : i32
      %mul3A_550 = arith.muli %scan3A_542, %mul3A_549 : i32
      %add3A_551 = vector.broadcast %mul3A_550 : i32 to vector<16xi32>
      %add3A_552 = arith.addi %iota3A, %add3A_551 : vector<16xi32>
      %lt3A_553 = arith.constant 50257 : i32
      %lt3A_554 = vector.broadcast %lt3A_553 : i32 to vector<16xi32>
      %lt3A_555 = arith.cmpi slt, %get3A_548, %lt3A_554 : vector<16xi32>
      %convert_element_type3A_556 = arith.extui %lt3A_555 : vector<16xi1> to vector<16xi32>
      %broadcast_in_dim3A_557 = arith.constant true
      %broadcast_in_dim3A_558 = vector.broadcast %broadcast_in_dim3A_557 : i1 to vector<16xi1>
      %masked_cumsum3A = tpu.scan <sum>, %convert_element_type3A_556 masked %broadcast_in_dim3A_558 : vector<16xi32>, vector<16xi1> -> vector<16xi32>
      %add3A_559 = vector.broadcast %scan3A_543 : i32 to vector<16xi32>
      %add3A_560 = arith.addi %add3A_559, %masked_cumsum3A : vector<16xi32>
      %sub3A_561 = arith.subi %add3A_560, %convert_element_type3A_556 : vector<16xi32>
      tpu.vector_store_idx %arg8[%sub3A_561], %add3A_552 masked %lt3A_555 : memref<6416xi32, #tpu.memory_space<vmem>>[vector<16xi32>], vector<16xi32>, vector<16xi1>
      %reduce_max3A = arith.constant true
      %reduce_max3A_562 = vector.broadcast %reduce_max3A : i1 to vector<16xi1>
      %reduce_max3A_563 = arith.constant -2147483648 : i32
      %reduce_max3A_564 = vector.broadcast %reduce_max3A_563 : i32 to vector<16xi32>
      %reduce_max3A_565 = arith.xori %masked_cumsum3A, %reduce_max3A_564 : vector<16xi32>
      %reduce_max3A_566 = tpu.scan <max>, %reduce_max3A_565 masked %reduce_max3A_562 : vector<16xi32>, vector<16xi1> -> vector<16xi32>
      %reduce_max3A_567 = arith.xori %reduce_max3A_566, %reduce_max3A_564 : vector<16xi32>
      %reduce_max3A_568 = vector.extract %reduce_max3A_567[15] : i32 from vector<16xi32>
      %jit3A_569 = arith.constant -1 : i32
      %broadcast_in_dim3A_570 = vector.broadcast %jit3A_569 : i32 to vector<16xi32>
      %select_n3A_571 = arith.select %lt3A_555, %add3A_552, %broadcast_in_dim3A_570 : vector<16xi1>, vector<16xi32>
      %reduce_max3A_572 = arith.constant true
      %reduce_max3A_573 = vector.broadcast %reduce_max3A_572 : i1 to vector<16xi1>
      %reduce_max3A_574 = arith.constant -2147483648 : i32
      %reduce_max3A_575 = vector.broadcast %reduce_max3A_574 : i32 to vector<16xi32>
      %reduce_max3A_576 = arith.xori %select_n3A_571, %reduce_max3A_575 : vector<16xi32>
      %reduce_max3A_577 = tpu.scan <max>, %reduce_max3A_576 masked %reduce_max3A_573 : vector<16xi32>, vector<16xi1> -> vector<16xi32>
      %reduce_max3A_578 = arith.xori %reduce_max3A_577, %reduce_max3A_575 : vector<16xi32>
      %reduce_max3A_579 = vector.extract %reduce_max3A_578[15] : i32 from vector<16xi32>
      %add3A_580 = arith.addi %scan3A_543, %reduce_max3A_568 : i32
      %gt3A_581 = arith.constant 0 : i32
      %gt3A_582 = arith.cmpi sgt, %reduce_max3A_568, %gt3A_581 : i32
      %select_n3A_583 = arith.select %gt3A_582, %reduce_max3A_579, %scan3A_544 : i32
      scf.yield %add3A_580, %select_n3A_583 : i32, i32
    }
    %scan3A_9 = arith.constant 400 : i32
    %jit3A = arith.constant 16 : i32
    %div3A = arith.divsi %scan3A_8#0, %jit3A : i32
    %sign3A = arith.constant 0 : i32
    %sign3A_10 = arith.cmpi sgt, %scan3A_8#0, %sign3A : i32
    %sign3A_11 = arith.extui %sign3A_10 : i1 to i32
    %sign3A_12 = arith.constant 0 : i32
    %sign3A_13 = arith.cmpi slt, %scan3A_8#0, %sign3A_12 : i32
    %sign3A_14 = arith.extui %sign3A_13 : i1 to i32
    %sign3A_15 = arith.subi %sign3A_11, %sign3A_14 : i32
    %sign3A_16 = arith.constant 0 : i32
    %sign3A_17 = arith.cmpi sgt, %jit3A, %sign3A_16 : i32
    %sign3A_18 = arith.extui %sign3A_17 : i1 to i32
    %sign3A_19 = arith.constant 0 : i32
    %sign3A_20 = arith.cmpi slt, %jit3A, %sign3A_19 : i32
    %sign3A_21 = arith.extui %sign3A_20 : i1 to i32
    %sign3A_22 = arith.subi %sign3A_18, %sign3A_21 : i32
    %ne3A = arith.cmpi ne, %sign3A_15, %sign3A_22 : i32
    %rem3A = arith.remsi %scan3A_8#0, %jit3A : i32
    %ne3A_23 = arith.constant 0 : i32
    %ne3A_24 = arith.cmpi ne, %rem3A, %ne3A_23 : i32
    %and3A = arith.andi %ne3A, %ne3A_24 : i1
    %sub3A = arith.constant 1 : i32
    %sub3A_25 = arith.subi %div3A, %sub3A : i32
    %select_n3A = arith.select %and3A, %sub3A_25, %div3A : i32
    %mul3A_26 = arith.constant 16 : i32
    %mul3A_27 = arith.muli %select_n3A, %mul3A_26 : i32
    %sub3A_28 = arith.subi %scan3A_8#0, %mul3A_27 : i32
    %get3A = arith.index_cast %mul3A_27 : i32 to index
    %get3A_29 = tpu.vector_load %arg8[%get3A] {strides = array<i32>} : memref<6416xi32, #tpu.memory_space<vmem>>, vector<16xi32>,
    %lt3A = vector.broadcast %sub3A_28 : i32 to vector<16xi32>
    %lt3A_30 = arith.cmpi slt, %iota3A, %lt3A : vector<16xi32>
    %broadcast_in_dim3A = vector.broadcast %scan3A_8#1 : i32 to vector<16xi32>
    %select_n3A_31 = arith.select %lt3A_30, %get3A_29, %broadcast_in_dim3A : vector<16xi1>, vector<16xi32>
    %swap3A = arith.index_cast %mul3A_27 : i32 to index
    %swap3A_32 = tpu.vector_load %arg8[%swap3A] {strides = array<i32>} : memref<6416xi32, #tpu.memory_space<vmem>>, vector<16xi32>,
    tpu.vector_store %arg8[%swap3A], %select_n3A_31 {strides = array<i32>} : memref<6416xi32, #tpu.memory_space<vmem>>, vector<16xi32>,
    %add3A_33 = arith.constant 15 : i32
    %add3A_34 = arith.addi %scan3A_8#0, %add3A_33 : i32
    %jit3A_35 = arith.constant 16 : i32
    %div3A_36 = arith.divsi %add3A_34, %jit3A_35 : i32
    %sign3A_37 = arith.constant 0 : i32
    %sign3A_38 = arith.cmpi sgt, %add3A_34, %sign3A_37 : i32
    %sign3A_39 = arith.extui %sign3A_38 : i1 to i32
    %sign3A_40 = arith.constant 0 : i32
    %sign3A_41 = arith.cmpi slt, %add3A_34, %sign3A_40 : i32
    %sign3A_42 = arith.extui %sign3A_41 : i1 to i32
    %sign3A_43 = arith.subi %sign3A_39, %sign3A_42 : i32
    %sign3A_44 = arith.constant 0 : i32
    %sign3A_45 = arith.cmpi sgt, %jit3A_35, %sign3A_44 : i32
    %sign3A_46 = arith.extui %sign3A_45 : i1 to i32
    %sign3A_47 = arith.constant 0 : i32
    %sign3A_48 = arith.cmpi slt, %jit3A_35, %sign3A_47 : i32
    %sign3A_49 = arith.extui %sign3A_48 : i1 to i32
    %sign3A_50 = arith.subi %sign3A_46, %sign3A_49 : i32
    %ne3A_51 = arith.cmpi ne, %sign3A_43, %sign3A_50 : i32
    %rem3A_52 = arith.remsi %add3A_34, %jit3A_35 : i32
    %ne3A_53 = arith.constant 0 : i32
    %ne3A_54 = arith.cmpi ne, %rem3A_52, %ne3A_53 : i32
    %and3A_55 = arith.andi %ne3A_51, %ne3A_54 : i1
    %sub3A_56 = arith.constant 1 : i32
    %sub3A_57 = arith.subi %div3A_36, %sub3A_56 : i32
    %select_n3A_58 = arith.select %and3A_55, %sub3A_57, %div3A_36 : i32
    %add3A_59 = arith.constant 6 : i32
    %add3A_60 = arith.addi %select_n3A_58, %add3A_59 : i32
    %sub3A_61 = arith.constant 1 : i32
    %sub3A_62 = arith.subi %add3A_60, %sub3A_61 : i32
    %jit3A_63 = arith.constant 6 : i32
    %div3A_64 = arith.divsi %sub3A_62, %jit3A_63 : i32
    %sign3A_65 = arith.constant 0 : i32
    %sign3A_66 = arith.cmpi sgt, %sub3A_62, %sign3A_65 : i32
    %sign3A_67 = arith.extui %sign3A_66 : i1 to i32
    %sign3A_68 = arith.constant 0 : i32
    %sign3A_69 = arith.cmpi slt, %sub3A_62, %sign3A_68 : i32
    %sign3A_70 = arith.extui %sign3A_69 : i1 to i32
    %sign3A_71 = arith.subi %sign3A_67, %sign3A_70 : i32
    %sign3A_72 = arith.constant 0 : i32
    %sign3A_73 = arith.cmpi sgt, %jit3A_63, %sign3A_72 : i32
    %sign3A_74 = arith.extui %sign3A_73 : i1 to i32
    %sign3A_75 = arith.constant 0 : i32
    %sign3A_76 = arith.cmpi slt, %jit3A_63, %sign3A_75 : i32
    %sign3A_77 = arith.extui %sign3A_76 : i1 to i32
    %sign3A_78 = arith.subi %sign3A_74, %sign3A_77 : i32
    %ne3A_79 = arith.cmpi ne, %sign3A_71, %sign3A_78 : i32
    %rem3A_80 = arith.remsi %sub3A_62, %jit3A_63 : i32
    %ne3A_81 = arith.constant 0 : i32
    %ne3A_82 = arith.cmpi ne, %rem3A_80, %ne3A_81 : i32
    %and3A_83 = arith.andi %ne3A_79, %ne3A_82 : i1
    %sub3A_84 = arith.constant 1 : i32
    %sub3A_85 = arith.subi %div3A_64, %sub3A_84 : i32
    %select_n3A_86 = arith.select %and3A_83, %sub3A_85, %div3A_64 : i32
    %while3A = arith.constant 0 : i32
    %while3A_87 = arith.constant 0 : i32
    %while3A_88 = arith.constant 0 : i32
    %while3A_89 = arith.constant 0 : i32
    %while3A_90 = arith.constant 0 : i32
    %while3A_91 = arith.constant 0 : i32
    %while3A_92 = arith.subi %select_n3A_86, %while3A : i32
    %while3A_93 = arith.addi %while3A, %while3A_92 : i32
    %while3A_94 = arith.constant 1 : i32
    %while3A_95 = arith.divsi %while3A_92, %while3A_94 : i32
    %while3A_96 = arith.muli %while3A_95, %while3A_94 : i32
    %while3A_97 = arith.addi %while3A, %while3A_96 : i32
    %while3A_98 = arith.constant 1 : i32
    %while3A_99:5 = scf.for %while3A_542 = %while3A to %while3A_97 step %while3A_98 iter_args(%while3A_543 = %while3A_87, %while3A_544 = %while3A_88, %while3A_545 = %while3A_89, %while3A_546 = %while3A_90, %while3A_547 = %while3A_91) -> (i32, i32, i32, i32, i32)  : i32 {
      %mul3A_548 = arith.constant 6 : i32
      %mul3A_549 = arith.muli %while3A_542, %mul3A_548 : i32
      %add3A_550 = arith.constant 0 : i32
      %add3A_551 = arith.addi %mul3A_549, %add3A_550 : i32
      %gt3A_552 = arith.constant 0 : i32
      %gt3A_553 = arith.cmpi sgt, %while3A_542, %gt3A_552 : i32
      %convert_element_type3A_554 = arith.extui %gt3A_553 : i1 to i32
      %cond3A_555 = arith.constant 0 : i32
      %cond3A_556 = arith.cmpi ne, %convert_element_type3A_554, %cond3A_555 : i32
      scf.if %cond3A_556 {
        %dma_wait3A = arith.constant 0 : i32
        %dma_wait3A_691 = arith.constant 0 : i32
        %dma_wait3A_692 = tpu.memref_slice %arg6[%dma_wait3A, %dma_wait3A_691] : memref<204800x768xf32, #tpu.memory_space<hbm>> -> memref<16x768xf32, #tpu.memory_space<hbm>>
        %dma_wait3A_693 = arith.constant 0 : i32
        %dma_wait3A_694 = arith.constant 0 : i32
        %dma_wait3A_695 = tpu.memref_slice %arg6[%dma_wait3A_693, %dma_wait3A_694] : memref<204800x768xf32, #tpu.memory_space<hbm>> -> memref<16x768xf32, #tpu.memory_space<hbm>>
        tpu.wait_dma2 semaphore(%arg23 : memref<!tpu.dma_semaphore, #tpu.memory_space<semaphore_mem>>) src(%arg11 : memref<16x768xf32, #tpu.memory_space<vmem>>) dst(%dma_wait3A_695 : memref<16x768xf32, #tpu.memory_space<hbm>>)
      } else {
      }
      %lt3A_557 = arith.cmpi slt, %add3A_551, %select_n3A_58 : i32
      %convert_element_type3A_558 = arith.extui %lt3A_557 : i1 to i32
      %cond3A_559 = arith.constant 0 : i32
      %cond3A_560 = arith.cmpi ne, %convert_element_type3A_558, %cond3A_559 : i32
      scf.if %cond3A_560 {
        %mul3A_691 = arith.constant 16 : i32
        %mul3A_692 = arith.muli %add3A_551, %mul3A_691 : i32
        %get3A_693 = arith.index_cast %mul3A_692 : i32 to index
        %get3A_694 = tpu.vector_load %arg8[%get3A_693] {strides = array<i32>} : memref<6416xi32, #tpu.memory_space<vmem>>, vector<16xi32>,
        %gather3A = tpu.vector_load_idx %arg7[%get3A_694] : memref<6400xi32, #tpu.memory_space<vmem>>[vector<16xi32>], vector<16xi32>,
        %sub3A_695 = arith.constant 0 : i32
        %sub3A_696 = vector.broadcast %sub3A_695 : i32 to vector<16xi32>
        %sub3A_697 = arith.subi %gather3A, %sub3A_696 : vector<16xi32>
        %dma_start3A = arith.constant 0 : i32
        %dma_start3A_698 = arith.constant 0 : i32
        %dma_start3A_699 = tpu.memref_slice %arg3[%dma_start3A, %dma_start3A_698] : memref<50257x768xf32, #tpu.memory_space<hbm>> -> memref<50257x768xf32, #tpu.memory_space<hbm>>
        tpu.enqueue_indirect_dma source(%dma_start3A_699 : memref<50257x768xf32, #tpu.memory_space<hbm>>) target(%arg11 : memref<16x768xf32, #tpu.memory_space<vmem>>) offsets(%sub3A_697 : vector<16xi32>) semaphore(%arg17 : memref<!tpu.dma_semaphore, #tpu.memory_space<semaphore_mem>>)
      } else {
      }
      %mul3A_561 = arith.constant 6 : i32
      %mul3A_562 = arith.muli %while3A_542, %mul3A_561 : i32
      %add3A_563 = arith.constant 1 : i32
      %add3A_564 = arith.addi %mul3A_562, %add3A_563 : i32
      %gt3A_565 = arith.constant 0 : i32
      %gt3A_566 = arith.cmpi sgt, %while3A_542, %gt3A_565 : i32
      %convert_element_type3A_567 = arith.extui %gt3A_566 : i1 to i32
      %cond3A_568 = arith.constant 0 : i32
      %cond3A_569 = arith.cmpi ne, %convert_element_type3A_567, %cond3A_568 : i32
      scf.if %cond3A_569 {
        %dma_wait3A = arith.constant 0 : i32
        %dma_wait3A_691 = arith.constant 0 : i32
        %dma_wait3A_692 = tpu.memref_slice %arg6[%dma_wait3A, %dma_wait3A_691] : memref<204800x768xf32, #tpu.memory_space<hbm>> -> memref<16x768xf32, #tpu.memory_space<hbm>>
        %dma_wait3A_693 = arith.constant 0 : i32
        %dma_wait3A_694 = arith.constant 0 : i32
        %dma_wait3A_695 = tpu.memref_slice %arg6[%dma_wait3A_693, %dma_wait3A_694] : memref<204800x768xf32, #tpu.memory_space<hbm>> -> memref<16x768xf32, #tpu.memory_space<hbm>>
        tpu.wait_dma2 semaphore(%arg24 : memref<!tpu.dma_semaphore, #tpu.memory_space<semaphore_mem>>) src(%arg12 : memref<16x768xf32, #tpu.memory_space<vmem>>) dst(%dma_wait3A_695 : memref<16x768xf32, #tpu.memory_space<hbm>>)
      } else {
      }
      %lt3A_570 = arith.cmpi slt, %add3A_564, %select_n3A_58 : i32
      %convert_element_type3A_571 = arith.extui %lt3A_570 : i1 to i32
      %cond3A_572 = arith.constant 0 : i32
      %cond3A_573 = arith.cmpi ne, %convert_element_type3A_571, %cond3A_572 : i32
      scf.if %cond3A_573 {
        %mul3A_691 = arith.constant 16 : i32
        %mul3A_692 = arith.muli %add3A_564, %mul3A_691 : i32
        %get3A_693 = arith.index_cast %mul3A_692 : i32 to index
        %get3A_694 = tpu.vector_load %arg8[%get3A_693] {strides = array<i32>} : memref<6416xi32, #tpu.memory_space<vmem>>, vector<16xi32>,
        %gather3A = tpu.vector_load_idx %arg7[%get3A_694] : memref<6400xi32, #tpu.memory_space<vmem>>[vector<16xi32>], vector<16xi32>,
        %sub3A_695 = arith.constant 0 : i32
        %sub3A_696 = vector.broadcast %sub3A_695 : i32 to vector<16xi32>
        %sub3A_697 = arith.subi %gather3A, %sub3A_696 : vector<16xi32>
        %dma_start3A = arith.constant 0 : i32
        %dma_start3A_698 = arith.constant 0 : i32
        %dma_start3A_699 = tpu.memref_slice %arg3[%dma_start3A, %dma_start3A_698] : memref<50257x768xf32, #tpu.memory_space<hbm>> -> memref<50257x768xf32, #tpu.memory_space<hbm>>
        tpu.enqueue_indirect_dma source(%dma_start3A_699 : memref<50257x768xf32, #tpu.memory_space<hbm>>) target(%arg12 : memref<16x768xf32, #tpu.memory_space<vmem>>) offsets(%sub3A_697 : vector<16xi32>) semaphore(%arg18 : memref<!tpu.dma_semaphore, #tpu.memory_space<semaphore_mem>>)
      } else {
      }
      %mul3A_574 = arith.constant 6 : i32
      %mul3A_575 = arith.muli %while3A_542, %mul3A_574 : i32
      %add3A_576 = arith.constant 2 : i32
      %add3A_577 = arith.addi %mul3A_575, %add3A_576 : i32
      %gt3A_578 = arith.constant 0 : i32
      %gt3A_579 = arith.cmpi sgt, %while3A_542, %gt3A_578 : i32
      %convert_element_type3A_580 = arith.extui %gt3A_579 : i1 to i32
      %cond3A_581 = arith.constant 0 : i32
      %cond3A_582 = arith.cmpi ne, %convert_element_type3A_580, %cond3A_581 : i32
      scf.if %cond3A_582 {
        %dma_wait3A = arith.constant 0 : i32
        %dma_wait3A_691 = arith.constant 0 : i32
        %dma_wait3A_692 = tpu.memref_slice %arg6[%dma_wait3A, %dma_wait3A_691] : memref<204800x768xf32, #tpu.memory_space<hbm>> -> memref<16x768xf32, #tpu.memory_space<hbm>>
        %dma_wait3A_693 = arith.constant 0 : i32
        %dma_wait3A_694 = arith.constant 0 : i32
        %dma_wait3A_695 = tpu.memref_slice %arg6[%dma_wait3A_693, %dma_wait3A_694] : memref<204800x768xf32, #tpu.memory_space<hbm>> -> memref<16x768xf32, #tpu.memory_space<hbm>>
        tpu.wait_dma2 semaphore(%arg25 : memref<!tpu.dma_semaphore, #tpu.memory_space<semaphore_mem>>) src(%arg13 : memref<16x768xf32, #tpu.memory_space<vmem>>) dst(%dma_wait3A_695 : memref<16x768xf32, #tpu.memory_space<hbm>>)
      } else {
      }
      %lt3A_583 = arith.cmpi slt, %add3A_577, %select_n3A_58 : i32
      %convert_element_type3A_584 = arith.extui %lt3A_583 : i1 to i32
      %cond3A_585 = arith.constant 0 : i32
      %cond3A_586 = arith.cmpi ne, %convert_element_type3A_584, %cond3A_585 : i32
      scf.if %cond3A_586 {
        %mul3A_691 = arith.constant 16 : i32
        %mul3A_692 = arith.muli %add3A_577, %mul3A_691 : i32
        %get3A_693 = arith.index_cast %mul3A_692 : i32 to index
        %get3A_694 = tpu.vector_load %arg8[%get3A_693] {strides = array<i32>} : memref<6416xi32, #tpu.memory_space<vmem>>, vector<16xi32>,
        %gather3A = tpu.vector_load_idx %arg7[%get3A_694] : memref<6400xi32, #tpu.memory_space<vmem>>[vector<16xi32>], vector<16xi32>,
        %sub3A_695 = arith.constant 0 : i32
        %sub3A_696 = vector.broadcast %sub3A_695 : i32 to vector<16xi32>
        %sub3A_697 = arith.subi %gather3A, %sub3A_696 : vector<16xi32>
        %dma_start3A = arith.constant 0 : i32
        %dma_start3A_698 = arith.constant 0 : i32
        %dma_start3A_699 = tpu.memref_slice %arg3[%dma_start3A, %dma_start3A_698] : memref<50257x768xf32, #tpu.memory_space<hbm>> -> memref<50257x768xf32, #tpu.memory_space<hbm>>
        tpu.enqueue_indirect_dma source(%dma_start3A_699 : memref<50257x768xf32, #tpu.memory_space<hbm>>) target(%arg13 : memref<16x768xf32, #tpu.memory_space<vmem>>) offsets(%sub3A_697 : vector<16xi32>) semaphore(%arg19 : memref<!tpu.dma_semaphore, #tpu.memory_space<semaphore_mem>>)
      } else {
      }
      %mul3A_587 = arith.constant 6 : i32
      %mul3A_588 = arith.muli %while3A_542, %mul3A_587 : i32
      %add3A_589 = arith.constant 3 : i32
      %add3A_590 = arith.addi %mul3A_588, %add3A_589 : i32
      %gt3A_591 = arith.constant 0 : i32
      %gt3A_592 = arith.cmpi sgt, %while3A_542, %gt3A_591 : i32
      %convert_element_type3A_593 = arith.extui %gt3A_592 : i1 to i32
      %cond3A_594 = arith.constant 0 : i32
      %cond3A_595 = arith.cmpi ne, %convert_element_type3A_593, %cond3A_594 : i32
      scf.if %cond3A_595 {
        %dma_wait3A = arith.constant 0 : i32
        %dma_wait3A_691 = arith.constant 0 : i32
        %dma_wait3A_692 = tpu.memref_slice %arg6[%dma_wait3A, %dma_wait3A_691] : memref<204800x768xf32, #tpu.memory_space<hbm>> -> memref<16x768xf32, #tpu.memory_space<hbm>>
        %dma_wait3A_693 = arith.constant 0 : i32
        %dma_wait3A_694 = arith.constant 0 : i32
        %dma_wait3A_695 = tpu.memref_slice %arg6[%dma_wait3A_693, %dma_wait3A_694] : memref<204800x768xf32, #tpu.memory_space<hbm>> -> memref<16x768xf32, #tpu.memory_space<hbm>>
        tpu.wait_dma2 semaphore(%arg26 : memref<!tpu.dma_semaphore, #tpu.memory_space<semaphore_mem>>) src(%arg14 : memref<16x768xf32, #tpu.memory_space<vmem>>) dst(%dma_wait3A_695 : memref<16x768xf32, #tpu.memory_space<hbm>>)
      } else {
      }
      %lt3A_596 = arith.cmpi slt, %add3A_590, %select_n3A_58 : i32
      %convert_element_type3A_597 = arith.extui %lt3A_596 : i1 to i32
      %cond3A_598 = arith.constant 0 : i32
      %cond3A_599 = arith.cmpi ne, %convert_element_type3A_597, %cond3A_598 : i32
      scf.if %cond3A_599 {
        %mul3A_691 = arith.constant 16 : i32
        %mul3A_692 = arith.muli %add3A_590, %mul3A_691 : i32
        %get3A_693 = arith.index_cast %mul3A_692 : i32 to index
        %get3A_694 = tpu.vector_load %arg8[%get3A_693] {strides = array<i32>} : memref<6416xi32, #tpu.memory_space<vmem>>, vector<16xi32>,
        %gather3A = tpu.vector_load_idx %arg7[%get3A_694] : memref<6400xi32, #tpu.memory_space<vmem>>[vector<16xi32>], vector<16xi32>,
        %sub3A_695 = arith.constant 0 : i32
        %sub3A_696 = vector.broadcast %sub3A_695 : i32 to vector<16xi32>
        %sub3A_697 = arith.subi %gather3A, %sub3A_696 : vector<16xi32>
        %dma_start3A = arith.constant 0 : i32
        %dma_start3A_698 = arith.constant 0 : i32
        %dma_start3A_699 = tpu.memref_slice %arg3[%dma_start3A, %dma_start3A_698] : memref<50257x768xf32, #tpu.memory_space<hbm>> -> memref<50257x768xf32, #tpu.memory_space<hbm>>
        tpu.enqueue_indirect_dma source(%dma_start3A_699 : memref<50257x768xf32, #tpu.memory_space<hbm>>) target(%arg14 : memref<16x768xf32, #tpu.memory_space<vmem>>) offsets(%sub3A_697 : vector<16xi32>) semaphore(%arg20 : memref<!tpu.dma_semaphore, #tpu.memory_space<semaphore_mem>>)
      } else {
      }
      %mul3A_600 = arith.constant 6 : i32
      %mul3A_601 = arith.muli %while3A_542, %mul3A_600 : i32
      %add3A_602 = arith.constant 4 : i32
      %add3A_603 = arith.addi %mul3A_601, %add3A_602 : i32
      %gt3A_604 = arith.constant 0 : i32
      %gt3A_605 = arith.cmpi sgt, %while3A_542, %gt3A_604 : i32
      %convert_element_type3A_606 = arith.extui %gt3A_605 : i1 to i32
      %cond3A_607 = arith.constant 0 : i32
      %cond3A_608 = arith.cmpi ne, %convert_element_type3A_606, %cond3A_607 : i32
      scf.if %cond3A_608 {
        %dma_wait3A = arith.constant 0 : i32
        %dma_wait3A_691 = arith.constant 0 : i32
        %dma_wait3A_692 = tpu.memref_slice %arg6[%dma_wait3A, %dma_wait3A_691] : memref<204800x768xf32, #tpu.memory_space<hbm>> -> memref<16x768xf32, #tpu.memory_space<hbm>>
        %dma_wait3A_693 = arith.constant 0 : i32
        %dma_wait3A_694 = arith.constant 0 : i32
        %dma_wait3A_695 = tpu.memref_slice %arg6[%dma_wait3A_693, %dma_wait3A_694] : memref<204800x768xf32, #tpu.memory_space<hbm>> -> memref<16x768xf32, #tpu.memory_space<hbm>>
        tpu.wait_dma2 semaphore(%arg27 : memref<!tpu.dma_semaphore, #tpu.memory_space<semaphore_mem>>) src(%arg15 : memref<16x768xf32, #tpu.memory_space<vmem>>) dst(%dma_wait3A_695 : memref<16x768xf32, #tpu.memory_space<hbm>>)
      } else {
      }
      %lt3A_609 = arith.cmpi slt, %add3A_603, %select_n3A_58 : i32
      %convert_element_type3A_610 = arith.extui %lt3A_609 : i1 to i32
      %cond3A_611 = arith.constant 0 : i32
      %cond3A_612 = arith.cmpi ne, %convert_element_type3A_610, %cond3A_611 : i32
      scf.if %cond3A_612 {
        %mul3A_691 = arith.constant 16 : i32
        %mul3A_692 = arith.muli %add3A_603, %mul3A_691 : i32
        %get3A_693 = arith.index_cast %mul3A_692 : i32 to index
        %get3A_694 = tpu.vector_load %arg8[%get3A_693] {strides = array<i32>} : memref<6416xi32, #tpu.memory_space<vmem>>, vector<16xi32>,
        %gather3A = tpu.vector_load_idx %arg7[%get3A_694] : memref<6400xi32, #tpu.memory_space<vmem>>[vector<16xi32>], vector<16xi32>,
        %sub3A_695 = arith.constant 0 : i32
        %sub3A_696 = vector.broadcast %sub3A_695 : i32 to vector<16xi32>
        %sub3A_697 = arith.subi %gather3A, %sub3A_696 : vector<16xi32>
        %dma_start3A = arith.constant 0 : i32
        %dma_start3A_698 = arith.constant 0 : i32
        %dma_start3A_699 = tpu.memref_slice %arg3[%dma_start3A, %dma_start3A_698] : memref<50257x768xf32, #tpu.memory_space<hbm>> -> memref<50257x768xf32, #tpu.memory_space<hbm>>
        tpu.enqueue_indirect_dma source(%dma_start3A_699 : memref<50257x768xf32, #tpu.memory_space<hbm>>) target(%arg15 : memref<16x768xf32, #tpu.memory_space<vmem>>) offsets(%sub3A_697 : vector<16xi32>) semaphore(%arg21 : memref<!tpu.dma_semaphore, #tpu.memory_space<semaphore_mem>>)
      } else {
      }
      %mul3A_613 = arith.constant 6 : i32
      %mul3A_614 = arith.muli %while3A_542, %mul3A_613 : i32
      %add3A_615 = arith.constant 5 : i32
      %add3A_616 = arith.addi %mul3A_614, %add3A_615 : i32
      %gt3A_617 = arith.constant 0 : i32
      %gt3A_618 = arith.cmpi sgt, %while3A_542, %gt3A_617 : i32
      %convert_element_type3A_619 = arith.extui %gt3A_618 : i1 to i32
      %cond3A_620 = arith.constant 0 : i32
      %cond3A_621 = arith.cmpi ne, %convert_element_type3A_619, %cond3A_620 : i32
      scf.if %cond3A_621 {
        %dma_wait3A = arith.constant 0 : i32
        %dma_wait3A_691 = arith.constant 0 : i32
        %dma_wait3A_692 = tpu.memref_slice %arg6[%dma_wait3A, %dma_wait3A_691] : memref<204800x768xf32, #tpu.memory_space<hbm>> -> memref<16x768xf32, #tpu.memory_space<hbm>>
        %dma_wait3A_693 = arith.constant 0 : i32
        %dma_wait3A_694 = arith.constant 0 : i32
        %dma_wait3A_695 = tpu.memref_slice %arg6[%dma_wait3A_693, %dma_wait3A_694] : memref<204800x768xf32, #tpu.memory_space<hbm>> -> memref<16x768xf32, #tpu.memory_space<hbm>>
        tpu.wait_dma2 semaphore(%arg28 : memref<!tpu.dma_semaphore, #tpu.memory_space<semaphore_mem>>) src(%arg16 : memref<16x768xf32, #tpu.memory_space<vmem>>) dst(%dma_wait3A_695 : memref<16x768xf32, #tpu.memory_space<hbm>>)
      } else {
      }
      %lt3A_622 = arith.cmpi slt, %add3A_616, %select_n3A_58 : i32
      %convert_element_type3A_623 = arith.extui %lt3A_622 : i1 to i32
      %cond3A_624 = arith.constant 0 : i32
      %cond3A_625 = arith.cmpi ne, %convert_element_type3A_623, %cond3A_624 : i32
      scf.if %cond3A_625 {
        %mul3A_691 = arith.constant 16 : i32
        %mul3A_692 = arith.muli %add3A_616, %mul3A_691 : i32
        %get3A_693 = arith.index_cast %mul3A_692 : i32 to index
        %get3A_694 = tpu.vector_load %arg8[%get3A_693] {strides = array<i32>} : memref<6416xi32, #tpu.memory_space<vmem>>, vector<16xi32>,
        %gather3A = tpu.vector_load_idx %arg7[%get3A_694] : memref<6400xi32, #tpu.memory_space<vmem>>[vector<16xi32>], vector<16xi32>,
        %sub3A_695 = arith.constant 0 : i32
        %sub3A_696 = vector.broadcast %sub3A_695 : i32 to vector<16xi32>
        %sub3A_697 = arith.subi %gather3A, %sub3A_696 : vector<16xi32>
        %dma_start3A = arith.constant 0 : i32
        %dma_start3A_698 = arith.constant 0 : i32
        %dma_start3A_699 = tpu.memref_slice %arg3[%dma_start3A, %dma_start3A_698] : memref<50257x768xf32, #tpu.memory_space<hbm>> -> memref<50257x768xf32, #tpu.memory_space<hbm>>
        tpu.enqueue_indirect_dma source(%dma_start3A_699 : memref<50257x768xf32, #tpu.memory_space<hbm>>) target(%arg16 : memref<16x768xf32, #tpu.memory_space<vmem>>) offsets(%sub3A_697 : vector<16xi32>) semaphore(%arg22 : memref<!tpu.dma_semaphore, #tpu.memory_space<semaphore_mem>>)
      } else {
      }
      %add3A_626 = arith.constant 32 : i32
      %add3A_627 = arith.addi %while3A_543, %add3A_626 : i32
      %min3A = arith.constant 400 : i32
      %min3A_628 = arith.minsi %add3A_627, %min3A : i32
      %while3A_629 = arith.subi %min3A_628, %while3A_543 : i32
      %while3A_630 = arith.addi %while3A_543, %while3A_629 : i32
      %while3A_631 = arith.constant 1 : i32
      %while3A_632 = arith.divsi %while3A_629, %while3A_631 : i32
      %while3A_633 = arith.muli %while3A_632, %while3A_631 : i32
      %while3A_634 = arith.addi %while3A_543, %while3A_633 : i32
      %while3A_635 = arith.constant 1 : i32
      %while3A_636:4 = scf.for %while3A_691 = %while3A_543 to %while3A_634 step %while3A_635 iter_args(%while3A_692 = %while3A_544, %while3A_693 = %while3A_545, %while3A_694 = %while3A_546, %while3A_695 = %while3A_547) -> (i32, i32, i32, i32)  : i32 {
        %mul3A_696 = arith.constant 16 : i32
        %mul3A_697 = arith.muli %while3A_691, %mul3A_696 : i32
        %get3A_698 = arith.index_cast %mul3A_697 : i32 to index
        %get3A_699 = tpu.vector_load %arg7[%get3A_698] {strides = array<i32>} : memref<6400xi32, #tpu.memory_space<vmem>>, vector<16xi32>,
        %mul3A_700 = arith.constant 16 : i32
        %mul3A_701 = arith.muli %while3A_691, %mul3A_700 : i32
        %add3A_702 = vector.broadcast %mul3A_701 : i32 to vector<16xi32>
        %add3A_703 = arith.addi %iota3A, %add3A_702 : vector<16xi32>
        %ge3A = arith.constant 50257 : i32
        %ge3A_704 = vector.broadcast %ge3A : i32 to vector<16xi32>
        %ge3A_705 = arith.cmpi sge, %get3A_699, %ge3A_704 : vector<16xi32>
        %lt3A_706 = arith.constant 150257 : i32
        %lt3A_707 = vector.broadcast %lt3A_706 : i32 to vector<16xi32>
        %lt3A_708 = arith.cmpi slt, %get3A_699, %lt3A_707 : vector<16xi32>
        %and3A_709 = arith.andi %ge3A_705, %lt3A_708 : vector<16xi1>
        %convert_element_type3A_710 = arith.extui %and3A_709 : vector<16xi1> to vector<16xi32>
        %broadcast_in_dim3A_711 = arith.constant true
        %broadcast_in_dim3A_712 = vector.broadcast %broadcast_in_dim3A_711 : i1 to vector<16xi1>
        %masked_cumsum3A = tpu.scan <sum>, %convert_element_type3A_710 masked %broadcast_in_dim3A_712 : vector<16xi32>, vector<16xi1> -> vector<16xi32>
        %add3A_713 = vector.broadcast %while3A_692 : i32 to vector<16xi32>
        %add3A_714 = arith.addi %add3A_713, %masked_cumsum3A : vector<16xi32>
        %sub3A_715 = arith.subi %add3A_714, %convert_element_type3A_710 : vector<16xi32>
        tpu.vector_store_idx %arg9[%sub3A_715], %add3A_703 masked %and3A_709 : memref<6416xi32, #tpu.memory_space<vmem>>[vector<16xi32>], vector<16xi32>, vector<16xi1>
        %reduce_max3A = arith.constant true
        %reduce_max3A_716 = vector.broadcast %reduce_max3A : i1 to vector<16xi1>
        %reduce_max3A_717 = arith.constant -2147483648 : i32
        %reduce_max3A_718 = vector.broadcast %reduce_max3A_717 : i32 to vector<16xi32>
        %reduce_max3A_719 = arith.xori %masked_cumsum3A, %reduce_max3A_718 : vector<16xi32>
        %reduce_max3A_720 = tpu.scan <max>, %reduce_max3A_719 masked %reduce_max3A_716 : vector<16xi32>, vector<16xi1> -> vector<16xi32>
        %reduce_max3A_721 = arith.xori %reduce_max3A_720, %reduce_max3A_718 : vector<16xi32>
        %reduce_max3A_722 = vector.extract %reduce_max3A_721[15] : i32 from vector<16xi32>
        %jit3A_723 = arith.constant -1 : i32
        %broadcast_in_dim3A_724 = vector.broadcast %jit3A_723 : i32 to vector<16xi32>
        %select_n3A_725 = arith.select %and3A_709, %add3A_703, %broadcast_in_dim3A_724 : vector<16xi1>, vector<16xi32>
        %reduce_max3A_726 = arith.constant true
        %reduce_max3A_727 = vector.broadcast %reduce_max3A_726 : i1 to vector<16xi1>
        %reduce_max3A_728 = arith.constant -2147483648 : i32
        %reduce_max3A_729 = vector.broadcast %reduce_max3A_728 : i32 to vector<16xi32>
        %reduce_max3A_730 = arith.xori %select_n3A_725, %reduce_max3A_729 : vector<16xi32>
        %reduce_max3A_731 = tpu.scan <max>, %reduce_max3A_730 masked %reduce_max3A_727 : vector<16xi32>, vector<16xi1> -> vector<16xi32>
        %reduce_max3A_732 = arith.xori %reduce_max3A_731, %reduce_max3A_729 : vector<16xi32>
        %reduce_max3A_733 = vector.extract %reduce_max3A_732[15] : i32 from vector<16xi32>
        %add3A_734 = arith.addi %while3A_692, %reduce_max3A_722 : i32
        %gt3A_735 = arith.constant 0 : i32
        %gt3A_736 = arith.cmpi sgt, %reduce_max3A_722, %gt3A_735 : i32
        %select_n3A_737 = arith.select %gt3A_736, %reduce_max3A_733, %while3A_694 : i32
        %ge3A_738 = arith.constant 150257 : i32
        %ge3A_739 = vector.broadcast %ge3A_738 : i32 to vector<16xi32>
        %ge3A_740 = arith.cmpi sge, %get3A_699, %ge3A_739 : vector<16xi32>
        %convert_element_type3A_741 = arith.extui %ge3A_740 : vector<16xi1> to vector<16xi32>
        %broadcast_in_dim3A_742 = arith.constant true
        %broadcast_in_dim3A_743 = vector.broadcast %broadcast_in_dim3A_742 : i1 to vector<16xi1>
        %masked_cumsum3A_744 = tpu.scan <sum>, %convert_element_type3A_741 masked %broadcast_in_dim3A_743 : vector<16xi32>, vector<16xi1> -> vector<16xi32>
        %add3A_745 = vector.broadcast %while3A_693 : i32 to vector<16xi32>
        %add3A_746 = arith.addi %add3A_745, %masked_cumsum3A_744 : vector<16xi32>
        %sub3A_747 = arith.subi %add3A_746, %convert_element_type3A_741 : vector<16xi32>
        tpu.vector_store_idx %arg10[%sub3A_747], %add3A_703 masked %ge3A_740 : memref<6416xi32, #tpu.memory_space<vmem>>[vector<16xi32>], vector<16xi32>, vector<16xi1>
        %reduce_max3A_748 = arith.constant true
        %reduce_max3A_749 = vector.broadcast %reduce_max3A_748 : i1 to vector<16xi1>
        %reduce_max3A_750 = arith.constant -2147483648 : i32
        %reduce_max3A_751 = vector.broadcast %reduce_max3A_750 : i32 to vector<16xi32>
        %reduce_max3A_752 = arith.xori %masked_cumsum3A_744, %reduce_max3A_751 : vector<16xi32>
        %reduce_max3A_753 = tpu.scan <max>, %reduce_max3A_752 masked %reduce_max3A_749 : vector<16xi32>, vector<16xi1> -> vector<16xi32>
        %reduce_max3A_754 = arith.xori %reduce_max3A_753, %reduce_max3A_751 : vector<16xi32>
        %reduce_max3A_755 = vector.extract %reduce_max3A_754[15] : i32 from vector<16xi32>
        %jit3A_756 = arith.constant -1 : i32
        %broadcast_in_dim3A_757 = vector.broadcast %jit3A_756 : i32 to vector<16xi32>
        %select_n3A_758 = arith.select %ge3A_740, %add3A_703, %broadcast_in_dim3A_757 : vector<16xi1>, vector<16xi32>
        %reduce_max3A_759 = arith.constant true
        %reduce_max3A_760 = vector.broadcast %reduce_max3A_759 : i1 to vector<16xi1>
        %reduce_max3A_761 = arith.constant -2147483648 : i32
        %reduce_max3A_762 = vector.broadcast %reduce_max3A_761 : i32 to vector<16xi32>
        %reduce_max3A_763 = arith.xori %select_n3A_758, %reduce_max3A_762 : vector<16xi32>
        %reduce_max3A_764 = tpu.scan <max>, %reduce_max3A_763 masked %reduce_max3A_760 : vector<16xi32>, vector<16xi1> -> vector<16xi32>
        %reduce_max3A_765 = arith.xori %reduce_max3A_764, %reduce_max3A_762 : vector<16xi32>
        %reduce_max3A_766 = vector.extract %reduce_max3A_765[15] : i32 from vector<16xi32>
        %add3A_767 = arith.addi %while3A_693, %reduce_max3A_755 : i32
        %gt3A_768 = arith.constant 0 : i32
        %gt3A_769 = arith.cmpi sgt, %reduce_max3A_755, %gt3A_768 : i32
        %select_n3A_770 = arith.select %gt3A_769, %reduce_max3A_766, %while3A_695 : i32
        scf.yield %add3A_734, %add3A_767, %select_n3A_737, %select_n3A_770 : i32, i32, i32, i32
      }
      %while3A_637 = arith.constant 1 : i32
      %while3A_638:4 = scf.for %while3A_691 = %while3A_634 to %while3A_630 step %while3A_637 iter_args(%while3A_692 = %while3A_636#0, %while3A_693 = %while3A_636#1, %while3A_694 = %while3A_636#2, %while3A_695 = %while3A_636#3) -> (i32, i32, i32, i32)  : i32 {
        %mul3A_696 = arith.constant 16 : i32
        %mul3A_697 = arith.muli %while3A_691, %mul3A_696 : i32
        %get3A_698 = arith.index_cast %mul3A_697 : i32 to index
        %get3A_699 = tpu.vector_load %arg7[%get3A_698] {strides = array<i32>} : memref<6400xi32, #tpu.memory_space<vmem>>, vector<16xi32>,
        %mul3A_700 = arith.constant 16 : i32
        %mul3A_701 = arith.muli %while3A_691, %mul3A_700 : i32
        %add3A_702 = vector.broadcast %mul3A_701 : i32 to vector<16xi32>
        %add3A_703 = arith.addi %iota3A, %add3A_702 : vector<16xi32>
        %ge3A = arith.constant 50257 : i32
        %ge3A_704 = vector.broadcast %ge3A : i32 to vector<16xi32>
        %ge3A_705 = arith.cmpi sge, %get3A_699, %ge3A_704 : vector<16xi32>
        %lt3A_706 = arith.constant 150257 : i32
        %lt3A_707 = vector.broadcast %lt3A_706 : i32 to vector<16xi32>
        %lt3A_708 = arith.cmpi slt, %get3A_699, %lt3A_707 : vector<16xi32>
        %and3A_709 = arith.andi %ge3A_705, %lt3A_708 : vector<16xi1>
        %convert_element_type3A_710 = arith.extui %and3A_709 : vector<16xi1> to vector<16xi32>
        %broadcast_in_dim3A_711 = arith.constant true
        %broadcast_in_dim3A_712 = vector.broadcast %broadcast_in_dim3A_711 : i1 to vector<16xi1>
        %masked_cumsum3A = tpu.scan <sum>, %convert_element_type3A_710 masked %broadcast_in_dim3A_712 : vector<16xi32>, vector<16xi1> -> vector<16xi32>
        %add3A_713 = vector.broadcast %while3A_692 : i32 to vector<16xi32>
        %add3A_714 = arith.addi %add3A_713, %masked_cumsum3A : vector<16xi32>
        %sub3A_715 = arith.subi %add3A_714, %convert_element_type3A_710 : vector<16xi32>
        tpu.vector_store_idx %arg9[%sub3A_715], %add3A_703 masked %and3A_709 : memref<6416xi32, #tpu.memory_space<vmem>>[vector<16xi32>], vector<16xi32>, vector<16xi1>
        %reduce_max3A = arith.constant true
        %reduce_max3A_716 = vector.broadcast %reduce_max3A : i1 to vector<16xi1>
        %reduce_max3A_717 = arith.constant -2147483648 : i32
        %reduce_max3A_718 = vector.broadcast %reduce_max3A_717 : i32 to vector<16xi32>
        %reduce_max3A_719 = arith.xori %masked_cumsum3A, %reduce_max3A_718 : vector<16xi32>
        %reduce_max3A_720 = tpu.scan <max>, %reduce_max3A_719 masked %reduce_max3A_716 : vector<16xi32>, vector<16xi1> -> vector<16xi32>
        %reduce_max3A_721 = arith.xori %reduce_max3A_720, %reduce_max3A_718 : vector<16xi32>
        %reduce_max3A_722 = vector.extract %reduce_max3A_721[15] : i32 from vector<16xi32>
        %jit3A_723 = arith.constant -1 : i32
        %broadcast_in_dim3A_724 = vector.broadcast %jit3A_723 : i32 to vector<16xi32>
        %select_n3A_725 = arith.select %and3A_709, %add3A_703, %broadcast_in_dim3A_724 : vector<16xi1>, vector<16xi32>
        %reduce_max3A_726 = arith.constant true
        %reduce_max3A_727 = vector.broadcast %reduce_max3A_726 : i1 to vector<16xi1>
        %reduce_max3A_728 = arith.constant -2147483648 : i32
        %reduce_max3A_729 = vector.broadcast %reduce_max3A_728 : i32 to vector<16xi32>
        %reduce_max3A_730 = arith.xori %select_n3A_725, %reduce_max3A_729 : vector<16xi32>
        %reduce_max3A_731 = tpu.scan <max>, %reduce_max3A_730 masked %reduce_max3A_727 : vector<16xi32>, vector<16xi1> -> vector<16xi32>
        %reduce_max3A_732 = arith.xori %reduce_max3A_731, %reduce_max3A_729 : vector<16xi32>
        %reduce_max3A_733 = vector.extract %reduce_max3A_732[15] : i32 from vector<16xi32>
        %add3A_734 = arith.addi %while3A_692, %reduce_max3A_722 : i32
        %gt3A_735 = arith.constant 0 : i32
        %gt3A_736 = arith.cmpi sgt, %reduce_max3A_722, %gt3A_735 : i32
        %select_n3A_737 = arith.select %gt3A_736, %reduce_max3A_733, %while3A_694 : i32
        %ge3A_738 = arith.constant 150257 : i32
        %ge3A_739 = vector.broadcast %ge3A_738 : i32 to vector<16xi32>
        %ge3A_740 = arith.cmpi sge, %get3A_699, %ge3A_739 : vector<16xi32>
        %convert_element_type3A_741 = arith.extui %ge3A_740 : vector<16xi1> to vector<16xi32>
        %broadcast_in_dim3A_742 = arith.constant true
        %broadcast_in_dim3A_743 = vector.broadcast %broadcast_in_dim3A_742 : i1 to vector<16xi1>
        %masked_cumsum3A_744 = tpu.scan <sum>, %convert_element_type3A_741 masked %broadcast_in_dim3A_743 : vector<16xi32>, vector<16xi1> -> vector<16xi32>
        %add3A_745 = vector.broadcast %while3A_693 : i32 to vector<16xi32>
        %add3A_746 = arith.addi %add3A_745, %masked_cumsum3A_744 : vector<16xi32>
        %sub3A_747 = arith.subi %add3A_746, %convert_element_type3A_741 : vector<16xi32>
        tpu.vector_store_idx %arg10[%sub3A_747], %add3A_703 masked %ge3A_740 : memref<6416xi32, #tpu.memory_space<vmem>>[vector<16xi32>], vector<16xi32>, vector<16xi1>
        %reduce_max3A_748 = arith.constant true
        %reduce_max3A_749 = vector.broadcast %reduce_max3A_748 : i1 to vector<16xi1>
        %reduce_max3A_750 = arith.constant -2147483648 : i32
        %reduce_max3A_751 = vector.broadcast %reduce_max3A_750 : i32 to vector<16xi32>
        %reduce_max3A_752 = arith.xori %masked_cumsum3A_744, %reduce_max3A_751 : vector<16xi32>
        %reduce_max3A_753 = tpu.scan <max>, %reduce_max3A_752 masked %reduce_max3A_749 : vector<16xi32>, vector<16xi1> -> vector<16xi32>
        %reduce_max3A_754 = arith.xori %reduce_max3A_753, %reduce_max3A_751 : vector<16xi32>
        %reduce_max3A_755 = vector.extract %reduce_max3A_754[15] : i32 from vector<16xi32>
        %jit3A_756 = arith.constant -1 : i32
        %broadcast_in_dim3A_757 = vector.broadcast %jit3A_756 : i32 to vector<16xi32>
        %select_n3A_758 = arith.select %ge3A_740, %add3A_703, %broadcast_in_dim3A_757 : vector<16xi1>, vector<16xi32>
        %reduce_max3A_759 = arith.constant true
        %reduce_max3A_760 = vector.broadcast %reduce_max3A_759 : i1 to vector<16xi1>
        %reduce_max3A_761 = arith.constant -2147483648 : i32
        %reduce_max3A_762 = vector.broadcast %reduce_max3A_761 : i32 to vector<16xi32>
        %reduce_max3A_763 = arith.xori %select_n3A_758, %reduce_max3A_762 : vector<16xi32>
        %reduce_max3A_764 = tpu.scan <max>, %reduce_max3A_763 masked %reduce_max3A_760 : vector<16xi32>, vector<16xi1> -> vector<16xi32>
        %reduce_max3A_765 = arith.xori %reduce_max3A_764, %reduce_max3A_762 : vector<16xi32>
        %reduce_max3A_766 = vector.extract %reduce_max3A_765[15] : i32 from vector<16xi32>
        %add3A_767 = arith.addi %while3A_693, %reduce_max3A_755 : i32
        %gt3A_768 = arith.constant 0 : i32
        %gt3A_769 = arith.cmpi sgt, %reduce_max3A_755, %gt3A_768 : i32
        %select_n3A_770 = arith.select %gt3A_769, %reduce_max3A_766, %while3A_695 : i32
        scf.yield %add3A_734, %add3A_767, %select_n3A_737, %select_n3A_770 : i32, i32, i32, i32
      }
      %add3A_639 = arith.constant 32 : i32
      %add3A_640 = arith.addi %while3A_543, %add3A_639 : i32
      %min3A_641 = arith.constant 400 : i32
      %min3A_642 = arith.minsi %add3A_640, %min3A_641 : i32
      %mul3A_643 = arith.constant 6 : i32
      %mul3A_644 = arith.muli %while3A_542, %mul3A_643 : i32
      %add3A_645 = arith.constant 0 : i32
      %add3A_646 = arith.addi %mul3A_644, %add3A_645 : i32
      %lt3A_647 = arith.cmpi slt, %add3A_646, %select_n3A_58 : i32
      %convert_element_type3A_648 = arith.extui %lt3A_647 : i1 to i32
      %cond3A_649 = arith.constant 0 : i32
      %cond3A_650 = arith.cmpi ne, %convert_element_type3A_648, %cond3A_649 : i32
      scf.if %cond3A_650 {
        %dma_wait3A = arith.constant 0 : i32
        %dma_wait3A_691 = arith.constant 0 : i32
        %dma_wait3A_692 = tpu.memref_slice %arg3[%dma_wait3A, %dma_wait3A_691] : memref<50257x768xf32, #tpu.memory_space<hbm>> -> memref<16x768xf32, #tpu.memory_space<hbm>>
        %dma_wait3A_693 = arith.constant 0 : i32
        %dma_wait3A_694 = arith.constant 0 : i32
        %dma_wait3A_695 = tpu.memref_slice %arg3[%dma_wait3A_693, %dma_wait3A_694] : memref<50257x768xf32, #tpu.memory_space<hbm>> -> memref<16x768xf32, #tpu.memory_space<hbm>>
        tpu.wait_dma2 semaphore(%arg17 : memref<!tpu.dma_semaphore, #tpu.memory_space<semaphore_mem>>) src(%dma_wait3A_695 : memref<16x768xf32, #tpu.memory_space<hbm>>) dst(%arg11 : memref<16x768xf32, #tpu.memory_space<vmem>>)
        %mul3A_696 = arith.constant 16 : i32
        %mul3A_697 = arith.muli %add3A_646, %mul3A_696 : i32
        %get3A_698 = arith.index_cast %mul3A_697 : i32 to index
        %get3A_699 = tpu.vector_load %arg8[%get3A_698] {strides = array<i32>} : memref<6416xi32, #tpu.memory_space<vmem>>, vector<16xi32>,
        %add3A_700 = vector.broadcast %mul3A_2 : i32 to vector<16xi32>
        %add3A_701 = arith.addi %get3A_699, %add3A_700 : vector<16xi32>
        %dma_start3A = arith.constant 0 : i32
        %dma_start3A_702 = arith.constant 0 : i32
        %dma_start3A_703 = tpu.memref_slice %arg6[%dma_start3A, %dma_start3A_702] : memref<204800x768xf32, #tpu.memory_space<hbm>> -> memref<204800x768xf32, #tpu.memory_space<hbm>>
        tpu.enqueue_indirect_dma source(%arg11 : memref<16x768xf32, #tpu.memory_space<vmem>>) target(%dma_start3A_703 : memref<204800x768xf32, #tpu.memory_space<hbm>>) offsets(%add3A_701 : vector<16xi32>) semaphore(%arg23 : memref<!tpu.dma_semaphore, #tpu.memory_space<semaphore_mem>>)
      } else {
      }
      %mul3A_651 = arith.constant 6 : i32
      %mul3A_652 = arith.muli %while3A_542, %mul3A_651 : i32
      %add3A_653 = arith.constant 1 : i32
      %add3A_654 = arith.addi %mul3A_652, %add3A_653 : i32
      %lt3A_655 = arith.cmpi slt, %add3A_654, %select_n3A_58 : i32
      %convert_element_type3A_656 = arith.extui %lt3A_655 : i1 to i32
      %cond3A_657 = arith.constant 0 : i32
      %cond3A_658 = arith.cmpi ne, %convert_element_type3A_656, %cond3A_657 : i32
      scf.if %cond3A_658 {
        %dma_wait3A = arith.constant 0 : i32
        %dma_wait3A_691 = arith.constant 0 : i32
        %dma_wait3A_692 = tpu.memref_slice %arg3[%dma_wait3A, %dma_wait3A_691] : memref<50257x768xf32, #tpu.memory_space<hbm>> -> memref<16x768xf32, #tpu.memory_space<hbm>>
        %dma_wait3A_693 = arith.constant 0 : i32
        %dma_wait3A_694 = arith.constant 0 : i32
        %dma_wait3A_695 = tpu.memref_slice %arg3[%dma_wait3A_693, %dma_wait3A_694] : memref<50257x768xf32, #tpu.memory_space<hbm>> -> memref<16x768xf32, #tpu.memory_space<hbm>>
        tpu.wait_dma2 semaphore(%arg18 : memref<!tpu.dma_semaphore, #tpu.memory_space<semaphore_mem>>) src(%dma_wait3A_695 : memref<16x768xf32, #tpu.memory_space<hbm>>) dst(%arg12 : memref<16x768xf32, #tpu.memory_space<vmem>>)
        %mul3A_696 = arith.constant 16 : i32
        %mul3A_697 = arith.muli %add3A_654, %mul3A_696 : i32
        %get3A_698 = arith.index_cast %mul3A_697 : i32 to index
        %get3A_699 = tpu.vector_load %arg8[%get3A_698] {strides = array<i32>} : memref<6416xi32, #tpu.memory_space<vmem>>, vector<16xi32>,
        %add3A_700 = vector.broadcast %mul3A_2 : i32 to vector<16xi32>
        %add3A_701 = arith.addi %get3A_699, %add3A_700 : vector<16xi32>
        %dma_start3A = arith.constant 0 : i32
        %dma_start3A_702 = arith.constant 0 : i32
        %dma_start3A_703 = tpu.memref_slice %arg6[%dma_start3A, %dma_start3A_702] : memref<204800x768xf32, #tpu.memory_space<hbm>> -> memref<204800x768xf32, #tpu.memory_space<hbm>>
        tpu.enqueue_indirect_dma source(%arg12 : memref<16x768xf32, #tpu.memory_space<vmem>>) target(%dma_start3A_703 : memref<204800x768xf32, #tpu.memory_space<hbm>>) offsets(%add3A_701 : vector<16xi32>) semaphore(%arg24 : memref<!tpu.dma_semaphore, #tpu.memory_space<semaphore_mem>>)
      } else {
      }
      %mul3A_659 = arith.constant 6 : i32
      %mul3A_660 = arith.muli %while3A_542, %mul3A_659 : i32
      %add3A_661 = arith.constant 2 : i32
      %add3A_662 = arith.addi %mul3A_660, %add3A_661 : i32
      %lt3A_663 = arith.cmpi slt, %add3A_662, %select_n3A_58 : i32
      %convert_element_type3A_664 = arith.extui %lt3A_663 : i1 to i32
      %cond3A_665 = arith.constant 0 : i32
      %cond3A_666 = arith.cmpi ne, %convert_element_type3A_664, %cond3A_665 : i32
      scf.if %cond3A_666 {
        %dma_wait3A = arith.constant 0 : i32
        %dma_wait3A_691 = arith.constant 0 : i32
        %dma_wait3A_692 = tpu.memref_slice %arg3[%dma_wait3A, %dma_wait3A_691] : memref<50257x768xf32, #tpu.memory_space<hbm>> -> memref<16x768xf32, #tpu.memory_space<hbm>>
        %dma_wait3A_693 = arith.constant 0 : i32
        %dma_wait3A_694 = arith.constant 0 : i32
        %dma_wait3A_695 = tpu.memref_slice %arg3[%dma_wait3A_693, %dma_wait3A_694] : memref<50257x768xf32, #tpu.memory_space<hbm>> -> memref<16x768xf32, #tpu.memory_space<hbm>>
        tpu.wait_dma2 semaphore(%arg19 : memref<!tpu.dma_semaphore, #tpu.memory_space<semaphore_mem>>) src(%dma_wait3A_695 : memref<16x768xf32, #tpu.memory_space<hbm>>) dst(%arg13 : memref<16x768xf32, #tpu.memory_space<vmem>>)
        %mul3A_696 = arith.constant 16 : i32
        %mul3A_697 = arith.muli %add3A_662, %mul3A_696 : i32
        %get3A_698 = arith.index_cast %mul3A_697 : i32 to index
        %get3A_699 = tpu.vector_load %arg8[%get3A_698] {strides = array<i32>} : memref<6416xi32, #tpu.memory_space<vmem>>, vector<16xi32>,
        %add3A_700 = vector.broadcast %mul3A_2 : i32 to vector<16xi32>
        %add3A_701 = arith.addi %get3A_699, %add3A_700 : vector<16xi32>
        %dma_start3A = arith.constant 0 : i32
        %dma_start3A_702 = arith.constant 0 : i32
        %dma_start3A_703 = tpu.memref_slice %arg6[%dma_start3A, %dma_start3A_702] : memref<204800x768xf32, #tpu.memory_space<hbm>> -> memref<204800x768xf32, #tpu.memory_space<hbm>>
        tpu.enqueue_indirect_dma source(%arg13 : memref<16x768xf32, #tpu.memory_space<vmem>>) target(%dma_start3A_703 : memref<204800x768xf32, #tpu.memory_space<hbm>>) offsets(%add3A_701 : vector<16xi32>) semaphore(%arg25 : memref<!tpu.dma_semaphore, #tpu.memory_space<semaphore_mem>>)
      } else {
      }
      %mul3A_667 = arith.constant 6 : i32
      %mul3A_668 = arith.muli %while3A_542, %mul3A_667 : i32
      %add3A_669 = arith.constant 3 : i32
      %add3A_670 = arith.addi %mul3A_668, %add3A_669 : i32
      %lt3A_671 = arith.cmpi slt, %add3A_670, %select_n3A_58 : i32
      %convert_element_type3A_672 = arith.extui %lt3A_671 : i1 to i32
      %cond3A_673 = arith.constant 0 : i32
      %cond3A_674 = arith.cmpi ne, %convert_element_type3A_672, %cond3A_673 : i32
      scf.if %cond3A_674 {
        %dma_wait3A = arith.constant 0 : i32
        %dma_wait3A_691 = arith.constant 0 : i32
        %dma_wait3A_692 = tpu.memref_slice %arg3[%dma_wait3A, %dma_wait3A_691] : memref<50257x768xf32, #tpu.memory_space<hbm>> -> memref<16x768xf32, #tpu.memory_space<hbm>>
        %dma_wait3A_693 = arith.constant 0 : i32
        %dma_wait3A_694 = arith.constant 0 : i32
        %dma_wait3A_695 = tpu.memref_slice %arg3[%dma_wait3A_693, %dma_wait3A_694] : memref<50257x768xf32, #tpu.memory_space<hbm>> -> memref<16x768xf32, #tpu.memory_space<hbm>>
        tpu.wait_dma2 semaphore(%arg20 : memref<!tpu.dma_semaphore, #tpu.memory_space<semaphore_mem>>) src(%dma_wait3A_695 : memref<16x768xf32, #tpu.memory_space<hbm>>) dst(%arg14 : memref<16x768xf32, #tpu.memory_space<vmem>>)
        %mul3A_696 = arith.constant 16 : i32
        %mul3A_697 = arith.muli %add3A_670, %mul3A_696 : i32
        %get3A_698 = arith.index_cast %mul3A_697 : i32 to index
        %get3A_699 = tpu.vector_load %arg8[%get3A_698] {strides = array<i32>} : memref<6416xi32, #tpu.memory_space<vmem>>, vector<16xi32>,
        %add3A_700 = vector.broadcast %mul3A_2 : i32 to vector<16xi32>
        %add3A_701 = arith.addi %get3A_699, %add3A_700 : vector<16xi32>
        %dma_start3A = arith.constant 0 : i32
        %dma_start3A_702 = arith.constant 0 : i32
        %dma_start3A_703 = tpu.memref_slice %arg6[%dma_start3A, %dma_start3A_702] : memref<204800x768xf32, #tpu.memory_space<hbm>> -> memref<204800x768xf32, #tpu.memory_space<hbm>>
        tpu.enqueue_indirect_dma source(%arg14 : memref<16x768xf32, #tpu.memory_space<vmem>>) target(%dma_start3A_703 : memref<204800x768xf32, #tpu.memory_space<hbm>>) offsets(%add3A_701 : vector<16xi32>) semaphore(%arg26 : memref<!tpu.dma_semaphore, #tpu.memory_space<semaphore_mem>>)
      } else {
      }
      %mul3A_675 = arith.constant 6 : i32
      %mul3A_676 = arith.muli %while3A_542, %mul3A_675 : i32
      %add3A_677 = arith.constant 4 : i32
      %add3A_678 = arith.addi %mul3A_676, %add3A_677 : i32
      %lt3A_679 = arith.cmpi slt, %add3A_678, %select_n3A_58 : i32
      %convert_element_type3A_680 = arith.extui %lt3A_679 : i1 to i32
      %cond3A_681 = arith.constant 0 : i32
      %cond3A_682 = arith.cmpi ne, %convert_element_type3A_680, %cond3A_681 : i32
      scf.if %cond3A_682 {
        %dma_wait3A = arith.constant 0 : i32
        %dma_wait3A_691 = arith.constant 0 : i32
        %dma_wait3A_692 = tpu.memref_slice %arg3[%dma_wait3A, %dma_wait3A_691] : memref<50257x768xf32, #tpu.memory_space<hbm>> -> memref<16x768xf32, #tpu.memory_space<hbm>>
        %dma_wait3A_693 = arith.constant 0 : i32
        %dma_wait3A_694 = arith.constant 0 : i32
        %dma_wait3A_695 = tpu.memref_slice %arg3[%dma_wait3A_693, %dma_wait3A_694] : memref<50257x768xf32, #tpu.memory_space<hbm>> -> memref<16x768xf32, #tpu.memory_space<hbm>>
        tpu.wait_dma2 semaphore(%arg21 : memref<!tpu.dma_semaphore, #tpu.memory_space<semaphore_mem>>) src(%dma_wait3A_695 : memref<16x768xf32, #tpu.memory_space<hbm>>) dst(%arg15 : memref<16x768xf32, #tpu.memory_space<vmem>>)
        %mul3A_696 = arith.constant 16 : i32
        %mul3A_697 = arith.muli %add3A_678, %mul3A_696 : i32
        %get3A_698 = arith.index_cast %mul3A_697 : i32 to index
        %get3A_699 = tpu.vector_load %arg8[%get3A_698] {strides = array<i32>} : memref<6416xi32, #tpu.memory_space<vmem>>, vector<16xi32>,
        %add3A_700 = vector.broadcast %mul3A_2 : i32 to vector<16xi32>
        %add3A_701 = arith.addi %get3A_699, %add3A_700 : vector<16xi32>
        %dma_start3A = arith.constant 0 : i32
        %dma_start3A_702 = arith.constant 0 : i32
        %dma_start3A_703 = tpu.memref_slice %arg6[%dma_start3A, %dma_start3A_702] : memref<204800x768xf32, #tpu.memory_space<hbm>> -> memref<204800x768xf32, #tpu.memory_space<hbm>>
        tpu.enqueue_indirect_dma source(%arg15 : memref<16x768xf32, #tpu.memory_space<vmem>>) target(%dma_start3A_703 : memref<204800x768xf32, #tpu.memory_space<hbm>>) offsets(%add3A_701 : vector<16xi32>) semaphore(%arg27 : memref<!tpu.dma_semaphore, #tpu.memory_space<semaphore_mem>>)
      } else {
      }
      %mul3A_683 = arith.constant 6 : i32
      %mul3A_684 = arith.muli %while3A_542, %mul3A_683 : i32
      %add3A_685 = arith.constant 5 : i32
      %add3A_686 = arith.addi %mul3A_684, %add3A_685 : i32
      %lt3A_687 = arith.cmpi slt, %add3A_686, %select_n3A_58 : i32
      %convert_element_type3A_688 = arith.extui %lt3A_687 : i1 to i32
      %cond3A_689 = arith.constant 0 : i32
      %cond3A_690 = arith.cmpi ne, %convert_element_type3A_688, %cond3A_689 : i32
      scf.if %cond3A_690 {
        %dma_wait3A = arith.constant 0 : i32
        %dma_wait3A_691 = arith.constant 0 : i32
        %dma_wait3A_692 = tpu.memref_slice %arg3[%dma_wait3A, %dma_wait3A_691] : memref<50257x768xf32, #tpu.memory_space<hbm>> -> memref<16x768xf32, #tpu.memory_space<hbm>>
        %dma_wait3A_693 = arith.constant 0 : i32
        %dma_wait3A_694 = arith.constant 0 : i32
        %dma_wait3A_695 = tpu.memref_slice %arg3[%dma_wait3A_693, %dma_wait3A_694] : memref<50257x768xf32, #tpu.memory_space<hbm>> -> memref<16x768xf32, #tpu.memory_space<hbm>>
        tpu.wait_dma2 semaphore(%arg22 : memref<!tpu.dma_semaphore, #tpu.memory_space<semaphore_mem>>) src(%dma_wait3A_695 : memref<16x768xf32, #tpu.memory_space<hbm>>) dst(%arg16 : memref<16x768xf32, #tpu.memory_space<vmem>>)
        %mul3A_696 = arith.constant 16 : i32
        %mul3A_697 = arith.muli %add3A_686, %mul3A_696 : i32
        %get3A_698 = arith.index_cast %mul3A_697 : i32 to index
        %get3A_699 = tpu.vector_load %arg8[%get3A_698] {strides = array<i32>} : memref<6416xi32, #tpu.memory_space<vmem>>, vector<16xi32>,
        %add3A_700 = vector.broadcast %mul3A_2 : i32 to vector<16xi32>
        %add3A_701 = arith.addi %get3A_699, %add3A_700 : vector<16xi32>
        %dma_start3A = arith.constant 0 : i32
        %dma_start3A_702 = arith.constant 0 : i32
        %dma_start3A_703 = tpu.memref_slice %arg6[%dma_start3A, %dma_start3A_702] : memref<204800x768xf32, #tpu.memory_space<hbm>> -> memref<204800x768xf32, #tpu.memory_space<hbm>>
        tpu.enqueue_indirect_dma source(%arg16 : memref<16x768xf32, #tpu.memory_space<vmem>>) target(%dma_start3A_703 : memref<204800x768xf32, #tpu.memory_space<hbm>>) offsets(%add3A_701 : vector<16xi32>) semaphore(%arg28 : memref<!tpu.dma_semaphore, #tpu.memory_space<semaphore_mem>>)
      } else {
      }
      scf.yield %min3A_642, %while3A_638#0, %while3A_638#1, %while3A_638#2, %while3A_638#3 : i32, i32, i32, i32, i32
    }
    %while3A_100 = arith.constant 1 : i32
    %while3A_101:5 = scf.for %while3A_542 = %while3A_97 to %while3A_93 step %while3A_100 iter_args(%while3A_543 = %while3A_99#0, %while3A_544 = %while3A_99#1, %while3A_545 = %while3A_99#2, %while3A_546 = %while3A_99#3, %while3A_547 = %while3A_99#4) -> (i32, i32, i32, i32, i32)  : i32 {
      %mul3A_548 = arith.constant 6 : i32
      %mul3A_549 = arith.muli %while3A_542, %mul3A_548 : i32
      %add3A_550 = arith.constant 0 : i32
      %add3A_551 = arith.addi %mul3A_549, %add3A_550 : i32
      %gt3A_552 = arith.constant 0 : i32
      %gt3A_553 = arith.cmpi sgt, %while3A_542, %gt3A_552 : i32
      %convert_element_type3A_554 = arith.extui %gt3A_553 : i1 to i32
      %cond3A_555 = arith.constant 0 : i32
      %cond3A_556 = arith.cmpi ne, %convert_element_type3A_554, %cond3A_555 : i32
      scf.if %cond3A_556 {
        %dma_wait3A = arith.constant 0 : i32
        %dma_wait3A_691 = arith.constant 0 : i32
        %dma_wait3A_692 = tpu.memref_slice %arg6[%dma_wait3A, %dma_wait3A_691] : memref<204800x768xf32, #tpu.memory_space<hbm>> -> memref<16x768xf32, #tpu.memory_space<hbm>>
        %dma_wait3A_693 = arith.constant 0 : i32
        %dma_wait3A_694 = arith.constant 0 : i32
        %dma_wait3A_695 = tpu.memref_slice %arg6[%dma_wait3A_693, %dma_wait3A_694] : memref<204800x768xf32, #tpu.memory_space<hbm>> -> memref<16x768xf32, #tpu.memory_space<hbm>>
        tpu.wait_dma2 semaphore(%arg23 : memref<!tpu.dma_semaphore, #tpu.memory_space<semaphore_mem>>) src(%arg11 : memref<16x768xf32, #tpu.memory_space<vmem>>) dst(%dma_wait3A_695 : memref<16x768xf32, #tpu.memory_space<hbm>>)
      } else {
      }
      %lt3A_557 = arith.cmpi slt, %add3A_551, %select_n3A_58 : i32
      %convert_element_type3A_558 = arith.extui %lt3A_557 : i1 to i32
      %cond3A_559 = arith.constant 0 : i32
      %cond3A_560 = arith.cmpi ne, %convert_element_type3A_558, %cond3A_559 : i32
      scf.if %cond3A_560 {
        %mul3A_691 = arith.constant 16 : i32
        %mul3A_692 = arith.muli %add3A_551, %mul3A_691 : i32
        %get3A_693 = arith.index_cast %mul3A_692 : i32 to index
        %get3A_694 = tpu.vector_load %arg8[%get3A_693] {strides = array<i32>} : memref<6416xi32, #tpu.memory_space<vmem>>, vector<16xi32>,
        %gather3A = tpu.vector_load_idx %arg7[%get3A_694] : memref<6400xi32, #tpu.memory_space<vmem>>[vector<16xi32>], vector<16xi32>,
        %sub3A_695 = arith.constant 0 : i32
        %sub3A_696 = vector.broadcast %sub3A_695 : i32 to vector<16xi32>
        %sub3A_697 = arith.subi %gather3A, %sub3A_696 : vector<16xi32>
        %dma_start3A = arith.constant 0 : i32
        %dma_start3A_698 = arith.constant 0 : i32
        %dma_start3A_699 = tpu.memref_slice %arg3[%dma_start3A, %dma_start3A_698] : memref<50257x768xf32, #tpu.memory_space<hbm>> -> memref<50257x768xf32, #tpu.memory_space<hbm>>
        tpu.enqueue_indirect_dma source(%dma_start3A_699 : memref<50257x768xf32, #tpu.memory_space<hbm>>) target(%arg11 : memref<16x768xf32, #tpu.memory_space<vmem>>) offsets(%sub3A_697 : vector<16xi32>) semaphore(%arg17 : memref<!tpu.dma_semaphore, #tpu.memory_space<semaphore_mem>>)
      } else {
      }
      %mul3A_561 = arith.constant 6 : i32
      %mul3A_562 = arith.muli %while3A_542, %mul3A_561 : i32
      %add3A_563 = arith.constant 1 : i32
      %add3A_564 = arith.addi %mul3A_562, %add3A_563 : i32
      %gt3A_565 = arith.constant 0 : i32
      %gt3A_566 = arith.cmpi sgt, %while3A_542, %gt3A_565 : i32
      %convert_element_type3A_567 = arith.extui %gt3A_566 : i1 to i32
      %cond3A_568 = arith.constant 0 : i32
      %cond3A_569 = arith.cmpi ne, %convert_element_type3A_567, %cond3A_568 : i32
      scf.if %cond3A_569 {
        %dma_wait3A = arith.constant 0 : i32
        %dma_wait3A_691 = arith.constant 0 : i32
        %dma_wait3A_692 = tpu.memref_slice %arg6[%dma_wait3A, %dma_wait3A_691] : memref<204800x768xf32, #tpu.memory_space<hbm>> -> memref<16x768xf32, #tpu.memory_space<hbm>>
        %dma_wait3A_693 = arith.constant 0 : i32
        %dma_wait3A_694 = arith.constant 0 : i32
        %dma_wait3A_695 = tpu.memref_slice %arg6[%dma_wait3A_693, %dma_wait3A_694] : memref<204800x768xf32, #tpu.memory_space<hbm>> -> memref<16x768xf32, #tpu.memory_space<hbm>>
        tpu.wait_dma2 semaphore(%arg24 : memref<!tpu.dma_semaphore, #tpu.memory_space<semaphore_mem>>) src(%arg12 : memref<16x768xf32, #tpu.memory_space<vmem>>) dst(%dma_wait3A_695 : memref<16x768xf32, #tpu.memory_space<hbm>>)
      } else {
      }
      %lt3A_570 = arith.cmpi slt, %add3A_564, %select_n3A_58 : i32
      %convert_element_type3A_571 = arith.extui %lt3A_570 : i1 to i32
      %cond3A_572 = arith.constant 0 : i32
      %cond3A_573 = arith.cmpi ne, %convert_element_type3A_571, %cond3A_572 : i32
      scf.if %cond3A_573 {
        %mul3A_691 = arith.constant 16 : i32
        %mul3A_692 = arith.muli %add3A_564, %mul3A_691 : i32
        %get3A_693 = arith.index_cast %mul3A_692 : i32 to index
        %get3A_694 = tpu.vector_load %arg8[%get3A_693] {strides = array<i32>} : memref<6416xi32, #tpu.memory_space<vmem>>, vector<16xi32>,
        %gather3A = tpu.vector_load_idx %arg7[%get3A_694] : memref<6400xi32, #tpu.memory_space<vmem>>[vector<16xi32>], vector<16xi32>,
        %sub3A_695 = arith.constant 0 : i32
        %sub3A_696 = vector.broadcast %sub3A_695 : i32 to vector<16xi32>
        %sub3A_697 = arith.subi %gather3A, %sub3A_696 : vector<16xi32>
        %dma_start3A = arith.constant 0 : i32
        %dma_start3A_698 = arith.constant 0 : i32
        %dma_start3A_699 = tpu.memref_slice %arg3[%dma_start3A, %dma_start3A_698] : memref<50257x768xf32, #tpu.memory_space<hbm>> -> memref<50257x768xf32, #tpu.memory_space<hbm>>
        tpu.enqueue_indirect_dma source(%dma_start3A_699 : memref<50257x768xf32, #tpu.memory_space<hbm>>) target(%arg12 : memref<16x768xf32, #tpu.memory_space<vmem>>) offsets(%sub3A_697 : vector<16xi32>) semaphore(%arg18 : memref<!tpu.dma_semaphore, #tpu.memory_space<semaphore_mem>>)
      } else {
      }
      %mul3A_574 = arith.constant 6 : i32
      %mul3A_575 = arith.muli %while3A_542, %mul3A_574 : i32
      %add3A_576 = arith.constant 2 : i32
      %add3A_577 = arith.addi %mul3A_575, %add3A_576 : i32
      %gt3A_578 = arith.constant 0 : i32
      %gt3A_579 = arith.cmpi sgt, %while3A_542, %gt3A_578 : i32
      %convert_element_type3A_580 = arith.extui %gt3A_579 : i1 to i32
      %cond3A_581 = arith.constant 0 : i32
      %cond3A_582 = arith.cmpi ne, %convert_element_type3A_580, %cond3A_581 : i32
      scf.if %cond3A_582 {
        %dma_wait3A = arith.constant 0 : i32
        %dma_wait3A_691 = arith.constant 0 : i32
        %dma_wait3A_692 = tpu.memref_slice %arg6[%dma_wait3A, %dma_wait3A_691] : memref<204800x768xf32, #tpu.memory_space<hbm>> -> memref<16x768xf32, #tpu.memory_space<hbm>>
        %dma_wait3A_693 = arith.constant 0 : i32
        %dma_wait3A_694 = arith.constant 0 : i32
        %dma_wait3A_695 = tpu.memref_slice %arg6[%dma_wait3A_693, %dma_wait3A_694] : memref<204800x768xf32, #tpu.memory_space<hbm>> -> memref<16x768xf32, #tpu.memory_space<hbm>>
        tpu.wait_dma2 semaphore(%arg25 : memref<!tpu.dma_semaphore, #tpu.memory_space<semaphore_mem>>) src(%arg13 : memref<16x768xf32, #tpu.memory_space<vmem>>) dst(%dma_wait3A_695 : memref<16x768xf32, #tpu.memory_space<hbm>>)
      } else {
      }
      %lt3A_583 = arith.cmpi slt, %add3A_577, %select_n3A_58 : i32
      %convert_element_type3A_584 = arith.extui %lt3A_583 : i1 to i32
      %cond3A_585 = arith.constant 0 : i32
      %cond3A_586 = arith.cmpi ne, %convert_element_type3A_584, %cond3A_585 : i32
      scf.if %cond3A_586 {
        %mul3A_691 = arith.constant 16 : i32
        %mul3A_692 = arith.muli %add3A_577, %mul3A_691 : i32
        %get3A_693 = arith.index_cast %mul3A_692 : i32 to index
        %get3A_694 = tpu.vector_load %arg8[%get3A_693] {strides = array<i32>} : memref<6416xi32, #tpu.memory_space<vmem>>, vector<16xi32>,
        %gather3A = tpu.vector_load_idx %arg7[%get3A_694] : memref<6400xi32, #tpu.memory_space<vmem>>[vector<16xi32>], vector<16xi32>,
        %sub3A_695 = arith.constant 0 : i32
        %sub3A_696 = vector.broadcast %sub3A_695 : i32 to vector<16xi32>
        %sub3A_697 = arith.subi %gather3A, %sub3A_696 : vector<16xi32>
        %dma_start3A = arith.constant 0 : i32
        %dma_start3A_698 = arith.constant 0 : i32
        %dma_start3A_699 = tpu.memref_slice %arg3[%dma_start3A, %dma_start3A_698] : memref<50257x768xf32, #tpu.memory_space<hbm>> -> memref<50257x768xf32, #tpu.memory_space<hbm>>
        tpu.enqueue_indirect_dma source(%dma_start3A_699 : memref<50257x768xf32, #tpu.memory_space<hbm>>) target(%arg13 : memref<16x768xf32, #tpu.memory_space<vmem>>) offsets(%sub3A_697 : vector<16xi32>) semaphore(%arg19 : memref<!tpu.dma_semaphore, #tpu.memory_space<semaphore_mem>>)
      } else {
      }
      %mul3A_587 = arith.constant 6 : i32
      %mul3A_588 = arith.muli %while3A_542, %mul3A_587 : i32
      %add3A_589 = arith.constant 3 : i32
      %add3A_590 = arith.addi %mul3A_588, %add3A_589 : i32
      %gt3A_591 = arith.constant 0 : i32
      %gt3A_592 = arith.cmpi sgt, %while3A_542, %gt3A_591 : i32
      %convert_element_type3A_593 = arith.extui %gt3A_592 : i1 to i32
      %cond3A_594 = arith.constant 0 : i32
      %cond3A_595 = arith.cmpi ne, %convert_element_type3A_593, %cond3A_594 : i32
      scf.if %cond3A_595 {
        %dma_wait3A = arith.constant 0 : i32
        %dma_wait3A_691 = arith.constant 0 : i32
        %dma_wait3A_692 = tpu.memref_slice %arg6[%dma_wait3A, %dma_wait3A_691] : memref<204800x768xf32, #tpu.memory_space<hbm>> -> memref<16x768xf32, #tpu.memory_space<hbm>>
        %dma_wait3A_693 = arith.constant 0 : i32
        %dma_wait3A_694 = arith.constant 0 : i32
        %dma_wait3A_695 = tpu.memref_slice %arg6[%dma_wait3A_693, %dma_wait3A_694] : memref<204800x768xf32, #tpu.memory_space<hbm>> -> memref<16x768xf32, #tpu.memory_space<hbm>>
        tpu.wait_dma2 semaphore(%arg26 : memref<!tpu.dma_semaphore, #tpu.memory_space<semaphore_mem>>) src(%arg14 : memref<16x768xf32, #tpu.memory_space<vmem>>) dst(%dma_wait3A_695 : memref<16x768xf32, #tpu.memory_space<hbm>>)
      } else {
      }
      %lt3A_596 = arith.cmpi slt, %add3A_590, %select_n3A_58 : i32
      %convert_element_type3A_597 = arith.extui %lt3A_596 : i1 to i32
      %cond3A_598 = arith.constant 0 : i32
      %cond3A_599 = arith.cmpi ne, %convert_element_type3A_597, %cond3A_598 : i32
      scf.if %cond3A_599 {
        %mul3A_691 = arith.constant 16 : i32
        %mul3A_692 = arith.muli %add3A_590, %mul3A_691 : i32
        %get3A_693 = arith.index_cast %mul3A_692 : i32 to index
        %get3A_694 = tpu.vector_load %arg8[%get3A_693] {strides = array<i32>} : memref<6416xi32, #tpu.memory_space<vmem>>, vector<16xi32>,
        %gather3A = tpu.vector_load_idx %arg7[%get3A_694] : memref<6400xi32, #tpu.memory_space<vmem>>[vector<16xi32>], vector<16xi32>,
        %sub3A_695 = arith.constant 0 : i32
        %sub3A_696 = vector.broadcast %sub3A_695 : i32 to vector<16xi32>
        %sub3A_697 = arith.subi %gather3A, %sub3A_696 : vector<16xi32>
        %dma_start3A = arith.constant 0 : i32
        %dma_start3A_698 = arith.constant 0 : i32
        %dma_start3A_699 = tpu.memref_slice %arg3[%dma_start3A, %dma_start3A_698] : memref<50257x768xf32, #tpu.memory_space<hbm>> -> memref<50257x768xf32, #tpu.memory_space<hbm>>
        tpu.enqueue_indirect_dma source(%dma_start3A_699 : memref<50257x768xf32, #tpu.memory_space<hbm>>) target(%arg14 : memref<16x768xf32, #tpu.memory_space<vmem>>) offsets(%sub3A_697 : vector<16xi32>) semaphore(%arg20 : memref<!tpu.dma_semaphore, #tpu.memory_space<semaphore_mem>>)
      } else {
      }
      %mul3A_600 = arith.constant 6 : i32
      %mul3A_601 = arith.muli %while3A_542, %mul3A_600 : i32
      %add3A_602 = arith.constant 4 : i32
      %add3A_603 = arith.addi %mul3A_601, %add3A_602 : i32
      %gt3A_604 = arith.constant 0 : i32
      %gt3A_605 = arith.cmpi sgt, %while3A_542, %gt3A_604 : i32
      %convert_element_type3A_606 = arith.extui %gt3A_605 : i1 to i32
      %cond3A_607 = arith.constant 0 : i32
      %cond3A_608 = arith.cmpi ne, %convert_element_type3A_606, %cond3A_607 : i32
      scf.if %cond3A_608 {
        %dma_wait3A = arith.constant 0 : i32
        %dma_wait3A_691 = arith.constant 0 : i32
        %dma_wait3A_692 = tpu.memref_slice %arg6[%dma_wait3A, %dma_wait3A_691] : memref<204800x768xf32, #tpu.memory_space<hbm>> -> memref<16x768xf32, #tpu.memory_space<hbm>>
        %dma_wait3A_693 = arith.constant 0 : i32
        %dma_wait3A_694 = arith.constant 0 : i32
        %dma_wait3A_695 = tpu.memref_slice %arg6[%dma_wait3A_693, %dma_wait3A_694] : memref<204800x768xf32, #tpu.memory_space<hbm>> -> memref<16x768xf32, #tpu.memory_space<hbm>>
        tpu.wait_dma2 semaphore(%arg27 : memref<!tpu.dma_semaphore, #tpu.memory_space<semaphore_mem>>) src(%arg15 : memref<16x768xf32, #tpu.memory_space<vmem>>) dst(%dma_wait3A_695 : memref<16x768xf32, #tpu.memory_space<hbm>>)
      } else {
      }
      %lt3A_609 = arith.cmpi slt, %add3A_603, %select_n3A_58 : i32
      %convert_element_type3A_610 = arith.extui %lt3A_609 : i1 to i32
      %cond3A_611 = arith.constant 0 : i32
      %cond3A_612 = arith.cmpi ne, %convert_element_type3A_610, %cond3A_611 : i32
      scf.if %cond3A_612 {
        %mul3A_691 = arith.constant 16 : i32
        %mul3A_692 = arith.muli %add3A_603, %mul3A_691 : i32
        %get3A_693 = arith.index_cast %mul3A_692 : i32 to index
        %get3A_694 = tpu.vector_load %arg8[%get3A_693] {strides = array<i32>} : memref<6416xi32, #tpu.memory_space<vmem>>, vector<16xi32>,
        %gather3A = tpu.vector_load_idx %arg7[%get3A_694] : memref<6400xi32, #tpu.memory_space<vmem>>[vector<16xi32>], vector<16xi32>,
        %sub3A_695 = arith.constant 0 : i32
        %sub3A_696 = vector.broadcast %sub3A_695 : i32 to vector<16xi32>
        %sub3A_697 = arith.subi %gather3A, %sub3A_696 : vector<16xi32>
        %dma_start3A = arith.constant 0 : i32
        %dma_start3A_698 = arith.constant 0 : i32
        %dma_start3A_699 = tpu.memref_slice %arg3[%dma_start3A, %dma_start3A_698] : memref<50257x768xf32, #tpu.memory_space<hbm>> -> memref<50257x768xf32, #tpu.memory_space<hbm>>
        tpu.enqueue_indirect_dma source(%dma_start3A_699 : memref<50257x768xf32, #tpu.memory_space<hbm>>) target(%arg15 : memref<16x768xf32, #tpu.memory_space<vmem>>) offsets(%sub3A_697 : vector<16xi32>) semaphore(%arg21 : memref<!tpu.dma_semaphore, #tpu.memory_space<semaphore_mem>>)
      } else {
      }
      %mul3A_613 = arith.constant 6 : i32
      %mul3A_614 = arith.muli %while3A_542, %mul3A_613 : i32
      %add3A_615 = arith.constant 5 : i32
      %add3A_616 = arith.addi %mul3A_614, %add3A_615 : i32
      %gt3A_617 = arith.constant 0 : i32
      %gt3A_618 = arith.cmpi sgt, %while3A_542, %gt3A_617 : i32
      %convert_element_type3A_619 = arith.extui %gt3A_618 : i1 to i32
      %cond3A_620 = arith.constant 0 : i32
      %cond3A_621 = arith.cmpi ne, %convert_element_type3A_619, %cond3A_620 : i32
      scf.if %cond3A_621 {
        %dma_wait3A = arith.constant 0 : i32
        %dma_wait3A_691 = arith.constant 0 : i32
        %dma_wait3A_692 = tpu.memref_slice %arg6[%dma_wait3A, %dma_wait3A_691] : memref<204800x768xf32, #tpu.memory_space<hbm>> -> memref<16x768xf32, #tpu.memory_space<hbm>>
        %dma_wait3A_693 = arith.constant 0 : i32
        %dma_wait3A_694 = arith.constant 0 : i32
        %dma_wait3A_695 = tpu.memref_slice %arg6[%dma_wait3A_693, %dma_wait3A_694] : memref<204800x768xf32, #tpu.memory_space<hbm>> -> memref<16x768xf32, #tpu.memory_space<hbm>>
        tpu.wait_dma2 semaphore(%arg28 : memref<!tpu.dma_semaphore, #tpu.memory_space<semaphore_mem>>) src(%arg16 : memref<16x768xf32, #tpu.memory_space<vmem>>) dst(%dma_wait3A_695 : memref<16x768xf32, #tpu.memory_space<hbm>>)
      } else {
      }
      %lt3A_622 = arith.cmpi slt, %add3A_616, %select_n3A_58 : i32
      %convert_element_type3A_623 = arith.extui %lt3A_622 : i1 to i32
      %cond3A_624 = arith.constant 0 : i32
      %cond3A_625 = arith.cmpi ne, %convert_element_type3A_623, %cond3A_624 : i32
      scf.if %cond3A_625 {
        %mul3A_691 = arith.constant 16 : i32
        %mul3A_692 = arith.muli %add3A_616, %mul3A_691 : i32
        %get3A_693 = arith.index_cast %mul3A_692 : i32 to index
        %get3A_694 = tpu.vector_load %arg8[%get3A_693] {strides = array<i32>} : memref<6416xi32, #tpu.memory_space<vmem>>, vector<16xi32>,
        %gather3A = tpu.vector_load_idx %arg7[%get3A_694] : memref<6400xi32, #tpu.memory_space<vmem>>[vector<16xi32>], vector<16xi32>,
        %sub3A_695 = arith.constant 0 : i32
        %sub3A_696 = vector.broadcast %sub3A_695 : i32 to vector<16xi32>
        %sub3A_697 = arith.subi %gather3A, %sub3A_696 : vector<16xi32>
        %dma_start3A = arith.constant 0 : i32
        %dma_start3A_698 = arith.constant 0 : i32
        %dma_start3A_699 = tpu.memref_slice %arg3[%dma_start3A, %dma_start3A_698] : memref<50257x768xf32, #tpu.memory_space<hbm>> -> memref<50257x768xf32, #tpu.memory_space<hbm>>
        tpu.enqueue_indirect_dma source(%dma_start3A_699 : memref<50257x768xf32, #tpu.memory_space<hbm>>) target(%arg16 : memref<16x768xf32, #tpu.memory_space<vmem>>) offsets(%sub3A_697 : vector<16xi32>) semaphore(%arg22 : memref<!tpu.dma_semaphore, #tpu.memory_space<semaphore_mem>>)
      } else {
      }
      %add3A_626 = arith.constant 32 : i32
      %add3A_627 = arith.addi %while3A_543, %add3A_626 : i32
      %min3A = arith.constant 400 : i32
      %min3A_628 = arith.minsi %add3A_627, %min3A : i32
      %while3A_629 = arith.subi %min3A_628, %while3A_543 : i32
      %while3A_630 = arith.addi %while3A_543, %while3A_629 : i32
      %while3A_631 = arith.constant 1 : i32
      %while3A_632 = arith.divsi %while3A_629, %while3A_631 : i32
      %while3A_633 = arith.muli %while3A_632, %while3A_631 : i32
      %while3A_634 = arith.addi %while3A_543, %while3A_633 : i32
      %while3A_635 = arith.constant 1 : i32
      %while3A_636:4 = scf.for %while3A_691 = %while3A_543 to %while3A_634 step %while3A_635 iter_args(%while3A_692 = %while3A_544, %while3A_693 = %while3A_545, %while3A_694 = %while3A_546, %while3A_695 = %while3A_547) -> (i32, i32, i32, i32)  : i32 {
        %mul3A_696 = arith.constant 16 : i32
        %mul3A_697 = arith.muli %while3A_691, %mul3A_696 : i32
        %get3A_698 = arith.index_cast %mul3A_697 : i32 to index
        %get3A_699 = tpu.vector_load %arg7[%get3A_698] {strides = array<i32>} : memref<6400xi32, #tpu.memory_space<vmem>>, vector<16xi32>,
        %mul3A_700 = arith.constant 16 : i32
        %mul3A_701 = arith.muli %while3A_691, %mul3A_700 : i32
        %add3A_702 = vector.broadcast %mul3A_701 : i32 to vector<16xi32>
        %add3A_703 = arith.addi %iota3A, %add3A_702 : vector<16xi32>
        %ge3A = arith.constant 50257 : i32
        %ge3A_704 = vector.broadcast %ge3A : i32 to vector<16xi32>
        %ge3A_705 = arith.cmpi sge, %get3A_699, %ge3A_704 : vector<16xi32>
        %lt3A_706 = arith.constant 150257 : i32
        %lt3A_707 = vector.broadcast %lt3A_706 : i32 to vector<16xi32>
        %lt3A_708 = arith.cmpi slt, %get3A_699, %lt3A_707 : vector<16xi32>
        %and3A_709 = arith.andi %ge3A_705, %lt3A_708 : vector<16xi1>
        %convert_element_type3A_710 = arith.extui %and3A_709 : vector<16xi1> to vector<16xi32>
        %broadcast_in_dim3A_711 = arith.constant true
        %broadcast_in_dim3A_712 = vector.broadcast %broadcast_in_dim3A_711 : i1 to vector<16xi1>
        %masked_cumsum3A = tpu.scan <sum>, %convert_element_type3A_710 masked %broadcast_in_dim3A_712 : vector<16xi32>, vector<16xi1> -> vector<16xi32>
        %add3A_713 = vector.broadcast %while3A_692 : i32 to vector<16xi32>
        %add3A_714 = arith.addi %add3A_713, %masked_cumsum3A : vector<16xi32>
        %sub3A_715 = arith.subi %add3A_714, %convert_element_type3A_710 : vector<16xi32>
        tpu.vector_store_idx %arg9[%sub3A_715], %add3A_703 masked %and3A_709 : memref<6416xi32, #tpu.memory_space<vmem>>[vector<16xi32>], vector<16xi32>, vector<16xi1>
        %reduce_max3A = arith.constant true
        %reduce_max3A_716 = vector.broadcast %reduce_max3A : i1 to vector<16xi1>
        %reduce_max3A_717 = arith.constant -2147483648 : i32
        %reduce_max3A_718 = vector.broadcast %reduce_max3A_717 : i32 to vector<16xi32>
        %reduce_max3A_719 = arith.xori %masked_cumsum3A, %reduce_max3A_718 : vector<16xi32>
        %reduce_max3A_720 = tpu.scan <max>, %reduce_max3A_719 masked %reduce_max3A_716 : vector<16xi32>, vector<16xi1> -> vector<16xi32>
        %reduce_max3A_721 = arith.xori %reduce_max3A_720, %reduce_max3A_718 : vector<16xi32>
        %reduce_max3A_722 = vector.extract %reduce_max3A_721[15] : i32 from vector<16xi32>
        %jit3A_723 = arith.constant -1 : i32
        %broadcast_in_dim3A_724 = vector.broadcast %jit3A_723 : i32 to vector<16xi32>
        %select_n3A_725 = arith.select %and3A_709, %add3A_703, %broadcast_in_dim3A_724 : vector<16xi1>, vector<16xi32>
        %reduce_max3A_726 = arith.constant true
        %reduce_max3A_727 = vector.broadcast %reduce_max3A_726 : i1 to vector<16xi1>
        %reduce_max3A_728 = arith.constant -2147483648 : i32
        %reduce_max3A_729 = vector.broadcast %reduce_max3A_728 : i32 to vector<16xi32>
        %reduce_max3A_730 = arith.xori %select_n3A_725, %reduce_max3A_729 : vector<16xi32>
        %reduce_max3A_731 = tpu.scan <max>, %reduce_max3A_730 masked %reduce_max3A_727 : vector<16xi32>, vector<16xi1> -> vector<16xi32>
        %reduce_max3A_732 = arith.xori %reduce_max3A_731, %reduce_max3A_729 : vector<16xi32>
        %reduce_max3A_733 = vector.extract %reduce_max3A_732[15] : i32 from vector<16xi32>
        %add3A_734 = arith.addi %while3A_692, %reduce_max3A_722 : i32
        %gt3A_735 = arith.constant 0 : i32
        %gt3A_736 = arith.cmpi sgt, %reduce_max3A_722, %gt3A_735 : i32
        %select_n3A_737 = arith.select %gt3A_736, %reduce_max3A_733, %while3A_694 : i32
        %ge3A_738 = arith.constant 150257 : i32
        %ge3A_739 = vector.broadcast %ge3A_738 : i32 to vector<16xi32>
        %ge3A_740 = arith.cmpi sge, %get3A_699, %ge3A_739 : vector<16xi32>
        %convert_element_type3A_741 = arith.extui %ge3A_740 : vector<16xi1> to vector<16xi32>
        %broadcast_in_dim3A_742 = arith.constant true
        %broadcast_in_dim3A_743 = vector.broadcast %broadcast_in_dim3A_742 : i1 to vector<16xi1>
        %masked_cumsum3A_744 = tpu.scan <sum>, %convert_element_type3A_741 masked %broadcast_in_dim3A_743 : vector<16xi32>, vector<16xi1> -> vector<16xi32>
        %add3A_745 = vector.broadcast %while3A_693 : i32 to vector<16xi32>
        %add3A_746 = arith.addi %add3A_745, %masked_cumsum3A_744 : vector<16xi32>
        %sub3A_747 = arith.subi %add3A_746, %convert_element_type3A_741 : vector<16xi32>
        tpu.vector_store_idx %arg10[%sub3A_747], %add3A_703 masked %ge3A_740 : memref<6416xi32, #tpu.memory_space<vmem>>[vector<16xi32>], vector<16xi32>, vector<16xi1>
        %reduce_max3A_748 = arith.constant true
        %reduce_max3A_749 = vector.broadcast %reduce_max3A_748 : i1 to vector<16xi1>
        %reduce_max3A_750 = arith.constant -2147483648 : i32
        %reduce_max3A_751 = vector.broadcast %reduce_max3A_750 : i32 to vector<16xi32>
        %reduce_max3A_752 = arith.xori %masked_cumsum3A_744, %reduce_max3A_751 : vector<16xi32>
        %reduce_max3A_753 = tpu.scan <max>, %reduce_max3A_752 masked %reduce_max3A_749 : vector<16xi32>, vector<16xi1> -> vector<16xi32>
        %reduce_max3A_754 = arith.xori %reduce_max3A_753, %reduce_max3A_751 : vector<16xi32>
        %reduce_max3A_755 = vector.extract %reduce_max3A_754[15] : i32 from vector<16xi32>
        %jit3A_756 = arith.constant -1 : i32
        %broadcast_in_dim3A_757 = vector.broadcast %jit3A_756 : i32 to vector<16xi32>
        %select_n3A_758 = arith.select %ge3A_740, %add3A_703, %broadcast_in_dim3A_757 : vector<16xi1>, vector<16xi32>
        %reduce_max3A_759 = arith.constant true
        %reduce_max3A_760 = vector.broadcast %reduce_max3A_759 : i1 to vector<16xi1>
        %reduce_max3A_761 = arith.constant -2147483648 : i32
        %reduce_max3A_762 = vector.broadcast %reduce_max3A_761 : i32 to vector<16xi32>
        %reduce_max3A_763 = arith.xori %select_n3A_758, %reduce_max3A_762 : vector<16xi32>
        %reduce_max3A_764 = tpu.scan <max>, %reduce_max3A_763 masked %reduce_max3A_760 : vector<16xi32>, vector<16xi1> -> vector<16xi32>
        %reduce_max3A_765 = arith.xori %reduce_max3A_764, %reduce_max3A_762 : vector<16xi32>
        %reduce_max3A_766 = vector.extract %reduce_max3A_765[15] : i32 from vector<16xi32>
        %add3A_767 = arith.addi %while3A_693, %reduce_max3A_755 : i32
        %gt3A_768 = arith.constant 0 : i32
        %gt3A_769 = arith.cmpi sgt, %reduce_max3A_755, %gt3A_768 : i32
        %select_n3A_770 = arith.select %gt3A_769, %reduce_max3A_766, %while3A_695 : i32
        scf.yield %add3A_734, %add3A_767, %select_n3A_737, %select_n3A_770 : i32, i32, i32, i32
      }
      %while3A_637 = arith.constant 1 : i32
      %while3A_638:4 = scf.for %while3A_691 = %while3A_634 to %while3A_630 step %while3A_637 iter_args(%while3A_692 = %while3A_636#0, %while3A_693 = %while3A_636#1, %while3A_694 = %while3A_636#2, %while3A_695 = %while3A_636#3) -> (i32, i32, i32, i32)  : i32 {
        %mul3A_696 = arith.constant 16 : i32
        %mul3A_697 = arith.muli %while3A_691, %mul3A_696 : i32
        %get3A_698 = arith.index_cast %mul3A_697 : i32 to index
        %get3A_699 = tpu.vector_load %arg7[%get3A_698] {strides = array<i32>} : memref<6400xi32, #tpu.memory_space<vmem>>, vector<16xi32>,
        %mul3A_700 = arith.constant 16 : i32
        %mul3A_701 = arith.muli %while3A_691, %mul3A_700 : i32
        %add3A_702 = vector.broadcast %mul3A_701 : i32 to vector<16xi32>
        %add3A_703 = arith.addi %iota3A, %add3A_702 : vector<16xi32>
        %ge3A = arith.constant 50257 : i32
        %ge3A_704 = vector.broadcast %ge3A : i32 to vector<16xi32>
        %ge3A_705 = arith.cmpi sge, %get3A_699, %ge3A_704 : vector<16xi32>
        %lt3A_706 = arith.constant 150257 : i32
        %lt3A_707 = vector.broadcast %lt3A_706 : i32 to vector<16xi32>
        %lt3A_708 = arith.cmpi slt, %get3A_699, %lt3A_707 : vector<16xi32>
        %and3A_709 = arith.andi %ge3A_705, %lt3A_708 : vector<16xi1>
        %convert_element_type3A_710 = arith.extui %and3A_709 : vector<16xi1> to vector<16xi32>
        %broadcast_in_dim3A_711 = arith.constant true
        %broadcast_in_dim3A_712 = vector.broadcast %broadcast_in_dim3A_711 : i1 to vector<16xi1>
        %masked_cumsum3A = tpu.scan <sum>, %convert_element_type3A_710 masked %broadcast_in_dim3A_712 : vector<16xi32>, vector<16xi1> -> vector<16xi32>
        %add3A_713 = vector.broadcast %while3A_692 : i32 to vector<16xi32>
        %add3A_714 = arith.addi %add3A_713, %masked_cumsum3A : vector<16xi32>
        %sub3A_715 = arith.subi %add3A_714, %convert_element_type3A_710 : vector<16xi32>
        tpu.vector_store_idx %arg9[%sub3A_715], %add3A_703 masked %and3A_709 : memref<6416xi32, #tpu.memory_space<vmem>>[vector<16xi32>], vector<16xi32>, vector<16xi1>
        %reduce_max3A = arith.constant true
        %reduce_max3A_716 = vector.broadcast %reduce_max3A : i1 to vector<16xi1>
        %reduce_max3A_717 = arith.constant -2147483648 : i32
        %reduce_max3A_718 = vector.broadcast %reduce_max3A_717 : i32 to vector<16xi32>
        %reduce_max3A_719 = arith.xori %masked_cumsum3A, %reduce_max3A_718 : vector<16xi32>
        %reduce_max3A_720 = tpu.scan <max>, %reduce_max3A_719 masked %reduce_max3A_716 : vector<16xi32>, vector<16xi1> -> vector<16xi32>
        %reduce_max3A_721 = arith.xori %reduce_max3A_720, %reduce_max3A_718 : vector<16xi32>
        %reduce_max3A_722 = vector.extract %reduce_max3A_721[15] : i32 from vector<16xi32>
        %jit3A_723 = arith.constant -1 : i32
        %broadcast_in_dim3A_724 = vector.broadcast %jit3A_723 : i32 to vector<16xi32>
        %select_n3A_725 = arith.select %and3A_709, %add3A_703, %broadcast_in_dim3A_724 : vector<16xi1>, vector<16xi32>
        %reduce_max3A_726 = arith.constant true
        %reduce_max3A_727 = vector.broadcast %reduce_max3A_726 : i1 to vector<16xi1>
        %reduce_max3A_728 = arith.constant -2147483648 : i32
        %reduce_max3A_729 = vector.broadcast %reduce_max3A_728 : i32 to vector<16xi32>
        %reduce_max3A_730 = arith.xori %select_n3A_725, %reduce_max3A_729 : vector<16xi32>
        %reduce_max3A_731 = tpu.scan <max>, %reduce_max3A_730 masked %reduce_max3A_727 : vector<16xi32>, vector<16xi1> -> vector<16xi32>
        %reduce_max3A_732 = arith.xori %reduce_max3A_731, %reduce_max3A_729 : vector<16xi32>
        %reduce_max3A_733 = vector.extract %reduce_max3A_732[15] : i32 from vector<16xi32>
        %add3A_734 = arith.addi %while3A_692, %reduce_max3A_722 : i32
        %gt3A_735 = arith.constant 0 : i32
        %gt3A_736 = arith.cmpi sgt, %reduce_max3A_722, %gt3A_735 : i32
        %select_n3A_737 = arith.select %gt3A_736, %reduce_max3A_733, %while3A_694 : i32
        %ge3A_738 = arith.constant 150257 : i32
        %ge3A_739 = vector.broadcast %ge3A_738 : i32 to vector<16xi32>
        %ge3A_740 = arith.cmpi sge, %get3A_699, %ge3A_739 : vector<16xi32>
        %convert_element_type3A_741 = arith.extui %ge3A_740 : vector<16xi1> to vector<16xi32>
        %broadcast_in_dim3A_742 = arith.constant true
        %broadcast_in_dim3A_743 = vector.broadcast %broadcast_in_dim3A_742 : i1 to vector<16xi1>
        %masked_cumsum3A_744 = tpu.scan <sum>, %convert_element_type3A_741 masked %broadcast_in_dim3A_743 : vector<16xi32>, vector<16xi1> -> vector<16xi32>
        %add3A_745 = vector.broadcast %while3A_693 : i32 to vector<16xi32>
        %add3A_746 = arith.addi %add3A_745, %masked_cumsum3A_744 : vector<16xi32>
        %sub3A_747 = arith.subi %add3A_746, %convert_element_type3A_741 : vector<16xi32>
        tpu.vector_store_idx %arg10[%sub3A_747], %add3A_703 masked %ge3A_740 : memref<6416xi32, #tpu.memory_space<vmem>>[vector<16xi32>], vector<16xi32>, vector<16xi1>
        %reduce_max3A_748 = arith.constant true
        %reduce_max3A_749 = vector.broadcast %reduce_max3A_748 : i1 to vector<16xi1>
        %reduce_max3A_750 = arith.constant -2147483648 : i32
        %reduce_max3A_751 = vector.broadcast %reduce_max3A_750 : i32 to vector<16xi32>
        %reduce_max3A_752 = arith.xori %masked_cumsum3A_744, %reduce_max3A_751 : vector<16xi32>
        %reduce_max3A_753 = tpu.scan <max>, %reduce_max3A_752 masked %reduce_max3A_749 : vector<16xi32>, vector<16xi1> -> vector<16xi32>
        %reduce_max3A_754 = arith.xori %reduce_max3A_753, %reduce_max3A_751 : vector<16xi32>
        %reduce_max3A_755 = vector.extract %reduce_max3A_754[15] : i32 from vector<16xi32>
        %jit3A_756 = arith.constant -1 : i32
        %broadcast_in_dim3A_757 = vector.broadcast %jit3A_756 : i32 to vector<16xi32>
        %select_n3A_758 = arith.select %ge3A_740, %add3A_703, %broadcast_in_dim3A_757 : vector<16xi1>, vector<16xi32>
        %reduce_max3A_759 = arith.constant true
        %reduce_max3A_760 = vector.broadcast %reduce_max3A_759 : i1 to vector<16xi1>
        %reduce_max3A_761 = arith.constant -2147483648 : i32
        %reduce_max3A_762 = vector.broadcast %reduce_max3A_761 : i32 to vector<16xi32>
        %reduce_max3A_763 = arith.xori %select_n3A_758, %reduce_max3A_762 : vector<16xi32>
        %reduce_max3A_764 = tpu.scan <max>, %reduce_max3A_763 masked %reduce_max3A_760 : vector<16xi32>, vector<16xi1> -> vector<16xi32>
        %reduce_max3A_765 = arith.xori %reduce_max3A_764, %reduce_max3A_762 : vector<16xi32>
        %reduce_max3A_766 = vector.extract %reduce_max3A_765[15] : i32 from vector<16xi32>
        %add3A_767 = arith.addi %while3A_693, %reduce_max3A_755 : i32
        %gt3A_768 = arith.constant 0 : i32
        %gt3A_769 = arith.cmpi sgt, %reduce_max3A_755, %gt3A_768 : i32
        %select_n3A_770 = arith.select %gt3A_769, %reduce_max3A_766, %while3A_695 : i32
        scf.yield %add3A_734, %add3A_767, %select_n3A_737, %select_n3A_770 : i32, i32, i32, i32
      }
      %add3A_639 = arith.constant 32 : i32
      %add3A_640 = arith.addi %while3A_543, %add3A_639 : i32
      %min3A_641 = arith.constant 400 : i32
      %min3A_642 = arith.minsi %add3A_640, %min3A_641 : i32
      %mul3A_643 = arith.constant 6 : i32
      %mul3A_644 = arith.muli %while3A_542, %mul3A_643 : i32
      %add3A_645 = arith.constant 0 : i32
      %add3A_646 = arith.addi %mul3A_644, %add3A_645 : i32
      %lt3A_647 = arith.cmpi slt, %add3A_646, %select_n3A_58 : i32
      %convert_element_type3A_648 = arith.extui %lt3A_647 : i1 to i32
      %cond3A_649 = arith.constant 0 : i32
      %cond3A_650 = arith.cmpi ne, %convert_element_type3A_648, %cond3A_649 : i32
      scf.if %cond3A_650 {
        %dma_wait3A = arith.constant 0 : i32
        %dma_wait3A_691 = arith.constant 0 : i32
        %dma_wait3A_692 = tpu.memref_slice %arg3[%dma_wait3A, %dma_wait3A_691] : memref<50257x768xf32, #tpu.memory_space<hbm>> -> memref<16x768xf32, #tpu.memory_space<hbm>>
        %dma_wait3A_693 = arith.constant 0 : i32
        %dma_wait3A_694 = arith.constant 0 : i32
        %dma_wait3A_695 = tpu.memref_slice %arg3[%dma_wait3A_693, %dma_wait3A_694] : memref<50257x768xf32, #tpu.memory_space<hbm>> -> memref<16x768xf32, #tpu.memory_space<hbm>>
        tpu.wait_dma2 semaphore(%arg17 : memref<!tpu.dma_semaphore, #tpu.memory_space<semaphore_mem>>) src(%dma_wait3A_695 : memref<16x768xf32, #tpu.memory_space<hbm>>) dst(%arg11 : memref<16x768xf32, #tpu.memory_space<vmem>>)
        %mul3A_696 = arith.constant 16 : i32
        %mul3A_697 = arith.muli %add3A_646, %mul3A_696 : i32
        %get3A_698 = arith.index_cast %mul3A_697 : i32 to index
        %get3A_699 = tpu.vector_load %arg8[%get3A_698] {strides = array<i32>} : memref<6416xi32, #tpu.memory_space<vmem>>, vector<16xi32>,
        %add3A_700 = vector.broadcast %mul3A_2 : i32 to vector<16xi32>
        %add3A_701 = arith.addi %get3A_699, %add3A_700 : vector<16xi32>
        %dma_start3A = arith.constant 0 : i32
        %dma_start3A_702 = arith.constant 0 : i32
        %dma_start3A_703 = tpu.memref_slice %arg6[%dma_start3A, %dma_start3A_702] : memref<204800x768xf32, #tpu.memory_space<hbm>> -> memref<204800x768xf32, #tpu.memory_space<hbm>>
        tpu.enqueue_indirect_dma source(%arg11 : memref<16x768xf32, #tpu.memory_space<vmem>>) target(%dma_start3A_703 : memref<204800x768xf32, #tpu.memory_space<hbm>>) offsets(%add3A_701 : vector<16xi32>) semaphore(%arg23 : memref<!tpu.dma_semaphore, #tpu.memory_space<semaphore_mem>>)
      } else {
      }
      %mul3A_651 = arith.constant 6 : i32
      %mul3A_652 = arith.muli %while3A_542, %mul3A_651 : i32
      %add3A_653 = arith.constant 1 : i32
      %add3A_654 = arith.addi %mul3A_652, %add3A_653 : i32
      %lt3A_655 = arith.cmpi slt, %add3A_654, %select_n3A_58 : i32
      %convert_element_type3A_656 = arith.extui %lt3A_655 : i1 to i32
      %cond3A_657 = arith.constant 0 : i32
      %cond3A_658 = arith.cmpi ne, %convert_element_type3A_656, %cond3A_657 : i32
      scf.if %cond3A_658 {
        %dma_wait3A = arith.constant 0 : i32
        %dma_wait3A_691 = arith.constant 0 : i32
        %dma_wait3A_692 = tpu.memref_slice %arg3[%dma_wait3A, %dma_wait3A_691] : memref<50257x768xf32, #tpu.memory_space<hbm>> -> memref<16x768xf32, #tpu.memory_space<hbm>>
        %dma_wait3A_693 = arith.constant 0 : i32
        %dma_wait3A_694 = arith.constant 0 : i32
        %dma_wait3A_695 = tpu.memref_slice %arg3[%dma_wait3A_693, %dma_wait3A_694] : memref<50257x768xf32, #tpu.memory_space<hbm>> -> memref<16x768xf32, #tpu.memory_space<hbm>>
        tpu.wait_dma2 semaphore(%arg18 : memref<!tpu.dma_semaphore, #tpu.memory_space<semaphore_mem>>) src(%dma_wait3A_695 : memref<16x768xf32, #tpu.memory_space<hbm>>) dst(%arg12 : memref<16x768xf32, #tpu.memory_space<vmem>>)
        %mul3A_696 = arith.constant 16 : i32
        %mul3A_697 = arith.muli %add3A_654, %mul3A_696 : i32
        %get3A_698 = arith.index_cast %mul3A_697 : i32 to index
        %get3A_699 = tpu.vector_load %arg8[%get3A_698] {strides = array<i32>} : memref<6416xi32, #tpu.memory_space<vmem>>, vector<16xi32>,
        %add3A_700 = vector.broadcast %mul3A_2 : i32 to vector<16xi32>
        %add3A_701 = arith.addi %get3A_699, %add3A_700 : vector<16xi32>
        %dma_start3A = arith.constant 0 : i32
        %dma_start3A_702 = arith.constant 0 : i32
        %dma_start3A_703 = tpu.memref_slice %arg6[%dma_start3A, %dma_start3A_702] : memref<204800x768xf32, #tpu.memory_space<hbm>> -> memref<204800x768xf32, #tpu.memory_space<hbm>>
        tpu.enqueue_indirect_dma source(%arg12 : memref<16x768xf32, #tpu.memory_space<vmem>>) target(%dma_start3A_703 : memref<204800x768xf32, #tpu.memory_space<hbm>>) offsets(%add3A_701 : vector<16xi32>) semaphore(%arg24 : memref<!tpu.dma_semaphore, #tpu.memory_space<semaphore_mem>>)
      } else {
      }
      %mul3A_659 = arith.constant 6 : i32
      %mul3A_660 = arith.muli %while3A_542, %mul3A_659 : i32
      %add3A_661 = arith.constant 2 : i32
      %add3A_662 = arith.addi %mul3A_660, %add3A_661 : i32
      %lt3A_663 = arith.cmpi slt, %add3A_662, %select_n3A_58 : i32
      %convert_element_type3A_664 = arith.extui %lt3A_663 : i1 to i32
      %cond3A_665 = arith.constant 0 : i32
      %cond3A_666 = arith.cmpi ne, %convert_element_type3A_664, %cond3A_665 : i32
      scf.if %cond3A_666 {
        %dma_wait3A = arith.constant 0 : i32
        %dma_wait3A_691 = arith.constant 0 : i32
        %dma_wait3A_692 = tpu.memref_slice %arg3[%dma_wait3A, %dma_wait3A_691] : memref<50257x768xf32, #tpu.memory_space<hbm>> -> memref<16x768xf32, #tpu.memory_space<hbm>>
        %dma_wait3A_693 = arith.constant 0 : i32
        %dma_wait3A_694 = arith.constant 0 : i32
        %dma_wait3A_695 = tpu.memref_slice %arg3[%dma_wait3A_693, %dma_wait3A_694] : memref<50257x768xf32, #tpu.memory_space<hbm>> -> memref<16x768xf32, #tpu.memory_space<hbm>>
        tpu.wait_dma2 semaphore(%arg19 : memref<!tpu.dma_semaphore, #tpu.memory_space<semaphore_mem>>) src(%dma_wait3A_695 : memref<16x768xf32, #tpu.memory_space<hbm>>) dst(%arg13 : memref<16x768xf32, #tpu.memory_space<vmem>>)
        %mul3A_696 = arith.constant 16 : i32
        %mul3A_697 = arith.muli %add3A_662, %mul3A_696 : i32
        %get3A_698 = arith.index_cast %mul3A_697 : i32 to index
        %get3A_699 = tpu.vector_load %arg8[%get3A_698] {strides = array<i32>} : memref<6416xi32, #tpu.memory_space<vmem>>, vector<16xi32>,
        %add3A_700 = vector.broadcast %mul3A_2 : i32 to vector<16xi32>
        %add3A_701 = arith.addi %get3A_699, %add3A_700 : vector<16xi32>
        %dma_start3A = arith.constant 0 : i32
        %dma_start3A_702 = arith.constant 0 : i32
        %dma_start3A_703 = tpu.memref_slice %arg6[%dma_start3A, %dma_start3A_702] : memref<204800x768xf32, #tpu.memory_space<hbm>> -> memref<204800x768xf32, #tpu.memory_space<hbm>>
        tpu.enqueue_indirect_dma source(%arg13 : memref<16x768xf32, #tpu.memory_space<vmem>>) target(%dma_start3A_703 : memref<204800x768xf32, #tpu.memory_space<hbm>>) offsets(%add3A_701 : vector<16xi32>) semaphore(%arg25 : memref<!tpu.dma_semaphore, #tpu.memory_space<semaphore_mem>>)
      } else {
      }
      %mul3A_667 = arith.constant 6 : i32
      %mul3A_668 = arith.muli %while3A_542, %mul3A_667 : i32
      %add3A_669 = arith.constant 3 : i32
      %add3A_670 = arith.addi %mul3A_668, %add3A_669 : i32
      %lt3A_671 = arith.cmpi slt, %add3A_670, %select_n3A_58 : i32
      %convert_element_type3A_672 = arith.extui %lt3A_671 : i1 to i32
      %cond3A_673 = arith.constant 0 : i32
      %cond3A_674 = arith.cmpi ne, %convert_element_type3A_672, %cond3A_673 : i32
      scf.if %cond3A_674 {
        %dma_wait3A = arith.constant 0 : i32
        %dma_wait3A_691 = arith.constant 0 : i32
        %dma_wait3A_692 = tpu.memref_slice %arg3[%dma_wait3A, %dma_wait3A_691] : memref<50257x768xf32, #tpu.memory_space<hbm>> -> memref<16x768xf32, #tpu.memory_space<hbm>>
        %dma_wait3A_693 = arith.constant 0 : i32
        %dma_wait3A_694 = arith.constant 0 : i32
        %dma_wait3A_695 = tpu.memref_slice %arg3[%dma_wait3A_693, %dma_wait3A_694] : memref<50257x768xf32, #tpu.memory_space<hbm>> -> memref<16x768xf32, #tpu.memory_space<hbm>>
        tpu.wait_dma2 semaphore(%arg20 : memref<!tpu.dma_semaphore, #tpu.memory_space<semaphore_mem>>) src(%dma_wait3A_695 : memref<16x768xf32, #tpu.memory_space<hbm>>) dst(%arg14 : memref<16x768xf32, #tpu.memory_space<vmem>>)
        %mul3A_696 = arith.constant 16 : i32
        %mul3A_697 = arith.muli %add3A_670, %mul3A_696 : i32
        %get3A_698 = arith.index_cast %mul3A_697 : i32 to index
        %get3A_699 = tpu.vector_load %arg8[%get3A_698] {strides = array<i32>} : memref<6416xi32, #tpu.memory_space<vmem>>, vector<16xi32>,
        %add3A_700 = vector.broadcast %mul3A_2 : i32 to vector<16xi32>
        %add3A_701 = arith.addi %get3A_699, %add3A_700 : vector<16xi32>
        %dma_start3A = arith.constant 0 : i32
        %dma_start3A_702 = arith.constant 0 : i32
        %dma_start3A_703 = tpu.memref_slice %arg6[%dma_start3A, %dma_start3A_702] : memref<204800x768xf32, #tpu.memory_space<hbm>> -> memref<204800x768xf32, #tpu.memory_space<hbm>>
        tpu.enqueue_indirect_dma source(%arg14 : memref<16x768xf32, #tpu.memory_space<vmem>>) target(%dma_start3A_703 : memref<204800x768xf32, #tpu.memory_space<hbm>>) offsets(%add3A_701 : vector<16xi32>) semaphore(%arg26 : memref<!tpu.dma_semaphore, #tpu.memory_space<semaphore_mem>>)
      } else {
      }
      %mul3A_675 = arith.constant 6 : i32
      %mul3A_676 = arith.muli %while3A_542, %mul3A_675 : i32
      %add3A_677 = arith.constant 4 : i32
      %add3A_678 = arith.addi %mul3A_676, %add3A_677 : i32
      %lt3A_679 = arith.cmpi slt, %add3A_678, %select_n3A_58 : i32
      %convert_element_type3A_680 = arith.extui %lt3A_679 : i1 to i32
      %cond3A_681 = arith.constant 0 : i32
      %cond3A_682 = arith.cmpi ne, %convert_element_type3A_680, %cond3A_681 : i32
      scf.if %cond3A_682 {
        %dma_wait3A = arith.constant 0 : i32
        %dma_wait3A_691 = arith.constant 0 : i32
        %dma_wait3A_692 = tpu.memref_slice %arg3[%dma_wait3A, %dma_wait3A_691] : memref<50257x768xf32, #tpu.memory_space<hbm>> -> memref<16x768xf32, #tpu.memory_space<hbm>>
        %dma_wait3A_693 = arith.constant 0 : i32
        %dma_wait3A_694 = arith.constant 0 : i32
        %dma_wait3A_695 = tpu.memref_slice %arg3[%dma_wait3A_693, %dma_wait3A_694] : memref<50257x768xf32, #tpu.memory_space<hbm>> -> memref<16x768xf32, #tpu.memory_space<hbm>>
        tpu.wait_dma2 semaphore(%arg21 : memref<!tpu.dma_semaphore, #tpu.memory_space<semaphore_mem>>) src(%dma_wait3A_695 : memref<16x768xf32, #tpu.memory_space<hbm>>) dst(%arg15 : memref<16x768xf32, #tpu.memory_space<vmem>>)
        %mul3A_696 = arith.constant 16 : i32
        %mul3A_697 = arith.muli %add3A_678, %mul3A_696 : i32
        %get3A_698 = arith.index_cast %mul3A_697 : i32 to index
        %get3A_699 = tpu.vector_load %arg8[%get3A_698] {strides = array<i32>} : memref<6416xi32, #tpu.memory_space<vmem>>, vector<16xi32>,
        %add3A_700 = vector.broadcast %mul3A_2 : i32 to vector<16xi32>
        %add3A_701 = arith.addi %get3A_699, %add3A_700 : vector<16xi32>
        %dma_start3A = arith.constant 0 : i32
        %dma_start3A_702 = arith.constant 0 : i32
        %dma_start3A_703 = tpu.memref_slice %arg6[%dma_start3A, %dma_start3A_702] : memref<204800x768xf32, #tpu.memory_space<hbm>> -> memref<204800x768xf32, #tpu.memory_space<hbm>>
        tpu.enqueue_indirect_dma source(%arg15 : memref<16x768xf32, #tpu.memory_space<vmem>>) target(%dma_start3A_703 : memref<204800x768xf32, #tpu.memory_space<hbm>>) offsets(%add3A_701 : vector<16xi32>) semaphore(%arg27 : memref<!tpu.dma_semaphore, #tpu.memory_space<semaphore_mem>>)
      } else {
      }
      %mul3A_683 = arith.constant 6 : i32
      %mul3A_684 = arith.muli %while3A_542, %mul3A_683 : i32
      %add3A_685 = arith.constant 5 : i32
      %add3A_686 = arith.addi %mul3A_684, %add3A_685 : i32
      %lt3A_687 = arith.cmpi slt, %add3A_686, %select_n3A_58 : i32
      %convert_element_type3A_688 = arith.extui %lt3A_687 : i1 to i32
      %cond3A_689 = arith.constant 0 : i32
      %cond3A_690 = arith.cmpi ne, %convert_element_type3A_688, %cond3A_689 : i32
      scf.if %cond3A_690 {
        %dma_wait3A = arith.constant 0 : i32
        %dma_wait3A_691 = arith.constant 0 : i32
        %dma_wait3A_692 = tpu.memref_slice %arg3[%dma_wait3A, %dma_wait3A_691] : memref<50257x768xf32, #tpu.memory_space<hbm>> -> memref<16x768xf32, #tpu.memory_space<hbm>>
        %dma_wait3A_693 = arith.constant 0 : i32
        %dma_wait3A_694 = arith.constant 0 : i32
        %dma_wait3A_695 = tpu.memref_slice %arg3[%dma_wait3A_693, %dma_wait3A_694] : memref<50257x768xf32, #tpu.memory_space<hbm>> -> memref<16x768xf32, #tpu.memory_space<hbm>>
        tpu.wait_dma2 semaphore(%arg22 : memref<!tpu.dma_semaphore, #tpu.memory_space<semaphore_mem>>) src(%dma_wait3A_695 : memref<16x768xf32, #tpu.memory_space<hbm>>) dst(%arg16 : memref<16x768xf32, #tpu.memory_space<vmem>>)
        %mul3A_696 = arith.constant 16 : i32
        %mul3A_697 = arith.muli %add3A_686, %mul3A_696 : i32
        %get3A_698 = arith.index_cast %mul3A_697 : i32 to index
        %get3A_699 = tpu.vector_load %arg8[%get3A_698] {strides = array<i32>} : memref<6416xi32, #tpu.memory_space<vmem>>, vector<16xi32>,
        %add3A_700 = vector.broadcast %mul3A_2 : i32 to vector<16xi32>
        %add3A_701 = arith.addi %get3A_699, %add3A_700 : vector<16xi32>
        %dma_start3A = arith.constant 0 : i32
        %dma_start3A_702 = arith.constant 0 : i32
        %dma_start3A_703 = tpu.memref_slice %arg6[%dma_start3A, %dma_start3A_702] : memref<204800x768xf32, #tpu.memory_space<hbm>> -> memref<204800x768xf32, #tpu.memory_space<hbm>>
        tpu.enqueue_indirect_dma source(%arg16 : memref<16x768xf32, #tpu.memory_space<vmem>>) target(%dma_start3A_703 : memref<204800x768xf32, #tpu.memory_space<hbm>>) offsets(%add3A_701 : vector<16xi32>) semaphore(%arg28 : memref<!tpu.dma_semaphore, #tpu.memory_space<semaphore_mem>>)
      } else {
      }
      scf.yield %min3A_642, %while3A_638#0, %while3A_638#1, %while3A_638#2, %while3A_638#3 : i32, i32, i32, i32, i32
    }
    %gt3A = arith.constant 0 : i32
    %gt3A_102 = arith.cmpi sgt, %select_n3A_86, %gt3A : i32
    %sub3A_103 = arith.constant 1 : i32
    %sub3A_104 = arith.subi %select_n3A_86, %sub3A_103 : i32
    %mul3A_105 = arith.constant 6 : i32
    %mul3A_106 = arith.muli %sub3A_104, %mul3A_105 : i32
    %add3A_107 = arith.constant 0 : i32
    %add3A_108 = arith.addi %mul3A_106, %add3A_107 : i32
    %lt3A_109 = arith.cmpi slt, %add3A_108, %select_n3A_58 : i32
    %and3A_110 = arith.andi %gt3A_102, %lt3A_109 : i1
    %convert_element_type3A = arith.extui %and3A_110 : i1 to i32
    %cond3A = arith.constant 0 : i32
    %cond3A_111 = arith.cmpi ne, %convert_element_type3A, %cond3A : i32
    scf.if %cond3A_111 {
      %dma_wait3A = arith.constant 0 : i32
      %dma_wait3A_542 = arith.constant 0 : i32
      %dma_wait3A_543 = tpu.memref_slice %arg6[%dma_wait3A, %dma_wait3A_542] : memref<204800x768xf32, #tpu.memory_space<hbm>> -> memref<16x768xf32, #tpu.memory_space<hbm>>
      %dma_wait3A_544 = arith.constant 0 : i32
      %dma_wait3A_545 = arith.constant 0 : i32
      %dma_wait3A_546 = tpu.memref_slice %arg6[%dma_wait3A_544, %dma_wait3A_545] : memref<204800x768xf32, #tpu.memory_space<hbm>> -> memref<16x768xf32, #tpu.memory_space<hbm>>
      tpu.wait_dma2 semaphore(%arg23 : memref<!tpu.dma_semaphore, #tpu.memory_space<semaphore_mem>>) src(%arg11 : memref<16x768xf32, #tpu.memory_space<vmem>>) dst(%dma_wait3A_546 : memref<16x768xf32, #tpu.memory_space<hbm>>)
    } else {
    }
    %gt3A_112 = arith.constant 0 : i32
    %gt3A_113 = arith.cmpi sgt, %select_n3A_86, %gt3A_112 : i32
    %sub3A_114 = arith.constant 1 : i32
    %sub3A_115 = arith.subi %select_n3A_86, %sub3A_114 : i32
    %mul3A_116 = arith.constant 6 : i32
    %mul3A_117 = arith.muli %sub3A_115, %mul3A_116 : i32
    %add3A_118 = arith.constant 1 : i32
    %add3A_119 = arith.addi %mul3A_117, %add3A_118 : i32
    %lt3A_120 = arith.cmpi slt, %add3A_119, %select_n3A_58 : i32
    %and3A_121 = arith.andi %gt3A_113, %lt3A_120 : i1
    %convert_element_type3A_122 = arith.extui %and3A_121 : i1 to i32
    %cond3A_123 = arith.constant 0 : i32
    %cond3A_124 = arith.cmpi ne, %convert_element_type3A_122, %cond3A_123 : i32
    scf.if %cond3A_124 {
      %dma_wait3A = arith.constant 0 : i32
      %dma_wait3A_542 = arith.constant 0 : i32
      %dma_wait3A_543 = tpu.memref_slice %arg6[%dma_wait3A, %dma_wait3A_542] : memref<204800x768xf32, #tpu.memory_space<hbm>> -> memref<16x768xf32, #tpu.memory_space<hbm>>
      %dma_wait3A_544 = arith.constant 0 : i32
      %dma_wait3A_545 = arith.constant 0 : i32
      %dma_wait3A_546 = tpu.memref_slice %arg6[%dma_wait3A_544, %dma_wait3A_545] : memref<204800x768xf32, #tpu.memory_space<hbm>> -> memref<16x768xf32, #tpu.memory_space<hbm>>
      tpu.wait_dma2 semaphore(%arg24 : memref<!tpu.dma_semaphore, #tpu.memory_space<semaphore_mem>>) src(%arg12 : memref<16x768xf32, #tpu.memory_space<vmem>>) dst(%dma_wait3A_546 : memref<16x768xf32, #tpu.memory_space<hbm>>)
    } else {
    }
    %gt3A_125 = arith.constant 0 : i32
    %gt3A_126 = arith.cmpi sgt, %select_n3A_86, %gt3A_125 : i32
    %sub3A_127 = arith.constant 1 : i32
    %sub3A_128 = arith.subi %select_n3A_86, %sub3A_127 : i32
    %mul3A_129 = arith.constant 6 : i32
    %mul3A_130 = arith.muli %sub3A_128, %mul3A_129 : i32
    %add3A_131 = arith.constant 2 : i32
    %add3A_132 = arith.addi %mul3A_130, %add3A_131 : i32
    %lt3A_133 = arith.cmpi slt, %add3A_132, %select_n3A_58 : i32
    %and3A_134 = arith.andi %gt3A_126, %lt3A_133 : i1
    %convert_element_type3A_135 = arith.extui %and3A_134 : i1 to i32
    %cond3A_136 = arith.constant 0 : i32
    %cond3A_137 = arith.cmpi ne, %convert_element_type3A_135, %cond3A_136 : i32
    scf.if %cond3A_137 {
      %dma_wait3A = arith.constant 0 : i32
      %dma_wait3A_542 = arith.constant 0 : i32
      %dma_wait3A_543 = tpu.memref_slice %arg6[%dma_wait3A, %dma_wait3A_542] : memref<204800x768xf32, #tpu.memory_space<hbm>> -> memref<16x768xf32, #tpu.memory_space<hbm>>
      %dma_wait3A_544 = arith.constant 0 : i32
      %dma_wait3A_545 = arith.constant 0 : i32
      %dma_wait3A_546 = tpu.memref_slice %arg6[%dma_wait3A_544, %dma_wait3A_545] : memref<204800x768xf32, #tpu.memory_space<hbm>> -> memref<16x768xf32, #tpu.memory_space<hbm>>
      tpu.wait_dma2 semaphore(%arg25 : memref<!tpu.dma_semaphore, #tpu.memory_space<semaphore_mem>>) src(%arg13 : memref<16x768xf32, #tpu.memory_space<vmem>>) dst(%dma_wait3A_546 : memref<16x768xf32, #tpu.memory_space<hbm>>)
    } else {
    }
    %gt3A_138 = arith.constant 0 : i32
    %gt3A_139 = arith.cmpi sgt, %select_n3A_86, %gt3A_138 : i32
    %sub3A_140 = arith.constant 1 : i32
    %sub3A_141 = arith.subi %select_n3A_86, %sub3A_140 : i32
    %mul3A_142 = arith.constant 6 : i32
    %mul3A_143 = arith.muli %sub3A_141, %mul3A_142 : i32
    %add3A_144 = arith.constant 3 : i32
    %add3A_145 = arith.addi %mul3A_143, %add3A_144 : i32
    %lt3A_146 = arith.cmpi slt, %add3A_145, %select_n3A_58 : i32
    %and3A_147 = arith.andi %gt3A_139, %lt3A_146 : i1
    %convert_element_type3A_148 = arith.extui %and3A_147 : i1 to i32
    %cond3A_149 = arith.constant 0 : i32
    %cond3A_150 = arith.cmpi ne, %convert_element_type3A_148, %cond3A_149 : i32
    scf.if %cond3A_150 {
      %dma_wait3A = arith.constant 0 : i32
      %dma_wait3A_542 = arith.constant 0 : i32
      %dma_wait3A_543 = tpu.memref_slice %arg6[%dma_wait3A, %dma_wait3A_542] : memref<204800x768xf32, #tpu.memory_space<hbm>> -> memref<16x768xf32, #tpu.memory_space<hbm>>
      %dma_wait3A_544 = arith.constant 0 : i32
      %dma_wait3A_545 = arith.constant 0 : i32
      %dma_wait3A_546 = tpu.memref_slice %arg6[%dma_wait3A_544, %dma_wait3A_545] : memref<204800x768xf32, #tpu.memory_space<hbm>> -> memref<16x768xf32, #tpu.memory_space<hbm>>
      tpu.wait_dma2 semaphore(%arg26 : memref<!tpu.dma_semaphore, #tpu.memory_space<semaphore_mem>>) src(%arg14 : memref<16x768xf32, #tpu.memory_space<vmem>>) dst(%dma_wait3A_546 : memref<16x768xf32, #tpu.memory_space<hbm>>)
    } else {
    }
    %gt3A_151 = arith.constant 0 : i32
    %gt3A_152 = arith.cmpi sgt, %select_n3A_86, %gt3A_151 : i32
    %sub3A_153 = arith.constant 1 : i32
    %sub3A_154 = arith.subi %select_n3A_86, %sub3A_153 : i32
    %mul3A_155 = arith.constant 6 : i32
    %mul3A_156 = arith.muli %sub3A_154, %mul3A_155 : i32
    %add3A_157 = arith.constant 4 : i32
    %add3A_158 = arith.addi %mul3A_156, %add3A_157 : i32
    %lt3A_159 = arith.cmpi slt, %add3A_158, %select_n3A_58 : i32
    %and3A_160 = arith.andi %gt3A_152, %lt3A_159 : i1
    %convert_element_type3A_161 = arith.extui %and3A_160 : i1 to i32
    %cond3A_162 = arith.constant 0 : i32
    %cond3A_163 = arith.cmpi ne, %convert_element_type3A_161, %cond3A_162 : i32
    scf.if %cond3A_163 {
      %dma_wait3A = arith.constant 0 : i32
      %dma_wait3A_542 = arith.constant 0 : i32
      %dma_wait3A_543 = tpu.memref_slice %arg6[%dma_wait3A, %dma_wait3A_542] : memref<204800x768xf32, #tpu.memory_space<hbm>> -> memref<16x768xf32, #tpu.memory_space<hbm>>
      %dma_wait3A_544 = arith.constant 0 : i32
      %dma_wait3A_545 = arith.constant 0 : i32
      %dma_wait3A_546 = tpu.memref_slice %arg6[%dma_wait3A_544, %dma_wait3A_545] : memref<204800x768xf32, #tpu.memory_space<hbm>> -> memref<16x768xf32, #tpu.memory_space<hbm>>
      tpu.wait_dma2 semaphore(%arg27 : memref<!tpu.dma_semaphore, #tpu.memory_space<semaphore_mem>>) src(%arg15 : memref<16x768xf32, #tpu.memory_space<vmem>>) dst(%dma_wait3A_546 : memref<16x768xf32, #tpu.memory_space<hbm>>)
    } else {
    }
    %gt3A_164 = arith.constant 0 : i32
    %gt3A_165 = arith.cmpi sgt, %select_n3A_86, %gt3A_164 : i32
    %sub3A_166 = arith.constant 1 : i32
    %sub3A_167 = arith.subi %select_n3A_86, %sub3A_166 : i32
    %mul3A_168 = arith.constant 6 : i32
    %mul3A_169 = arith.muli %sub3A_167, %mul3A_168 : i32
    %add3A_170 = arith.constant 5 : i32
    %add3A_171 = arith.addi %mul3A_169, %add3A_170 : i32
    %lt3A_172 = arith.cmpi slt, %add3A_171, %select_n3A_58 : i32
    %and3A_173 = arith.andi %gt3A_165, %lt3A_172 : i1
    %convert_element_type3A_174 = arith.extui %and3A_173 : i1 to i32
    %cond3A_175 = arith.constant 0 : i32
    %cond3A_176 = arith.cmpi ne, %convert_element_type3A_174, %cond3A_175 : i32
    scf.if %cond3A_176 {
      %dma_wait3A = arith.constant 0 : i32
      %dma_wait3A_542 = arith.constant 0 : i32
      %dma_wait3A_543 = tpu.memref_slice %arg6[%dma_wait3A, %dma_wait3A_542] : memref<204800x768xf32, #tpu.memory_space<hbm>> -> memref<16x768xf32, #tpu.memory_space<hbm>>
      %dma_wait3A_544 = arith.constant 0 : i32
      %dma_wait3A_545 = arith.constant 0 : i32
      %dma_wait3A_546 = tpu.memref_slice %arg6[%dma_wait3A_544, %dma_wait3A_545] : memref<204800x768xf32, #tpu.memory_space<hbm>> -> memref<16x768xf32, #tpu.memory_space<hbm>>
      tpu.wait_dma2 semaphore(%arg28 : memref<!tpu.dma_semaphore, #tpu.memory_space<semaphore_mem>>) src(%arg16 : memref<16x768xf32, #tpu.memory_space<vmem>>) dst(%dma_wait3A_546 : memref<16x768xf32, #tpu.memory_space<hbm>>)
    } else {
    }
    %while3A_177 = arith.constant 400 : i32
    %while3A_178 = arith.subi %while3A_177, %while3A_101#0 : i32
    %while3A_179 = arith.addi %while3A_101#0, %while3A_178 : i32
    %while3A_180 = arith.constant 1 : i32
    %while3A_181 = arith.divsi %while3A_178, %while3A_180 : i32
    %while3A_182 = arith.muli %while3A_181, %while3A_180 : i32
    %while3A_183 = arith.addi %while3A_101#0, %while3A_182 : i32
    %while3A_184 = arith.constant 1 : i32
    %while3A_185:4 = scf.for %while3A_542 = %while3A_101#0 to %while3A_183 step %while3A_184 iter_args(%while3A_543 = %while3A_101#1, %while3A_544 = %while3A_101#2, %while3A_545 = %while3A_101#3, %while3A_546 = %while3A_101#4) -> (i32, i32, i32, i32)  : i32 {
      %mul3A_547 = arith.constant 16 : i32
      %mul3A_548 = arith.muli %while3A_542, %mul3A_547 : i32
      %get3A_549 = arith.index_cast %mul3A_548 : i32 to index
      %get3A_550 = tpu.vector_load %arg7[%get3A_549] {strides = array<i32>} : memref<6400xi32, #tpu.memory_space<vmem>>, vector<16xi32>,
      %mul3A_551 = arith.constant 16 : i32
      %mul3A_552 = arith.muli %while3A_542, %mul3A_551 : i32
      %add3A_553 = vector.broadcast %mul3A_552 : i32 to vector<16xi32>
      %add3A_554 = arith.addi %iota3A, %add3A_553 : vector<16xi32>
      %ge3A = arith.constant 50257 : i32
      %ge3A_555 = vector.broadcast %ge3A : i32 to vector<16xi32>
      %ge3A_556 = arith.cmpi sge, %get3A_550, %ge3A_555 : vector<16xi32>
      %lt3A_557 = arith.constant 150257 : i32
      %lt3A_558 = vector.broadcast %lt3A_557 : i32 to vector<16xi32>
      %lt3A_559 = arith.cmpi slt, %get3A_550, %lt3A_558 : vector<16xi32>
      %and3A_560 = arith.andi %ge3A_556, %lt3A_559 : vector<16xi1>
      %convert_element_type3A_561 = arith.extui %and3A_560 : vector<16xi1> to vector<16xi32>
      %broadcast_in_dim3A_562 = arith.constant true
      %broadcast_in_dim3A_563 = vector.broadcast %broadcast_in_dim3A_562 : i1 to vector<16xi1>
      %masked_cumsum3A = tpu.scan <sum>, %convert_element_type3A_561 masked %broadcast_in_dim3A_563 : vector<16xi32>, vector<16xi1> -> vector<16xi32>
      %add3A_564 = vector.broadcast %while3A_543 : i32 to vector<16xi32>
      %add3A_565 = arith.addi %add3A_564, %masked_cumsum3A : vector<16xi32>
      %sub3A_566 = arith.subi %add3A_565, %convert_element_type3A_561 : vector<16xi32>
      tpu.vector_store_idx %arg9[%sub3A_566], %add3A_554 masked %and3A_560 : memref<6416xi32, #tpu.memory_space<vmem>>[vector<16xi32>], vector<16xi32>, vector<16xi1>
      %reduce_max3A = arith.constant true
      %reduce_max3A_567 = vector.broadcast %reduce_max3A : i1 to vector<16xi1>
      %reduce_max3A_568 = arith.constant -2147483648 : i32
      %reduce_max3A_569 = vector.broadcast %reduce_max3A_568 : i32 to vector<16xi32>
      %reduce_max3A_570 = arith.xori %masked_cumsum3A, %reduce_max3A_569 : vector<16xi32>
      %reduce_max3A_571 = tpu.scan <max>, %reduce_max3A_570 masked %reduce_max3A_567 : vector<16xi32>, vector<16xi1> -> vector<16xi32>
      %reduce_max3A_572 = arith.xori %reduce_max3A_571, %reduce_max3A_569 : vector<16xi32>
      %reduce_max3A_573 = vector.extract %reduce_max3A_572[15] : i32 from vector<16xi32>
      %jit3A_574 = arith.constant -1 : i32
      %broadcast_in_dim3A_575 = vector.broadcast %jit3A_574 : i32 to vector<16xi32>
      %select_n3A_576 = arith.select %and3A_560, %add3A_554, %broadcast_in_dim3A_575 : vector<16xi1>, vector<16xi32>
      %reduce_max3A_577 = arith.constant true
      %reduce_max3A_578 = vector.broadcast %reduce_max3A_577 : i1 to vector<16xi1>
      %reduce_max3A_579 = arith.constant -2147483648 : i32
      %reduce_max3A_580 = vector.broadcast %reduce_max3A_579 : i32 to vector<16xi32>
      %reduce_max3A_581 = arith.xori %select_n3A_576, %reduce_max3A_580 : vector<16xi32>
      %reduce_max3A_582 = tpu.scan <max>, %reduce_max3A_581 masked %reduce_max3A_578 : vector<16xi32>, vector<16xi1> -> vector<16xi32>
      %reduce_max3A_583 = arith.xori %reduce_max3A_582, %reduce_max3A_580 : vector<16xi32>
      %reduce_max3A_584 = vector.extract %reduce_max3A_583[15] : i32 from vector<16xi32>
      %add3A_585 = arith.addi %while3A_543, %reduce_max3A_573 : i32
      %gt3A_586 = arith.constant 0 : i32
      %gt3A_587 = arith.cmpi sgt, %reduce_max3A_573, %gt3A_586 : i32
      %select_n3A_588 = arith.select %gt3A_587, %reduce_max3A_584, %while3A_545 : i32
      %ge3A_589 = arith.constant 150257 : i32
      %ge3A_590 = vector.broadcast %ge3A_589 : i32 to vector<16xi32>
      %ge3A_591 = arith.cmpi sge, %get3A_550, %ge3A_590 : vector<16xi32>
      %convert_element_type3A_592 = arith.extui %ge3A_591 : vector<16xi1> to vector<16xi32>
      %broadcast_in_dim3A_593 = arith.constant true
      %broadcast_in_dim3A_594 = vector.broadcast %broadcast_in_dim3A_593 : i1 to vector<16xi1>
      %masked_cumsum3A_595 = tpu.scan <sum>, %convert_element_type3A_592 masked %broadcast_in_dim3A_594 : vector<16xi32>, vector<16xi1> -> vector<16xi32>
      %add3A_596 = vector.broadcast %while3A_544 : i32 to vector<16xi32>
      %add3A_597 = arith.addi %add3A_596, %masked_cumsum3A_595 : vector<16xi32>
      %sub3A_598 = arith.subi %add3A_597, %convert_element_type3A_592 : vector<16xi32>
      tpu.vector_store_idx %arg10[%sub3A_598], %add3A_554 masked %ge3A_591 : memref<6416xi32, #tpu.memory_space<vmem>>[vector<16xi32>], vector<16xi32>, vector<16xi1>
      %reduce_max3A_599 = arith.constant true
      %reduce_max3A_600 = vector.broadcast %reduce_max3A_599 : i1 to vector<16xi1>
      %reduce_max3A_601 = arith.constant -2147483648 : i32
      %reduce_max3A_602 = vector.broadcast %reduce_max3A_601 : i32 to vector<16xi32>
      %reduce_max3A_603 = arith.xori %masked_cumsum3A_595, %reduce_max3A_602 : vector<16xi32>
      %reduce_max3A_604 = tpu.scan <max>, %reduce_max3A_603 masked %reduce_max3A_600 : vector<16xi32>, vector<16xi1> -> vector<16xi32>
      %reduce_max3A_605 = arith.xori %reduce_max3A_604, %reduce_max3A_602 : vector<16xi32>
      %reduce_max3A_606 = vector.extract %reduce_max3A_605[15] : i32 from vector<16xi32>
      %jit3A_607 = arith.constant -1 : i32
      %broadcast_in_dim3A_608 = vector.broadcast %jit3A_607 : i32 to vector<16xi32>
      %select_n3A_609 = arith.select %ge3A_591, %add3A_554, %broadcast_in_dim3A_608 : vector<16xi1>, vector<16xi32>
      %reduce_max3A_610 = arith.constant true
      %reduce_max3A_611 = vector.broadcast %reduce_max3A_610 : i1 to vector<16xi1>
      %reduce_max3A_612 = arith.constant -2147483648 : i32
      %reduce_max3A_613 = vector.broadcast %reduce_max3A_612 : i32 to vector<16xi32>
      %reduce_max3A_614 = arith.xori %select_n3A_609, %reduce_max3A_613 : vector<16xi32>
      %reduce_max3A_615 = tpu.scan <max>, %reduce_max3A_614 masked %reduce_max3A_611 : vector<16xi32>, vector<16xi1> -> vector<16xi32>
      %reduce_max3A_616 = arith.xori %reduce_max3A_615, %reduce_max3A_613 : vector<16xi32>
      %reduce_max3A_617 = vector.extract %reduce_max3A_616[15] : i32 from vector<16xi32>
      %add3A_618 = arith.addi %while3A_544, %reduce_max3A_606 : i32
      %gt3A_619 = arith.constant 0 : i32
      %gt3A_620 = arith.cmpi sgt, %reduce_max3A_606, %gt3A_619 : i32
      %select_n3A_621 = arith.select %gt3A_620, %reduce_max3A_617, %while3A_546 : i32
      scf.yield %add3A_585, %add3A_618, %select_n3A_588, %select_n3A_621 : i32, i32, i32, i32
    }
    %while3A_186 = arith.constant 1 : i32
    %while3A_187:4 = scf.for %while3A_542 = %while3A_183 to %while3A_179 step %while3A_186 iter_args(%while3A_543 = %while3A_185#0, %while3A_544 = %while3A_185#1, %while3A_545 = %while3A_185#2, %while3A_546 = %while3A_185#3) -> (i32, i32, i32, i32)  : i32 {
      %mul3A_547 = arith.constant 16 : i32
      %mul3A_548 = arith.muli %while3A_542, %mul3A_547 : i32
      %get3A_549 = arith.index_cast %mul3A_548 : i32 to index
      %get3A_550 = tpu.vector_load %arg7[%get3A_549] {strides = array<i32>} : memref<6400xi32, #tpu.memory_space<vmem>>, vector<16xi32>,
      %mul3A_551 = arith.constant 16 : i32
      %mul3A_552 = arith.muli %while3A_542, %mul3A_551 : i32
      %add3A_553 = vector.broadcast %mul3A_552 : i32 to vector<16xi32>
      %add3A_554 = arith.addi %iota3A, %add3A_553 : vector<16xi32>
      %ge3A = arith.constant 50257 : i32
      %ge3A_555 = vector.broadcast %ge3A : i32 to vector<16xi32>
      %ge3A_556 = arith.cmpi sge, %get3A_550, %ge3A_555 : vector<16xi32>
      %lt3A_557 = arith.constant 150257 : i32
      %lt3A_558 = vector.broadcast %lt3A_557 : i32 to vector<16xi32>
      %lt3A_559 = arith.cmpi slt, %get3A_550, %lt3A_558 : vector<16xi32>
      %and3A_560 = arith.andi %ge3A_556, %lt3A_559 : vector<16xi1>
      %convert_element_type3A_561 = arith.extui %and3A_560 : vector<16xi1> to vector<16xi32>
      %broadcast_in_dim3A_562 = arith.constant true
      %broadcast_in_dim3A_563 = vector.broadcast %broadcast_in_dim3A_562 : i1 to vector<16xi1>
      %masked_cumsum3A = tpu.scan <sum>, %convert_element_type3A_561 masked %broadcast_in_dim3A_563 : vector<16xi32>, vector<16xi1> -> vector<16xi32>
      %add3A_564 = vector.broadcast %while3A_543 : i32 to vector<16xi32>
      %add3A_565 = arith.addi %add3A_564, %masked_cumsum3A : vector<16xi32>
      %sub3A_566 = arith.subi %add3A_565, %convert_element_type3A_561 : vector<16xi32>
      tpu.vector_store_idx %arg9[%sub3A_566], %add3A_554 masked %and3A_560 : memref<6416xi32, #tpu.memory_space<vmem>>[vector<16xi32>], vector<16xi32>, vector<16xi1>
      %reduce_max3A = arith.constant true
      %reduce_max3A_567 = vector.broadcast %reduce_max3A : i1 to vector<16xi1>
      %reduce_max3A_568 = arith.constant -2147483648 : i32
      %reduce_max3A_569 = vector.broadcast %reduce_max3A_568 : i32 to vector<16xi32>
      %reduce_max3A_570 = arith.xori %masked_cumsum3A, %reduce_max3A_569 : vector<16xi32>
      %reduce_max3A_571 = tpu.scan <max>, %reduce_max3A_570 masked %reduce_max3A_567 : vector<16xi32>, vector<16xi1> -> vector<16xi32>
      %reduce_max3A_572 = arith.xori %reduce_max3A_571, %reduce_max3A_569 : vector<16xi32>
      %reduce_max3A_573 = vector.extract %reduce_max3A_572[15] : i32 from vector<16xi32>
      %jit3A_574 = arith.constant -1 : i32
      %broadcast_in_dim3A_575 = vector.broadcast %jit3A_574 : i32 to vector<16xi32>
      %select_n3A_576 = arith.select %and3A_560, %add3A_554, %broadcast_in_dim3A_575 : vector<16xi1>, vector<16xi32>
      %reduce_max3A_577 = arith.constant true
      %reduce_max3A_578 = vector.broadcast %reduce_max3A_577 : i1 to vector<16xi1>
      %reduce_max3A_579 = arith.constant -2147483648 : i32
      %reduce_max3A_580 = vector.broadcast %reduce_max3A_579 : i32 to vector<16xi32>
      %reduce_max3A_581 = arith.xori %select_n3A_576, %reduce_max3A_580 : vector<16xi32>
      %reduce_max3A_582 = tpu.scan <max>, %reduce_max3A_581 masked %reduce_max3A_578 : vector<16xi32>, vector<16xi1> -> vector<16xi32>
      %reduce_max3A_583 = arith.xori %reduce_max3A_582, %reduce_max3A_580 : vector<16xi32>
      %reduce_max3A_584 = vector.extract %reduce_max3A_583[15] : i32 from vector<16xi32>
      %add3A_585 = arith.addi %while3A_543, %reduce_max3A_573 : i32
      %gt3A_586 = arith.constant 0 : i32
      %gt3A_587 = arith.cmpi sgt, %reduce_max3A_573, %gt3A_586 : i32
      %select_n3A_588 = arith.select %gt3A_587, %reduce_max3A_584, %while3A_545 : i32
      %ge3A_589 = arith.constant 150257 : i32
      %ge3A_590 = vector.broadcast %ge3A_589 : i32 to vector<16xi32>
      %ge3A_591 = arith.cmpi sge, %get3A_550, %ge3A_590 : vector<16xi32>
      %convert_element_type3A_592 = arith.extui %ge3A_591 : vector<16xi1> to vector<16xi32>
      %broadcast_in_dim3A_593 = arith.constant true
      %broadcast_in_dim3A_594 = vector.broadcast %broadcast_in_dim3A_593 : i1 to vector<16xi1>
      %masked_cumsum3A_595 = tpu.scan <sum>, %convert_element_type3A_592 masked %broadcast_in_dim3A_594 : vector<16xi32>, vector<16xi1> -> vector<16xi32>
      %add3A_596 = vector.broadcast %while3A_544 : i32 to vector<16xi32>
      %add3A_597 = arith.addi %add3A_596, %masked_cumsum3A_595 : vector<16xi32>
      %sub3A_598 = arith.subi %add3A_597, %convert_element_type3A_592 : vector<16xi32>
      tpu.vector_store_idx %arg10[%sub3A_598], %add3A_554 masked %ge3A_591 : memref<6416xi32, #tpu.memory_space<vmem>>[vector<16xi32>], vector<16xi32>, vector<16xi1>
      %reduce_max3A_599 = arith.constant true
      %reduce_max3A_600 = vector.broadcast %reduce_max3A_599 : i1 to vector<16xi1>
      %reduce_max3A_601 = arith.constant -2147483648 : i32
      %reduce_max3A_602 = vector.broadcast %reduce_max3A_601 : i32 to vector<16xi32>
      %reduce_max3A_603 = arith.xori %masked_cumsum3A_595, %reduce_max3A_602 : vector<16xi32>
      %reduce_max3A_604 = tpu.scan <max>, %reduce_max3A_603 masked %reduce_max3A_600 : vector<16xi32>, vector<16xi1> -> vector<16xi32>
      %reduce_max3A_605 = arith.xori %reduce_max3A_604, %reduce_max3A_602 : vector<16xi32>
      %reduce_max3A_606 = vector.extract %reduce_max3A_605[15] : i32 from vector<16xi32>
      %jit3A_607 = arith.constant -1 : i32
      %broadcast_in_dim3A_608 = vector.broadcast %jit3A_607 : i32 to vector<16xi32>
      %select_n3A_609 = arith.select %ge3A_591, %add3A_554, %broadcast_in_dim3A_608 : vector<16xi1>, vector<16xi32>
      %reduce_max3A_610 = arith.constant true
      %reduce_max3A_611 = vector.broadcast %reduce_max3A_610 : i1 to vector<16xi1>
      %reduce_max3A_612 = arith.constant -2147483648 : i32
      %reduce_max3A_613 = vector.broadcast %reduce_max3A_612 : i32 to vector<16xi32>
      %reduce_max3A_614 = arith.xori %select_n3A_609, %reduce_max3A_613 : vector<16xi32>
      %reduce_max3A_615 = tpu.scan <max>, %reduce_max3A_614 masked %reduce_max3A_611 : vector<16xi32>, vector<16xi1> -> vector<16xi32>
      %reduce_max3A_616 = arith.xori %reduce_max3A_615, %reduce_max3A_613 : vector<16xi32>
      %reduce_max3A_617 = vector.extract %reduce_max3A_616[15] : i32 from vector<16xi32>
      %add3A_618 = arith.addi %while3A_544, %reduce_max3A_606 : i32
      %gt3A_619 = arith.constant 0 : i32
      %gt3A_620 = arith.cmpi sgt, %reduce_max3A_606, %gt3A_619 : i32
      %select_n3A_621 = arith.select %gt3A_620, %reduce_max3A_617, %while3A_546 : i32
      scf.yield %add3A_585, %add3A_618, %select_n3A_588, %select_n3A_621 : i32, i32, i32, i32
    }
    %jit3A_188 = arith.constant 16 : i32
    %div3A_189 = arith.divsi %while3A_187#0, %jit3A_188 : i32
    %sign3A_190 = arith.constant 0 : i32
    %sign3A_191 = arith.cmpi sgt, %while3A_187#0, %sign3A_190 : i32
    %sign3A_192 = arith.extui %sign3A_191 : i1 to i32
    %sign3A_193 = arith.constant 0 : i32
    %sign3A_194 = arith.cmpi slt, %while3A_187#0, %sign3A_193 : i32
    %sign3A_195 = arith.extui %sign3A_194 : i1 to i32
    %sign3A_196 = arith.subi %sign3A_192, %sign3A_195 : i32
    %sign3A_197 = arith.constant 0 : i32
    %sign3A_198 = arith.cmpi sgt, %jit3A_188, %sign3A_197 : i32
    %sign3A_199 = arith.extui %sign3A_198 : i1 to i32
    %sign3A_200 = arith.constant 0 : i32
    %sign3A_201 = arith.cmpi slt, %jit3A_188, %sign3A_200 : i32
    %sign3A_202 = arith.extui %sign3A_201 : i1 to i32
    %sign3A_203 = arith.subi %sign3A_199, %sign3A_202 : i32
    %ne3A_204 = arith.cmpi ne, %sign3A_196, %sign3A_203 : i32
    %rem3A_205 = arith.remsi %while3A_187#0, %jit3A_188 : i32
    %ne3A_206 = arith.constant 0 : i32
    %ne3A_207 = arith.cmpi ne, %rem3A_205, %ne3A_206 : i32
    %and3A_208 = arith.andi %ne3A_204, %ne3A_207 : i1
    %sub3A_209 = arith.constant 1 : i32
    %sub3A_210 = arith.subi %div3A_189, %sub3A_209 : i32
    %select_n3A_211 = arith.select %and3A_208, %sub3A_210, %div3A_189 : i32
    %mul3A_212 = arith.constant 16 : i32
    %mul3A_213 = arith.muli %select_n3A_211, %mul3A_212 : i32
    %sub3A_214 = arith.subi %while3A_187#0, %mul3A_213 : i32
    %get3A_215 = arith.index_cast %mul3A_213 : i32 to index
    %get3A_216 = tpu.vector_load %arg9[%get3A_215] {strides = array<i32>} : memref<6416xi32, #tpu.memory_space<vmem>>, vector<16xi32>,
    %lt3A_217 = vector.broadcast %sub3A_214 : i32 to vector<16xi32>
    %lt3A_218 = arith.cmpi slt, %iota3A, %lt3A_217 : vector<16xi32>
    %broadcast_in_dim3A_219 = vector.broadcast %while3A_187#2 : i32 to vector<16xi32>
    %select_n3A_220 = arith.select %lt3A_218, %get3A_216, %broadcast_in_dim3A_219 : vector<16xi1>, vector<16xi32>
    %swap3A_221 = arith.index_cast %mul3A_213 : i32 to index
    %swap3A_222 = tpu.vector_load %arg9[%swap3A_221] {strides = array<i32>} : memref<6416xi32, #tpu.memory_space<vmem>>, vector<16xi32>,
    tpu.vector_store %arg9[%swap3A_221], %select_n3A_220 {strides = array<i32>} : memref<6416xi32, #tpu.memory_space<vmem>>, vector<16xi32>,
    %jit3A_223 = arith.constant 16 : i32
    %div3A_224 = arith.divsi %while3A_187#1, %jit3A_223 : i32
    %sign3A_225 = arith.constant 0 : i32
    %sign3A_226 = arith.cmpi sgt, %while3A_187#1, %sign3A_225 : i32
    %sign3A_227 = arith.extui %sign3A_226 : i1 to i32
    %sign3A_228 = arith.constant 0 : i32
    %sign3A_229 = arith.cmpi slt, %while3A_187#1, %sign3A_228 : i32
    %sign3A_230 = arith.extui %sign3A_229 : i1 to i32
    %sign3A_231 = arith.subi %sign3A_227, %sign3A_230 : i32
    %sign3A_232 = arith.constant 0 : i32
    %sign3A_233 = arith.cmpi sgt, %jit3A_223, %sign3A_232 : i32
    %sign3A_234 = arith.extui %sign3A_233 : i1 to i32
    %sign3A_235 = arith.constant 0 : i32
    %sign3A_236 = arith.cmpi slt, %jit3A_223, %sign3A_235 : i32
    %sign3A_237 = arith.extui %sign3A_236 : i1 to i32
    %sign3A_238 = arith.subi %sign3A_234, %sign3A_237 : i32
    %ne3A_239 = arith.cmpi ne, %sign3A_231, %sign3A_238 : i32
    %rem3A_240 = arith.remsi %while3A_187#1, %jit3A_223 : i32
    %ne3A_241 = arith.constant 0 : i32
    %ne3A_242 = arith.cmpi ne, %rem3A_240, %ne3A_241 : i32
    %and3A_243 = arith.andi %ne3A_239, %ne3A_242 : i1
    %sub3A_244 = arith.constant 1 : i32
    %sub3A_245 = arith.subi %div3A_224, %sub3A_244 : i32
    %select_n3A_246 = arith.select %and3A_243, %sub3A_245, %div3A_224 : i32
    %mul3A_247 = arith.constant 16 : i32
    %mul3A_248 = arith.muli %select_n3A_246, %mul3A_247 : i32
    %sub3A_249 = arith.subi %while3A_187#1, %mul3A_248 : i32
    %get3A_250 = arith.index_cast %mul3A_248 : i32 to index
    %get3A_251 = tpu.vector_load %arg10[%get3A_250] {strides = array<i32>} : memref<6416xi32, #tpu.memory_space<vmem>>, vector<16xi32>,
    %lt3A_252 = vector.broadcast %sub3A_249 : i32 to vector<16xi32>
    %lt3A_253 = arith.cmpi slt, %iota3A, %lt3A_252 : vector<16xi32>
    %broadcast_in_dim3A_254 = vector.broadcast %while3A_187#3 : i32 to vector<16xi32>
    %select_n3A_255 = arith.select %lt3A_253, %get3A_251, %broadcast_in_dim3A_254 : vector<16xi1>, vector<16xi32>
    %swap3A_256 = arith.index_cast %mul3A_248 : i32 to index
    %swap3A_257 = tpu.vector_load %arg10[%swap3A_256] {strides = array<i32>} : memref<6416xi32, #tpu.memory_space<vmem>>, vector<16xi32>,
    tpu.vector_store %arg10[%swap3A_256], %select_n3A_255 {strides = array<i32>} : memref<6416xi32, #tpu.memory_space<vmem>>, vector<16xi32>,
    %add3A_258 = arith.constant 15 : i32
    %add3A_259 = arith.addi %while3A_187#0, %add3A_258 : i32
    %jit3A_260 = arith.constant 16 : i32
    %div3A_261 = arith.divsi %add3A_259, %jit3A_260 : i32
    %sign3A_262 = arith.constant 0 : i32
    %sign3A_263 = arith.cmpi sgt, %add3A_259, %sign3A_262 : i32
    %sign3A_264 = arith.extui %sign3A_263 : i1 to i32
    %sign3A_265 = arith.constant 0 : i32
    %sign3A_266 = arith.cmpi slt, %add3A_259, %sign3A_265 : i32
    %sign3A_267 = arith.extui %sign3A_266 : i1 to i32
    %sign3A_268 = arith.subi %sign3A_264, %sign3A_267 : i32
    %sign3A_269 = arith.constant 0 : i32
    %sign3A_270 = arith.cmpi sgt, %jit3A_260, %sign3A_269 : i32
    %sign3A_271 = arith.extui %sign3A_270 : i1 to i32
    %sign3A_272 = arith.constant 0 : i32
    %sign3A_273 = arith.cmpi slt, %jit3A_260, %sign3A_272 : i32
    %sign3A_274 = arith.extui %sign3A_273 : i1 to i32
    %sign3A_275 = arith.subi %sign3A_271, %sign3A_274 : i32
    %ne3A_276 = arith.cmpi ne, %sign3A_268, %sign3A_275 : i32
    %rem3A_277 = arith.remsi %add3A_259, %jit3A_260 : i32
    %ne3A_278 = arith.constant 0 : i32
    %ne3A_279 = arith.cmpi ne, %rem3A_277, %ne3A_278 : i32
    %and3A_280 = arith.andi %ne3A_276, %ne3A_279 : i1
    %sub3A_281 = arith.constant 1 : i32
    %sub3A_282 = arith.subi %div3A_261, %sub3A_281 : i32
    %select_n3A_283 = arith.select %and3A_280, %sub3A_282, %div3A_261 : i32
    %add3A_284 = arith.constant 6 : i32
    %add3A_285 = arith.addi %select_n3A_283, %add3A_284 : i32
    %sub3A_286 = arith.constant 1 : i32
    %sub3A_287 = arith.subi %add3A_285, %sub3A_286 : i32
    %jit3A_288 = arith.constant 6 : i32
    %div3A_289 = arith.divsi %sub3A_287, %jit3A_288 : i32
    %sign3A_290 = arith.constant 0 : i32
    %sign3A_291 = arith.cmpi sgt, %sub3A_287, %sign3A_290 : i32
    %sign3A_292 = arith.extui %sign3A_291 : i1 to i32
    %sign3A_293 = arith.constant 0 : i32
    %sign3A_294 = arith.cmpi slt, %sub3A_287, %sign3A_293 : i32
    %sign3A_295 = arith.extui %sign3A_294 : i1 to i32
    %sign3A_296 = arith.subi %sign3A_292, %sign3A_295 : i32
    %sign3A_297 = arith.constant 0 : i32
    %sign3A_298 = arith.cmpi sgt, %jit3A_288, %sign3A_297 : i32
    %sign3A_299 = arith.extui %sign3A_298 : i1 to i32
    %sign3A_300 = arith.constant 0 : i32
    %sign3A_301 = arith.cmpi slt, %jit3A_288, %sign3A_300 : i32
    %sign3A_302 = arith.extui %sign3A_301 : i1 to i32
    %sign3A_303 = arith.subi %sign3A_299, %sign3A_302 : i32
    %ne3A_304 = arith.cmpi ne, %sign3A_296, %sign3A_303 : i32
    %rem3A_305 = arith.remsi %sub3A_287, %jit3A_288 : i32
    %ne3A_306 = arith.constant 0 : i32
    %ne3A_307 = arith.cmpi ne, %rem3A_305, %ne3A_306 : i32
    %and3A_308 = arith.andi %ne3A_304, %ne3A_307 : i1
    %sub3A_309 = arith.constant 1 : i32
    %sub3A_310 = arith.subi %div3A_289, %sub3A_309 : i32
    %select_n3A_311 = arith.select %and3A_308, %sub3A_310, %div3A_289 : i32
    %while3A_312 = arith.constant 0 : i32
    %while3A_313 = arith.constant 0 : i32
    %while3A_314 = arith.subi %select_n3A_311, %while3A_313 : i32
    %while3A_315 = arith.addi %while3A_313, %while3A_314 : i32
    %while3A_316 = arith.constant 1 : i32
    %while3A_317 = arith.divsi %while3A_314, %while3A_316 : i32
    %while3A_318 = arith.muli %while3A_317, %while3A_316 : i32
    %while3A_319 = arith.addi %while3A_313, %while3A_318 : i32
    %while3A_320 = arith.constant 1 : i32
    scf.for %while3A_542 = %while3A_313 to %while3A_319 step %while3A_320  : i32 {
      %mul3A_543 = arith.constant 6 : i32
      %mul3A_544 = arith.muli %while3A_542, %mul3A_543 : i32
      %add3A_545 = arith.constant 0 : i32
      %add3A_546 = arith.addi %mul3A_544, %add3A_545 : i32
      %gt3A_547 = arith.constant 0 : i32
      %gt3A_548 = arith.cmpi sgt, %while3A_542, %gt3A_547 : i32
      %convert_element_type3A_549 = arith.extui %gt3A_548 : i1 to i32
      %cond3A_550 = arith.constant 0 : i32
      %cond3A_551 = arith.cmpi ne, %convert_element_type3A_549, %cond3A_550 : i32
      scf.if %cond3A_551 {
        %dma_wait3A = arith.constant 0 : i32
        %dma_wait3A_669 = arith.constant 0 : i32
        %dma_wait3A_670 = tpu.memref_slice %arg6[%dma_wait3A, %dma_wait3A_669] : memref<204800x768xf32, #tpu.memory_space<hbm>> -> memref<16x768xf32, #tpu.memory_space<hbm>>
        %dma_wait3A_671 = arith.constant 0 : i32
        %dma_wait3A_672 = arith.constant 0 : i32
        %dma_wait3A_673 = tpu.memref_slice %arg6[%dma_wait3A_671, %dma_wait3A_672] : memref<204800x768xf32, #tpu.memory_space<hbm>> -> memref<16x768xf32, #tpu.memory_space<hbm>>
        tpu.wait_dma2 semaphore(%arg23 : memref<!tpu.dma_semaphore, #tpu.memory_space<semaphore_mem>>) src(%arg11 : memref<16x768xf32, #tpu.memory_space<vmem>>) dst(%dma_wait3A_673 : memref<16x768xf32, #tpu.memory_space<hbm>>)
      } else {
      }
      %lt3A_552 = arith.cmpi slt, %add3A_546, %select_n3A_283 : i32
      %convert_element_type3A_553 = arith.extui %lt3A_552 : i1 to i32
      %cond3A_554 = arith.constant 0 : i32
      %cond3A_555 = arith.cmpi ne, %convert_element_type3A_553, %cond3A_554 : i32
      scf.if %cond3A_555 {
        %mul3A_669 = arith.constant 16 : i32
        %mul3A_670 = arith.muli %add3A_546, %mul3A_669 : i32
        %get3A_671 = arith.index_cast %mul3A_670 : i32 to index
        %get3A_672 = tpu.vector_load %arg9[%get3A_671] {strides = array<i32>} : memref<6416xi32, #tpu.memory_space<vmem>>, vector<16xi32>,
        %gather3A = tpu.vector_load_idx %arg7[%get3A_672] : memref<6400xi32, #tpu.memory_space<vmem>>[vector<16xi32>], vector<16xi32>,
        %sub3A_673 = arith.constant 50257 : i32
        %sub3A_674 = vector.broadcast %sub3A_673 : i32 to vector<16xi32>
        %sub3A_675 = arith.subi %gather3A, %sub3A_674 : vector<16xi32>
        %dma_start3A = arith.constant 0 : i32
        %dma_start3A_676 = arith.constant 0 : i32
        %dma_start3A_677 = tpu.memref_slice %arg4[%dma_start3A, %dma_start3A_676] : memref<100000x768xf32, #tpu.memory_space<hbm>> -> memref<100000x768xf32, #tpu.memory_space<hbm>>
        tpu.enqueue_indirect_dma source(%dma_start3A_677 : memref<100000x768xf32, #tpu.memory_space<hbm>>) target(%arg11 : memref<16x768xf32, #tpu.memory_space<vmem>>) offsets(%sub3A_675 : vector<16xi32>) semaphore(%arg17 : memref<!tpu.dma_semaphore, #tpu.memory_space<semaphore_mem>>)
      } else {
      }
      %mul3A_556 = arith.constant 6 : i32
      %mul3A_557 = arith.muli %while3A_542, %mul3A_556 : i32
      %add3A_558 = arith.constant 1 : i32
      %add3A_559 = arith.addi %mul3A_557, %add3A_558 : i32
      %gt3A_560 = arith.constant 0 : i32
      %gt3A_561 = arith.cmpi sgt, %while3A_542, %gt3A_560 : i32
      %convert_element_type3A_562 = arith.extui %gt3A_561 : i1 to i32
      %cond3A_563 = arith.constant 0 : i32
      %cond3A_564 = arith.cmpi ne, %convert_element_type3A_562, %cond3A_563 : i32
      scf.if %cond3A_564 {
        %dma_wait3A = arith.constant 0 : i32
        %dma_wait3A_669 = arith.constant 0 : i32
        %dma_wait3A_670 = tpu.memref_slice %arg6[%dma_wait3A, %dma_wait3A_669] : memref<204800x768xf32, #tpu.memory_space<hbm>> -> memref<16x768xf32, #tpu.memory_space<hbm>>
        %dma_wait3A_671 = arith.constant 0 : i32
        %dma_wait3A_672 = arith.constant 0 : i32
        %dma_wait3A_673 = tpu.memref_slice %arg6[%dma_wait3A_671, %dma_wait3A_672] : memref<204800x768xf32, #tpu.memory_space<hbm>> -> memref<16x768xf32, #tpu.memory_space<hbm>>
        tpu.wait_dma2 semaphore(%arg24 : memref<!tpu.dma_semaphore, #tpu.memory_space<semaphore_mem>>) src(%arg12 : memref<16x768xf32, #tpu.memory_space<vmem>>) dst(%dma_wait3A_673 : memref<16x768xf32, #tpu.memory_space<hbm>>)
      } else {
      }
      %lt3A_565 = arith.cmpi slt, %add3A_559, %select_n3A_283 : i32
      %convert_element_type3A_566 = arith.extui %lt3A_565 : i1 to i32
      %cond3A_567 = arith.constant 0 : i32
      %cond3A_568 = arith.cmpi ne, %convert_element_type3A_566, %cond3A_567 : i32
      scf.if %cond3A_568 {
        %mul3A_669 = arith.constant 16 : i32
        %mul3A_670 = arith.muli %add3A_559, %mul3A_669 : i32
        %get3A_671 = arith.index_cast %mul3A_670 : i32 to index
        %get3A_672 = tpu.vector_load %arg9[%get3A_671] {strides = array<i32>} : memref<6416xi32, #tpu.memory_space<vmem>>, vector<16xi32>,
        %gather3A = tpu.vector_load_idx %arg7[%get3A_672] : memref<6400xi32, #tpu.memory_space<vmem>>[vector<16xi32>], vector<16xi32>,
        %sub3A_673 = arith.constant 50257 : i32
        %sub3A_674 = vector.broadcast %sub3A_673 : i32 to vector<16xi32>
        %sub3A_675 = arith.subi %gather3A, %sub3A_674 : vector<16xi32>
        %dma_start3A = arith.constant 0 : i32
        %dma_start3A_676 = arith.constant 0 : i32
        %dma_start3A_677 = tpu.memref_slice %arg4[%dma_start3A, %dma_start3A_676] : memref<100000x768xf32, #tpu.memory_space<hbm>> -> memref<100000x768xf32, #tpu.memory_space<hbm>>
        tpu.enqueue_indirect_dma source(%dma_start3A_677 : memref<100000x768xf32, #tpu.memory_space<hbm>>) target(%arg12 : memref<16x768xf32, #tpu.memory_space<vmem>>) offsets(%sub3A_675 : vector<16xi32>) semaphore(%arg18 : memref<!tpu.dma_semaphore, #tpu.memory_space<semaphore_mem>>)
      } else {
      }
      %mul3A_569 = arith.constant 6 : i32
      %mul3A_570 = arith.muli %while3A_542, %mul3A_569 : i32
      %add3A_571 = arith.constant 2 : i32
      %add3A_572 = arith.addi %mul3A_570, %add3A_571 : i32
      %gt3A_573 = arith.constant 0 : i32
      %gt3A_574 = arith.cmpi sgt, %while3A_542, %gt3A_573 : i32
      %convert_element_type3A_575 = arith.extui %gt3A_574 : i1 to i32
      %cond3A_576 = arith.constant 0 : i32
      %cond3A_577 = arith.cmpi ne, %convert_element_type3A_575, %cond3A_576 : i32
      scf.if %cond3A_577 {
        %dma_wait3A = arith.constant 0 : i32
        %dma_wait3A_669 = arith.constant 0 : i32
        %dma_wait3A_670 = tpu.memref_slice %arg6[%dma_wait3A, %dma_wait3A_669] : memref<204800x768xf32, #tpu.memory_space<hbm>> -> memref<16x768xf32, #tpu.memory_space<hbm>>
        %dma_wait3A_671 = arith.constant 0 : i32
        %dma_wait3A_672 = arith.constant 0 : i32
        %dma_wait3A_673 = tpu.memref_slice %arg6[%dma_wait3A_671, %dma_wait3A_672] : memref<204800x768xf32, #tpu.memory_space<hbm>> -> memref<16x768xf32, #tpu.memory_space<hbm>>
        tpu.wait_dma2 semaphore(%arg25 : memref<!tpu.dma_semaphore, #tpu.memory_space<semaphore_mem>>) src(%arg13 : memref<16x768xf32, #tpu.memory_space<vmem>>) dst(%dma_wait3A_673 : memref<16x768xf32, #tpu.memory_space<hbm>>)
      } else {
      }
      %lt3A_578 = arith.cmpi slt, %add3A_572, %select_n3A_283 : i32
      %convert_element_type3A_579 = arith.extui %lt3A_578 : i1 to i32
      %cond3A_580 = arith.constant 0 : i32
      %cond3A_581 = arith.cmpi ne, %convert_element_type3A_579, %cond3A_580 : i32
      scf.if %cond3A_581 {
        %mul3A_669 = arith.constant 16 : i32
        %mul3A_670 = arith.muli %add3A_572, %mul3A_669 : i32
        %get3A_671 = arith.index_cast %mul3A_670 : i32 to index
        %get3A_672 = tpu.vector_load %arg9[%get3A_671] {strides = array<i32>} : memref<6416xi32, #tpu.memory_space<vmem>>, vector<16xi32>,
        %gather3A = tpu.vector_load_idx %arg7[%get3A_672] : memref<6400xi32, #tpu.memory_space<vmem>>[vector<16xi32>], vector<16xi32>,
        %sub3A_673 = arith.constant 50257 : i32
        %sub3A_674 = vector.broadcast %sub3A_673 : i32 to vector<16xi32>
        %sub3A_675 = arith.subi %gather3A, %sub3A_674 : vector<16xi32>
        %dma_start3A = arith.constant 0 : i32
        %dma_start3A_676 = arith.constant 0 : i32
        %dma_start3A_677 = tpu.memref_slice %arg4[%dma_start3A, %dma_start3A_676] : memref<100000x768xf32, #tpu.memory_space<hbm>> -> memref<100000x768xf32, #tpu.memory_space<hbm>>
        tpu.enqueue_indirect_dma source(%dma_start3A_677 : memref<100000x768xf32, #tpu.memory_space<hbm>>) target(%arg13 : memref<16x768xf32, #tpu.memory_space<vmem>>) offsets(%sub3A_675 : vector<16xi32>) semaphore(%arg19 : memref<!tpu.dma_semaphore, #tpu.memory_space<semaphore_mem>>)
      } else {
      }
      %mul3A_582 = arith.constant 6 : i32
      %mul3A_583 = arith.muli %while3A_542, %mul3A_582 : i32
      %add3A_584 = arith.constant 3 : i32
      %add3A_585 = arith.addi %mul3A_583, %add3A_584 : i32
      %gt3A_586 = arith.constant 0 : i32
      %gt3A_587 = arith.cmpi sgt, %while3A_542, %gt3A_586 : i32
      %convert_element_type3A_588 = arith.extui %gt3A_587 : i1 to i32
      %cond3A_589 = arith.constant 0 : i32
      %cond3A_590 = arith.cmpi ne, %convert_element_type3A_588, %cond3A_589 : i32
      scf.if %cond3A_590 {
        %dma_wait3A = arith.constant 0 : i32
        %dma_wait3A_669 = arith.constant 0 : i32
        %dma_wait3A_670 = tpu.memref_slice %arg6[%dma_wait3A, %dma_wait3A_669] : memref<204800x768xf32, #tpu.memory_space<hbm>> -> memref<16x768xf32, #tpu.memory_space<hbm>>
        %dma_wait3A_671 = arith.constant 0 : i32
        %dma_wait3A_672 = arith.constant 0 : i32
        %dma_wait3A_673 = tpu.memref_slice %arg6[%dma_wait3A_671, %dma_wait3A_672] : memref<204800x768xf32, #tpu.memory_space<hbm>> -> memref<16x768xf32, #tpu.memory_space<hbm>>
        tpu.wait_dma2 semaphore(%arg26 : memref<!tpu.dma_semaphore, #tpu.memory_space<semaphore_mem>>) src(%arg14 : memref<16x768xf32, #tpu.memory_space<vmem>>) dst(%dma_wait3A_673 : memref<16x768xf32, #tpu.memory_space<hbm>>)
      } else {
      }
      %lt3A_591 = arith.cmpi slt, %add3A_585, %select_n3A_283 : i32
      %convert_element_type3A_592 = arith.extui %lt3A_591 : i1 to i32
      %cond3A_593 = arith.constant 0 : i32
      %cond3A_594 = arith.cmpi ne, %convert_element_type3A_592, %cond3A_593 : i32
      scf.if %cond3A_594 {
        %mul3A_669 = arith.constant 16 : i32
        %mul3A_670 = arith.muli %add3A_585, %mul3A_669 : i32
        %get3A_671 = arith.index_cast %mul3A_670 : i32 to index
        %get3A_672 = tpu.vector_load %arg9[%get3A_671] {strides = array<i32>} : memref<6416xi32, #tpu.memory_space<vmem>>, vector<16xi32>,
        %gather3A = tpu.vector_load_idx %arg7[%get3A_672] : memref<6400xi32, #tpu.memory_space<vmem>>[vector<16xi32>], vector<16xi32>,
        %sub3A_673 = arith.constant 50257 : i32
        %sub3A_674 = vector.broadcast %sub3A_673 : i32 to vector<16xi32>
        %sub3A_675 = arith.subi %gather3A, %sub3A_674 : vector<16xi32>
        %dma_start3A = arith.constant 0 : i32
        %dma_start3A_676 = arith.constant 0 : i32
        %dma_start3A_677 = tpu.memref_slice %arg4[%dma_start3A, %dma_start3A_676] : memref<100000x768xf32, #tpu.memory_space<hbm>> -> memref<100000x768xf32, #tpu.memory_space<hbm>>
        tpu.enqueue_indirect_dma source(%dma_start3A_677 : memref<100000x768xf32, #tpu.memory_space<hbm>>) target(%arg14 : memref<16x768xf32, #tpu.memory_space<vmem>>) offsets(%sub3A_675 : vector<16xi32>) semaphore(%arg20 : memref<!tpu.dma_semaphore, #tpu.memory_space<semaphore_mem>>)
      } else {
      }
      %mul3A_595 = arith.constant 6 : i32
      %mul3A_596 = arith.muli %while3A_542, %mul3A_595 : i32
      %add3A_597 = arith.constant 4 : i32
      %add3A_598 = arith.addi %mul3A_596, %add3A_597 : i32
      %gt3A_599 = arith.constant 0 : i32
      %gt3A_600 = arith.cmpi sgt, %while3A_542, %gt3A_599 : i32
      %convert_element_type3A_601 = arith.extui %gt3A_600 : i1 to i32
      %cond3A_602 = arith.constant 0 : i32
      %cond3A_603 = arith.cmpi ne, %convert_element_type3A_601, %cond3A_602 : i32
      scf.if %cond3A_603 {
        %dma_wait3A = arith.constant 0 : i32
        %dma_wait3A_669 = arith.constant 0 : i32
        %dma_wait3A_670 = tpu.memref_slice %arg6[%dma_wait3A, %dma_wait3A_669] : memref<204800x768xf32, #tpu.memory_space<hbm>> -> memref<16x768xf32, #tpu.memory_space<hbm>>
        %dma_wait3A_671 = arith.constant 0 : i32
        %dma_wait3A_672 = arith.constant 0 : i32
        %dma_wait3A_673 = tpu.memref_slice %arg6[%dma_wait3A_671, %dma_wait3A_672] : memref<204800x768xf32, #tpu.memory_space<hbm>> -> memref<16x768xf32, #tpu.memory_space<hbm>>
        tpu.wait_dma2 semaphore(%arg27 : memref<!tpu.dma_semaphore, #tpu.memory_space<semaphore_mem>>) src(%arg15 : memref<16x768xf32, #tpu.memory_space<vmem>>) dst(%dma_wait3A_673 : memref<16x768xf32, #tpu.memory_space<hbm>>)
      } else {
      }
      %lt3A_604 = arith.cmpi slt, %add3A_598, %select_n3A_283 : i32
      %convert_element_type3A_605 = arith.extui %lt3A_604 : i1 to i32
      %cond3A_606 = arith.constant 0 : i32
      %cond3A_607 = arith.cmpi ne, %convert_element_type3A_605, %cond3A_606 : i32
      scf.if %cond3A_607 {
        %mul3A_669 = arith.constant 16 : i32
        %mul3A_670 = arith.muli %add3A_598, %mul3A_669 : i32
        %get3A_671 = arith.index_cast %mul3A_670 : i32 to index
        %get3A_672 = tpu.vector_load %arg9[%get3A_671] {strides = array<i32>} : memref<6416xi32, #tpu.memory_space<vmem>>, vector<16xi32>,
        %gather3A = tpu.vector_load_idx %arg7[%get3A_672] : memref<6400xi32, #tpu.memory_space<vmem>>[vector<16xi32>], vector<16xi32>,
        %sub3A_673 = arith.constant 50257 : i32
        %sub3A_674 = vector.broadcast %sub3A_673 : i32 to vector<16xi32>
        %sub3A_675 = arith.subi %gather3A, %sub3A_674 : vector<16xi32>
        %dma_start3A = arith.constant 0 : i32
        %dma_start3A_676 = arith.constant 0 : i32
        %dma_start3A_677 = tpu.memref_slice %arg4[%dma_start3A, %dma_start3A_676] : memref<100000x768xf32, #tpu.memory_space<hbm>> -> memref<100000x768xf32, #tpu.memory_space<hbm>>
        tpu.enqueue_indirect_dma source(%dma_start3A_677 : memref<100000x768xf32, #tpu.memory_space<hbm>>) target(%arg15 : memref<16x768xf32, #tpu.memory_space<vmem>>) offsets(%sub3A_675 : vector<16xi32>) semaphore(%arg21 : memref<!tpu.dma_semaphore, #tpu.memory_space<semaphore_mem>>)
      } else {
      }
      %mul3A_608 = arith.constant 6 : i32
      %mul3A_609 = arith.muli %while3A_542, %mul3A_608 : i32
      %add3A_610 = arith.constant 5 : i32
      %add3A_611 = arith.addi %mul3A_609, %add3A_610 : i32
      %gt3A_612 = arith.constant 0 : i32
      %gt3A_613 = arith.cmpi sgt, %while3A_542, %gt3A_612 : i32
      %convert_element_type3A_614 = arith.extui %gt3A_613 : i1 to i32
      %cond3A_615 = arith.constant 0 : i32
      %cond3A_616 = arith.cmpi ne, %convert_element_type3A_614, %cond3A_615 : i32
      scf.if %cond3A_616 {
        %dma_wait3A = arith.constant 0 : i32
        %dma_wait3A_669 = arith.constant 0 : i32
        %dma_wait3A_670 = tpu.memref_slice %arg6[%dma_wait3A, %dma_wait3A_669] : memref<204800x768xf32, #tpu.memory_space<hbm>> -> memref<16x768xf32, #tpu.memory_space<hbm>>
        %dma_wait3A_671 = arith.constant 0 : i32
        %dma_wait3A_672 = arith.constant 0 : i32
        %dma_wait3A_673 = tpu.memref_slice %arg6[%dma_wait3A_671, %dma_wait3A_672] : memref<204800x768xf32, #tpu.memory_space<hbm>> -> memref<16x768xf32, #tpu.memory_space<hbm>>
        tpu.wait_dma2 semaphore(%arg28 : memref<!tpu.dma_semaphore, #tpu.memory_space<semaphore_mem>>) src(%arg16 : memref<16x768xf32, #tpu.memory_space<vmem>>) dst(%dma_wait3A_673 : memref<16x768xf32, #tpu.memory_space<hbm>>)
      } else {
      }
      %lt3A_617 = arith.cmpi slt, %add3A_611, %select_n3A_283 : i32
      %convert_element_type3A_618 = arith.extui %lt3A_617 : i1 to i32
      %cond3A_619 = arith.constant 0 : i32
      %cond3A_620 = arith.cmpi ne, %convert_element_type3A_618, %cond3A_619 : i32
      scf.if %cond3A_620 {
        %mul3A_669 = arith.constant 16 : i32
        %mul3A_670 = arith.muli %add3A_611, %mul3A_669 : i32
        %get3A_671 = arith.index_cast %mul3A_670 : i32 to index
        %get3A_672 = tpu.vector_load %arg9[%get3A_671] {strides = array<i32>} : memref<6416xi32, #tpu.memory_space<vmem>>, vector<16xi32>,
        %gather3A = tpu.vector_load_idx %arg7[%get3A_672] : memref<6400xi32, #tpu.memory_space<vmem>>[vector<16xi32>], vector<16xi32>,
        %sub3A_673 = arith.constant 50257 : i32
        %sub3A_674 = vector.broadcast %sub3A_673 : i32 to vector<16xi32>
        %sub3A_675 = arith.subi %gather3A, %sub3A_674 : vector<16xi32>
        %dma_start3A = arith.constant 0 : i32
        %dma_start3A_676 = arith.constant 0 : i32
        %dma_start3A_677 = tpu.memref_slice %arg4[%dma_start3A, %dma_start3A_676] : memref<100000x768xf32, #tpu.memory_space<hbm>> -> memref<100000x768xf32, #tpu.memory_space<hbm>>
        tpu.enqueue_indirect_dma source(%dma_start3A_677 : memref<100000x768xf32, #tpu.memory_space<hbm>>) target(%arg16 : memref<16x768xf32, #tpu.memory_space<vmem>>) offsets(%sub3A_675 : vector<16xi32>) semaphore(%arg22 : memref<!tpu.dma_semaphore, #tpu.memory_space<semaphore_mem>>)
      } else {
      }
      %mul3A_621 = arith.constant 6 : i32
      %mul3A_622 = arith.muli %while3A_542, %mul3A_621 : i32
      %add3A_623 = arith.constant 0 : i32
      %add3A_624 = arith.addi %mul3A_622, %add3A_623 : i32
      %lt3A_625 = arith.cmpi slt, %add3A_624, %select_n3A_283 : i32
      %convert_element_type3A_626 = arith.extui %lt3A_625 : i1 to i32
      %cond3A_627 = arith.constant 0 : i32
      %cond3A_628 = arith.cmpi ne, %convert_element_type3A_626, %cond3A_627 : i32
      scf.if %cond3A_628 {
        %dma_wait3A = arith.constant 0 : i32
        %dma_wait3A_669 = arith.constant 0 : i32
        %dma_wait3A_670 = tpu.memref_slice %arg4[%dma_wait3A, %dma_wait3A_669] : memref<100000x768xf32, #tpu.memory_space<hbm>> -> memref<16x768xf32, #tpu.memory_space<hbm>>
        %dma_wait3A_671 = arith.constant 0 : i32
        %dma_wait3A_672 = arith.constant 0 : i32
        %dma_wait3A_673 = tpu.memref_slice %arg4[%dma_wait3A_671, %dma_wait3A_672] : memref<100000x768xf32, #tpu.memory_space<hbm>> -> memref<16x768xf32, #tpu.memory_space<hbm>>
        tpu.wait_dma2 semaphore(%arg17 : memref<!tpu.dma_semaphore, #tpu.memory_space<semaphore_mem>>) src(%dma_wait3A_673 : memref<16x768xf32, #tpu.memory_space<hbm>>) dst(%arg11 : memref<16x768xf32, #tpu.memory_space<vmem>>)
        %mul3A_674 = arith.constant 16 : i32
        %mul3A_675 = arith.muli %add3A_624, %mul3A_674 : i32
        %get3A_676 = arith.index_cast %mul3A_675 : i32 to index
        %get3A_677 = tpu.vector_load %arg9[%get3A_676] {strides = array<i32>} : memref<6416xi32, #tpu.memory_space<vmem>>, vector<16xi32>,
        %add3A_678 = vector.broadcast %mul3A_2 : i32 to vector<16xi32>
        %add3A_679 = arith.addi %get3A_677, %add3A_678 : vector<16xi32>
        %dma_start3A = arith.constant 0 : i32
        %dma_start3A_680 = arith.constant 0 : i32
        %dma_start3A_681 = tpu.memref_slice %arg6[%dma_start3A, %dma_start3A_680] : memref<204800x768xf32, #tpu.memory_space<hbm>> -> memref<204800x768xf32, #tpu.memory_space<hbm>>
        tpu.enqueue_indirect_dma source(%arg11 : memref<16x768xf32, #tpu.memory_space<vmem>>) target(%dma_start3A_681 : memref<204800x768xf32, #tpu.memory_space<hbm>>) offsets(%add3A_679 : vector<16xi32>) semaphore(%arg23 : memref<!tpu.dma_semaphore, #tpu.memory_space<semaphore_mem>>)
      } else {
      }
      %mul3A_629 = arith.constant 6 : i32
      %mul3A_630 = arith.muli %while3A_542, %mul3A_629 : i32
      %add3A_631 = arith.constant 1 : i32
      %add3A_632 = arith.addi %mul3A_630, %add3A_631 : i32
      %lt3A_633 = arith.cmpi slt, %add3A_632, %select_n3A_283 : i32
      %convert_element_type3A_634 = arith.extui %lt3A_633 : i1 to i32
      %cond3A_635 = arith.constant 0 : i32
      %cond3A_636 = arith.cmpi ne, %convert_element_type3A_634, %cond3A_635 : i32
      scf.if %cond3A_636 {
        %dma_wait3A = arith.constant 0 : i32
        %dma_wait3A_669 = arith.constant 0 : i32
        %dma_wait3A_670 = tpu.memref_slice %arg4[%dma_wait3A, %dma_wait3A_669] : memref<100000x768xf32, #tpu.memory_space<hbm>> -> memref<16x768xf32, #tpu.memory_space<hbm>>
        %dma_wait3A_671 = arith.constant 0 : i32
        %dma_wait3A_672 = arith.constant 0 : i32
        %dma_wait3A_673 = tpu.memref_slice %arg4[%dma_wait3A_671, %dma_wait3A_672] : memref<100000x768xf32, #tpu.memory_space<hbm>> -> memref<16x768xf32, #tpu.memory_space<hbm>>
        tpu.wait_dma2 semaphore(%arg18 : memref<!tpu.dma_semaphore, #tpu.memory_space<semaphore_mem>>) src(%dma_wait3A_673 : memref<16x768xf32, #tpu.memory_space<hbm>>) dst(%arg12 : memref<16x768xf32, #tpu.memory_space<vmem>>)
        %mul3A_674 = arith.constant 16 : i32
        %mul3A_675 = arith.muli %add3A_632, %mul3A_674 : i32
        %get3A_676 = arith.index_cast %mul3A_675 : i32 to index
        %get3A_677 = tpu.vector_load %arg9[%get3A_676] {strides = array<i32>} : memref<6416xi32, #tpu.memory_space<vmem>>, vector<16xi32>,
        %add3A_678 = vector.broadcast %mul3A_2 : i32 to vector<16xi32>
        %add3A_679 = arith.addi %get3A_677, %add3A_678 : vector<16xi32>
        %dma_start3A = arith.constant 0 : i32
        %dma_start3A_680 = arith.constant 0 : i32
        %dma_start3A_681 = tpu.memref_slice %arg6[%dma_start3A, %dma_start3A_680] : memref<204800x768xf32, #tpu.memory_space<hbm>> -> memref<204800x768xf32, #tpu.memory_space<hbm>>
        tpu.enqueue_indirect_dma source(%arg12 : memref<16x768xf32, #tpu.memory_space<vmem>>) target(%dma_start3A_681 : memref<204800x768xf32, #tpu.memory_space<hbm>>) offsets(%add3A_679 : vector<16xi32>) semaphore(%arg24 : memref<!tpu.dma_semaphore, #tpu.memory_space<semaphore_mem>>)
      } else {
      }
      %mul3A_637 = arith.constant 6 : i32
      %mul3A_638 = arith.muli %while3A_542, %mul3A_637 : i32
      %add3A_639 = arith.constant 2 : i32
      %add3A_640 = arith.addi %mul3A_638, %add3A_639 : i32
      %lt3A_641 = arith.cmpi slt, %add3A_640, %select_n3A_283 : i32
      %convert_element_type3A_642 = arith.extui %lt3A_641 : i1 to i32
      %cond3A_643 = arith.constant 0 : i32
      %cond3A_644 = arith.cmpi ne, %convert_element_type3A_642, %cond3A_643 : i32
      scf.if %cond3A_644 {
        %dma_wait3A = arith.constant 0 : i32
        %dma_wait3A_669 = arith.constant 0 : i32
        %dma_wait3A_670 = tpu.memref_slice %arg4[%dma_wait3A, %dma_wait3A_669] : memref<100000x768xf32, #tpu.memory_space<hbm>> -> memref<16x768xf32, #tpu.memory_space<hbm>>
        %dma_wait3A_671 = arith.constant 0 : i32
        %dma_wait3A_672 = arith.constant 0 : i32
        %dma_wait3A_673 = tpu.memref_slice %arg4[%dma_wait3A_671, %dma_wait3A_672] : memref<100000x768xf32, #tpu.memory_space<hbm>> -> memref<16x768xf32, #tpu.memory_space<hbm>>
        tpu.wait_dma2 semaphore(%arg19 : memref<!tpu.dma_semaphore, #tpu.memory_space<semaphore_mem>>) src(%dma_wait3A_673 : memref<16x768xf32, #tpu.memory_space<hbm>>) dst(%arg13 : memref<16x768xf32, #tpu.memory_space<vmem>>)
        %mul3A_674 = arith.constant 16 : i32
        %mul3A_675 = arith.muli %add3A_640, %mul3A_674 : i32
        %get3A_676 = arith.index_cast %mul3A_675 : i32 to index
        %get3A_677 = tpu.vector_load %arg9[%get3A_676] {strides = array<i32>} : memref<6416xi32, #tpu.memory_space<vmem>>, vector<16xi32>,
        %add3A_678 = vector.broadcast %mul3A_2 : i32 to vector<16xi32>
        %add3A_679 = arith.addi %get3A_677, %add3A_678 : vector<16xi32>
        %dma_start3A = arith.constant 0 : i32
        %dma_start3A_680 = arith.constant 0 : i32
        %dma_start3A_681 = tpu.memref_slice %arg6[%dma_start3A, %dma_start3A_680] : memref<204800x768xf32, #tpu.memory_space<hbm>> -> memref<204800x768xf32, #tpu.memory_space<hbm>>
        tpu.enqueue_indirect_dma source(%arg13 : memref<16x768xf32, #tpu.memory_space<vmem>>) target(%dma_start3A_681 : memref<204800x768xf32, #tpu.memory_space<hbm>>) offsets(%add3A_679 : vector<16xi32>) semaphore(%arg25 : memref<!tpu.dma_semaphore, #tpu.memory_space<semaphore_mem>>)
      } else {
      }
      %mul3A_645 = arith.constant 6 : i32
      %mul3A_646 = arith.muli %while3A_542, %mul3A_645 : i32
      %add3A_647 = arith.constant 3 : i32
      %add3A_648 = arith.addi %mul3A_646, %add3A_647 : i32
      %lt3A_649 = arith.cmpi slt, %add3A_648, %select_n3A_283 : i32
      %convert_element_type3A_650 = arith.extui %lt3A_649 : i1 to i32
      %cond3A_651 = arith.constant 0 : i32
      %cond3A_652 = arith.cmpi ne, %convert_element_type3A_650, %cond3A_651 : i32
      scf.if %cond3A_652 {
        %dma_wait3A = arith.constant 0 : i32
        %dma_wait3A_669 = arith.constant 0 : i32
        %dma_wait3A_670 = tpu.memref_slice %arg4[%dma_wait3A, %dma_wait3A_669] : memref<100000x768xf32, #tpu.memory_space<hbm>> -> memref<16x768xf32, #tpu.memory_space<hbm>>
        %dma_wait3A_671 = arith.constant 0 : i32
        %dma_wait3A_672 = arith.constant 0 : i32
        %dma_wait3A_673 = tpu.memref_slice %arg4[%dma_wait3A_671, %dma_wait3A_672] : memref<100000x768xf32, #tpu.memory_space<hbm>> -> memref<16x768xf32, #tpu.memory_space<hbm>>
        tpu.wait_dma2 semaphore(%arg20 : memref<!tpu.dma_semaphore, #tpu.memory_space<semaphore_mem>>) src(%dma_wait3A_673 : memref<16x768xf32, #tpu.memory_space<hbm>>) dst(%arg14 : memref<16x768xf32, #tpu.memory_space<vmem>>)
        %mul3A_674 = arith.constant 16 : i32
        %mul3A_675 = arith.muli %add3A_648, %mul3A_674 : i32
        %get3A_676 = arith.index_cast %mul3A_675 : i32 to index
        %get3A_677 = tpu.vector_load %arg9[%get3A_676] {strides = array<i32>} : memref<6416xi32, #tpu.memory_space<vmem>>, vector<16xi32>,
        %add3A_678 = vector.broadcast %mul3A_2 : i32 to vector<16xi32>
        %add3A_679 = arith.addi %get3A_677, %add3A_678 : vector<16xi32>
        %dma_start3A = arith.constant 0 : i32
        %dma_start3A_680 = arith.constant 0 : i32
        %dma_start3A_681 = tpu.memref_slice %arg6[%dma_start3A, %dma_start3A_680] : memref<204800x768xf32, #tpu.memory_space<hbm>> -> memref<204800x768xf32, #tpu.memory_space<hbm>>
        tpu.enqueue_indirect_dma source(%arg14 : memref<16x768xf32, #tpu.memory_space<vmem>>) target(%dma_start3A_681 : memref<204800x768xf32, #tpu.memory_space<hbm>>) offsets(%add3A_679 : vector<16xi32>) semaphore(%arg26 : memref<!tpu.dma_semaphore, #tpu.memory_space<semaphore_mem>>)
      } else {
      }
      %mul3A_653 = arith.constant 6 : i32
      %mul3A_654 = arith.muli %while3A_542, %mul3A_653 : i32
      %add3A_655 = arith.constant 4 : i32
      %add3A_656 = arith.addi %mul3A_654, %add3A_655 : i32
      %lt3A_657 = arith.cmpi slt, %add3A_656, %select_n3A_283 : i32
      %convert_element_type3A_658 = arith.extui %lt3A_657 : i1 to i32
      %cond3A_659 = arith.constant 0 : i32
      %cond3A_660 = arith.cmpi ne, %convert_element_type3A_658, %cond3A_659 : i32
      scf.if %cond3A_660 {
        %dma_wait3A = arith.constant 0 : i32
        %dma_wait3A_669 = arith.constant 0 : i32
        %dma_wait3A_670 = tpu.memref_slice %arg4[%dma_wait3A, %dma_wait3A_669] : memref<100000x768xf32, #tpu.memory_space<hbm>> -> memref<16x768xf32, #tpu.memory_space<hbm>>
        %dma_wait3A_671 = arith.constant 0 : i32
        %dma_wait3A_672 = arith.constant 0 : i32
        %dma_wait3A_673 = tpu.memref_slice %arg4[%dma_wait3A_671, %dma_wait3A_672] : memref<100000x768xf32, #tpu.memory_space<hbm>> -> memref<16x768xf32, #tpu.memory_space<hbm>>
        tpu.wait_dma2 semaphore(%arg21 : memref<!tpu.dma_semaphore, #tpu.memory_space<semaphore_mem>>) src(%dma_wait3A_673 : memref<16x768xf32, #tpu.memory_space<hbm>>) dst(%arg15 : memref<16x768xf32, #tpu.memory_space<vmem>>)
        %mul3A_674 = arith.constant 16 : i32
        %mul3A_675 = arith.muli %add3A_656, %mul3A_674 : i32
        %get3A_676 = arith.index_cast %mul3A_675 : i32 to index
        %get3A_677 = tpu.vector_load %arg9[%get3A_676] {strides = array<i32>} : memref<6416xi32, #tpu.memory_space<vmem>>, vector<16xi32>,
        %add3A_678 = vector.broadcast %mul3A_2 : i32 to vector<16xi32>
        %add3A_679 = arith.addi %get3A_677, %add3A_678 : vector<16xi32>
        %dma_start3A = arith.constant 0 : i32
        %dma_start3A_680 = arith.constant 0 : i32
        %dma_start3A_681 = tpu.memref_slice %arg6[%dma_start3A, %dma_start3A_680] : memref<204800x768xf32, #tpu.memory_space<hbm>> -> memref<204800x768xf32, #tpu.memory_space<hbm>>
        tpu.enqueue_indirect_dma source(%arg15 : memref<16x768xf32, #tpu.memory_space<vmem>>) target(%dma_start3A_681 : memref<204800x768xf32, #tpu.memory_space<hbm>>) offsets(%add3A_679 : vector<16xi32>) semaphore(%arg27 : memref<!tpu.dma_semaphore, #tpu.memory_space<semaphore_mem>>)
      } else {
      }
      %mul3A_661 = arith.constant 6 : i32
      %mul3A_662 = arith.muli %while3A_542, %mul3A_661 : i32
      %add3A_663 = arith.constant 5 : i32
      %add3A_664 = arith.addi %mul3A_662, %add3A_663 : i32
      %lt3A_665 = arith.cmpi slt, %add3A_664, %select_n3A_283 : i32
      %convert_element_type3A_666 = arith.extui %lt3A_665 : i1 to i32
      %cond3A_667 = arith.constant 0 : i32
      %cond3A_668 = arith.cmpi ne, %convert_element_type3A_666, %cond3A_667 : i32
      scf.if %cond3A_668 {
        %dma_wait3A = arith.constant 0 : i32
        %dma_wait3A_669 = arith.constant 0 : i32
        %dma_wait3A_670 = tpu.memref_slice %arg4[%dma_wait3A, %dma_wait3A_669] : memref<100000x768xf32, #tpu.memory_space<hbm>> -> memref<16x768xf32, #tpu.memory_space<hbm>>
        %dma_wait3A_671 = arith.constant 0 : i32
        %dma_wait3A_672 = arith.constant 0 : i32
        %dma_wait3A_673 = tpu.memref_slice %arg4[%dma_wait3A_671, %dma_wait3A_672] : memref<100000x768xf32, #tpu.memory_space<hbm>> -> memref<16x768xf32, #tpu.memory_space<hbm>>
        tpu.wait_dma2 semaphore(%arg22 : memref<!tpu.dma_semaphore, #tpu.memory_space<semaphore_mem>>) src(%dma_wait3A_673 : memref<16x768xf32, #tpu.memory_space<hbm>>) dst(%arg16 : memref<16x768xf32, #tpu.memory_space<vmem>>)
        %mul3A_674 = arith.constant 16 : i32
        %mul3A_675 = arith.muli %add3A_664, %mul3A_674 : i32
        %get3A_676 = arith.index_cast %mul3A_675 : i32 to index
        %get3A_677 = tpu.vector_load %arg9[%get3A_676] {strides = array<i32>} : memref<6416xi32, #tpu.memory_space<vmem>>, vector<16xi32>,
        %add3A_678 = vector.broadcast %mul3A_2 : i32 to vector<16xi32>
        %add3A_679 = arith.addi %get3A_677, %add3A_678 : vector<16xi32>
        %dma_start3A = arith.constant 0 : i32
        %dma_start3A_680 = arith.constant 0 : i32
        %dma_start3A_681 = tpu.memref_slice %arg6[%dma_start3A, %dma_start3A_680] : memref<204800x768xf32, #tpu.memory_space<hbm>> -> memref<204800x768xf32, #tpu.memory_space<hbm>>
        tpu.enqueue_indirect_dma source(%arg16 : memref<16x768xf32, #tpu.memory_space<vmem>>) target(%dma_start3A_681 : memref<204800x768xf32, #tpu.memory_space<hbm>>) offsets(%add3A_679 : vector<16xi32>) semaphore(%arg28 : memref<!tpu.dma_semaphore, #tpu.memory_space<semaphore_mem>>)
      } else {
      }
    }
    %while3A_321 = arith.constant 1 : i32
    scf.for %while3A_542 = %while3A_319 to %while3A_315 step %while3A_321  : i32 {
      %mul3A_543 = arith.constant 6 : i32
      %mul3A_544 = arith.muli %while3A_542, %mul3A_543 : i32
      %add3A_545 = arith.constant 0 : i32
      %add3A_546 = arith.addi %mul3A_544, %add3A_545 : i32
      %gt3A_547 = arith.constant 0 : i32
      %gt3A_548 = arith.cmpi sgt, %while3A_542, %gt3A_547 : i32
      %convert_element_type3A_549 = arith.extui %gt3A_548 : i1 to i32
      %cond3A_550 = arith.constant 0 : i32
      %cond3A_551 = arith.cmpi ne, %convert_element_type3A_549, %cond3A_550 : i32
      scf.if %cond3A_551 {
        %dma_wait3A = arith.constant 0 : i32
        %dma_wait3A_669 = arith.constant 0 : i32
        %dma_wait3A_670 = tpu.memref_slice %arg6[%dma_wait3A, %dma_wait3A_669] : memref<204800x768xf32, #tpu.memory_space<hbm>> -> memref<16x768xf32, #tpu.memory_space<hbm>>
        %dma_wait3A_671 = arith.constant 0 : i32
        %dma_wait3A_672 = arith.constant 0 : i32
        %dma_wait3A_673 = tpu.memref_slice %arg6[%dma_wait3A_671, %dma_wait3A_672] : memref<204800x768xf32, #tpu.memory_space<hbm>> -> memref<16x768xf32, #tpu.memory_space<hbm>>
        tpu.wait_dma2 semaphore(%arg23 : memref<!tpu.dma_semaphore, #tpu.memory_space<semaphore_mem>>) src(%arg11 : memref<16x768xf32, #tpu.memory_space<vmem>>) dst(%dma_wait3A_673 : memref<16x768xf32, #tpu.memory_space<hbm>>)
      } else {
      }
      %lt3A_552 = arith.cmpi slt, %add3A_546, %select_n3A_283 : i32
      %convert_element_type3A_553 = arith.extui %lt3A_552 : i1 to i32
      %cond3A_554 = arith.constant 0 : i32
      %cond3A_555 = arith.cmpi ne, %convert_element_type3A_553, %cond3A_554 : i32
      scf.if %cond3A_555 {
        %mul3A_669 = arith.constant 16 : i32
        %mul3A_670 = arith.muli %add3A_546, %mul3A_669 : i32
        %get3A_671 = arith.index_cast %mul3A_670 : i32 to index
        %get3A_672 = tpu.vector_load %arg9[%get3A_671] {strides = array<i32>} : memref<6416xi32, #tpu.memory_space<vmem>>, vector<16xi32>,
        %gather3A = tpu.vector_load_idx %arg7[%get3A_672] : memref<6400xi32, #tpu.memory_space<vmem>>[vector<16xi32>], vector<16xi32>,
        %sub3A_673 = arith.constant 50257 : i32
        %sub3A_674 = vector.broadcast %sub3A_673 : i32 to vector<16xi32>
        %sub3A_675 = arith.subi %gather3A, %sub3A_674 : vector<16xi32>
        %dma_start3A = arith.constant 0 : i32
        %dma_start3A_676 = arith.constant 0 : i32
        %dma_start3A_677 = tpu.memref_slice %arg4[%dma_start3A, %dma_start3A_676] : memref<100000x768xf32, #tpu.memory_space<hbm>> -> memref<100000x768xf32, #tpu.memory_space<hbm>>
        tpu.enqueue_indirect_dma source(%dma_start3A_677 : memref<100000x768xf32, #tpu.memory_space<hbm>>) target(%arg11 : memref<16x768xf32, #tpu.memory_space<vmem>>) offsets(%sub3A_675 : vector<16xi32>) semaphore(%arg17 : memref<!tpu.dma_semaphore, #tpu.memory_space<semaphore_mem>>)
      } else {
      }
      %mul3A_556 = arith.constant 6 : i32
      %mul3A_557 = arith.muli %while3A_542, %mul3A_556 : i32
      %add3A_558 = arith.constant 1 : i32
      %add3A_559 = arith.addi %mul3A_557, %add3A_558 : i32
      %gt3A_560 = arith.constant 0 : i32
      %gt3A_561 = arith.cmpi sgt, %while3A_542, %gt3A_560 : i32
      %convert_element_type3A_562 = arith.extui %gt3A_561 : i1 to i32
      %cond3A_563 = arith.constant 0 : i32
      %cond3A_564 = arith.cmpi ne, %convert_element_type3A_562, %cond3A_563 : i32
      scf.if %cond3A_564 {
        %dma_wait3A = arith.constant 0 : i32
        %dma_wait3A_669 = arith.constant 0 : i32
        %dma_wait3A_670 = tpu.memref_slice %arg6[%dma_wait3A, %dma_wait3A_669] : memref<204800x768xf32, #tpu.memory_space<hbm>> -> memref<16x768xf32, #tpu.memory_space<hbm>>
        %dma_wait3A_671 = arith.constant 0 : i32
        %dma_wait3A_672 = arith.constant 0 : i32
        %dma_wait3A_673 = tpu.memref_slice %arg6[%dma_wait3A_671, %dma_wait3A_672] : memref<204800x768xf32, #tpu.memory_space<hbm>> -> memref<16x768xf32, #tpu.memory_space<hbm>>
        tpu.wait_dma2 semaphore(%arg24 : memref<!tpu.dma_semaphore, #tpu.memory_space<semaphore_mem>>) src(%arg12 : memref<16x768xf32, #tpu.memory_space<vmem>>) dst(%dma_wait3A_673 : memref<16x768xf32, #tpu.memory_space<hbm>>)
      } else {
      }
      %lt3A_565 = arith.cmpi slt, %add3A_559, %select_n3A_283 : i32
      %convert_element_type3A_566 = arith.extui %lt3A_565 : i1 to i32
      %cond3A_567 = arith.constant 0 : i32
      %cond3A_568 = arith.cmpi ne, %convert_element_type3A_566, %cond3A_567 : i32
      scf.if %cond3A_568 {
        %mul3A_669 = arith.constant 16 : i32
        %mul3A_670 = arith.muli %add3A_559, %mul3A_669 : i32
        %get3A_671 = arith.index_cast %mul3A_670 : i32 to index
        %get3A_672 = tpu.vector_load %arg9[%get3A_671] {strides = array<i32>} : memref<6416xi32, #tpu.memory_space<vmem>>, vector<16xi32>,
        %gather3A = tpu.vector_load_idx %arg7[%get3A_672] : memref<6400xi32, #tpu.memory_space<vmem>>[vector<16xi32>], vector<16xi32>,
        %sub3A_673 = arith.constant 50257 : i32
        %sub3A_674 = vector.broadcast %sub3A_673 : i32 to vector<16xi32>
        %sub3A_675 = arith.subi %gather3A, %sub3A_674 : vector<16xi32>
        %dma_start3A = arith.constant 0 : i32
        %dma_start3A_676 = arith.constant 0 : i32
        %dma_start3A_677 = tpu.memref_slice %arg4[%dma_start3A, %dma_start3A_676] : memref<100000x768xf32, #tpu.memory_space<hbm>> -> memref<100000x768xf32, #tpu.memory_space<hbm>>
        tpu.enqueue_indirect_dma source(%dma_start3A_677 : memref<100000x768xf32, #tpu.memory_space<hbm>>) target(%arg12 : memref<16x768xf32, #tpu.memory_space<vmem>>) offsets(%sub3A_675 : vector<16xi32>) semaphore(%arg18 : memref<!tpu.dma_semaphore, #tpu.memory_space<semaphore_mem>>)
      } else {
      }
      %mul3A_569 = arith.constant 6 : i32
      %mul3A_570 = arith.muli %while3A_542, %mul3A_569 : i32
      %add3A_571 = arith.constant 2 : i32
      %add3A_572 = arith.addi %mul3A_570, %add3A_571 : i32
      %gt3A_573 = arith.constant 0 : i32
      %gt3A_574 = arith.cmpi sgt, %while3A_542, %gt3A_573 : i32
      %convert_element_type3A_575 = arith.extui %gt3A_574 : i1 to i32
      %cond3A_576 = arith.constant 0 : i32
      %cond3A_577 = arith.cmpi ne, %convert_element_type3A_575, %cond3A_576 : i32
      scf.if %cond3A_577 {
        %dma_wait3A = arith.constant 0 : i32
        %dma_wait3A_669 = arith.constant 0 : i32
        %dma_wait3A_670 = tpu.memref_slice %arg6[%dma_wait3A, %dma_wait3A_669] : memref<204800x768xf32, #tpu.memory_space<hbm>> -> memref<16x768xf32, #tpu.memory_space<hbm>>
        %dma_wait3A_671 = arith.constant 0 : i32
        %dma_wait3A_672 = arith.constant 0 : i32
        %dma_wait3A_673 = tpu.memref_slice %arg6[%dma_wait3A_671, %dma_wait3A_672] : memref<204800x768xf32, #tpu.memory_space<hbm>> -> memref<16x768xf32, #tpu.memory_space<hbm>>
        tpu.wait_dma2 semaphore(%arg25 : memref<!tpu.dma_semaphore, #tpu.memory_space<semaphore_mem>>) src(%arg13 : memref<16x768xf32, #tpu.memory_space<vmem>>) dst(%dma_wait3A_673 : memref<16x768xf32, #tpu.memory_space<hbm>>)
      } else {
      }
      %lt3A_578 = arith.cmpi slt, %add3A_572, %select_n3A_283 : i32
      %convert_element_type3A_579 = arith.extui %lt3A_578 : i1 to i32
      %cond3A_580 = arith.constant 0 : i32
      %cond3A_581 = arith.cmpi ne, %convert_element_type3A_579, %cond3A_580 : i32
      scf.if %cond3A_581 {
        %mul3A_669 = arith.constant 16 : i32
        %mul3A_670 = arith.muli %add3A_572, %mul3A_669 : i32
        %get3A_671 = arith.index_cast %mul3A_670 : i32 to index
        %get3A_672 = tpu.vector_load %arg9[%get3A_671] {strides = array<i32>} : memref<6416xi32, #tpu.memory_space<vmem>>, vector<16xi32>,
        %gather3A = tpu.vector_load_idx %arg7[%get3A_672] : memref<6400xi32, #tpu.memory_space<vmem>>[vector<16xi32>], vector<16xi32>,
        %sub3A_673 = arith.constant 50257 : i32
        %sub3A_674 = vector.broadcast %sub3A_673 : i32 to vector<16xi32>
        %sub3A_675 = arith.subi %gather3A, %sub3A_674 : vector<16xi32>
        %dma_start3A = arith.constant 0 : i32
        %dma_start3A_676 = arith.constant 0 : i32
        %dma_start3A_677 = tpu.memref_slice %arg4[%dma_start3A, %dma_start3A_676] : memref<100000x768xf32, #tpu.memory_space<hbm>> -> memref<100000x768xf32, #tpu.memory_space<hbm>>
        tpu.enqueue_indirect_dma source(%dma_start3A_677 : memref<100000x768xf32, #tpu.memory_space<hbm>>) target(%arg13 : memref<16x768xf32, #tpu.memory_space<vmem>>) offsets(%sub3A_675 : vector<16xi32>) semaphore(%arg19 : memref<!tpu.dma_semaphore, #tpu.memory_space<semaphore_mem>>)
      } else {
      }
      %mul3A_582 = arith.constant 6 : i32
      %mul3A_583 = arith.muli %while3A_542, %mul3A_582 : i32
      %add3A_584 = arith.constant 3 : i32
      %add3A_585 = arith.addi %mul3A_583, %add3A_584 : i32
      %gt3A_586 = arith.constant 0 : i32
      %gt3A_587 = arith.cmpi sgt, %while3A_542, %gt3A_586 : i32
      %convert_element_type3A_588 = arith.extui %gt3A_587 : i1 to i32
      %cond3A_589 = arith.constant 0 : i32
      %cond3A_590 = arith.cmpi ne, %convert_element_type3A_588, %cond3A_589 : i32
      scf.if %cond3A_590 {
        %dma_wait3A = arith.constant 0 : i32
        %dma_wait3A_669 = arith.constant 0 : i32
        %dma_wait3A_670 = tpu.memref_slice %arg6[%dma_wait3A, %dma_wait3A_669] : memref<204800x768xf32, #tpu.memory_space<hbm>> -> memref<16x768xf32, #tpu.memory_space<hbm>>
        %dma_wait3A_671 = arith.constant 0 : i32
        %dma_wait3A_672 = arith.constant 0 : i32
        %dma_wait3A_673 = tpu.memref_slice %arg6[%dma_wait3A_671, %dma_wait3A_672] : memref<204800x768xf32, #tpu.memory_space<hbm>> -> memref<16x768xf32, #tpu.memory_space<hbm>>
        tpu.wait_dma2 semaphore(%arg26 : memref<!tpu.dma_semaphore, #tpu.memory_space<semaphore_mem>>) src(%arg14 : memref<16x768xf32, #tpu.memory_space<vmem>>) dst(%dma_wait3A_673 : memref<16x768xf32, #tpu.memory_space<hbm>>)
      } else {
      }
      %lt3A_591 = arith.cmpi slt, %add3A_585, %select_n3A_283 : i32
      %convert_element_type3A_592 = arith.extui %lt3A_591 : i1 to i32
      %cond3A_593 = arith.constant 0 : i32
      %cond3A_594 = arith.cmpi ne, %convert_element_type3A_592, %cond3A_593 : i32
      scf.if %cond3A_594 {
        %mul3A_669 = arith.constant 16 : i32
        %mul3A_670 = arith.muli %add3A_585, %mul3A_669 : i32
        %get3A_671 = arith.index_cast %mul3A_670 : i32 to index
        %get3A_672 = tpu.vector_load %arg9[%get3A_671] {strides = array<i32>} : memref<6416xi32, #tpu.memory_space<vmem>>, vector<16xi32>,
        %gather3A = tpu.vector_load_idx %arg7[%get3A_672] : memref<6400xi32, #tpu.memory_space<vmem>>[vector<16xi32>], vector<16xi32>,
        %sub3A_673 = arith.constant 50257 : i32
        %sub3A_674 = vector.broadcast %sub3A_673 : i32 to vector<16xi32>
        %sub3A_675 = arith.subi %gather3A, %sub3A_674 : vector<16xi32>
        %dma_start3A = arith.constant 0 : i32
        %dma_start3A_676 = arith.constant 0 : i32
        %dma_start3A_677 = tpu.memref_slice %arg4[%dma_start3A, %dma_start3A_676] : memref<100000x768xf32, #tpu.memory_space<hbm>> -> memref<100000x768xf32, #tpu.memory_space<hbm>>
        tpu.enqueue_indirect_dma source(%dma_start3A_677 : memref<100000x768xf32, #tpu.memory_space<hbm>>) target(%arg14 : memref<16x768xf32, #tpu.memory_space<vmem>>) offsets(%sub3A_675 : vector<16xi32>) semaphore(%arg20 : memref<!tpu.dma_semaphore, #tpu.memory_space<semaphore_mem>>)
      } else {
      }
      %mul3A_595 = arith.constant 6 : i32
      %mul3A_596 = arith.muli %while3A_542, %mul3A_595 : i32
      %add3A_597 = arith.constant 4 : i32
      %add3A_598 = arith.addi %mul3A_596, %add3A_597 : i32
      %gt3A_599 = arith.constant 0 : i32
      %gt3A_600 = arith.cmpi sgt, %while3A_542, %gt3A_599 : i32
      %convert_element_type3A_601 = arith.extui %gt3A_600 : i1 to i32
      %cond3A_602 = arith.constant 0 : i32
      %cond3A_603 = arith.cmpi ne, %convert_element_type3A_601, %cond3A_602 : i32
      scf.if %cond3A_603 {
        %dma_wait3A = arith.constant 0 : i32
        %dma_wait3A_669 = arith.constant 0 : i32
        %dma_wait3A_670 = tpu.memref_slice %arg6[%dma_wait3A, %dma_wait3A_669] : memref<204800x768xf32, #tpu.memory_space<hbm>> -> memref<16x768xf32, #tpu.memory_space<hbm>>
        %dma_wait3A_671 = arith.constant 0 : i32
        %dma_wait3A_672 = arith.constant 0 : i32
        %dma_wait3A_673 = tpu.memref_slice %arg6[%dma_wait3A_671, %dma_wait3A_672] : memref<204800x768xf32, #tpu.memory_space<hbm>> -> memref<16x768xf32, #tpu.memory_space<hbm>>
        tpu.wait_dma2 semaphore(%arg27 : memref<!tpu.dma_semaphore, #tpu.memory_space<semaphore_mem>>) src(%arg15 : memref<16x768xf32, #tpu.memory_space<vmem>>) dst(%dma_wait3A_673 : memref<16x768xf32, #tpu.memory_space<hbm>>)
      } else {
      }
      %lt3A_604 = arith.cmpi slt, %add3A_598, %select_n3A_283 : i32
      %convert_element_type3A_605 = arith.extui %lt3A_604 : i1 to i32
      %cond3A_606 = arith.constant 0 : i32
      %cond3A_607 = arith.cmpi ne, %convert_element_type3A_605, %cond3A_606 : i32
      scf.if %cond3A_607 {
        %mul3A_669 = arith.constant 16 : i32
        %mul3A_670 = arith.muli %add3A_598, %mul3A_669 : i32
        %get3A_671 = arith.index_cast %mul3A_670 : i32 to index
        %get3A_672 = tpu.vector_load %arg9[%get3A_671] {strides = array<i32>} : memref<6416xi32, #tpu.memory_space<vmem>>, vector<16xi32>,
        %gather3A = tpu.vector_load_idx %arg7[%get3A_672] : memref<6400xi32, #tpu.memory_space<vmem>>[vector<16xi32>], vector<16xi32>,
        %sub3A_673 = arith.constant 50257 : i32
        %sub3A_674 = vector.broadcast %sub3A_673 : i32 to vector<16xi32>
        %sub3A_675 = arith.subi %gather3A, %sub3A_674 : vector<16xi32>
        %dma_start3A = arith.constant 0 : i32
        %dma_start3A_676 = arith.constant 0 : i32
        %dma_start3A_677 = tpu.memref_slice %arg4[%dma_start3A, %dma_start3A_676] : memref<100000x768xf32, #tpu.memory_space<hbm>> -> memref<100000x768xf32, #tpu.memory_space<hbm>>
        tpu.enqueue_indirect_dma source(%dma_start3A_677 : memref<100000x768xf32, #tpu.memory_space<hbm>>) target(%arg15 : memref<16x768xf32, #tpu.memory_space<vmem>>) offsets(%sub3A_675 : vector<16xi32>) semaphore(%arg21 : memref<!tpu.dma_semaphore, #tpu.memory_space<semaphore_mem>>)
      } else {
      }
      %mul3A_608 = arith.constant 6 : i32
      %mul3A_609 = arith.muli %while3A_542, %mul3A_608 : i32
      %add3A_610 = arith.constant 5 : i32
      %add3A_611 = arith.addi %mul3A_609, %add3A_610 : i32
      %gt3A_612 = arith.constant 0 : i32
      %gt3A_613 = arith.cmpi sgt, %while3A_542, %gt3A_612 : i32
      %convert_element_type3A_614 = arith.extui %gt3A_613 : i1 to i32
      %cond3A_615 = arith.constant 0 : i32
      %cond3A_616 = arith.cmpi ne, %convert_element_type3A_614, %cond3A_615 : i32
      scf.if %cond3A_616 {
        %dma_wait3A = arith.constant 0 : i32
        %dma_wait3A_669 = arith.constant 0 : i32
        %dma_wait3A_670 = tpu.memref_slice %arg6[%dma_wait3A, %dma_wait3A_669] : memref<204800x768xf32, #tpu.memory_space<hbm>> -> memref<16x768xf32, #tpu.memory_space<hbm>>
        %dma_wait3A_671 = arith.constant 0 : i32
        %dma_wait3A_672 = arith.constant 0 : i32
        %dma_wait3A_673 = tpu.memref_slice %arg6[%dma_wait3A_671, %dma_wait3A_672] : memref<204800x768xf32, #tpu.memory_space<hbm>> -> memref<16x768xf32, #tpu.memory_space<hbm>>
        tpu.wait_dma2 semaphore(%arg28 : memref<!tpu.dma_semaphore, #tpu.memory_space<semaphore_mem>>) src(%arg16 : memref<16x768xf32, #tpu.memory_space<vmem>>) dst(%dma_wait3A_673 : memref<16x768xf32, #tpu.memory_space<hbm>>)
      } else {
      }
      %lt3A_617 = arith.cmpi slt, %add3A_611, %select_n3A_283 : i32
      %convert_element_type3A_618 = arith.extui %lt3A_617 : i1 to i32
      %cond3A_619 = arith.constant 0 : i32
      %cond3A_620 = arith.cmpi ne, %convert_element_type3A_618, %cond3A_619 : i32
      scf.if %cond3A_620 {
        %mul3A_669 = arith.constant 16 : i32
        %mul3A_670 = arith.muli %add3A_611, %mul3A_669 : i32
        %get3A_671 = arith.index_cast %mul3A_670 : i32 to index
        %get3A_672 = tpu.vector_load %arg9[%get3A_671] {strides = array<i32>} : memref<6416xi32, #tpu.memory_space<vmem>>, vector<16xi32>,
        %gather3A = tpu.vector_load_idx %arg7[%get3A_672] : memref<6400xi32, #tpu.memory_space<vmem>>[vector<16xi32>], vector<16xi32>,
        %sub3A_673 = arith.constant 50257 : i32
        %sub3A_674 = vector.broadcast %sub3A_673 : i32 to vector<16xi32>
        %sub3A_675 = arith.subi %gather3A, %sub3A_674 : vector<16xi32>
        %dma_start3A = arith.constant 0 : i32
        %dma_start3A_676 = arith.constant 0 : i32
        %dma_start3A_677 = tpu.memref_slice %arg4[%dma_start3A, %dma_start3A_676] : memref<100000x768xf32, #tpu.memory_space<hbm>> -> memref<100000x768xf32, #tpu.memory_space<hbm>>
        tpu.enqueue_indirect_dma source(%dma_start3A_677 : memref<100000x768xf32, #tpu.memory_space<hbm>>) target(%arg16 : memref<16x768xf32, #tpu.memory_space<vmem>>) offsets(%sub3A_675 : vector<16xi32>) semaphore(%arg22 : memref<!tpu.dma_semaphore, #tpu.memory_space<semaphore_mem>>)
      } else {
      }
      %mul3A_621 = arith.constant 6 : i32
      %mul3A_622 = arith.muli %while3A_542, %mul3A_621 : i32
      %add3A_623 = arith.constant 0 : i32
      %add3A_624 = arith.addi %mul3A_622, %add3A_623 : i32
      %lt3A_625 = arith.cmpi slt, %add3A_624, %select_n3A_283 : i32
      %convert_element_type3A_626 = arith.extui %lt3A_625 : i1 to i32
      %cond3A_627 = arith.constant 0 : i32
      %cond3A_628 = arith.cmpi ne, %convert_element_type3A_626, %cond3A_627 : i32
      scf.if %cond3A_628 {
        %dma_wait3A = arith.constant 0 : i32
        %dma_wait3A_669 = arith.constant 0 : i32
        %dma_wait3A_670 = tpu.memref_slice %arg4[%dma_wait3A, %dma_wait3A_669] : memref<100000x768xf32, #tpu.memory_space<hbm>> -> memref<16x768xf32, #tpu.memory_space<hbm>>
        %dma_wait3A_671 = arith.constant 0 : i32
        %dma_wait3A_672 = arith.constant 0 : i32
        %dma_wait3A_673 = tpu.memref_slice %arg4[%dma_wait3A_671, %dma_wait3A_672] : memref<100000x768xf32, #tpu.memory_space<hbm>> -> memref<16x768xf32, #tpu.memory_space<hbm>>
        tpu.wait_dma2 semaphore(%arg17 : memref<!tpu.dma_semaphore, #tpu.memory_space<semaphore_mem>>) src(%dma_wait3A_673 : memref<16x768xf32, #tpu.memory_space<hbm>>) dst(%arg11 : memref<16x768xf32, #tpu.memory_space<vmem>>)
        %mul3A_674 = arith.constant 16 : i32
        %mul3A_675 = arith.muli %add3A_624, %mul3A_674 : i32
        %get3A_676 = arith.index_cast %mul3A_675 : i32 to index
        %get3A_677 = tpu.vector_load %arg9[%get3A_676] {strides = array<i32>} : memref<6416xi32, #tpu.memory_space<vmem>>, vector<16xi32>,
        %add3A_678 = vector.broadcast %mul3A_2 : i32 to vector<16xi32>
        %add3A_679 = arith.addi %get3A_677, %add3A_678 : vector<16xi32>
        %dma_start3A = arith.constant 0 : i32
        %dma_start3A_680 = arith.constant 0 : i32
        %dma_start3A_681 = tpu.memref_slice %arg6[%dma_start3A, %dma_start3A_680] : memref<204800x768xf32, #tpu.memory_space<hbm>> -> memref<204800x768xf32, #tpu.memory_space<hbm>>
        tpu.enqueue_indirect_dma source(%arg11 : memref<16x768xf32, #tpu.memory_space<vmem>>) target(%dma_start3A_681 : memref<204800x768xf32, #tpu.memory_space<hbm>>) offsets(%add3A_679 : vector<16xi32>) semaphore(%arg23 : memref<!tpu.dma_semaphore, #tpu.memory_space<semaphore_mem>>)
      } else {
      }
      %mul3A_629 = arith.constant 6 : i32
      %mul3A_630 = arith.muli %while3A_542, %mul3A_629 : i32
      %add3A_631 = arith.constant 1 : i32
      %add3A_632 = arith.addi %mul3A_630, %add3A_631 : i32
      %lt3A_633 = arith.cmpi slt, %add3A_632, %select_n3A_283 : i32
      %convert_element_type3A_634 = arith.extui %lt3A_633 : i1 to i32
      %cond3A_635 = arith.constant 0 : i32
      %cond3A_636 = arith.cmpi ne, %convert_element_type3A_634, %cond3A_635 : i32
      scf.if %cond3A_636 {
        %dma_wait3A = arith.constant 0 : i32
        %dma_wait3A_669 = arith.constant 0 : i32
        %dma_wait3A_670 = tpu.memref_slice %arg4[%dma_wait3A, %dma_wait3A_669] : memref<100000x768xf32, #tpu.memory_space<hbm>> -> memref<16x768xf32, #tpu.memory_space<hbm>>
        %dma_wait3A_671 = arith.constant 0 : i32
        %dma_wait3A_672 = arith.constant 0 : i32
        %dma_wait3A_673 = tpu.memref_slice %arg4[%dma_wait3A_671, %dma_wait3A_672] : memref<100000x768xf32, #tpu.memory_space<hbm>> -> memref<16x768xf32, #tpu.memory_space<hbm>>
        tpu.wait_dma2 semaphore(%arg18 : memref<!tpu.dma_semaphore, #tpu.memory_space<semaphore_mem>>) src(%dma_wait3A_673 : memref<16x768xf32, #tpu.memory_space<hbm>>) dst(%arg12 : memref<16x768xf32, #tpu.memory_space<vmem>>)
        %mul3A_674 = arith.constant 16 : i32
        %mul3A_675 = arith.muli %add3A_632, %mul3A_674 : i32
        %get3A_676 = arith.index_cast %mul3A_675 : i32 to index
        %get3A_677 = tpu.vector_load %arg9[%get3A_676] {strides = array<i32>} : memref<6416xi32, #tpu.memory_space<vmem>>, vector<16xi32>,
        %add3A_678 = vector.broadcast %mul3A_2 : i32 to vector<16xi32>
        %add3A_679 = arith.addi %get3A_677, %add3A_678 : vector<16xi32>
        %dma_start3A = arith.constant 0 : i32
        %dma_start3A_680 = arith.constant 0 : i32
        %dma_start3A_681 = tpu.memref_slice %arg6[%dma_start3A, %dma_start3A_680] : memref<204800x768xf32, #tpu.memory_space<hbm>> -> memref<204800x768xf32, #tpu.memory_space<hbm>>
        tpu.enqueue_indirect_dma source(%arg12 : memref<16x768xf32, #tpu.memory_space<vmem>>) target(%dma_start3A_681 : memref<204800x768xf32, #tpu.memory_space<hbm>>) offsets(%add3A_679 : vector<16xi32>) semaphore(%arg24 : memref<!tpu.dma_semaphore, #tpu.memory_space<semaphore_mem>>)
      } else {
      }
      %mul3A_637 = arith.constant 6 : i32
      %mul3A_638 = arith.muli %while3A_542, %mul3A_637 : i32
      %add3A_639 = arith.constant 2 : i32
      %add3A_640 = arith.addi %mul3A_638, %add3A_639 : i32
      %lt3A_641 = arith.cmpi slt, %add3A_640, %select_n3A_283 : i32
      %convert_element_type3A_642 = arith.extui %lt3A_641 : i1 to i32
      %cond3A_643 = arith.constant 0 : i32
      %cond3A_644 = arith.cmpi ne, %convert_element_type3A_642, %cond3A_643 : i32
      scf.if %cond3A_644 {
        %dma_wait3A = arith.constant 0 : i32
        %dma_wait3A_669 = arith.constant 0 : i32
        %dma_wait3A_670 = tpu.memref_slice %arg4[%dma_wait3A, %dma_wait3A_669] : memref<100000x768xf32, #tpu.memory_space<hbm>> -> memref<16x768xf32, #tpu.memory_space<hbm>>
        %dma_wait3A_671 = arith.constant 0 : i32
        %dma_wait3A_672 = arith.constant 0 : i32
        %dma_wait3A_673 = tpu.memref_slice %arg4[%dma_wait3A_671, %dma_wait3A_672] : memref<100000x768xf32, #tpu.memory_space<hbm>> -> memref<16x768xf32, #tpu.memory_space<hbm>>
        tpu.wait_dma2 semaphore(%arg19 : memref<!tpu.dma_semaphore, #tpu.memory_space<semaphore_mem>>) src(%dma_wait3A_673 : memref<16x768xf32, #tpu.memory_space<hbm>>) dst(%arg13 : memref<16x768xf32, #tpu.memory_space<vmem>>)
        %mul3A_674 = arith.constant 16 : i32
        %mul3A_675 = arith.muli %add3A_640, %mul3A_674 : i32
        %get3A_676 = arith.index_cast %mul3A_675 : i32 to index
        %get3A_677 = tpu.vector_load %arg9[%get3A_676] {strides = array<i32>} : memref<6416xi32, #tpu.memory_space<vmem>>, vector<16xi32>,
        %add3A_678 = vector.broadcast %mul3A_2 : i32 to vector<16xi32>
        %add3A_679 = arith.addi %get3A_677, %add3A_678 : vector<16xi32>
        %dma_start3A = arith.constant 0 : i32
        %dma_start3A_680 = arith.constant 0 : i32
        %dma_start3A_681 = tpu.memref_slice %arg6[%dma_start3A, %dma_start3A_680] : memref<204800x768xf32, #tpu.memory_space<hbm>> -> memref<204800x768xf32, #tpu.memory_space<hbm>>
        tpu.enqueue_indirect_dma source(%arg13 : memref<16x768xf32, #tpu.memory_space<vmem>>) target(%dma_start3A_681 : memref<204800x768xf32, #tpu.memory_space<hbm>>) offsets(%add3A_679 : vector<16xi32>) semaphore(%arg25 : memref<!tpu.dma_semaphore, #tpu.memory_space<semaphore_mem>>)
      } else {
      }
      %mul3A_645 = arith.constant 6 : i32
      %mul3A_646 = arith.muli %while3A_542, %mul3A_645 : i32
      %add3A_647 = arith.constant 3 : i32
      %add3A_648 = arith.addi %mul3A_646, %add3A_647 : i32
      %lt3A_649 = arith.cmpi slt, %add3A_648, %select_n3A_283 : i32
      %convert_element_type3A_650 = arith.extui %lt3A_649 : i1 to i32
      %cond3A_651 = arith.constant 0 : i32
      %cond3A_652 = arith.cmpi ne, %convert_element_type3A_650, %cond3A_651 : i32
      scf.if %cond3A_652 {
        %dma_wait3A = arith.constant 0 : i32
        %dma_wait3A_669 = arith.constant 0 : i32
        %dma_wait3A_670 = tpu.memref_slice %arg4[%dma_wait3A, %dma_wait3A_669] : memref<100000x768xf32, #tpu.memory_space<hbm>> -> memref<16x768xf32, #tpu.memory_space<hbm>>
        %dma_wait3A_671 = arith.constant 0 : i32
        %dma_wait3A_672 = arith.constant 0 : i32
        %dma_wait3A_673 = tpu.memref_slice %arg4[%dma_wait3A_671, %dma_wait3A_672] : memref<100000x768xf32, #tpu.memory_space<hbm>> -> memref<16x768xf32, #tpu.memory_space<hbm>>
        tpu.wait_dma2 semaphore(%arg20 : memref<!tpu.dma_semaphore, #tpu.memory_space<semaphore_mem>>) src(%dma_wait3A_673 : memref<16x768xf32, #tpu.memory_space<hbm>>) dst(%arg14 : memref<16x768xf32, #tpu.memory_space<vmem>>)
        %mul3A_674 = arith.constant 16 : i32
        %mul3A_675 = arith.muli %add3A_648, %mul3A_674 : i32
        %get3A_676 = arith.index_cast %mul3A_675 : i32 to index
        %get3A_677 = tpu.vector_load %arg9[%get3A_676] {strides = array<i32>} : memref<6416xi32, #tpu.memory_space<vmem>>, vector<16xi32>,
        %add3A_678 = vector.broadcast %mul3A_2 : i32 to vector<16xi32>
        %add3A_679 = arith.addi %get3A_677, %add3A_678 : vector<16xi32>
        %dma_start3A = arith.constant 0 : i32
        %dma_start3A_680 = arith.constant 0 : i32
        %dma_start3A_681 = tpu.memref_slice %arg6[%dma_start3A, %dma_start3A_680] : memref<204800x768xf32, #tpu.memory_space<hbm>> -> memref<204800x768xf32, #tpu.memory_space<hbm>>
        tpu.enqueue_indirect_dma source(%arg14 : memref<16x768xf32, #tpu.memory_space<vmem>>) target(%dma_start3A_681 : memref<204800x768xf32, #tpu.memory_space<hbm>>) offsets(%add3A_679 : vector<16xi32>) semaphore(%arg26 : memref<!tpu.dma_semaphore, #tpu.memory_space<semaphore_mem>>)
      } else {
      }
      %mul3A_653 = arith.constant 6 : i32
      %mul3A_654 = arith.muli %while3A_542, %mul3A_653 : i32
      %add3A_655 = arith.constant 4 : i32
      %add3A_656 = arith.addi %mul3A_654, %add3A_655 : i32
      %lt3A_657 = arith.cmpi slt, %add3A_656, %select_n3A_283 : i32
      %convert_element_type3A_658 = arith.extui %lt3A_657 : i1 to i32
      %cond3A_659 = arith.constant 0 : i32
      %cond3A_660 = arith.cmpi ne, %convert_element_type3A_658, %cond3A_659 : i32
      scf.if %cond3A_660 {
        %dma_wait3A = arith.constant 0 : i32
        %dma_wait3A_669 = arith.constant 0 : i32
        %dma_wait3A_670 = tpu.memref_slice %arg4[%dma_wait3A, %dma_wait3A_669] : memref<100000x768xf32, #tpu.memory_space<hbm>> -> memref<16x768xf32, #tpu.memory_space<hbm>>
        %dma_wait3A_671 = arith.constant 0 : i32
        %dma_wait3A_672 = arith.constant 0 : i32
        %dma_wait3A_673 = tpu.memref_slice %arg4[%dma_wait3A_671, %dma_wait3A_672] : memref<100000x768xf32, #tpu.memory_space<hbm>> -> memref<16x768xf32, #tpu.memory_space<hbm>>
        tpu.wait_dma2 semaphore(%arg21 : memref<!tpu.dma_semaphore, #tpu.memory_space<semaphore_mem>>) src(%dma_wait3A_673 : memref<16x768xf32, #tpu.memory_space<hbm>>) dst(%arg15 : memref<16x768xf32, #tpu.memory_space<vmem>>)
        %mul3A_674 = arith.constant 16 : i32
        %mul3A_675 = arith.muli %add3A_656, %mul3A_674 : i32
        %get3A_676 = arith.index_cast %mul3A_675 : i32 to index
        %get3A_677 = tpu.vector_load %arg9[%get3A_676] {strides = array<i32>} : memref<6416xi32, #tpu.memory_space<vmem>>, vector<16xi32>,
        %add3A_678 = vector.broadcast %mul3A_2 : i32 to vector<16xi32>
        %add3A_679 = arith.addi %get3A_677, %add3A_678 : vector<16xi32>
        %dma_start3A = arith.constant 0 : i32
        %dma_start3A_680 = arith.constant 0 : i32
        %dma_start3A_681 = tpu.memref_slice %arg6[%dma_start3A, %dma_start3A_680] : memref<204800x768xf32, #tpu.memory_space<hbm>> -> memref<204800x768xf32, #tpu.memory_space<hbm>>
        tpu.enqueue_indirect_dma source(%arg15 : memref<16x768xf32, #tpu.memory_space<vmem>>) target(%dma_start3A_681 : memref<204800x768xf32, #tpu.memory_space<hbm>>) offsets(%add3A_679 : vector<16xi32>) semaphore(%arg27 : memref<!tpu.dma_semaphore, #tpu.memory_space<semaphore_mem>>)
      } else {
      }
      %mul3A_661 = arith.constant 6 : i32
      %mul3A_662 = arith.muli %while3A_542, %mul3A_661 : i32
      %add3A_663 = arith.constant 5 : i32
      %add3A_664 = arith.addi %mul3A_662, %add3A_663 : i32
      %lt3A_665 = arith.cmpi slt, %add3A_664, %select_n3A_283 : i32
      %convert_element_type3A_666 = arith.extui %lt3A_665 : i1 to i32
      %cond3A_667 = arith.constant 0 : i32
      %cond3A_668 = arith.cmpi ne, %convert_element_type3A_666, %cond3A_667 : i32
      scf.if %cond3A_668 {
        %dma_wait3A = arith.constant 0 : i32
        %dma_wait3A_669 = arith.constant 0 : i32
        %dma_wait3A_670 = tpu.memref_slice %arg4[%dma_wait3A, %dma_wait3A_669] : memref<100000x768xf32, #tpu.memory_space<hbm>> -> memref<16x768xf32, #tpu.memory_space<hbm>>
        %dma_wait3A_671 = arith.constant 0 : i32
        %dma_wait3A_672 = arith.constant 0 : i32
        %dma_wait3A_673 = tpu.memref_slice %arg4[%dma_wait3A_671, %dma_wait3A_672] : memref<100000x768xf32, #tpu.memory_space<hbm>> -> memref<16x768xf32, #tpu.memory_space<hbm>>
        tpu.wait_dma2 semaphore(%arg22 : memref<!tpu.dma_semaphore, #tpu.memory_space<semaphore_mem>>) src(%dma_wait3A_673 : memref<16x768xf32, #tpu.memory_space<hbm>>) dst(%arg16 : memref<16x768xf32, #tpu.memory_space<vmem>>)
        %mul3A_674 = arith.constant 16 : i32
        %mul3A_675 = arith.muli %add3A_664, %mul3A_674 : i32
        %get3A_676 = arith.index_cast %mul3A_675 : i32 to index
        %get3A_677 = tpu.vector_load %arg9[%get3A_676] {strides = array<i32>} : memref<6416xi32, #tpu.memory_space<vmem>>, vector<16xi32>,
        %add3A_678 = vector.broadcast %mul3A_2 : i32 to vector<16xi32>
        %add3A_679 = arith.addi %get3A_677, %add3A_678 : vector<16xi32>
        %dma_start3A = arith.constant 0 : i32
        %dma_start3A_680 = arith.constant 0 : i32
        %dma_start3A_681 = tpu.memref_slice %arg6[%dma_start3A, %dma_start3A_680] : memref<204800x768xf32, #tpu.memory_space<hbm>> -> memref<204800x768xf32, #tpu.memory_space<hbm>>
        tpu.enqueue_indirect_dma source(%arg16 : memref<16x768xf32, #tpu.memory_space<vmem>>) target(%dma_start3A_681 : memref<204800x768xf32, #tpu.memory_space<hbm>>) offsets(%add3A_679 : vector<16xi32>) semaphore(%arg28 : memref<!tpu.dma_semaphore, #tpu.memory_space<semaphore_mem>>)
      } else {
      }
    }
    %gt3A_322 = arith.constant 0 : i32
    %gt3A_323 = arith.cmpi sgt, %select_n3A_311, %gt3A_322 : i32
    %sub3A_324 = arith.constant 1 : i32
    %sub3A_325 = arith.subi %select_n3A_311, %sub3A_324 : i32
    %mul3A_326 = arith.constant 6 : i32
    %mul3A_327 = arith.muli %sub3A_325, %mul3A_326 : i32
    %add3A_328 = arith.constant 0 : i32
    %add3A_329 = arith.addi %mul3A_327, %add3A_328 : i32
    %lt3A_330 = arith.cmpi slt, %add3A_329, %select_n3A_283 : i32
    %and3A_331 = arith.andi %gt3A_323, %lt3A_330 : i1
    %convert_element_type3A_332 = arith.extui %and3A_331 : i1 to i32
    %cond3A_333 = arith.constant 0 : i32
    %cond3A_334 = arith.cmpi ne, %convert_element_type3A_332, %cond3A_333 : i32
    scf.if %cond3A_334 {
      %dma_wait3A = arith.constant 0 : i32
      %dma_wait3A_542 = arith.constant 0 : i32
      %dma_wait3A_543 = tpu.memref_slice %arg6[%dma_wait3A, %dma_wait3A_542] : memref<204800x768xf32, #tpu.memory_space<hbm>> -> memref<16x768xf32, #tpu.memory_space<hbm>>
      %dma_wait3A_544 = arith.constant 0 : i32
      %dma_wait3A_545 = arith.constant 0 : i32
      %dma_wait3A_546 = tpu.memref_slice %arg6[%dma_wait3A_544, %dma_wait3A_545] : memref<204800x768xf32, #tpu.memory_space<hbm>> -> memref<16x768xf32, #tpu.memory_space<hbm>>
      tpu.wait_dma2 semaphore(%arg23 : memref<!tpu.dma_semaphore, #tpu.memory_space<semaphore_mem>>) src(%arg11 : memref<16x768xf32, #tpu.memory_space<vmem>>) dst(%dma_wait3A_546 : memref<16x768xf32, #tpu.memory_space<hbm>>)
    } else {
    }
    %gt3A_335 = arith.constant 0 : i32
    %gt3A_336 = arith.cmpi sgt, %select_n3A_311, %gt3A_335 : i32
    %sub3A_337 = arith.constant 1 : i32
    %sub3A_338 = arith.subi %select_n3A_311, %sub3A_337 : i32
    %mul3A_339 = arith.constant 6 : i32
    %mul3A_340 = arith.muli %sub3A_338, %mul3A_339 : i32
    %add3A_341 = arith.constant 1 : i32
    %add3A_342 = arith.addi %mul3A_340, %add3A_341 : i32
    %lt3A_343 = arith.cmpi slt, %add3A_342, %select_n3A_283 : i32
    %and3A_344 = arith.andi %gt3A_336, %lt3A_343 : i1
    %convert_element_type3A_345 = arith.extui %and3A_344 : i1 to i32
    %cond3A_346 = arith.constant 0 : i32
    %cond3A_347 = arith.cmpi ne, %convert_element_type3A_345, %cond3A_346 : i32
    scf.if %cond3A_347 {
      %dma_wait3A = arith.constant 0 : i32
      %dma_wait3A_542 = arith.constant 0 : i32
      %dma_wait3A_543 = tpu.memref_slice %arg6[%dma_wait3A, %dma_wait3A_542] : memref<204800x768xf32, #tpu.memory_space<hbm>> -> memref<16x768xf32, #tpu.memory_space<hbm>>
      %dma_wait3A_544 = arith.constant 0 : i32
      %dma_wait3A_545 = arith.constant 0 : i32
      %dma_wait3A_546 = tpu.memref_slice %arg6[%dma_wait3A_544, %dma_wait3A_545] : memref<204800x768xf32, #tpu.memory_space<hbm>> -> memref<16x768xf32, #tpu.memory_space<hbm>>
      tpu.wait_dma2 semaphore(%arg24 : memref<!tpu.dma_semaphore, #tpu.memory_space<semaphore_mem>>) src(%arg12 : memref<16x768xf32, #tpu.memory_space<vmem>>) dst(%dma_wait3A_546 : memref<16x768xf32, #tpu.memory_space<hbm>>)
    } else {
    }
    %gt3A_348 = arith.constant 0 : i32
    %gt3A_349 = arith.cmpi sgt, %select_n3A_311, %gt3A_348 : i32
    %sub3A_350 = arith.constant 1 : i32
    %sub3A_351 = arith.subi %select_n3A_311, %sub3A_350 : i32
    %mul3A_352 = arith.constant 6 : i32
    %mul3A_353 = arith.muli %sub3A_351, %mul3A_352 : i32
    %add3A_354 = arith.constant 2 : i32
    %add3A_355 = arith.addi %mul3A_353, %add3A_354 : i32
    %lt3A_356 = arith.cmpi slt, %add3A_355, %select_n3A_283 : i32
    %and3A_357 = arith.andi %gt3A_349, %lt3A_356 : i1
    %convert_element_type3A_358 = arith.extui %and3A_357 : i1 to i32
    %cond3A_359 = arith.constant 0 : i32
    %cond3A_360 = arith.cmpi ne, %convert_element_type3A_358, %cond3A_359 : i32
    scf.if %cond3A_360 {
      %dma_wait3A = arith.constant 0 : i32
      %dma_wait3A_542 = arith.constant 0 : i32
      %dma_wait3A_543 = tpu.memref_slice %arg6[%dma_wait3A, %dma_wait3A_542] : memref<204800x768xf32, #tpu.memory_space<hbm>> -> memref<16x768xf32, #tpu.memory_space<hbm>>
      %dma_wait3A_544 = arith.constant 0 : i32
      %dma_wait3A_545 = arith.constant 0 : i32
      %dma_wait3A_546 = tpu.memref_slice %arg6[%dma_wait3A_544, %dma_wait3A_545] : memref<204800x768xf32, #tpu.memory_space<hbm>> -> memref<16x768xf32, #tpu.memory_space<hbm>>
      tpu.wait_dma2 semaphore(%arg25 : memref<!tpu.dma_semaphore, #tpu.memory_space<semaphore_mem>>) src(%arg13 : memref<16x768xf32, #tpu.memory_space<vmem>>) dst(%dma_wait3A_546 : memref<16x768xf32, #tpu.memory_space<hbm>>)
    } else {
    }
    %gt3A_361 = arith.constant 0 : i32
    %gt3A_362 = arith.cmpi sgt, %select_n3A_311, %gt3A_361 : i32
    %sub3A_363 = arith.constant 1 : i32
    %sub3A_364 = arith.subi %select_n3A_311, %sub3A_363 : i32
    %mul3A_365 = arith.constant 6 : i32
    %mul3A_366 = arith.muli %sub3A_364, %mul3A_365 : i32
    %add3A_367 = arith.constant 3 : i32
    %add3A_368 = arith.addi %mul3A_366, %add3A_367 : i32
    %lt3A_369 = arith.cmpi slt, %add3A_368, %select_n3A_283 : i32
    %and3A_370 = arith.andi %gt3A_362, %lt3A_369 : i1
    %convert_element_type3A_371 = arith.extui %and3A_370 : i1 to i32
    %cond3A_372 = arith.constant 0 : i32
    %cond3A_373 = arith.cmpi ne, %convert_element_type3A_371, %cond3A_372 : i32
    scf.if %cond3A_373 {
      %dma_wait3A = arith.constant 0 : i32
      %dma_wait3A_542 = arith.constant 0 : i32
      %dma_wait3A_543 = tpu.memref_slice %arg6[%dma_wait3A, %dma_wait3A_542] : memref<204800x768xf32, #tpu.memory_space<hbm>> -> memref<16x768xf32, #tpu.memory_space<hbm>>
      %dma_wait3A_544 = arith.constant 0 : i32
      %dma_wait3A_545 = arith.constant 0 : i32
      %dma_wait3A_546 = tpu.memref_slice %arg6[%dma_wait3A_544, %dma_wait3A_545] : memref<204800x768xf32, #tpu.memory_space<hbm>> -> memref<16x768xf32, #tpu.memory_space<hbm>>
      tpu.wait_dma2 semaphore(%arg26 : memref<!tpu.dma_semaphore, #tpu.memory_space<semaphore_mem>>) src(%arg14 : memref<16x768xf32, #tpu.memory_space<vmem>>) dst(%dma_wait3A_546 : memref<16x768xf32, #tpu.memory_space<hbm>>)
    } else {
    }
    %gt3A_374 = arith.constant 0 : i32
    %gt3A_375 = arith.cmpi sgt, %select_n3A_311, %gt3A_374 : i32
    %sub3A_376 = arith.constant 1 : i32
    %sub3A_377 = arith.subi %select_n3A_311, %sub3A_376 : i32
    %mul3A_378 = arith.constant 6 : i32
    %mul3A_379 = arith.muli %sub3A_377, %mul3A_378 : i32
    %add3A_380 = arith.constant 4 : i32
    %add3A_381 = arith.addi %mul3A_379, %add3A_380 : i32
    %lt3A_382 = arith.cmpi slt, %add3A_381, %select_n3A_283 : i32
    %and3A_383 = arith.andi %gt3A_375, %lt3A_382 : i1
    %convert_element_type3A_384 = arith.extui %and3A_383 : i1 to i32
    %cond3A_385 = arith.constant 0 : i32
    %cond3A_386 = arith.cmpi ne, %convert_element_type3A_384, %cond3A_385 : i32
    scf.if %cond3A_386 {
      %dma_wait3A = arith.constant 0 : i32
      %dma_wait3A_542 = arith.constant 0 : i32
      %dma_wait3A_543 = tpu.memref_slice %arg6[%dma_wait3A, %dma_wait3A_542] : memref<204800x768xf32, #tpu.memory_space<hbm>> -> memref<16x768xf32, #tpu.memory_space<hbm>>
      %dma_wait3A_544 = arith.constant 0 : i32
      %dma_wait3A_545 = arith.constant 0 : i32
      %dma_wait3A_546 = tpu.memref_slice %arg6[%dma_wait3A_544, %dma_wait3A_545] : memref<204800x768xf32, #tpu.memory_space<hbm>> -> memref<16x768xf32, #tpu.memory_space<hbm>>
      tpu.wait_dma2 semaphore(%arg27 : memref<!tpu.dma_semaphore, #tpu.memory_space<semaphore_mem>>) src(%arg15 : memref<16x768xf32, #tpu.memory_space<vmem>>) dst(%dma_wait3A_546 : memref<16x768xf32, #tpu.memory_space<hbm>>)
    } else {
    }
    %gt3A_387 = arith.constant 0 : i32
    %gt3A_388 = arith.cmpi sgt, %select_n3A_311, %gt3A_387 : i32
    %sub3A_389 = arith.constant 1 : i32
    %sub3A_390 = arith.subi %select_n3A_311, %sub3A_389 : i32
    %mul3A_391 = arith.constant 6 : i32
    %mul3A_392 = arith.muli %sub3A_390, %mul3A_391 : i32
    %add3A_393 = arith.constant 5 : i32
    %add3A_394 = arith.addi %mul3A_392, %add3A_393 : i32
    %lt3A_395 = arith.cmpi slt, %add3A_394, %select_n3A_283 : i32
    %and3A_396 = arith.andi %gt3A_388, %lt3A_395 : i1
    %convert_element_type3A_397 = arith.extui %and3A_396 : i1 to i32
    %cond3A_398 = arith.constant 0 : i32
    %cond3A_399 = arith.cmpi ne, %convert_element_type3A_397, %cond3A_398 : i32
    scf.if %cond3A_399 {
      %dma_wait3A = arith.constant 0 : i32
      %dma_wait3A_542 = arith.constant 0 : i32
      %dma_wait3A_543 = tpu.memref_slice %arg6[%dma_wait3A, %dma_wait3A_542] : memref<204800x768xf32, #tpu.memory_space<hbm>> -> memref<16x768xf32, #tpu.memory_space<hbm>>
      %dma_wait3A_544 = arith.constant 0 : i32
      %dma_wait3A_545 = arith.constant 0 : i32
      %dma_wait3A_546 = tpu.memref_slice %arg6[%dma_wait3A_544, %dma_wait3A_545] : memref<204800x768xf32, #tpu.memory_space<hbm>> -> memref<16x768xf32, #tpu.memory_space<hbm>>
      tpu.wait_dma2 semaphore(%arg28 : memref<!tpu.dma_semaphore, #tpu.memory_space<semaphore_mem>>) src(%arg16 : memref<16x768xf32, #tpu.memory_space<vmem>>) dst(%dma_wait3A_546 : memref<16x768xf32, #tpu.memory_space<hbm>>)
    } else {
    }
    %add3A_400 = arith.constant 15 : i32
    %add3A_401 = arith.addi %while3A_187#1, %add3A_400 : i32
    %jit3A_402 = arith.constant 16 : i32
    %div3A_403 = arith.divsi %add3A_401, %jit3A_402 : i32
    %sign3A_404 = arith.constant 0 : i32
    %sign3A_405 = arith.cmpi sgt, %add3A_401, %sign3A_404 : i32
    %sign3A_406 = arith.extui %sign3A_405 : i1 to i32
    %sign3A_407 = arith.constant 0 : i32
    %sign3A_408 = arith.cmpi slt, %add3A_401, %sign3A_407 : i32
    %sign3A_409 = arith.extui %sign3A_408 : i1 to i32
    %sign3A_410 = arith.subi %sign3A_406, %sign3A_409 : i32
    %sign3A_411 = arith.constant 0 : i32
    %sign3A_412 = arith.cmpi sgt, %jit3A_402, %sign3A_411 : i32
    %sign3A_413 = arith.extui %sign3A_412 : i1 to i32
    %sign3A_414 = arith.constant 0 : i32
    %sign3A_415 = arith.cmpi slt, %jit3A_402, %sign3A_414 : i32
    %sign3A_416 = arith.extui %sign3A_415 : i1 to i32
    %sign3A_417 = arith.subi %sign3A_413, %sign3A_416 : i32
    %ne3A_418 = arith.cmpi ne, %sign3A_410, %sign3A_417 : i32
    %rem3A_419 = arith.remsi %add3A_401, %jit3A_402 : i32
    %ne3A_420 = arith.constant 0 : i32
    %ne3A_421 = arith.cmpi ne, %rem3A_419, %ne3A_420 : i32
    %and3A_422 = arith.andi %ne3A_418, %ne3A_421 : i1
    %sub3A_423 = arith.constant 1 : i32
    %sub3A_424 = arith.subi %div3A_403, %sub3A_423 : i32
    %select_n3A_425 = arith.select %and3A_422, %sub3A_424, %div3A_403 : i32
    %add3A_426 = arith.constant 6 : i32
    %add3A_427 = arith.addi %select_n3A_425, %add3A_426 : i32
    %sub3A_428 = arith.constant 1 : i32
    %sub3A_429 = arith.subi %add3A_427, %sub3A_428 : i32
    %jit3A_430 = arith.constant 6 : i32
    %div3A_431 = arith.divsi %sub3A_429, %jit3A_430 : i32
    %sign3A_432 = arith.constant 0 : i32
    %sign3A_433 = arith.cmpi sgt, %sub3A_429, %sign3A_432 : i32
    %sign3A_434 = arith.extui %sign3A_433 : i1 to i32
    %sign3A_435 = arith.constant 0 : i32
    %sign3A_436 = arith.cmpi slt, %sub3A_429, %sign3A_435 : i32
    %sign3A_437 = arith.extui %sign3A_436 : i1 to i32
    %sign3A_438 = arith.subi %sign3A_434, %sign3A_437 : i32
    %sign3A_439 = arith.constant 0 : i32
    %sign3A_440 = arith.cmpi sgt, %jit3A_430, %sign3A_439 : i32
    %sign3A_441 = arith.extui %sign3A_440 : i1 to i32
    %sign3A_442 = arith.constant 0 : i32
    %sign3A_443 = arith.cmpi slt, %jit3A_430, %sign3A_442 : i32
    %sign3A_444 = arith.extui %sign3A_443 : i1 to i32
    %sign3A_445 = arith.subi %sign3A_441, %sign3A_444 : i32
    %ne3A_446 = arith.cmpi ne, %sign3A_438, %sign3A_445 : i32
    %rem3A_447 = arith.remsi %sub3A_429, %jit3A_430 : i32
    %ne3A_448 = arith.constant 0 : i32
    %ne3A_449 = arith.cmpi ne, %rem3A_447, %ne3A_448 : i32
    %and3A_450 = arith.andi %ne3A_446, %ne3A_449 : i1
    %sub3A_451 = arith.constant 1 : i32
    %sub3A_452 = arith.subi %div3A_431, %sub3A_451 : i32
    %select_n3A_453 = arith.select %and3A_450, %sub3A_452, %div3A_431 : i32
    %while3A_454 = arith.constant 0 : i32
    %while3A_455 = arith.constant 0 : i32
    %while3A_456 = arith.subi %select_n3A_453, %while3A_455 : i32
    %while3A_457 = arith.addi %while3A_455, %while3A_456 : i32
    %while3A_458 = arith.constant 1 : i32
    %while3A_459 = arith.divsi %while3A_456, %while3A_458 : i32
    %while3A_460 = arith.muli %while3A_459, %while3A_458 : i32
    %while3A_461 = arith.addi %while3A_455, %while3A_460 : i32
    %while3A_462 = arith.constant 1 : i32
    scf.for %while3A_542 = %while3A_455 to %while3A_461 step %while3A_462  : i32 {
      %mul3A_543 = arith.constant 6 : i32
      %mul3A_544 = arith.muli %while3A_542, %mul3A_543 : i32
      %add3A_545 = arith.constant 0 : i32
      %add3A_546 = arith.addi %mul3A_544, %add3A_545 : i32
      %gt3A_547 = arith.constant 0 : i32
      %gt3A_548 = arith.cmpi sgt, %while3A_542, %gt3A_547 : i32
      %convert_element_type3A_549 = arith.extui %gt3A_548 : i1 to i32
      %cond3A_550 = arith.constant 0 : i32
      %cond3A_551 = arith.cmpi ne, %convert_element_type3A_549, %cond3A_550 : i32
      scf.if %cond3A_551 {
        %dma_wait3A = arith.constant 0 : i32
        %dma_wait3A_669 = arith.constant 0 : i32
        %dma_wait3A_670 = tpu.memref_slice %arg6[%dma_wait3A, %dma_wait3A_669] : memref<204800x768xf32, #tpu.memory_space<hbm>> -> memref<16x768xf32, #tpu.memory_space<hbm>>
        %dma_wait3A_671 = arith.constant 0 : i32
        %dma_wait3A_672 = arith.constant 0 : i32
        %dma_wait3A_673 = tpu.memref_slice %arg6[%dma_wait3A_671, %dma_wait3A_672] : memref<204800x768xf32, #tpu.memory_space<hbm>> -> memref<16x768xf32, #tpu.memory_space<hbm>>
        tpu.wait_dma2 semaphore(%arg23 : memref<!tpu.dma_semaphore, #tpu.memory_space<semaphore_mem>>) src(%arg11 : memref<16x768xf32, #tpu.memory_space<vmem>>) dst(%dma_wait3A_673 : memref<16x768xf32, #tpu.memory_space<hbm>>)
      } else {
      }
      %lt3A_552 = arith.cmpi slt, %add3A_546, %select_n3A_425 : i32
      %convert_element_type3A_553 = arith.extui %lt3A_552 : i1 to i32
      %cond3A_554 = arith.constant 0 : i32
      %cond3A_555 = arith.cmpi ne, %convert_element_type3A_553, %cond3A_554 : i32
      scf.if %cond3A_555 {
        %mul3A_669 = arith.constant 16 : i32
        %mul3A_670 = arith.muli %add3A_546, %mul3A_669 : i32
        %get3A_671 = arith.index_cast %mul3A_670 : i32 to index
        %get3A_672 = tpu.vector_load %arg10[%get3A_671] {strides = array<i32>} : memref<6416xi32, #tpu.memory_space<vmem>>, vector<16xi32>,
        %gather3A = tpu.vector_load_idx %arg7[%get3A_672] : memref<6400xi32, #tpu.memory_space<vmem>>[vector<16xi32>], vector<16xi32>,
        %sub3A_673 = arith.constant 150257 : i32
        %sub3A_674 = vector.broadcast %sub3A_673 : i32 to vector<16xi32>
        %sub3A_675 = arith.subi %gather3A, %sub3A_674 : vector<16xi32>
        %dma_start3A = arith.constant 0 : i32
        %dma_start3A_676 = arith.constant 0 : i32
        %dma_start3A_677 = tpu.memref_slice %arg5[%dma_start3A, %dma_start3A_676] : memref<100000x768xf32, #tpu.memory_space<hbm>> -> memref<100000x768xf32, #tpu.memory_space<hbm>>
        tpu.enqueue_indirect_dma source(%dma_start3A_677 : memref<100000x768xf32, #tpu.memory_space<hbm>>) target(%arg11 : memref<16x768xf32, #tpu.memory_space<vmem>>) offsets(%sub3A_675 : vector<16xi32>) semaphore(%arg17 : memref<!tpu.dma_semaphore, #tpu.memory_space<semaphore_mem>>)
      } else {
      }
      %mul3A_556 = arith.constant 6 : i32
      %mul3A_557 = arith.muli %while3A_542, %mul3A_556 : i32
      %add3A_558 = arith.constant 1 : i32
      %add3A_559 = arith.addi %mul3A_557, %add3A_558 : i32
      %gt3A_560 = arith.constant 0 : i32
      %gt3A_561 = arith.cmpi sgt, %while3A_542, %gt3A_560 : i32
      %convert_element_type3A_562 = arith.extui %gt3A_561 : i1 to i32
      %cond3A_563 = arith.constant 0 : i32
      %cond3A_564 = arith.cmpi ne, %convert_element_type3A_562, %cond3A_563 : i32
      scf.if %cond3A_564 {
        %dma_wait3A = arith.constant 0 : i32
        %dma_wait3A_669 = arith.constant 0 : i32
        %dma_wait3A_670 = tpu.memref_slice %arg6[%dma_wait3A, %dma_wait3A_669] : memref<204800x768xf32, #tpu.memory_space<hbm>> -> memref<16x768xf32, #tpu.memory_space<hbm>>
        %dma_wait3A_671 = arith.constant 0 : i32
        %dma_wait3A_672 = arith.constant 0 : i32
        %dma_wait3A_673 = tpu.memref_slice %arg6[%dma_wait3A_671, %dma_wait3A_672] : memref<204800x768xf32, #tpu.memory_space<hbm>> -> memref<16x768xf32, #tpu.memory_space<hbm>>
        tpu.wait_dma2 semaphore(%arg24 : memref<!tpu.dma_semaphore, #tpu.memory_space<semaphore_mem>>) src(%arg12 : memref<16x768xf32, #tpu.memory_space<vmem>>) dst(%dma_wait3A_673 : memref<16x768xf32, #tpu.memory_space<hbm>>)
      } else {
      }
      %lt3A_565 = arith.cmpi slt, %add3A_559, %select_n3A_425 : i32
      %convert_element_type3A_566 = arith.extui %lt3A_565 : i1 to i32
      %cond3A_567 = arith.constant 0 : i32
      %cond3A_568 = arith.cmpi ne, %convert_element_type3A_566, %cond3A_567 : i32
      scf.if %cond3A_568 {
        %mul3A_669 = arith.constant 16 : i32
        %mul3A_670 = arith.muli %add3A_559, %mul3A_669 : i32
        %get3A_671 = arith.index_cast %mul3A_670 : i32 to index
        %get3A_672 = tpu.vector_load %arg10[%get3A_671] {strides = array<i32>} : memref<6416xi32, #tpu.memory_space<vmem>>, vector<16xi32>,
        %gather3A = tpu.vector_load_idx %arg7[%get3A_672] : memref<6400xi32, #tpu.memory_space<vmem>>[vector<16xi32>], vector<16xi32>,
        %sub3A_673 = arith.constant 150257 : i32
        %sub3A_674 = vector.broadcast %sub3A_673 : i32 to vector<16xi32>
        %sub3A_675 = arith.subi %gather3A, %sub3A_674 : vector<16xi32>
        %dma_start3A = arith.constant 0 : i32
        %dma_start3A_676 = arith.constant 0 : i32
        %dma_start3A_677 = tpu.memref_slice %arg5[%dma_start3A, %dma_start3A_676] : memref<100000x768xf32, #tpu.memory_space<hbm>> -> memref<100000x768xf32, #tpu.memory_space<hbm>>
        tpu.enqueue_indirect_dma source(%dma_start3A_677 : memref<100000x768xf32, #tpu.memory_space<hbm>>) target(%arg12 : memref<16x768xf32, #tpu.memory_space<vmem>>) offsets(%sub3A_675 : vector<16xi32>) semaphore(%arg18 : memref<!tpu.dma_semaphore, #tpu.memory_space<semaphore_mem>>)
      } else {
      }
      %mul3A_569 = arith.constant 6 : i32
      %mul3A_570 = arith.muli %while3A_542, %mul3A_569 : i32
      %add3A_571 = arith.constant 2 : i32
      %add3A_572 = arith.addi %mul3A_570, %add3A_571 : i32
      %gt3A_573 = arith.constant 0 : i32
      %gt3A_574 = arith.cmpi sgt, %while3A_542, %gt3A_573 : i32
      %convert_element_type3A_575 = arith.extui %gt3A_574 : i1 to i32
      %cond3A_576 = arith.constant 0 : i32
      %cond3A_577 = arith.cmpi ne, %convert_element_type3A_575, %cond3A_576 : i32
      scf.if %cond3A_577 {
        %dma_wait3A = arith.constant 0 : i32
        %dma_wait3A_669 = arith.constant 0 : i32
        %dma_wait3A_670 = tpu.memref_slice %arg6[%dma_wait3A, %dma_wait3A_669] : memref<204800x768xf32, #tpu.memory_space<hbm>> -> memref<16x768xf32, #tpu.memory_space<hbm>>
        %dma_wait3A_671 = arith.constant 0 : i32
        %dma_wait3A_672 = arith.constant 0 : i32
        %dma_wait3A_673 = tpu.memref_slice %arg6[%dma_wait3A_671, %dma_wait3A_672] : memref<204800x768xf32, #tpu.memory_space<hbm>> -> memref<16x768xf32, #tpu.memory_space<hbm>>
        tpu.wait_dma2 semaphore(%arg25 : memref<!tpu.dma_semaphore, #tpu.memory_space<semaphore_mem>>) src(%arg13 : memref<16x768xf32, #tpu.memory_space<vmem>>) dst(%dma_wait3A_673 : memref<16x768xf32, #tpu.memory_space<hbm>>)
      } else {
      }
      %lt3A_578 = arith.cmpi slt, %add3A_572, %select_n3A_425 : i32
      %convert_element_type3A_579 = arith.extui %lt3A_578 : i1 to i32
      %cond3A_580 = arith.constant 0 : i32
      %cond3A_581 = arith.cmpi ne, %convert_element_type3A_579, %cond3A_580 : i32
      scf.if %cond3A_581 {
        %mul3A_669 = arith.constant 16 : i32
        %mul3A_670 = arith.muli %add3A_572, %mul3A_669 : i32
        %get3A_671 = arith.index_cast %mul3A_670 : i32 to index
        %get3A_672 = tpu.vector_load %arg10[%get3A_671] {strides = array<i32>} : memref<6416xi32, #tpu.memory_space<vmem>>, vector<16xi32>,
        %gather3A = tpu.vector_load_idx %arg7[%get3A_672] : memref<6400xi32, #tpu.memory_space<vmem>>[vector<16xi32>], vector<16xi32>,
        %sub3A_673 = arith.constant 150257 : i32
        %sub3A_674 = vector.broadcast %sub3A_673 : i32 to vector<16xi32>
        %sub3A_675 = arith.subi %gather3A, %sub3A_674 : vector<16xi32>
        %dma_start3A = arith.constant 0 : i32
        %dma_start3A_676 = arith.constant 0 : i32
        %dma_start3A_677 = tpu.memref_slice %arg5[%dma_start3A, %dma_start3A_676] : memref<100000x768xf32, #tpu.memory_space<hbm>> -> memref<100000x768xf32, #tpu.memory_space<hbm>>
        tpu.enqueue_indirect_dma source(%dma_start3A_677 : memref<100000x768xf32, #tpu.memory_space<hbm>>) target(%arg13 : memref<16x768xf32, #tpu.memory_space<vmem>>) offsets(%sub3A_675 : vector<16xi32>) semaphore(%arg19 : memref<!tpu.dma_semaphore, #tpu.memory_space<semaphore_mem>>)
      } else {
      }
      %mul3A_582 = arith.constant 6 : i32
      %mul3A_583 = arith.muli %while3A_542, %mul3A_582 : i32
      %add3A_584 = arith.constant 3 : i32
      %add3A_585 = arith.addi %mul3A_583, %add3A_584 : i32
      %gt3A_586 = arith.constant 0 : i32
      %gt3A_587 = arith.cmpi sgt, %while3A_542, %gt3A_586 : i32
      %convert_element_type3A_588 = arith.extui %gt3A_587 : i1 to i32
      %cond3A_589 = arith.constant 0 : i32
      %cond3A_590 = arith.cmpi ne, %convert_element_type3A_588, %cond3A_589 : i32
      scf.if %cond3A_590 {
        %dma_wait3A = arith.constant 0 : i32
        %dma_wait3A_669 = arith.constant 0 : i32
        %dma_wait3A_670 = tpu.memref_slice %arg6[%dma_wait3A, %dma_wait3A_669] : memref<204800x768xf32, #tpu.memory_space<hbm>> -> memref<16x768xf32, #tpu.memory_space<hbm>>
        %dma_wait3A_671 = arith.constant 0 : i32
        %dma_wait3A_672 = arith.constant 0 : i32
        %dma_wait3A_673 = tpu.memref_slice %arg6[%dma_wait3A_671, %dma_wait3A_672] : memref<204800x768xf32, #tpu.memory_space<hbm>> -> memref<16x768xf32, #tpu.memory_space<hbm>>
        tpu.wait_dma2 semaphore(%arg26 : memref<!tpu.dma_semaphore, #tpu.memory_space<semaphore_mem>>) src(%arg14 : memref<16x768xf32, #tpu.memory_space<vmem>>) dst(%dma_wait3A_673 : memref<16x768xf32, #tpu.memory_space<hbm>>)
      } else {
      }
      %lt3A_591 = arith.cmpi slt, %add3A_585, %select_n3A_425 : i32
      %convert_element_type3A_592 = arith.extui %lt3A_591 : i1 to i32
      %cond3A_593 = arith.constant 0 : i32
      %cond3A_594 = arith.cmpi ne, %convert_element_type3A_592, %cond3A_593 : i32
      scf.if %cond3A_594 {
        %mul3A_669 = arith.constant 16 : i32
        %mul3A_670 = arith.muli %add3A_585, %mul3A_669 : i32
        %get3A_671 = arith.index_cast %mul3A_670 : i32 to index
        %get3A_672 = tpu.vector_load %arg10[%get3A_671] {strides = array<i32>} : memref<6416xi32, #tpu.memory_space<vmem>>, vector<16xi32>,
        %gather3A = tpu.vector_load_idx %arg7[%get3A_672] : memref<6400xi32, #tpu.memory_space<vmem>>[vector<16xi32>], vector<16xi32>,
        %sub3A_673 = arith.constant 150257 : i32
        %sub3A_674 = vector.broadcast %sub3A_673 : i32 to vector<16xi32>
        %sub3A_675 = arith.subi %gather3A, %sub3A_674 : vector<16xi32>
        %dma_start3A = arith.constant 0 : i32
        %dma_start3A_676 = arith.constant 0 : i32
        %dma_start3A_677 = tpu.memref_slice %arg5[%dma_start3A, %dma_start3A_676] : memref<100000x768xf32, #tpu.memory_space<hbm>> -> memref<100000x768xf32, #tpu.memory_space<hbm>>
        tpu.enqueue_indirect_dma source(%dma_start3A_677 : memref<100000x768xf32, #tpu.memory_space<hbm>>) target(%arg14 : memref<16x768xf32, #tpu.memory_space<vmem>>) offsets(%sub3A_675 : vector<16xi32>) semaphore(%arg20 : memref<!tpu.dma_semaphore, #tpu.memory_space<semaphore_mem>>)
      } else {
      }
      %mul3A_595 = arith.constant 6 : i32
      %mul3A_596 = arith.muli %while3A_542, %mul3A_595 : i32
      %add3A_597 = arith.constant 4 : i32
      %add3A_598 = arith.addi %mul3A_596, %add3A_597 : i32
      %gt3A_599 = arith.constant 0 : i32
      %gt3A_600 = arith.cmpi sgt, %while3A_542, %gt3A_599 : i32
      %convert_element_type3A_601 = arith.extui %gt3A_600 : i1 to i32
      %cond3A_602 = arith.constant 0 : i32
      %cond3A_603 = arith.cmpi ne, %convert_element_type3A_601, %cond3A_602 : i32
      scf.if %cond3A_603 {
        %dma_wait3A = arith.constant 0 : i32
        %dma_wait3A_669 = arith.constant 0 : i32
        %dma_wait3A_670 = tpu.memref_slice %arg6[%dma_wait3A, %dma_wait3A_669] : memref<204800x768xf32, #tpu.memory_space<hbm>> -> memref<16x768xf32, #tpu.memory_space<hbm>>
        %dma_wait3A_671 = arith.constant 0 : i32
        %dma_wait3A_672 = arith.constant 0 : i32
        %dma_wait3A_673 = tpu.memref_slice %arg6[%dma_wait3A_671, %dma_wait3A_672] : memref<204800x768xf32, #tpu.memory_space<hbm>> -> memref<16x768xf32, #tpu.memory_space<hbm>>
        tpu.wait_dma2 semaphore(%arg27 : memref<!tpu.dma_semaphore, #tpu.memory_space<semaphore_mem>>) src(%arg15 : memref<16x768xf32, #tpu.memory_space<vmem>>) dst(%dma_wait3A_673 : memref<16x768xf32, #tpu.memory_space<hbm>>)
      } else {
      }
      %lt3A_604 = arith.cmpi slt, %add3A_598, %select_n3A_425 : i32
      %convert_element_type3A_605 = arith.extui %lt3A_604 : i1 to i32
      %cond3A_606 = arith.constant 0 : i32
      %cond3A_607 = arith.cmpi ne, %convert_element_type3A_605, %cond3A_606 : i32
      scf.if %cond3A_607 {
        %mul3A_669 = arith.constant 16 : i32
        %mul3A_670 = arith.muli %add3A_598, %mul3A_669 : i32
        %get3A_671 = arith.index_cast %mul3A_670 : i32 to index
        %get3A_672 = tpu.vector_load %arg10[%get3A_671] {strides = array<i32>} : memref<6416xi32, #tpu.memory_space<vmem>>, vector<16xi32>,
        %gather3A = tpu.vector_load_idx %arg7[%get3A_672] : memref<6400xi32, #tpu.memory_space<vmem>>[vector<16xi32>], vector<16xi32>,
        %sub3A_673 = arith.constant 150257 : i32
        %sub3A_674 = vector.broadcast %sub3A_673 : i32 to vector<16xi32>
        %sub3A_675 = arith.subi %gather3A, %sub3A_674 : vector<16xi32>
        %dma_start3A = arith.constant 0 : i32
        %dma_start3A_676 = arith.constant 0 : i32
        %dma_start3A_677 = tpu.memref_slice %arg5[%dma_start3A, %dma_start3A_676] : memref<100000x768xf32, #tpu.memory_space<hbm>> -> memref<100000x768xf32, #tpu.memory_space<hbm>>
        tpu.enqueue_indirect_dma source(%dma_start3A_677 : memref<100000x768xf32, #tpu.memory_space<hbm>>) target(%arg15 : memref<16x768xf32, #tpu.memory_space<vmem>>) offsets(%sub3A_675 : vector<16xi32>) semaphore(%arg21 : memref<!tpu.dma_semaphore, #tpu.memory_space<semaphore_mem>>)
      } else {
      }
      %mul3A_608 = arith.constant 6 : i32
      %mul3A_609 = arith.muli %while3A_542, %mul3A_608 : i32
      %add3A_610 = arith.constant 5 : i32
      %add3A_611 = arith.addi %mul3A_609, %add3A_610 : i32
      %gt3A_612 = arith.constant 0 : i32
      %gt3A_613 = arith.cmpi sgt, %while3A_542, %gt3A_612 : i32
      %convert_element_type3A_614 = arith.extui %gt3A_613 : i1 to i32
      %cond3A_615 = arith.constant 0 : i32
      %cond3A_616 = arith.cmpi ne, %convert_element_type3A_614, %cond3A_615 : i32
      scf.if %cond3A_616 {
        %dma_wait3A = arith.constant 0 : i32
        %dma_wait3A_669 = arith.constant 0 : i32
        %dma_wait3A_670 = tpu.memref_slice %arg6[%dma_wait3A, %dma_wait3A_669] : memref<204800x768xf32, #tpu.memory_space<hbm>> -> memref<16x768xf32, #tpu.memory_space<hbm>>
        %dma_wait3A_671 = arith.constant 0 : i32
        %dma_wait3A_672 = arith.constant 0 : i32
        %dma_wait3A_673 = tpu.memref_slice %arg6[%dma_wait3A_671, %dma_wait3A_672] : memref<204800x768xf32, #tpu.memory_space<hbm>> -> memref<16x768xf32, #tpu.memory_space<hbm>>
        tpu.wait_dma2 semaphore(%arg28 : memref<!tpu.dma_semaphore, #tpu.memory_space<semaphore_mem>>) src(%arg16 : memref<16x768xf32, #tpu.memory_space<vmem>>) dst(%dma_wait3A_673 : memref<16x768xf32, #tpu.memory_space<hbm>>)
      } else {
      }
      %lt3A_617 = arith.cmpi slt, %add3A_611, %select_n3A_425 : i32
      %convert_element_type3A_618 = arith.extui %lt3A_617 : i1 to i32
      %cond3A_619 = arith.constant 0 : i32
      %cond3A_620 = arith.cmpi ne, %convert_element_type3A_618, %cond3A_619 : i32
      scf.if %cond3A_620 {
        %mul3A_669 = arith.constant 16 : i32
        %mul3A_670 = arith.muli %add3A_611, %mul3A_669 : i32
        %get3A_671 = arith.index_cast %mul3A_670 : i32 to index
        %get3A_672 = tpu.vector_load %arg10[%get3A_671] {strides = array<i32>} : memref<6416xi32, #tpu.memory_space<vmem>>, vector<16xi32>,
        %gather3A = tpu.vector_load_idx %arg7[%get3A_672] : memref<6400xi32, #tpu.memory_space<vmem>>[vector<16xi32>], vector<16xi32>,
        %sub3A_673 = arith.constant 150257 : i32
        %sub3A_674 = vector.broadcast %sub3A_673 : i32 to vector<16xi32>
        %sub3A_675 = arith.subi %gather3A, %sub3A_674 : vector<16xi32>
        %dma_start3A = arith.constant 0 : i32
        %dma_start3A_676 = arith.constant 0 : i32
        %dma_start3A_677 = tpu.memref_slice %arg5[%dma_start3A, %dma_start3A_676] : memref<100000x768xf32, #tpu.memory_space<hbm>> -> memref<100000x768xf32, #tpu.memory_space<hbm>>
        tpu.enqueue_indirect_dma source(%dma_start3A_677 : memref<100000x768xf32, #tpu.memory_space<hbm>>) target(%arg16 : memref<16x768xf32, #tpu.memory_space<vmem>>) offsets(%sub3A_675 : vector<16xi32>) semaphore(%arg22 : memref<!tpu.dma_semaphore, #tpu.memory_space<semaphore_mem>>)
      } else {
      }
      %mul3A_621 = arith.constant 6 : i32
      %mul3A_622 = arith.muli %while3A_542, %mul3A_621 : i32
      %add3A_623 = arith.constant 0 : i32
      %add3A_624 = arith.addi %mul3A_622, %add3A_623 : i32
      %lt3A_625 = arith.cmpi slt, %add3A_624, %select_n3A_425 : i32
      %convert_element_type3A_626 = arith.extui %lt3A_625 : i1 to i32
      %cond3A_627 = arith.constant 0 : i32
      %cond3A_628 = arith.cmpi ne, %convert_element_type3A_626, %cond3A_627 : i32
      scf.if %cond3A_628 {
        %dma_wait3A = arith.constant 0 : i32
        %dma_wait3A_669 = arith.constant 0 : i32
        %dma_wait3A_670 = tpu.memref_slice %arg5[%dma_wait3A, %dma_wait3A_669] : memref<100000x768xf32, #tpu.memory_space<hbm>> -> memref<16x768xf32, #tpu.memory_space<hbm>>
        %dma_wait3A_671 = arith.constant 0 : i32
        %dma_wait3A_672 = arith.constant 0 : i32
        %dma_wait3A_673 = tpu.memref_slice %arg5[%dma_wait3A_671, %dma_wait3A_672] : memref<100000x768xf32, #tpu.memory_space<hbm>> -> memref<16x768xf32, #tpu.memory_space<hbm>>
        tpu.wait_dma2 semaphore(%arg17 : memref<!tpu.dma_semaphore, #tpu.memory_space<semaphore_mem>>) src(%dma_wait3A_673 : memref<16x768xf32, #tpu.memory_space<hbm>>) dst(%arg11 : memref<16x768xf32, #tpu.memory_space<vmem>>)
        %mul3A_674 = arith.constant 16 : i32
        %mul3A_675 = arith.muli %add3A_624, %mul3A_674 : i32
        %get3A_676 = arith.index_cast %mul3A_675 : i32 to index
        %get3A_677 = tpu.vector_load %arg10[%get3A_676] {strides = array<i32>} : memref<6416xi32, #tpu.memory_space<vmem>>, vector<16xi32>,
        %add3A_678 = vector.broadcast %mul3A_2 : i32 to vector<16xi32>
        %add3A_679 = arith.addi %get3A_677, %add3A_678 : vector<16xi32>
        %dma_start3A = arith.constant 0 : i32
        %dma_start3A_680 = arith.constant 0 : i32
        %dma_start3A_681 = tpu.memref_slice %arg6[%dma_start3A, %dma_start3A_680] : memref<204800x768xf32, #tpu.memory_space<hbm>> -> memref<204800x768xf32, #tpu.memory_space<hbm>>
        tpu.enqueue_indirect_dma source(%arg11 : memref<16x768xf32, #tpu.memory_space<vmem>>) target(%dma_start3A_681 : memref<204800x768xf32, #tpu.memory_space<hbm>>) offsets(%add3A_679 : vector<16xi32>) semaphore(%arg23 : memref<!tpu.dma_semaphore, #tpu.memory_space<semaphore_mem>>)
      } else {
      }
      %mul3A_629 = arith.constant 6 : i32
      %mul3A_630 = arith.muli %while3A_542, %mul3A_629 : i32
      %add3A_631 = arith.constant 1 : i32
      %add3A_632 = arith.addi %mul3A_630, %add3A_631 : i32
      %lt3A_633 = arith.cmpi slt, %add3A_632, %select_n3A_425 : i32
      %convert_element_type3A_634 = arith.extui %lt3A_633 : i1 to i32
      %cond3A_635 = arith.constant 0 : i32
      %cond3A_636 = arith.cmpi ne, %convert_element_type3A_634, %cond3A_635 : i32
      scf.if %cond3A_636 {
        %dma_wait3A = arith.constant 0 : i32
        %dma_wait3A_669 = arith.constant 0 : i32
        %dma_wait3A_670 = tpu.memref_slice %arg5[%dma_wait3A, %dma_wait3A_669] : memref<100000x768xf32, #tpu.memory_space<hbm>> -> memref<16x768xf32, #tpu.memory_space<hbm>>
        %dma_wait3A_671 = arith.constant 0 : i32
        %dma_wait3A_672 = arith.constant 0 : i32
        %dma_wait3A_673 = tpu.memref_slice %arg5[%dma_wait3A_671, %dma_wait3A_672] : memref<100000x768xf32, #tpu.memory_space<hbm>> -> memref<16x768xf32, #tpu.memory_space<hbm>>
        tpu.wait_dma2 semaphore(%arg18 : memref<!tpu.dma_semaphore, #tpu.memory_space<semaphore_mem>>) src(%dma_wait3A_673 : memref<16x768xf32, #tpu.memory_space<hbm>>) dst(%arg12 : memref<16x768xf32, #tpu.memory_space<vmem>>)
        %mul3A_674 = arith.constant 16 : i32
        %mul3A_675 = arith.muli %add3A_632, %mul3A_674 : i32
        %get3A_676 = arith.index_cast %mul3A_675 : i32 to index
        %get3A_677 = tpu.vector_load %arg10[%get3A_676] {strides = array<i32>} : memref<6416xi32, #tpu.memory_space<vmem>>, vector<16xi32>,
        %add3A_678 = vector.broadcast %mul3A_2 : i32 to vector<16xi32>
        %add3A_679 = arith.addi %get3A_677, %add3A_678 : vector<16xi32>
        %dma_start3A = arith.constant 0 : i32
        %dma_start3A_680 = arith.constant 0 : i32
        %dma_start3A_681 = tpu.memref_slice %arg6[%dma_start3A, %dma_start3A_680] : memref<204800x768xf32, #tpu.memory_space<hbm>> -> memref<204800x768xf32, #tpu.memory_space<hbm>>
        tpu.enqueue_indirect_dma source(%arg12 : memref<16x768xf32, #tpu.memory_space<vmem>>) target(%dma_start3A_681 : memref<204800x768xf32, #tpu.memory_space<hbm>>) offsets(%add3A_679 : vector<16xi32>) semaphore(%arg24 : memref<!tpu.dma_semaphore, #tpu.memory_space<semaphore_mem>>)
      } else {
      }
      %mul3A_637 = arith.constant 6 : i32
      %mul3A_638 = arith.muli %while3A_542, %mul3A_637 : i32
      %add3A_639 = arith.constant 2 : i32
      %add3A_640 = arith.addi %mul3A_638, %add3A_639 : i32
      %lt3A_641 = arith.cmpi slt, %add3A_640, %select_n3A_425 : i32
      %convert_element_type3A_642 = arith.extui %lt3A_641 : i1 to i32
      %cond3A_643 = arith.constant 0 : i32
      %cond3A_644 = arith.cmpi ne, %convert_element_type3A_642, %cond3A_643 : i32
      scf.if %cond3A_644 {
        %dma_wait3A = arith.constant 0 : i32
        %dma_wait3A_669 = arith.constant 0 : i32
        %dma_wait3A_670 = tpu.memref_slice %arg5[%dma_wait3A, %dma_wait3A_669] : memref<100000x768xf32, #tpu.memory_space<hbm>> -> memref<16x768xf32, #tpu.memory_space<hbm>>
        %dma_wait3A_671 = arith.constant 0 : i32
        %dma_wait3A_672 = arith.constant 0 : i32
        %dma_wait3A_673 = tpu.memref_slice %arg5[%dma_wait3A_671, %dma_wait3A_672] : memref<100000x768xf32, #tpu.memory_space<hbm>> -> memref<16x768xf32, #tpu.memory_space<hbm>>
        tpu.wait_dma2 semaphore(%arg19 : memref<!tpu.dma_semaphore, #tpu.memory_space<semaphore_mem>>) src(%dma_wait3A_673 : memref<16x768xf32, #tpu.memory_space<hbm>>) dst(%arg13 : memref<16x768xf32, #tpu.memory_space<vmem>>)
        %mul3A_674 = arith.constant 16 : i32
        %mul3A_675 = arith.muli %add3A_640, %mul3A_674 : i32
        %get3A_676 = arith.index_cast %mul3A_675 : i32 to index
        %get3A_677 = tpu.vector_load %arg10[%get3A_676] {strides = array<i32>} : memref<6416xi32, #tpu.memory_space<vmem>>, vector<16xi32>,
        %add3A_678 = vector.broadcast %mul3A_2 : i32 to vector<16xi32>
        %add3A_679 = arith.addi %get3A_677, %add3A_678 : vector<16xi32>
        %dma_start3A = arith.constant 0 : i32
        %dma_start3A_680 = arith.constant 0 : i32
        %dma_start3A_681 = tpu.memref_slice %arg6[%dma_start3A, %dma_start3A_680] : memref<204800x768xf32, #tpu.memory_space<hbm>> -> memref<204800x768xf32, #tpu.memory_space<hbm>>
        tpu.enqueue_indirect_dma source(%arg13 : memref<16x768xf32, #tpu.memory_space<vmem>>) target(%dma_start3A_681 : memref<204800x768xf32, #tpu.memory_space<hbm>>) offsets(%add3A_679 : vector<16xi32>) semaphore(%arg25 : memref<!tpu.dma_semaphore, #tpu.memory_space<semaphore_mem>>)
      } else {
      }
      %mul3A_645 = arith.constant 6 : i32
      %mul3A_646 = arith.muli %while3A_542, %mul3A_645 : i32
      %add3A_647 = arith.constant 3 : i32
      %add3A_648 = arith.addi %mul3A_646, %add3A_647 : i32
      %lt3A_649 = arith.cmpi slt, %add3A_648, %select_n3A_425 : i32
      %convert_element_type3A_650 = arith.extui %lt3A_649 : i1 to i32
      %cond3A_651 = arith.constant 0 : i32
      %cond3A_652 = arith.cmpi ne, %convert_element_type3A_650, %cond3A_651 : i32
      scf.if %cond3A_652 {
        %dma_wait3A = arith.constant 0 : i32
        %dma_wait3A_669 = arith.constant 0 : i32
        %dma_wait3A_670 = tpu.memref_slice %arg5[%dma_wait3A, %dma_wait3A_669] : memref<100000x768xf32, #tpu.memory_space<hbm>> -> memref<16x768xf32, #tpu.memory_space<hbm>>
        %dma_wait3A_671 = arith.constant 0 : i32
        %dma_wait3A_672 = arith.constant 0 : i32
        %dma_wait3A_673 = tpu.memref_slice %arg5[%dma_wait3A_671, %dma_wait3A_672] : memref<100000x768xf32, #tpu.memory_space<hbm>> -> memref<16x768xf32, #tpu.memory_space<hbm>>
        tpu.wait_dma2 semaphore(%arg20 : memref<!tpu.dma_semaphore, #tpu.memory_space<semaphore_mem>>) src(%dma_wait3A_673 : memref<16x768xf32, #tpu.memory_space<hbm>>) dst(%arg14 : memref<16x768xf32, #tpu.memory_space<vmem>>)
        %mul3A_674 = arith.constant 16 : i32
        %mul3A_675 = arith.muli %add3A_648, %mul3A_674 : i32
        %get3A_676 = arith.index_cast %mul3A_675 : i32 to index
        %get3A_677 = tpu.vector_load %arg10[%get3A_676] {strides = array<i32>} : memref<6416xi32, #tpu.memory_space<vmem>>, vector<16xi32>,
        %add3A_678 = vector.broadcast %mul3A_2 : i32 to vector<16xi32>
        %add3A_679 = arith.addi %get3A_677, %add3A_678 : vector<16xi32>
        %dma_start3A = arith.constant 0 : i32
        %dma_start3A_680 = arith.constant 0 : i32
        %dma_start3A_681 = tpu.memref_slice %arg6[%dma_start3A, %dma_start3A_680] : memref<204800x768xf32, #tpu.memory_space<hbm>> -> memref<204800x768xf32, #tpu.memory_space<hbm>>
        tpu.enqueue_indirect_dma source(%arg14 : memref<16x768xf32, #tpu.memory_space<vmem>>) target(%dma_start3A_681 : memref<204800x768xf32, #tpu.memory_space<hbm>>) offsets(%add3A_679 : vector<16xi32>) semaphore(%arg26 : memref<!tpu.dma_semaphore, #tpu.memory_space<semaphore_mem>>)
      } else {
      }
      %mul3A_653 = arith.constant 6 : i32
      %mul3A_654 = arith.muli %while3A_542, %mul3A_653 : i32
      %add3A_655 = arith.constant 4 : i32
      %add3A_656 = arith.addi %mul3A_654, %add3A_655 : i32
      %lt3A_657 = arith.cmpi slt, %add3A_656, %select_n3A_425 : i32
      %convert_element_type3A_658 = arith.extui %lt3A_657 : i1 to i32
      %cond3A_659 = arith.constant 0 : i32
      %cond3A_660 = arith.cmpi ne, %convert_element_type3A_658, %cond3A_659 : i32
      scf.if %cond3A_660 {
        %dma_wait3A = arith.constant 0 : i32
        %dma_wait3A_669 = arith.constant 0 : i32
        %dma_wait3A_670 = tpu.memref_slice %arg5[%dma_wait3A, %dma_wait3A_669] : memref<100000x768xf32, #tpu.memory_space<hbm>> -> memref<16x768xf32, #tpu.memory_space<hbm>>
        %dma_wait3A_671 = arith.constant 0 : i32
        %dma_wait3A_672 = arith.constant 0 : i32
        %dma_wait3A_673 = tpu.memref_slice %arg5[%dma_wait3A_671, %dma_wait3A_672] : memref<100000x768xf32, #tpu.memory_space<hbm>> -> memref<16x768xf32, #tpu.memory_space<hbm>>
        tpu.wait_dma2 semaphore(%arg21 : memref<!tpu.dma_semaphore, #tpu.memory_space<semaphore_mem>>) src(%dma_wait3A_673 : memref<16x768xf32, #tpu.memory_space<hbm>>) dst(%arg15 : memref<16x768xf32, #tpu.memory_space<vmem>>)
        %mul3A_674 = arith.constant 16 : i32
        %mul3A_675 = arith.muli %add3A_656, %mul3A_674 : i32
        %get3A_676 = arith.index_cast %mul3A_675 : i32 to index
        %get3A_677 = tpu.vector_load %arg10[%get3A_676] {strides = array<i32>} : memref<6416xi32, #tpu.memory_space<vmem>>, vector<16xi32>,
        %add3A_678 = vector.broadcast %mul3A_2 : i32 to vector<16xi32>
        %add3A_679 = arith.addi %get3A_677, %add3A_678 : vector<16xi32>
        %dma_start3A = arith.constant 0 : i32
        %dma_start3A_680 = arith.constant 0 : i32
        %dma_start3A_681 = tpu.memref_slice %arg6[%dma_start3A, %dma_start3A_680] : memref<204800x768xf32, #tpu.memory_space<hbm>> -> memref<204800x768xf32, #tpu.memory_space<hbm>>
        tpu.enqueue_indirect_dma source(%arg15 : memref<16x768xf32, #tpu.memory_space<vmem>>) target(%dma_start3A_681 : memref<204800x768xf32, #tpu.memory_space<hbm>>) offsets(%add3A_679 : vector<16xi32>) semaphore(%arg27 : memref<!tpu.dma_semaphore, #tpu.memory_space<semaphore_mem>>)
      } else {
      }
      %mul3A_661 = arith.constant 6 : i32
      %mul3A_662 = arith.muli %while3A_542, %mul3A_661 : i32
      %add3A_663 = arith.constant 5 : i32
      %add3A_664 = arith.addi %mul3A_662, %add3A_663 : i32
      %lt3A_665 = arith.cmpi slt, %add3A_664, %select_n3A_425 : i32
      %convert_element_type3A_666 = arith.extui %lt3A_665 : i1 to i32
      %cond3A_667 = arith.constant 0 : i32
      %cond3A_668 = arith.cmpi ne, %convert_element_type3A_666, %cond3A_667 : i32
      scf.if %cond3A_668 {
        %dma_wait3A = arith.constant 0 : i32
        %dma_wait3A_669 = arith.constant 0 : i32
        %dma_wait3A_670 = tpu.memref_slice %arg5[%dma_wait3A, %dma_wait3A_669] : memref<100000x768xf32, #tpu.memory_space<hbm>> -> memref<16x768xf32, #tpu.memory_space<hbm>>
        %dma_wait3A_671 = arith.constant 0 : i32
        %dma_wait3A_672 = arith.constant 0 : i32
        %dma_wait3A_673 = tpu.memref_slice %arg5[%dma_wait3A_671, %dma_wait3A_672] : memref<100000x768xf32, #tpu.memory_space<hbm>> -> memref<16x768xf32, #tpu.memory_space<hbm>>
        tpu.wait_dma2 semaphore(%arg22 : memref<!tpu.dma_semaphore, #tpu.memory_space<semaphore_mem>>) src(%dma_wait3A_673 : memref<16x768xf32, #tpu.memory_space<hbm>>) dst(%arg16 : memref<16x768xf32, #tpu.memory_space<vmem>>)
        %mul3A_674 = arith.constant 16 : i32
        %mul3A_675 = arith.muli %add3A_664, %mul3A_674 : i32
        %get3A_676 = arith.index_cast %mul3A_675 : i32 to index
        %get3A_677 = tpu.vector_load %arg10[%get3A_676] {strides = array<i32>} : memref<6416xi32, #tpu.memory_space<vmem>>, vector<16xi32>,
        %add3A_678 = vector.broadcast %mul3A_2 : i32 to vector<16xi32>
        %add3A_679 = arith.addi %get3A_677, %add3A_678 : vector<16xi32>
        %dma_start3A = arith.constant 0 : i32
        %dma_start3A_680 = arith.constant 0 : i32
        %dma_start3A_681 = tpu.memref_slice %arg6[%dma_start3A, %dma_start3A_680] : memref<204800x768xf32, #tpu.memory_space<hbm>> -> memref<204800x768xf32, #tpu.memory_space<hbm>>
        tpu.enqueue_indirect_dma source(%arg16 : memref<16x768xf32, #tpu.memory_space<vmem>>) target(%dma_start3A_681 : memref<204800x768xf32, #tpu.memory_space<hbm>>) offsets(%add3A_679 : vector<16xi32>) semaphore(%arg28 : memref<!tpu.dma_semaphore, #tpu.memory_space<semaphore_mem>>)
      } else {
      }
    }
    %while3A_463 = arith.constant 1 : i32
    scf.for %while3A_542 = %while3A_461 to %while3A_457 step %while3A_463  : i32 {
      %mul3A_543 = arith.constant 6 : i32
      %mul3A_544 = arith.muli %while3A_542, %mul3A_543 : i32
      %add3A_545 = arith.constant 0 : i32
      %add3A_546 = arith.addi %mul3A_544, %add3A_545 : i32
      %gt3A_547 = arith.constant 0 : i32
      %gt3A_548 = arith.cmpi sgt, %while3A_542, %gt3A_547 : i32
      %convert_element_type3A_549 = arith.extui %gt3A_548 : i1 to i32
      %cond3A_550 = arith.constant 0 : i32
      %cond3A_551 = arith.cmpi ne, %convert_element_type3A_549, %cond3A_550 : i32
      scf.if %cond3A_551 {
        %dma_wait3A = arith.constant 0 : i32
        %dma_wait3A_669 = arith.constant 0 : i32
        %dma_wait3A_670 = tpu.memref_slice %arg6[%dma_wait3A, %dma_wait3A_669] : memref<204800x768xf32, #tpu.memory_space<hbm>> -> memref<16x768xf32, #tpu.memory_space<hbm>>
        %dma_wait3A_671 = arith.constant 0 : i32
        %dma_wait3A_672 = arith.constant 0 : i32
        %dma_wait3A_673 = tpu.memref_slice %arg6[%dma_wait3A_671, %dma_wait3A_672] : memref<204800x768xf32, #tpu.memory_space<hbm>> -> memref<16x768xf32, #tpu.memory_space<hbm>>
        tpu.wait_dma2 semaphore(%arg23 : memref<!tpu.dma_semaphore, #tpu.memory_space<semaphore_mem>>) src(%arg11 : memref<16x768xf32, #tpu.memory_space<vmem>>) dst(%dma_wait3A_673 : memref<16x768xf32, #tpu.memory_space<hbm>>)
      } else {
      }
      %lt3A_552 = arith.cmpi slt, %add3A_546, %select_n3A_425 : i32
      %convert_element_type3A_553 = arith.extui %lt3A_552 : i1 to i32
      %cond3A_554 = arith.constant 0 : i32
      %cond3A_555 = arith.cmpi ne, %convert_element_type3A_553, %cond3A_554 : i32
      scf.if %cond3A_555 {
        %mul3A_669 = arith.constant 16 : i32
        %mul3A_670 = arith.muli %add3A_546, %mul3A_669 : i32
        %get3A_671 = arith.index_cast %mul3A_670 : i32 to index
        %get3A_672 = tpu.vector_load %arg10[%get3A_671] {strides = array<i32>} : memref<6416xi32, #tpu.memory_space<vmem>>, vector<16xi32>,
        %gather3A = tpu.vector_load_idx %arg7[%get3A_672] : memref<6400xi32, #tpu.memory_space<vmem>>[vector<16xi32>], vector<16xi32>,
        %sub3A_673 = arith.constant 150257 : i32
        %sub3A_674 = vector.broadcast %sub3A_673 : i32 to vector<16xi32>
        %sub3A_675 = arith.subi %gather3A, %sub3A_674 : vector<16xi32>
        %dma_start3A = arith.constant 0 : i32
        %dma_start3A_676 = arith.constant 0 : i32
        %dma_start3A_677 = tpu.memref_slice %arg5[%dma_start3A, %dma_start3A_676] : memref<100000x768xf32, #tpu.memory_space<hbm>> -> memref<100000x768xf32, #tpu.memory_space<hbm>>
        tpu.enqueue_indirect_dma source(%dma_start3A_677 : memref<100000x768xf32, #tpu.memory_space<hbm>>) target(%arg11 : memref<16x768xf32, #tpu.memory_space<vmem>>) offsets(%sub3A_675 : vector<16xi32>) semaphore(%arg17 : memref<!tpu.dma_semaphore, #tpu.memory_space<semaphore_mem>>)
      } else {
      }
      %mul3A_556 = arith.constant 6 : i32
      %mul3A_557 = arith.muli %while3A_542, %mul3A_556 : i32
      %add3A_558 = arith.constant 1 : i32
      %add3A_559 = arith.addi %mul3A_557, %add3A_558 : i32
      %gt3A_560 = arith.constant 0 : i32
      %gt3A_561 = arith.cmpi sgt, %while3A_542, %gt3A_560 : i32
      %convert_element_type3A_562 = arith.extui %gt3A_561 : i1 to i32
      %cond3A_563 = arith.constant 0 : i32
      %cond3A_564 = arith.cmpi ne, %convert_element_type3A_562, %cond3A_563 : i32
      scf.if %cond3A_564 {
        %dma_wait3A = arith.constant 0 : i32
        %dma_wait3A_669 = arith.constant 0 : i32
        %dma_wait3A_670 = tpu.memref_slice %arg6[%dma_wait3A, %dma_wait3A_669] : memref<204800x768xf32, #tpu.memory_space<hbm>> -> memref<16x768xf32, #tpu.memory_space<hbm>>
        %dma_wait3A_671 = arith.constant 0 : i32
        %dma_wait3A_672 = arith.constant 0 : i32
        %dma_wait3A_673 = tpu.memref_slice %arg6[%dma_wait3A_671, %dma_wait3A_672] : memref<204800x768xf32, #tpu.memory_space<hbm>> -> memref<16x768xf32, #tpu.memory_space<hbm>>
        tpu.wait_dma2 semaphore(%arg24 : memref<!tpu.dma_semaphore, #tpu.memory_space<semaphore_mem>>) src(%arg12 : memref<16x768xf32, #tpu.memory_space<vmem>>) dst(%dma_wait3A_673 : memref<16x768xf32, #tpu.memory_space<hbm>>)
      } else {
      }
      %lt3A_565 = arith.cmpi slt, %add3A_559, %select_n3A_425 : i32
      %convert_element_type3A_566 = arith.extui %lt3A_565 : i1 to i32
      %cond3A_567 = arith.constant 0 : i32
      %cond3A_568 = arith.cmpi ne, %convert_element_type3A_566, %cond3A_567 : i32
      scf.if %cond3A_568 {
        %mul3A_669 = arith.constant 16 : i32
        %mul3A_670 = arith.muli %add3A_559, %mul3A_669 : i32
        %get3A_671 = arith.index_cast %mul3A_670 : i32 to index
        %get3A_672 = tpu.vector_load %arg10[%get3A_671] {strides = array<i32>} : memref<6416xi32, #tpu.memory_space<vmem>>, vector<16xi32>,
        %gather3A = tpu.vector_load_idx %arg7[%get3A_672] : memref<6400xi32, #tpu.memory_space<vmem>>[vector<16xi32>], vector<16xi32>,
        %sub3A_673 = arith.constant 150257 : i32
        %sub3A_674 = vector.broadcast %sub3A_673 : i32 to vector<16xi32>
        %sub3A_675 = arith.subi %gather3A, %sub3A_674 : vector<16xi32>
        %dma_start3A = arith.constant 0 : i32
        %dma_start3A_676 = arith.constant 0 : i32
        %dma_start3A_677 = tpu.memref_slice %arg5[%dma_start3A, %dma_start3A_676] : memref<100000x768xf32, #tpu.memory_space<hbm>> -> memref<100000x768xf32, #tpu.memory_space<hbm>>
        tpu.enqueue_indirect_dma source(%dma_start3A_677 : memref<100000x768xf32, #tpu.memory_space<hbm>>) target(%arg12 : memref<16x768xf32, #tpu.memory_space<vmem>>) offsets(%sub3A_675 : vector<16xi32>) semaphore(%arg18 : memref<!tpu.dma_semaphore, #tpu.memory_space<semaphore_mem>>)
      } else {
      }
      %mul3A_569 = arith.constant 6 : i32
      %mul3A_570 = arith.muli %while3A_542, %mul3A_569 : i32
      %add3A_571 = arith.constant 2 : i32
      %add3A_572 = arith.addi %mul3A_570, %add3A_571 : i32
      %gt3A_573 = arith.constant 0 : i32
      %gt3A_574 = arith.cmpi sgt, %while3A_542, %gt3A_573 : i32
      %convert_element_type3A_575 = arith.extui %gt3A_574 : i1 to i32
      %cond3A_576 = arith.constant 0 : i32
      %cond3A_577 = arith.cmpi ne, %convert_element_type3A_575, %cond3A_576 : i32
      scf.if %cond3A_577 {
        %dma_wait3A = arith.constant 0 : i32
        %dma_wait3A_669 = arith.constant 0 : i32
        %dma_wait3A_670 = tpu.memref_slice %arg6[%dma_wait3A, %dma_wait3A_669] : memref<204800x768xf32, #tpu.memory_space<hbm>> -> memref<16x768xf32, #tpu.memory_space<hbm>>
        %dma_wait3A_671 = arith.constant 0 : i32
        %dma_wait3A_672 = arith.constant 0 : i32
        %dma_wait3A_673 = tpu.memref_slice %arg6[%dma_wait3A_671, %dma_wait3A_672] : memref<204800x768xf32, #tpu.memory_space<hbm>> -> memref<16x768xf32, #tpu.memory_space<hbm>>
        tpu.wait_dma2 semaphore(%arg25 : memref<!tpu.dma_semaphore, #tpu.memory_space<semaphore_mem>>) src(%arg13 : memref<16x768xf32, #tpu.memory_space<vmem>>) dst(%dma_wait3A_673 : memref<16x768xf32, #tpu.memory_space<hbm>>)
      } else {
      }
      %lt3A_578 = arith.cmpi slt, %add3A_572, %select_n3A_425 : i32
      %convert_element_type3A_579 = arith.extui %lt3A_578 : i1 to i32
      %cond3A_580 = arith.constant 0 : i32
      %cond3A_581 = arith.cmpi ne, %convert_element_type3A_579, %cond3A_580 : i32
      scf.if %cond3A_581 {
        %mul3A_669 = arith.constant 16 : i32
        %mul3A_670 = arith.muli %add3A_572, %mul3A_669 : i32
        %get3A_671 = arith.index_cast %mul3A_670 : i32 to index
        %get3A_672 = tpu.vector_load %arg10[%get3A_671] {strides = array<i32>} : memref<6416xi32, #tpu.memory_space<vmem>>, vector<16xi32>,
        %gather3A = tpu.vector_load_idx %arg7[%get3A_672] : memref<6400xi32, #tpu.memory_space<vmem>>[vector<16xi32>], vector<16xi32>,
        %sub3A_673 = arith.constant 150257 : i32
        %sub3A_674 = vector.broadcast %sub3A_673 : i32 to vector<16xi32>
        %sub3A_675 = arith.subi %gather3A, %sub3A_674 : vector<16xi32>
        %dma_start3A = arith.constant 0 : i32
        %dma_start3A_676 = arith.constant 0 : i32
        %dma_start3A_677 = tpu.memref_slice %arg5[%dma_start3A, %dma_start3A_676] : memref<100000x768xf32, #tpu.memory_space<hbm>> -> memref<100000x768xf32, #tpu.memory_space<hbm>>
        tpu.enqueue_indirect_dma source(%dma_start3A_677 : memref<100000x768xf32, #tpu.memory_space<hbm>>) target(%arg13 : memref<16x768xf32, #tpu.memory_space<vmem>>) offsets(%sub3A_675 : vector<16xi32>) semaphore(%arg19 : memref<!tpu.dma_semaphore, #tpu.memory_space<semaphore_mem>>)
      } else {
      }
      %mul3A_582 = arith.constant 6 : i32
      %mul3A_583 = arith.muli %while3A_542, %mul3A_582 : i32
      %add3A_584 = arith.constant 3 : i32
      %add3A_585 = arith.addi %mul3A_583, %add3A_584 : i32
      %gt3A_586 = arith.constant 0 : i32
      %gt3A_587 = arith.cmpi sgt, %while3A_542, %gt3A_586 : i32
      %convert_element_type3A_588 = arith.extui %gt3A_587 : i1 to i32
      %cond3A_589 = arith.constant 0 : i32
      %cond3A_590 = arith.cmpi ne, %convert_element_type3A_588, %cond3A_589 : i32
      scf.if %cond3A_590 {
        %dma_wait3A = arith.constant 0 : i32
        %dma_wait3A_669 = arith.constant 0 : i32
        %dma_wait3A_670 = tpu.memref_slice %arg6[%dma_wait3A, %dma_wait3A_669] : memref<204800x768xf32, #tpu.memory_space<hbm>> -> memref<16x768xf32, #tpu.memory_space<hbm>>
        %dma_wait3A_671 = arith.constant 0 : i32
        %dma_wait3A_672 = arith.constant 0 : i32
        %dma_wait3A_673 = tpu.memref_slice %arg6[%dma_wait3A_671, %dma_wait3A_672] : memref<204800x768xf32, #tpu.memory_space<hbm>> -> memref<16x768xf32, #tpu.memory_space<hbm>>
        tpu.wait_dma2 semaphore(%arg26 : memref<!tpu.dma_semaphore, #tpu.memory_space<semaphore_mem>>) src(%arg14 : memref<16x768xf32, #tpu.memory_space<vmem>>) dst(%dma_wait3A_673 : memref<16x768xf32, #tpu.memory_space<hbm>>)
      } else {
      }
      %lt3A_591 = arith.cmpi slt, %add3A_585, %select_n3A_425 : i32
      %convert_element_type3A_592 = arith.extui %lt3A_591 : i1 to i32
      %cond3A_593 = arith.constant 0 : i32
      %cond3A_594 = arith.cmpi ne, %convert_element_type3A_592, %cond3A_593 : i32
      scf.if %cond3A_594 {
        %mul3A_669 = arith.constant 16 : i32
        %mul3A_670 = arith.muli %add3A_585, %mul3A_669 : i32
        %get3A_671 = arith.index_cast %mul3A_670 : i32 to index
        %get3A_672 = tpu.vector_load %arg10[%get3A_671] {strides = array<i32>} : memref<6416xi32, #tpu.memory_space<vmem>>, vector<16xi32>,
        %gather3A = tpu.vector_load_idx %arg7[%get3A_672] : memref<6400xi32, #tpu.memory_space<vmem>>[vector<16xi32>], vector<16xi32>,
        %sub3A_673 = arith.constant 150257 : i32
        %sub3A_674 = vector.broadcast %sub3A_673 : i32 to vector<16xi32>
        %sub3A_675 = arith.subi %gather3A, %sub3A_674 : vector<16xi32>
        %dma_start3A = arith.constant 0 : i32
        %dma_start3A_676 = arith.constant 0 : i32
        %dma_start3A_677 = tpu.memref_slice %arg5[%dma_start3A, %dma_start3A_676] : memref<100000x768xf32, #tpu.memory_space<hbm>> -> memref<100000x768xf32, #tpu.memory_space<hbm>>
        tpu.enqueue_indirect_dma source(%dma_start3A_677 : memref<100000x768xf32, #tpu.memory_space<hbm>>) target(%arg14 : memref<16x768xf32, #tpu.memory_space<vmem>>) offsets(%sub3A_675 : vector<16xi32>) semaphore(%arg20 : memref<!tpu.dma_semaphore, #tpu.memory_space<semaphore_mem>>)
      } else {
      }
      %mul3A_595 = arith.constant 6 : i32
      %mul3A_596 = arith.muli %while3A_542, %mul3A_595 : i32
      %add3A_597 = arith.constant 4 : i32
      %add3A_598 = arith.addi %mul3A_596, %add3A_597 : i32
      %gt3A_599 = arith.constant 0 : i32
      %gt3A_600 = arith.cmpi sgt, %while3A_542, %gt3A_599 : i32
      %convert_element_type3A_601 = arith.extui %gt3A_600 : i1 to i32
      %cond3A_602 = arith.constant 0 : i32
      %cond3A_603 = arith.cmpi ne, %convert_element_type3A_601, %cond3A_602 : i32
      scf.if %cond3A_603 {
        %dma_wait3A = arith.constant 0 : i32
        %dma_wait3A_669 = arith.constant 0 : i32
        %dma_wait3A_670 = tpu.memref_slice %arg6[%dma_wait3A, %dma_wait3A_669] : memref<204800x768xf32, #tpu.memory_space<hbm>> -> memref<16x768xf32, #tpu.memory_space<hbm>>
        %dma_wait3A_671 = arith.constant 0 : i32
        %dma_wait3A_672 = arith.constant 0 : i32
        %dma_wait3A_673 = tpu.memref_slice %arg6[%dma_wait3A_671, %dma_wait3A_672] : memref<204800x768xf32, #tpu.memory_space<hbm>> -> memref<16x768xf32, #tpu.memory_space<hbm>>
        tpu.wait_dma2 semaphore(%arg27 : memref<!tpu.dma_semaphore, #tpu.memory_space<semaphore_mem>>) src(%arg15 : memref<16x768xf32, #tpu.memory_space<vmem>>) dst(%dma_wait3A_673 : memref<16x768xf32, #tpu.memory_space<hbm>>)
      } else {
      }
      %lt3A_604 = arith.cmpi slt, %add3A_598, %select_n3A_425 : i32
      %convert_element_type3A_605 = arith.extui %lt3A_604 : i1 to i32
      %cond3A_606 = arith.constant 0 : i32
      %cond3A_607 = arith.cmpi ne, %convert_element_type3A_605, %cond3A_606 : i32
      scf.if %cond3A_607 {
        %mul3A_669 = arith.constant 16 : i32
        %mul3A_670 = arith.muli %add3A_598, %mul3A_669 : i32
        %get3A_671 = arith.index_cast %mul3A_670 : i32 to index
        %get3A_672 = tpu.vector_load %arg10[%get3A_671] {strides = array<i32>} : memref<6416xi32, #tpu.memory_space<vmem>>, vector<16xi32>,
        %gather3A = tpu.vector_load_idx %arg7[%get3A_672] : memref<6400xi32, #tpu.memory_space<vmem>>[vector<16xi32>], vector<16xi32>,
        %sub3A_673 = arith.constant 150257 : i32
        %sub3A_674 = vector.broadcast %sub3A_673 : i32 to vector<16xi32>
        %sub3A_675 = arith.subi %gather3A, %sub3A_674 : vector<16xi32>
        %dma_start3A = arith.constant 0 : i32
        %dma_start3A_676 = arith.constant 0 : i32
        %dma_start3A_677 = tpu.memref_slice %arg5[%dma_start3A, %dma_start3A_676] : memref<100000x768xf32, #tpu.memory_space<hbm>> -> memref<100000x768xf32, #tpu.memory_space<hbm>>
        tpu.enqueue_indirect_dma source(%dma_start3A_677 : memref<100000x768xf32, #tpu.memory_space<hbm>>) target(%arg15 : memref<16x768xf32, #tpu.memory_space<vmem>>) offsets(%sub3A_675 : vector<16xi32>) semaphore(%arg21 : memref<!tpu.dma_semaphore, #tpu.memory_space<semaphore_mem>>)
      } else {
      }
      %mul3A_608 = arith.constant 6 : i32
      %mul3A_609 = arith.muli %while3A_542, %mul3A_608 : i32
      %add3A_610 = arith.constant 5 : i32
      %add3A_611 = arith.addi %mul3A_609, %add3A_610 : i32
      %gt3A_612 = arith.constant 0 : i32
      %gt3A_613 = arith.cmpi sgt, %while3A_542, %gt3A_612 : i32
      %convert_element_type3A_614 = arith.extui %gt3A_613 : i1 to i32
      %cond3A_615 = arith.constant 0 : i32
      %cond3A_616 = arith.cmpi ne, %convert_element_type3A_614, %cond3A_615 : i32
      scf.if %cond3A_616 {
        %dma_wait3A = arith.constant 0 : i32
        %dma_wait3A_669 = arith.constant 0 : i32
        %dma_wait3A_670 = tpu.memref_slice %arg6[%dma_wait3A, %dma_wait3A_669] : memref<204800x768xf32, #tpu.memory_space<hbm>> -> memref<16x768xf32, #tpu.memory_space<hbm>>
        %dma_wait3A_671 = arith.constant 0 : i32
        %dma_wait3A_672 = arith.constant 0 : i32
        %dma_wait3A_673 = tpu.memref_slice %arg6[%dma_wait3A_671, %dma_wait3A_672] : memref<204800x768xf32, #tpu.memory_space<hbm>> -> memref<16x768xf32, #tpu.memory_space<hbm>>
        tpu.wait_dma2 semaphore(%arg28 : memref<!tpu.dma_semaphore, #tpu.memory_space<semaphore_mem>>) src(%arg16 : memref<16x768xf32, #tpu.memory_space<vmem>>) dst(%dma_wait3A_673 : memref<16x768xf32, #tpu.memory_space<hbm>>)
      } else {
      }
      %lt3A_617 = arith.cmpi slt, %add3A_611, %select_n3A_425 : i32
      %convert_element_type3A_618 = arith.extui %lt3A_617 : i1 to i32
      %cond3A_619 = arith.constant 0 : i32
      %cond3A_620 = arith.cmpi ne, %convert_element_type3A_618, %cond3A_619 : i32
      scf.if %cond3A_620 {
        %mul3A_669 = arith.constant 16 : i32
        %mul3A_670 = arith.muli %add3A_611, %mul3A_669 : i32
        %get3A_671 = arith.index_cast %mul3A_670 : i32 to index
        %get3A_672 = tpu.vector_load %arg10[%get3A_671] {strides = array<i32>} : memref<6416xi32, #tpu.memory_space<vmem>>, vector<16xi32>,
        %gather3A = tpu.vector_load_idx %arg7[%get3A_672] : memref<6400xi32, #tpu.memory_space<vmem>>[vector<16xi32>], vector<16xi32>,
        %sub3A_673 = arith.constant 150257 : i32
        %sub3A_674 = vector.broadcast %sub3A_673 : i32 to vector<16xi32>
        %sub3A_675 = arith.subi %gather3A, %sub3A_674 : vector<16xi32>
        %dma_start3A = arith.constant 0 : i32
        %dma_start3A_676 = arith.constant 0 : i32
        %dma_start3A_677 = tpu.memref_slice %arg5[%dma_start3A, %dma_start3A_676] : memref<100000x768xf32, #tpu.memory_space<hbm>> -> memref<100000x768xf32, #tpu.memory_space<hbm>>
        tpu.enqueue_indirect_dma source(%dma_start3A_677 : memref<100000x768xf32, #tpu.memory_space<hbm>>) target(%arg16 : memref<16x768xf32, #tpu.memory_space<vmem>>) offsets(%sub3A_675 : vector<16xi32>) semaphore(%arg22 : memref<!tpu.dma_semaphore, #tpu.memory_space<semaphore_mem>>)
      } else {
      }
      %mul3A_621 = arith.constant 6 : i32
      %mul3A_622 = arith.muli %while3A_542, %mul3A_621 : i32
      %add3A_623 = arith.constant 0 : i32
      %add3A_624 = arith.addi %mul3A_622, %add3A_623 : i32
      %lt3A_625 = arith.cmpi slt, %add3A_624, %select_n3A_425 : i32
      %convert_element_type3A_626 = arith.extui %lt3A_625 : i1 to i32
      %cond3A_627 = arith.constant 0 : i32
      %cond3A_628 = arith.cmpi ne, %convert_element_type3A_626, %cond3A_627 : i32
      scf.if %cond3A_628 {
        %dma_wait3A = arith.constant 0 : i32
        %dma_wait3A_669 = arith.constant 0 : i32
        %dma_wait3A_670 = tpu.memref_slice %arg5[%dma_wait3A, %dma_wait3A_669] : memref<100000x768xf32, #tpu.memory_space<hbm>> -> memref<16x768xf32, #tpu.memory_space<hbm>>
        %dma_wait3A_671 = arith.constant 0 : i32
        %dma_wait3A_672 = arith.constant 0 : i32
        %dma_wait3A_673 = tpu.memref_slice %arg5[%dma_wait3A_671, %dma_wait3A_672] : memref<100000x768xf32, #tpu.memory_space<hbm>> -> memref<16x768xf32, #tpu.memory_space<hbm>>
        tpu.wait_dma2 semaphore(%arg17 : memref<!tpu.dma_semaphore, #tpu.memory_space<semaphore_mem>>) src(%dma_wait3A_673 : memref<16x768xf32, #tpu.memory_space<hbm>>) dst(%arg11 : memref<16x768xf32, #tpu.memory_space<vmem>>)
        %mul3A_674 = arith.constant 16 : i32
        %mul3A_675 = arith.muli %add3A_624, %mul3A_674 : i32
        %get3A_676 = arith.index_cast %mul3A_675 : i32 to index
        %get3A_677 = tpu.vector_load %arg10[%get3A_676] {strides = array<i32>} : memref<6416xi32, #tpu.memory_space<vmem>>, vector<16xi32>,
        %add3A_678 = vector.broadcast %mul3A_2 : i32 to vector<16xi32>
        %add3A_679 = arith.addi %get3A_677, %add3A_678 : vector<16xi32>
        %dma_start3A = arith.constant 0 : i32
        %dma_start3A_680 = arith.constant 0 : i32
        %dma_start3A_681 = tpu.memref_slice %arg6[%dma_start3A, %dma_start3A_680] : memref<204800x768xf32, #tpu.memory_space<hbm>> -> memref<204800x768xf32, #tpu.memory_space<hbm>>
        tpu.enqueue_indirect_dma source(%arg11 : memref<16x768xf32, #tpu.memory_space<vmem>>) target(%dma_start3A_681 : memref<204800x768xf32, #tpu.memory_space<hbm>>) offsets(%add3A_679 : vector<16xi32>) semaphore(%arg23 : memref<!tpu.dma_semaphore, #tpu.memory_space<semaphore_mem>>)
      } else {
      }
      %mul3A_629 = arith.constant 6 : i32
      %mul3A_630 = arith.muli %while3A_542, %mul3A_629 : i32
      %add3A_631 = arith.constant 1 : i32
      %add3A_632 = arith.addi %mul3A_630, %add3A_631 : i32
      %lt3A_633 = arith.cmpi slt, %add3A_632, %select_n3A_425 : i32
      %convert_element_type3A_634 = arith.extui %lt3A_633 : i1 to i32
      %cond3A_635 = arith.constant 0 : i32
      %cond3A_636 = arith.cmpi ne, %convert_element_type3A_634, %cond3A_635 : i32
      scf.if %cond3A_636 {
        %dma_wait3A = arith.constant 0 : i32
        %dma_wait3A_669 = arith.constant 0 : i32
        %dma_wait3A_670 = tpu.memref_slice %arg5[%dma_wait3A, %dma_wait3A_669] : memref<100000x768xf32, #tpu.memory_space<hbm>> -> memref<16x768xf32, #tpu.memory_space<hbm>>
        %dma_wait3A_671 = arith.constant 0 : i32
        %dma_wait3A_672 = arith.constant 0 : i32
        %dma_wait3A_673 = tpu.memref_slice %arg5[%dma_wait3A_671, %dma_wait3A_672] : memref<100000x768xf32, #tpu.memory_space<hbm>> -> memref<16x768xf32, #tpu.memory_space<hbm>>
        tpu.wait_dma2 semaphore(%arg18 : memref<!tpu.dma_semaphore, #tpu.memory_space<semaphore_mem>>) src(%dma_wait3A_673 : memref<16x768xf32, #tpu.memory_space<hbm>>) dst(%arg12 : memref<16x768xf32, #tpu.memory_space<vmem>>)
        %mul3A_674 = arith.constant 16 : i32
        %mul3A_675 = arith.muli %add3A_632, %mul3A_674 : i32
        %get3A_676 = arith.index_cast %mul3A_675 : i32 to index
        %get3A_677 = tpu.vector_load %arg10[%get3A_676] {strides = array<i32>} : memref<6416xi32, #tpu.memory_space<vmem>>, vector<16xi32>,
        %add3A_678 = vector.broadcast %mul3A_2 : i32 to vector<16xi32>
        %add3A_679 = arith.addi %get3A_677, %add3A_678 : vector<16xi32>
        %dma_start3A = arith.constant 0 : i32
        %dma_start3A_680 = arith.constant 0 : i32
        %dma_start3A_681 = tpu.memref_slice %arg6[%dma_start3A, %dma_start3A_680] : memref<204800x768xf32, #tpu.memory_space<hbm>> -> memref<204800x768xf32, #tpu.memory_space<hbm>>
        tpu.enqueue_indirect_dma source(%arg12 : memref<16x768xf32, #tpu.memory_space<vmem>>) target(%dma_start3A_681 : memref<204800x768xf32, #tpu.memory_space<hbm>>) offsets(%add3A_679 : vector<16xi32>) semaphore(%arg24 : memref<!tpu.dma_semaphore, #tpu.memory_space<semaphore_mem>>)
      } else {
      }
      %mul3A_637 = arith.constant 6 : i32
      %mul3A_638 = arith.muli %while3A_542, %mul3A_637 : i32
      %add3A_639 = arith.constant 2 : i32
      %add3A_640 = arith.addi %mul3A_638, %add3A_639 : i32
      %lt3A_641 = arith.cmpi slt, %add3A_640, %select_n3A_425 : i32
      %convert_element_type3A_642 = arith.extui %lt3A_641 : i1 to i32
      %cond3A_643 = arith.constant 0 : i32
      %cond3A_644 = arith.cmpi ne, %convert_element_type3A_642, %cond3A_643 : i32
      scf.if %cond3A_644 {
        %dma_wait3A = arith.constant 0 : i32
        %dma_wait3A_669 = arith.constant 0 : i32
        %dma_wait3A_670 = tpu.memref_slice %arg5[%dma_wait3A, %dma_wait3A_669] : memref<100000x768xf32, #tpu.memory_space<hbm>> -> memref<16x768xf32, #tpu.memory_space<hbm>>
        %dma_wait3A_671 = arith.constant 0 : i32
        %dma_wait3A_672 = arith.constant 0 : i32
        %dma_wait3A_673 = tpu.memref_slice %arg5[%dma_wait3A_671, %dma_wait3A_672] : memref<100000x768xf32, #tpu.memory_space<hbm>> -> memref<16x768xf32, #tpu.memory_space<hbm>>
        tpu.wait_dma2 semaphore(%arg19 : memref<!tpu.dma_semaphore, #tpu.memory_space<semaphore_mem>>) src(%dma_wait3A_673 : memref<16x768xf32, #tpu.memory_space<hbm>>) dst(%arg13 : memref<16x768xf32, #tpu.memory_space<vmem>>)
        %mul3A_674 = arith.constant 16 : i32
        %mul3A_675 = arith.muli %add3A_640, %mul3A_674 : i32
        %get3A_676 = arith.index_cast %mul3A_675 : i32 to index
        %get3A_677 = tpu.vector_load %arg10[%get3A_676] {strides = array<i32>} : memref<6416xi32, #tpu.memory_space<vmem>>, vector<16xi32>,
        %add3A_678 = vector.broadcast %mul3A_2 : i32 to vector<16xi32>
        %add3A_679 = arith.addi %get3A_677, %add3A_678 : vector<16xi32>
        %dma_start3A = arith.constant 0 : i32
        %dma_start3A_680 = arith.constant 0 : i32
        %dma_start3A_681 = tpu.memref_slice %arg6[%dma_start3A, %dma_start3A_680] : memref<204800x768xf32, #tpu.memory_space<hbm>> -> memref<204800x768xf32, #tpu.memory_space<hbm>>
        tpu.enqueue_indirect_dma source(%arg13 : memref<16x768xf32, #tpu.memory_space<vmem>>) target(%dma_start3A_681 : memref<204800x768xf32, #tpu.memory_space<hbm>>) offsets(%add3A_679 : vector<16xi32>) semaphore(%arg25 : memref<!tpu.dma_semaphore, #tpu.memory_space<semaphore_mem>>)
      } else {
      }
      %mul3A_645 = arith.constant 6 : i32
      %mul3A_646 = arith.muli %while3A_542, %mul3A_645 : i32
      %add3A_647 = arith.constant 3 : i32
      %add3A_648 = arith.addi %mul3A_646, %add3A_647 : i32
      %lt3A_649 = arith.cmpi slt, %add3A_648, %select_n3A_425 : i32
      %convert_element_type3A_650 = arith.extui %lt3A_649 : i1 to i32
      %cond3A_651 = arith.constant 0 : i32
      %cond3A_652 = arith.cmpi ne, %convert_element_type3A_650, %cond3A_651 : i32
      scf.if %cond3A_652 {
        %dma_wait3A = arith.constant 0 : i32
        %dma_wait3A_669 = arith.constant 0 : i32
        %dma_wait3A_670 = tpu.memref_slice %arg5[%dma_wait3A, %dma_wait3A_669] : memref<100000x768xf32, #tpu.memory_space<hbm>> -> memref<16x768xf32, #tpu.memory_space<hbm>>
        %dma_wait3A_671 = arith.constant 0 : i32
        %dma_wait3A_672 = arith.constant 0 : i32
        %dma_wait3A_673 = tpu.memref_slice %arg5[%dma_wait3A_671, %dma_wait3A_672] : memref<100000x768xf32, #tpu.memory_space<hbm>> -> memref<16x768xf32, #tpu.memory_space<hbm>>
        tpu.wait_dma2 semaphore(%arg20 : memref<!tpu.dma_semaphore, #tpu.memory_space<semaphore_mem>>) src(%dma_wait3A_673 : memref<16x768xf32, #tpu.memory_space<hbm>>) dst(%arg14 : memref<16x768xf32, #tpu.memory_space<vmem>>)
        %mul3A_674 = arith.constant 16 : i32
        %mul3A_675 = arith.muli %add3A_648, %mul3A_674 : i32
        %get3A_676 = arith.index_cast %mul3A_675 : i32 to index
        %get3A_677 = tpu.vector_load %arg10[%get3A_676] {strides = array<i32>} : memref<6416xi32, #tpu.memory_space<vmem>>, vector<16xi32>,
        %add3A_678 = vector.broadcast %mul3A_2 : i32 to vector<16xi32>
        %add3A_679 = arith.addi %get3A_677, %add3A_678 : vector<16xi32>
        %dma_start3A = arith.constant 0 : i32
        %dma_start3A_680 = arith.constant 0 : i32
        %dma_start3A_681 = tpu.memref_slice %arg6[%dma_start3A, %dma_start3A_680] : memref<204800x768xf32, #tpu.memory_space<hbm>> -> memref<204800x768xf32, #tpu.memory_space<hbm>>
        tpu.enqueue_indirect_dma source(%arg14 : memref<16x768xf32, #tpu.memory_space<vmem>>) target(%dma_start3A_681 : memref<204800x768xf32, #tpu.memory_space<hbm>>) offsets(%add3A_679 : vector<16xi32>) semaphore(%arg26 : memref<!tpu.dma_semaphore, #tpu.memory_space<semaphore_mem>>)
      } else {
      }
      %mul3A_653 = arith.constant 6 : i32
      %mul3A_654 = arith.muli %while3A_542, %mul3A_653 : i32
      %add3A_655 = arith.constant 4 : i32
      %add3A_656 = arith.addi %mul3A_654, %add3A_655 : i32
      %lt3A_657 = arith.cmpi slt, %add3A_656, %select_n3A_425 : i32
      %convert_element_type3A_658 = arith.extui %lt3A_657 : i1 to i32
      %cond3A_659 = arith.constant 0 : i32
      %cond3A_660 = arith.cmpi ne, %convert_element_type3A_658, %cond3A_659 : i32
      scf.if %cond3A_660 {
        %dma_wait3A = arith.constant 0 : i32
        %dma_wait3A_669 = arith.constant 0 : i32
        %dma_wait3A_670 = tpu.memref_slice %arg5[%dma_wait3A, %dma_wait3A_669] : memref<100000x768xf32, #tpu.memory_space<hbm>> -> memref<16x768xf32, #tpu.memory_space<hbm>>
        %dma_wait3A_671 = arith.constant 0 : i32
        %dma_wait3A_672 = arith.constant 0 : i32
        %dma_wait3A_673 = tpu.memref_slice %arg5[%dma_wait3A_671, %dma_wait3A_672] : memref<100000x768xf32, #tpu.memory_space<hbm>> -> memref<16x768xf32, #tpu.memory_space<hbm>>
        tpu.wait_dma2 semaphore(%arg21 : memref<!tpu.dma_semaphore, #tpu.memory_space<semaphore_mem>>) src(%dma_wait3A_673 : memref<16x768xf32, #tpu.memory_space<hbm>>) dst(%arg15 : memref<16x768xf32, #tpu.memory_space<vmem>>)
        %mul3A_674 = arith.constant 16 : i32
        %mul3A_675 = arith.muli %add3A_656, %mul3A_674 : i32
        %get3A_676 = arith.index_cast %mul3A_675 : i32 to index
        %get3A_677 = tpu.vector_load %arg10[%get3A_676] {strides = array<i32>} : memref<6416xi32, #tpu.memory_space<vmem>>, vector<16xi32>,
        %add3A_678 = vector.broadcast %mul3A_2 : i32 to vector<16xi32>
        %add3A_679 = arith.addi %get3A_677, %add3A_678 : vector<16xi32>
        %dma_start3A = arith.constant 0 : i32
        %dma_start3A_680 = arith.constant 0 : i32
        %dma_start3A_681 = tpu.memref_slice %arg6[%dma_start3A, %dma_start3A_680] : memref<204800x768xf32, #tpu.memory_space<hbm>> -> memref<204800x768xf32, #tpu.memory_space<hbm>>
        tpu.enqueue_indirect_dma source(%arg15 : memref<16x768xf32, #tpu.memory_space<vmem>>) target(%dma_start3A_681 : memref<204800x768xf32, #tpu.memory_space<hbm>>) offsets(%add3A_679 : vector<16xi32>) semaphore(%arg27 : memref<!tpu.dma_semaphore, #tpu.memory_space<semaphore_mem>>)
      } else {
      }
      %mul3A_661 = arith.constant 6 : i32
      %mul3A_662 = arith.muli %while3A_542, %mul3A_661 : i32
      %add3A_663 = arith.constant 5 : i32
      %add3A_664 = arith.addi %mul3A_662, %add3A_663 : i32
      %lt3A_665 = arith.cmpi slt, %add3A_664, %select_n3A_425 : i32
      %convert_element_type3A_666 = arith.extui %lt3A_665 : i1 to i32
      %cond3A_667 = arith.constant 0 : i32
      %cond3A_668 = arith.cmpi ne, %convert_element_type3A_666, %cond3A_667 : i32
      scf.if %cond3A_668 {
        %dma_wait3A = arith.constant 0 : i32
        %dma_wait3A_669 = arith.constant 0 : i32
        %dma_wait3A_670 = tpu.memref_slice %arg5[%dma_wait3A, %dma_wait3A_669] : memref<100000x768xf32, #tpu.memory_space<hbm>> -> memref<16x768xf32, #tpu.memory_space<hbm>>
        %dma_wait3A_671 = arith.constant 0 : i32
        %dma_wait3A_672 = arith.constant 0 : i32
        %dma_wait3A_673 = tpu.memref_slice %arg5[%dma_wait3A_671, %dma_wait3A_672] : memref<100000x768xf32, #tpu.memory_space<hbm>> -> memref<16x768xf32, #tpu.memory_space<hbm>>
        tpu.wait_dma2 semaphore(%arg22 : memref<!tpu.dma_semaphore, #tpu.memory_space<semaphore_mem>>) src(%dma_wait3A_673 : memref<16x768xf32, #tpu.memory_space<hbm>>) dst(%arg16 : memref<16x768xf32, #tpu.memory_space<vmem>>)
        %mul3A_674 = arith.constant 16 : i32
        %mul3A_675 = arith.muli %add3A_664, %mul3A_674 : i32
        %get3A_676 = arith.index_cast %mul3A_675 : i32 to index
        %get3A_677 = tpu.vector_load %arg10[%get3A_676] {strides = array<i32>} : memref<6416xi32, #tpu.memory_space<vmem>>, vector<16xi32>,
        %add3A_678 = vector.broadcast %mul3A_2 : i32 to vector<16xi32>
        %add3A_679 = arith.addi %get3A_677, %add3A_678 : vector<16xi32>
        %dma_start3A = arith.constant 0 : i32
        %dma_start3A_680 = arith.constant 0 : i32
        %dma_start3A_681 = tpu.memref_slice %arg6[%dma_start3A, %dma_start3A_680] : memref<204800x768xf32, #tpu.memory_space<hbm>> -> memref<204800x768xf32, #tpu.memory_space<hbm>>
        tpu.enqueue_indirect_dma source(%arg16 : memref<16x768xf32, #tpu.memory_space<vmem>>) target(%dma_start3A_681 : memref<204800x768xf32, #tpu.memory_space<hbm>>) offsets(%add3A_679 : vector<16xi32>) semaphore(%arg28 : memref<!tpu.dma_semaphore, #tpu.memory_space<semaphore_mem>>)
      } else {
      }
    }
    %gt3A_464 = arith.constant 0 : i32
    %gt3A_465 = arith.cmpi sgt, %select_n3A_453, %gt3A_464 : i32
    %sub3A_466 = arith.constant 1 : i32
    %sub3A_467 = arith.subi %select_n3A_453, %sub3A_466 : i32
    %mul3A_468 = arith.constant 6 : i32
    %mul3A_469 = arith.muli %sub3A_467, %mul3A_468 : i32
    %add3A_470 = arith.constant 0 : i32
    %add3A_471 = arith.addi %mul3A_469, %add3A_470 : i32
    %lt3A_472 = arith.cmpi slt, %add3A_471, %select_n3A_425 : i32
    %and3A_473 = arith.andi %gt3A_465, %lt3A_472 : i1
    %convert_element_type3A_474 = arith.extui %and3A_473 : i1 to i32
    %cond3A_475 = arith.constant 0 : i32
    %cond3A_476 = arith.cmpi ne, %convert_element_type3A_474, %cond3A_475 : i32
    scf.if %cond3A_476 {
      %dma_wait3A = arith.constant 0 : i32
      %dma_wait3A_542 = arith.constant 0 : i32
      %dma_wait3A_543 = tpu.memref_slice %arg6[%dma_wait3A, %dma_wait3A_542] : memref<204800x768xf32, #tpu.memory_space<hbm>> -> memref<16x768xf32, #tpu.memory_space<hbm>>
      %dma_wait3A_544 = arith.constant 0 : i32
      %dma_wait3A_545 = arith.constant 0 : i32
      %dma_wait3A_546 = tpu.memref_slice %arg6[%dma_wait3A_544, %dma_wait3A_545] : memref<204800x768xf32, #tpu.memory_space<hbm>> -> memref<16x768xf32, #tpu.memory_space<hbm>>
      tpu.wait_dma2 semaphore(%arg23 : memref<!tpu.dma_semaphore, #tpu.memory_space<semaphore_mem>>) src(%arg11 : memref<16x768xf32, #tpu.memory_space<vmem>>) dst(%dma_wait3A_546 : memref<16x768xf32, #tpu.memory_space<hbm>>)
    } else {
    }
    %gt3A_477 = arith.constant 0 : i32
    %gt3A_478 = arith.cmpi sgt, %select_n3A_453, %gt3A_477 : i32
    %sub3A_479 = arith.constant 1 : i32
    %sub3A_480 = arith.subi %select_n3A_453, %sub3A_479 : i32
    %mul3A_481 = arith.constant 6 : i32
    %mul3A_482 = arith.muli %sub3A_480, %mul3A_481 : i32
    %add3A_483 = arith.constant 1 : i32
    %add3A_484 = arith.addi %mul3A_482, %add3A_483 : i32
    %lt3A_485 = arith.cmpi slt, %add3A_484, %select_n3A_425 : i32
    %and3A_486 = arith.andi %gt3A_478, %lt3A_485 : i1
    %convert_element_type3A_487 = arith.extui %and3A_486 : i1 to i32
    %cond3A_488 = arith.constant 0 : i32
    %cond3A_489 = arith.cmpi ne, %convert_element_type3A_487, %cond3A_488 : i32
    scf.if %cond3A_489 {
      %dma_wait3A = arith.constant 0 : i32
      %dma_wait3A_542 = arith.constant 0 : i32
      %dma_wait3A_543 = tpu.memref_slice %arg6[%dma_wait3A, %dma_wait3A_542] : memref<204800x768xf32, #tpu.memory_space<hbm>> -> memref<16x768xf32, #tpu.memory_space<hbm>>
      %dma_wait3A_544 = arith.constant 0 : i32
      %dma_wait3A_545 = arith.constant 0 : i32
      %dma_wait3A_546 = tpu.memref_slice %arg6[%dma_wait3A_544, %dma_wait3A_545] : memref<204800x768xf32, #tpu.memory_space<hbm>> -> memref<16x768xf32, #tpu.memory_space<hbm>>
      tpu.wait_dma2 semaphore(%arg24 : memref<!tpu.dma_semaphore, #tpu.memory_space<semaphore_mem>>) src(%arg12 : memref<16x768xf32, #tpu.memory_space<vmem>>) dst(%dma_wait3A_546 : memref<16x768xf32, #tpu.memory_space<hbm>>)
    } else {
    }
    %gt3A_490 = arith.constant 0 : i32
    %gt3A_491 = arith.cmpi sgt, %select_n3A_453, %gt3A_490 : i32
    %sub3A_492 = arith.constant 1 : i32
    %sub3A_493 = arith.subi %select_n3A_453, %sub3A_492 : i32
    %mul3A_494 = arith.constant 6 : i32
    %mul3A_495 = arith.muli %sub3A_493, %mul3A_494 : i32
    %add3A_496 = arith.constant 2 : i32
    %add3A_497 = arith.addi %mul3A_495, %add3A_496 : i32
    %lt3A_498 = arith.cmpi slt, %add3A_497, %select_n3A_425 : i32
    %and3A_499 = arith.andi %gt3A_491, %lt3A_498 : i1
    %convert_element_type3A_500 = arith.extui %and3A_499 : i1 to i32
    %cond3A_501 = arith.constant 0 : i32
    %cond3A_502 = arith.cmpi ne, %convert_element_type3A_500, %cond3A_501 : i32
    scf.if %cond3A_502 {
      %dma_wait3A = arith.constant 0 : i32
      %dma_wait3A_542 = arith.constant 0 : i32
      %dma_wait3A_543 = tpu.memref_slice %arg6[%dma_wait3A, %dma_wait3A_542] : memref<204800x768xf32, #tpu.memory_space<hbm>> -> memref<16x768xf32, #tpu.memory_space<hbm>>
      %dma_wait3A_544 = arith.constant 0 : i32
      %dma_wait3A_545 = arith.constant 0 : i32
      %dma_wait3A_546 = tpu.memref_slice %arg6[%dma_wait3A_544, %dma_wait3A_545] : memref<204800x768xf32, #tpu.memory_space<hbm>> -> memref<16x768xf32, #tpu.memory_space<hbm>>
      tpu.wait_dma2 semaphore(%arg25 : memref<!tpu.dma_semaphore, #tpu.memory_space<semaphore_mem>>) src(%arg13 : memref<16x768xf32, #tpu.memory_space<vmem>>) dst(%dma_wait3A_546 : memref<16x768xf32, #tpu.memory_space<hbm>>)
    } else {
    }
    %gt3A_503 = arith.constant 0 : i32
    %gt3A_504 = arith.cmpi sgt, %select_n3A_453, %gt3A_503 : i32
    %sub3A_505 = arith.constant 1 : i32
    %sub3A_506 = arith.subi %select_n3A_453, %sub3A_505 : i32
    %mul3A_507 = arith.constant 6 : i32
    %mul3A_508 = arith.muli %sub3A_506, %mul3A_507 : i32
    %add3A_509 = arith.constant 3 : i32
    %add3A_510 = arith.addi %mul3A_508, %add3A_509 : i32
    %lt3A_511 = arith.cmpi slt, %add3A_510, %select_n3A_425 : i32
    %and3A_512 = arith.andi %gt3A_504, %lt3A_511 : i1
    %convert_element_type3A_513 = arith.extui %and3A_512 : i1 to i32
    %cond3A_514 = arith.constant 0 : i32
    %cond3A_515 = arith.cmpi ne, %convert_element_type3A_513, %cond3A_514 : i32
    scf.if %cond3A_515 {
      %dma_wait3A = arith.constant 0 : i32
      %dma_wait3A_542 = arith.constant 0 : i32
      %dma_wait3A_543 = tpu.memref_slice %arg6[%dma_wait3A, %dma_wait3A_542] : memref<204800x768xf32, #tpu.memory_space<hbm>> -> memref<16x768xf32, #tpu.memory_space<hbm>>
      %dma_wait3A_544 = arith.constant 0 : i32
      %dma_wait3A_545 = arith.constant 0 : i32
      %dma_wait3A_546 = tpu.memref_slice %arg6[%dma_wait3A_544, %dma_wait3A_545] : memref<204800x768xf32, #tpu.memory_space<hbm>> -> memref<16x768xf32, #tpu.memory_space<hbm>>
      tpu.wait_dma2 semaphore(%arg26 : memref<!tpu.dma_semaphore, #tpu.memory_space<semaphore_mem>>) src(%arg14 : memref<16x768xf32, #tpu.memory_space<vmem>>) dst(%dma_wait3A_546 : memref<16x768xf32, #tpu.memory_space<hbm>>)
    } else {
    }
    %gt3A_516 = arith.constant 0 : i32
    %gt3A_517 = arith.cmpi sgt, %select_n3A_453, %gt3A_516 : i32
    %sub3A_518 = arith.constant 1 : i32
    %sub3A_519 = arith.subi %select_n3A_453, %sub3A_518 : i32
    %mul3A_520 = arith.constant 6 : i32
    %mul3A_521 = arith.muli %sub3A_519, %mul3A_520 : i32
    %add3A_522 = arith.constant 4 : i32
    %add3A_523 = arith.addi %mul3A_521, %add3A_522 : i32
    %lt3A_524 = arith.cmpi slt, %add3A_523, %select_n3A_425 : i32
    %and3A_525 = arith.andi %gt3A_517, %lt3A_524 : i1
    %convert_element_type3A_526 = arith.extui %and3A_525 : i1 to i32
    %cond3A_527 = arith.constant 0 : i32
    %cond3A_528 = arith.cmpi ne, %convert_element_type3A_526, %cond3A_527 : i32
    scf.if %cond3A_528 {
      %dma_wait3A = arith.constant 0 : i32
      %dma_wait3A_542 = arith.constant 0 : i32
      %dma_wait3A_543 = tpu.memref_slice %arg6[%dma_wait3A, %dma_wait3A_542] : memref<204800x768xf32, #tpu.memory_space<hbm>> -> memref<16x768xf32, #tpu.memory_space<hbm>>
      %dma_wait3A_544 = arith.constant 0 : i32
      %dma_wait3A_545 = arith.constant 0 : i32
      %dma_wait3A_546 = tpu.memref_slice %arg6[%dma_wait3A_544, %dma_wait3A_545] : memref<204800x768xf32, #tpu.memory_space<hbm>> -> memref<16x768xf32, #tpu.memory_space<hbm>>
      tpu.wait_dma2 semaphore(%arg27 : memref<!tpu.dma_semaphore, #tpu.memory_space<semaphore_mem>>) src(%arg15 : memref<16x768xf32, #tpu.memory_space<vmem>>) dst(%dma_wait3A_546 : memref<16x768xf32, #tpu.memory_space<hbm>>)
    } else {
    }
    %gt3A_529 = arith.constant 0 : i32
    %gt3A_530 = arith.cmpi sgt, %select_n3A_453, %gt3A_529 : i32
    %sub3A_531 = arith.constant 1 : i32
    %sub3A_532 = arith.subi %select_n3A_453, %sub3A_531 : i32
    %mul3A_533 = arith.constant 6 : i32
    %mul3A_534 = arith.muli %sub3A_532, %mul3A_533 : i32
    %add3A_535 = arith.constant 5 : i32
    %add3A_536 = arith.addi %mul3A_534, %add3A_535 : i32
    %lt3A_537 = arith.cmpi slt, %add3A_536, %select_n3A_425 : i32
    %and3A_538 = arith.andi %gt3A_530, %lt3A_537 : i1
    %convert_element_type3A_539 = arith.extui %and3A_538 : i1 to i32
    %cond3A_540 = arith.constant 0 : i32
    %cond3A_541 = arith.cmpi ne, %convert_element_type3A_539, %cond3A_540 : i32
    scf.if %cond3A_541 {
      %dma_wait3A = arith.constant 0 : i32
      %dma_wait3A_542 = arith.constant 0 : i32
      %dma_wait3A_543 = tpu.memref_slice %arg6[%dma_wait3A, %dma_wait3A_542] : memref<204800x768xf32, #tpu.memory_space<hbm>> -> memref<16x768xf32, #tpu.memory_space<hbm>>
      %dma_wait3A_544 = arith.constant 0 : i32
      %dma_wait3A_545 = arith.constant 0 : i32
      %dma_wait3A_546 = tpu.memref_slice %arg6[%dma_wait3A_544, %dma_wait3A_545] : memref<204800x768xf32, #tpu.memory_space<hbm>> -> memref<16x768xf32, #tpu.memory_space<hbm>>
      tpu.wait_dma2 semaphore(%arg28 : memref<!tpu.dma_semaphore, #tpu.memory_space<semaphore_mem>>) src(%arg16 : memref<16x768xf32, #tpu.memory_space<vmem>>) dst(%dma_wait3A_546 : memref<16x768xf32, #tpu.memory_space<hbm>>)
    } else {
    }
    return
  }
}

</mosaic_0001>

<sc_bundles>
// kernel: kernel.3.cloned.1.call-start
scs
__scs_entry_jumppad:
0x0: {  	(pc) =	sbr.rel $0x88, $3  }
0x1: {  	(tag) =	ssettag $0x0;
	lr =	simm.s32 $0x1  }
0x2: {  	[smem:$0x3F9D] =	sst lr;
	_ =	strace $0xD0000000  }
0x3: {  	_ = 	snop  }
0x4: {  	_ = 	snop  }
0x5: {  	_ = 	snop  }
0x6: {  	_ = 	snop  }
0x7: {  	_ = 	snop  }
__scs_overlays_trampoline_lowered:
0x8: {  	[smem:$0x3FAC] =	sst s0  }
0x9: {  	[smem:$0x3FAD] =	sst s1  }
0xa: {  	[smem:$0x3FAE] =	sst s2  }
0xb: {  	[smem:$0x3FAF] =	sst s3  }
0xc: {  	[smem:$0x3FB0] =	sst s4  }
0xd: {  	[smem:$0x3FB1] =	sst s5  }
0xe: {  	[smem:$0x3FB2] =	sst s6  }
0xf: {  	[smem:$0x3FB3] =	sst s7  }
0x10: {  	[smem:$0x3FB4] =	sst s8  }
0x11: {  	[smem:$0x3FB5] =	sst s9;
	s0 =	simm.s32 @!p0 $0x0  }
0x12: {  	s1 =	sld [smem:$0x3F9B];
	s0 =	simm.s32 @p0 $0x1  }
0x13: {  	[smem:$0x3FB6] =	sst s0;
	s0 =	simm.s32 @!p1 $0x0  }
0x14: {  	s2 =	sld [smem:$0x3F9A];
	s0 =	simm.s32 @p1 $0x1  }
0x15: {  	[smem:$0x3FB7] =	sst s0;
	s0 =	simm.s32 @!p2 $0x0  }
0x16: {  	s3 =	sld [smem:$0x3FDB];
	s0 =	simm.s32 @p2 $0x1  }
0x17: {  	s4 =	simm.s32 $0x1BF5;
	[smem:$0x3FB9] =	sst s0  }
0x18: {  	s0 =	sld [smem:$0x3F9C];
	_ =	swait.ge [sflag:s4], $0x0  }
0x19: {  	s7 =	sld [smem:$0x3F9D]  }
0x1a: {  	s8 =	sadd.s32 $0xFFFFE003, lr  }
0x1b: {  	s9 =	sadd.s32 $0xFFFFFEF7, lr;
	s5 =	simm.s32 $0xFFFFFFFF;
	p2 =	slt.u32 s8, $0xFFFFF086  }
0x1c: {  	p1 =	slt.u32 s9, $0xF7A;
	s5 =	simm.s32 @!p2 $0x0  }
0x1d: {  	s5 =	simm.s32 @p1 $0x1;
	p0 =	seq.s32 s7, s2  }
0x1e: {  	s7 =	smul.u32 @!p0 $0xF7A, s2;
	p2 =	seq.s32 @!p0 s5, $0x0  }
0x1f: {  	s9 =	smul.u32 $0xF7A, s1;
	s8 =	simm.s32 @!p0 $0x1BF5;
	p2 =	por !p2, p0  }
0x20: {  	[sflag:s8] =	ssyncset.s32 @!p0 $0xFFFFF086;
	s6 =	sadd.s32 @!p0 s3, s7;
	s7 =	simm.s32 @!p0 $0x108  }
0x21: {  	s3 =	sadd.s32 s3, s9;
	s6 =	sadd.s32 @!p0 $0x88, s6;
	s7 =	simm.s32 @p2 $0x1082  }
0x22: {  	[simem:s7], [sflag:s8] =	dma.local @!p0 [hbm:s6], $0xF7A  }
0x23: {  	s9 =	sor.u32 $0xD0000000, s2;
	s6 =	simm.s32 $0x108;
	_ =	swait.ge @!p0 [sflag:s8], $0x0  }
0x24: {  	s3 =	sadd.s32 $0x88, s3;
	s6 =	simm.s32 @!p1 $0x1082;
	[sflag:s4] =	ssyncset.s32 $0xFFFFF086  }
0x25: {  	[simem:s6], [sflag:s4] =	dma.local [hbm:s3], $0xF7A  }
0x26: {  	[smem:$0x3F9D] =	sst s1;
	(tag) =	ssettag s2;
	_ =	strace s9  }
0x27: {  	s1 =	sld [smem:$0x3FAD]  }
0x28: {  	s2 =	sld [smem:$0x3FAE]  }
0x29: {  	s4 =	sld [smem:$0x3FB0]  }
0x2a: {  	p0 =	seq.s32 s5, $0x0;
	s5 =	sld [smem:$0x3FB1]  }
0x2b: {  	s6 =	sld [smem:$0x3FB2]  }
0x2c: {  	s7 =	sld [smem:$0x3FB3]  }
0x2d: {  	s3 =	simm.s32 $0x108;
	s8 =	sld [smem:$0x3FB4]  }
0x2e: {  	s3 =	simm.s32 @!p0 $0x1082;
	s9 =	sld [smem:$0x3FB5]  }
0x2f: {  	lr =	sadd.s32 s0, s3;
	s0 =	sld [smem:$0x3FAC]  }
0x30: {  	s3 =	sld [smem:$0x3FAF]  }
0x31: {  	[smem:$0x3FB8] =	sst s10  }
0x32: {  	s10 =	sld [smem:$0x3FB6];
	_ =	sdelay $0x3  }
0x33: {  	p0 =	seq.s32 s10, $0x1;
	s10 =	sld [smem:$0x3FB8];
	_ =	sdelay $0x3  }
0x34: {  	[smem:$0x3FB8] =	sst s10  }
0x35: {  	s10 =	sld [smem:$0x3FB7];
	_ =	sdelay $0x3  }
0x36: {  	p1 =	seq.s32 s10, $0x1;
	s10 =	sld [smem:$0x3FB8];
	_ =	sdelay $0x3  }
0x37: {  	[smem:$0x3FB8] =	sst s10  }
0x38: {  	s10 =	sld [smem:$0x3FB9]  }
0x39: {  	_ = 	snop;
	(pc) =	sbr.ind lr, $3  }
0x3a: {  	_ = 	snop  }
0x3b: {  	_ = 	snop  }
0x3c: {  	p2 =	seq.s32 s10, $0x1;
	s10 =	sld [smem:$0x3FB8]  }
0x3d: {  	_ =	shalt  }
0x3e: {  	_ =	shalt  }
0x3f: {  	_ =	shalt  }
0x40: {  	_ =	shalt  }
0x41: {  	_ =	shalt  }
0x42: {  	_ =	shalt  }
0x43: {  	_ =	shalt  }
0x44: {  	_ =	shalt  }
0x45: {  	_ =	shalt  }
0x46: {  	_ =	shalt  }
0x47: {  	_ =	shalt  }
0x48: {  	_ =	shalt  }
0x49: {  	_ =	shalt  }
0x4a: {  	_ =	shalt  }
0x4b: {  	_ =	shalt  }
0x4c: {  	_ =	shalt  }
0x4d: {  	_ =	shalt  }
0x4e: {  	_ =	shalt  }
0x4f: {  	_ =	shalt  }
0x50: {  	_ =	shalt  }
0x51: {  	_ =	shalt  }
0x52: {  	_ =	shalt  }
0x53: {  	_ =	shalt  }
0x54: {  	_ =	shalt  }
0x55: {  	_ =	shalt  }
0x56: {  	_ =	shalt  }
0x57: {  	_ =	shalt  }
0x58: {  	_ =	shalt  }
0x59: {  	_ =	shalt  }
0x5a: {  	_ =	shalt  }
0x5b: {  	_ =	shalt  }
0x5c: {  	_ =	shalt  }
0x5d: {  	_ =	shalt  }
0x5e: {  	_ =	shalt  }
0x5f: {  	_ =	shalt  }
0x60: {  	_ =	shalt  }
0x61: {  	_ =	shalt  }
0x62: {  	_ =	shalt  }
0x63: {  	_ =	shalt  }
0x64: {  	_ =	shalt  }
0x65: {  	_ =	shalt  }
0x66: {  	_ =	shalt  }
0x67: {  	_ =	shalt  }
0x68: {  	_ =	shalt  }
0x69: {  	_ =	shalt  }
0x6a: {  	_ =	shalt  }
0x6b: {  	_ =	shalt  }
0x6c: {  	_ =	shalt  }
0x6d: {  	_ =	shalt  }
0x6e: {  	_ =	shalt  }
0x6f: {  	_ =	shalt  }
0x70: {  	_ =	shalt  }
0x71: {  	_ =	shalt  }
0x72: {  	_ =	shalt  }
0x73: {  	_ =	shalt  }
0x74: {  	_ =	shalt  }
0x75: {  	_ =	shalt  }
0x76: {  	_ =	shalt  }
0x77: {  	_ =	shalt  }
0x78: {  	_ =	shalt  }
0x79: {  	_ =	shalt  }
0x7a: {  	_ =	shalt  }
0x7b: {  	_ =	shalt  }
0x7c: {  	_ =	shalt  }
0x7d: {  	_ =	shalt  }
0x7e: {  	_ =	shalt  }
0x7f: {  	_ =	shalt  }
0x80: {  	_ =	shalt  }
0x81: {  	_ =	shalt  }
0x82: {  	_ =	shalt  }
0x83: {  	_ =	shalt  }
0x84: {  	_ =	shalt  }
0x85: {  	_ =	shalt  }
0x86: {  	_ =	shalt  }
0x87: {  	_ =	shalt  }
.Lfunc_end0:
.L_simem_size_0:
called_computation_lowered:
.L_overlay_start_0:
0x88: {  	s2 =	sld [smem:$0x3FD9]  }
0x89: {  	s3 =	sld [smem:$0x3FFE];
	_ =	sdelay $0x1  }
0x8a: {  	s1 =	srdreg.scid  }
0x8b: {  	s0 =	sand.u32 $0x1, s1  }
0x8c: {  	s17 =	sshll.u32 s0, $0xA;
	s2 =	sadd.s32 s3, s2  }
0x8d: {  	s2 =	sadd.s32 s2, s17  }
0x8e: {  	[smem:$0x3FC4] =	sst s2  }
0x8f: {  	_ = 	snop  }
0x90: {  	s2 =	sld [smem:$0x3FC8]  }
0x91: {  	s18 =	sld [smem:$0x3FC7]  }
0x92: {  	s4 =	sld [smem:$0x3FC6]  }
0x93: {  	s5 =	sld [smem:$0x3FD0];
	(tm) =	ssettm $0x1  }
0x94: {  	s6 =	sld [smem:$0x3FFB];
	_ =	sdelay $0x3  }
0x95: {  	_ =	strace s6  }
0x96: {  	s6 =	sld [smem:$0x3FFC];
	_ =	sdelay $0x3  }
0x97: {  	_ =	strace s6  }
0x98: {  	s6 =	sld [smem:$0x3FFD];
	_ =	sdelay $0x3  }
0x99: {  	_ =	strace s6  }
0x9a: {  	_ =	strace $0x8FFFFFFF  }
0x9b: {  	s19 =	sld [smem:$0x3FDB];
	_ =	sdelay $0x1  }
0x9c: {  	s7 =	simm.s32 $_scs_section_size  }
0x9d: {  	s8 =	simm.s32 $_size__tile_overlayer_lowered;
	s9 =	simm.s32 $_tile_overlayer_lowered  }
0x9e: {  	s22 =	simm.s32 $0x1BFF;
	s21 =	sshll.u32 s9, $0x1;
	s6 =	sadd.s32 s7, s19  }
0x9f: {  	s10 =	simm.s32 $0x0;
	s20 =	sshll.u32 s8, $0x1;
	s8 =	sadd.s32 s21, s6  }
0xa0: {  	[timem:s10], [sflag:s22] =	dma.local [hbm:s8], s20  }
0xa1: {  	_ =	swait.ge [sflag:s22], s20  }
0xa2: {  	s7 =	ssub.s32 $0x0, s20;
	[sflag:s22] =	ssyncset.done $0x0  }
0xa3: {  	[sflag:s22] =	ssyncadd.s32 s7;
	_ =	sdelay $0x1  }
0xa4: {  	s23 =	simm.s32 $0x1B8B  }
0xa5: {  	_ =	swait.ge [sflag:s23], $0x1  }
0xa6: {  	[sflag:s23] =	ssyncset.done $0x0  }
0xa7: {  	s25 =	simm.s32 $0x1B8E;
	s24 =	sld [smem:$0x3FFE];
	[sflag:s23] =	ssyncadd.s32 $0xFFFFFFFF  }
0xa8: {  	s26 =	simm.s32 $execute0_lowered;
	[smem:$0x3FD2] =	sst s25  }
0xa9: {  	s8 =	sshll.u32 s26, $0x1;
	_ =	strace $0x80000046;
	[dreg:$0x1] =	wrdreg $0xFFFFFFFF  }
0xaa: {  	s28 =	simm.s32 $_size_execute0_lowered;
	s6 =	sadd.s32 s6, s8;
	[dreg:$0x0] =	wrdreg $0x0  }
0xab: {  	s8 =	sshll.u32 s28, $0x1;
	[dreg:$0x2] =	wrdreg s6  }
0xac: {  	[dreg:$0x3] =	wrdreg s8  }
0xad: {  	[dreg:$0x4] =	wrdreg $0xC0  }
0xae: {  	_ =	task [dreg:s10], $0x5FFFF  }
0xaf: {  	[dreg:$0x1] =	wrdreg $0xFFFFFFFF  }
0xb0: {  	[dreg:$0x0] =	wrdreg $0x60  }
0xb1: {  	[dreg:$0x2] =	wrdreg s24  }
0xb2: {  	[dreg:$0x3] =	wrdreg s2  }
0xb3: {  	[dreg:$0x4] =	wrdreg s18  }
0xb4: {  	[dreg:$0x5] =	wrdreg s4  }
0xb5: {  	[dreg:$0x6] =	wrdreg s5  }
0xb6: {  	[dreg:$0x7] =	wrdreg $0x9  }
0xb7: {  	_ =	task.clear_ibuf [dreg:s10], $0x8FFFF;
	_ =	strace $0x90000046  }
0xb8: {  	s29 =	simm.s32 $0x9;
	_ =	strace $0x80000048  }
0xb9: {  	_ =	swait.ge [sflag:s29], $0x1  }
0xba: {  	[sflag:s29] =	ssyncadd.s32 $0xFFFFFFFF  }
0xbb: {  	_ =	strace $0x90000048  }
0xbc: {  	_ =	sfence  }
0xbd: {  	s30 =	sld [smem:$0x0];
	_ =	sdelay $0x2  }
0xbe: {  	s31 =	sshll.u32 s1, $0xD;
	s1 =	sshrl.u32 s1, $0x2  }
0xbf: {  	s3 =	sand.u32 $0x4000, s31;
	s1 =	sadd.s32 s1, s30  }
0xc0: {  	s0 =	sor.u32 s3, s0;
	s1 =	sshll.u32 s1, $0x11  }
0xc1: {  	s0 =	sor.u32 s1, s0  }
0xc2: {  	s0 =	sadd.s32 $0x8F2B, s0  }
0xc3: {  	[sflag:s0] =	ssyncadd.remote.s32 $0x1  }
0xc4: {  	_ =	sfence.sel $0xFFFF  }
0xc5: {  	[dreg:$0x0] =	wrdreg $0xFFFFFFFF;
	(pc) =	sbr.abs _section_cstart, $3  }
0xc6: {  	[dreg:$0x1] =	wrdreg $0xFFFFFFFF  }
0xc7: {  	_ =	task.clear_ibuf [dreg:s10], $0x2FFFF;
	_ =	strace $0x9FFFFFFF  }
0xc8: {  	(tm) =	ssettm $0x7FFFFFFF  }
0xc9: {  	_ =	shalt  }
tec
execute0_lowered:
.L_overlay_start_1:
0x0: {  	(tag) =	ssettag $0x1  }
0x1: {  	s0 =	rddreg [dreg:$0x0]  }
0x2: {  	s5 =	rddreg [dreg:$0x1]  }
0x3: {  	s1 =	srdreg.scid;
	s6 =	rddreg [dreg:$0x2]  }
0x4: {  	s2 =	stileid.u32;
	s7 =	rddreg [dreg:$0x3]  }
0x5: {  	s28 =	rddreg [dreg:$0x4];
	s3 =	simm.s32 $0x0;
	s14 =	simm.s32 $0x1900  }
0x6: {  	s19 =	simm.s32 $0x3280;
	s20 =	simm.s32 $0x4C00;
	s1 =	sand.u32 $0x1, s1  }
0x7: {  	s2 =	sshll.u32 s2, $0x1;
	[smem:$0x7FF] =	sst s3;
	s24 =	sadd.s32 $0x100, s5  }
0x8: {  	s25 =	sadd.s32 $0x200, s5;
	s31 =	sadd.s32 $0x100, s6;
	s26 =	sadd.s32 $0x200, s6  }
0x9: {  	s30 =	sadd.s32 $0x100, s7;
	_ =	strace $0x80000047;
	[dreg:$0x9] =	wrdreg s24  }
0xa: {  	s7 =	sadd.s32 $0x200, s7;
	s2 =	sor.u32 s1, s2;
	[dreg:$0xa] =	wrdreg s25  }
0xb: {  	s1 =	ssub.s32 $0x2, s1;
	[dreg:$0xb] =	wrdreg s31;
	s2 =	smul.u32 $0x1900, s2  }
.Ltmp0:
0xc: {  	[dreg:$0xc] =	wrdreg s26;
	s4 =	sshrl.u32 s1, $0x1;
	(pc) =	sbr.rel .LBB2_1-.Ltmp0, $4  }
0xd: {  	[dreg:$0xd] =	wrdreg s30;
	s1 =	ssub.s32 s1, s4;
	s23 =	sshrl.u32 s2, $0x3  }
0xe: {  	[dreg:$0xe] =	wrdreg s7;
	s29 =	smax.u32 s1, $0x1;
	s0 =	sadd.s32 s23, s0  }
0xf: {  	v0 =	vlaneseq.u32;
	s10 =	sadd.s32 $0x100, s28;
	[dreg:$0xf] =	wrdreg s29;
	s0 =	sadd.s32 $0x400, s0  }
0x10: {  	v2 =	vimm.s32 $0x0;
	s11 =	sadd.s32 $0x200, s28;
	v3 =	vor.u32 $0x80000000, v0;
	v1 =	vmov s2;
	s1 =	simm.s32 $0x0;
	[dreg:$0x8] =	wrdreg s0  }
.LBB2_28:
0x11: {  	s1 =	sadd.s32 $0x1, s1;
	s0 =	rddreg [dreg:$0xf]  }
0x12: {  	p0 =	sne.s32 s1, s0  }
.Ltmp1:
0x13: {  	_ = 	snop;
	(pc) =	sbr.rel @!p0 .LBB2_29-.Ltmp1, $1  }
0x14: {  	_ =	sdelay $0x3  }
.LBB2_1:
0x15: {  	[dreg:$0x10] =	wrdreg s1  }
0x16: {  	s0 =	simm.s32 $0x0;
	s29 =	rddreg [dreg:$0x8];
	s30 =	simm.s32 $0xD  }
0x17: {  	[tilespmem:s0], [sflag:$0xD] =	stream.linear.gather [hbm4b:s29+s0], $0x1900, $0x38;
	[tilespmem:$0x18580] =	vst v63  }
0x18: {  	_ =	swait.ge [sflag:s30], $0x1900  }
0x19: {  	[sflag:s30] =	ssyncset.done $0x0  }
0x1a: {  	[sflag:s30] =	ssyncadd.s32 $0xFFFFE700  }
0x1b: {  	v4 =	vld [tilespmem:s0+$0x0];
	_ =	sdelay $0x4  }
0x1c: {  	vm0 =	vlt.s32 v4, $0xC451  }
0x1d: {  	v4 =	vsel vm0, $0x1, v2  }
0x1e: {  	(xrf0) =	vadd.scan.msk.s32 $0xffff, v4;
	_ =	sdelay $0x3  }
0x1f: {  	v4 =	vor.u32 s0, v3  }
0x20: {  	v4 =	vnsel vm0, $0x7FFFFFFF, v4  }
0x21: {  	v5, _, _ =	vpop (xrf0);
	(xrf0) =	vmax.scan.msk.u32 $0xffff, v4;
	_ =	sdelay $0x3  }
0x22: {  	v6 =	vsel vm0, $0xFFFFFFFF, v2;
	v4 =	vxor.u32 $0x80000000, v5  }
0x23: {  	(xrf0) =	vmax.scan.msk.u32 $0xffff, v4;
	v4 =	vadd.s32 s0, v6  }
0x24: {  	v4 =	vadd.s32 v5, v4;
	v5, _, _ =	vpop (xrf0)  }
0x25: {  	(v2sf) =	vpush v5, $0xF;
	_ =	sdelay $0x5  }
0x26: {  	v63, _, _ =	vpop (xrf0)  }
0x27: {  	s3 =	simm.s32 $0x10;
	s4 =	simm.s32 $0x20;
	v5 =	vor.u32 s0, v0;
	(v2sf) =	vpush v63, $0xF  }
0x28: {  	s1 =	simm.s32 $0x10;
	s2 =	simm.s32 $0x0;
	s0 =	simm.s32 $0x0;
	[tilespmem:v4+s14+$0x0] =	vst.idx.msk vm0, v5  }
.LBB2_2:
0x29: {  	p0 =	sne.s32 s4, $0x18F0;
	v4 =	vld [tilespmem:s3+$0x0];
	_ =	sdelay $0x4  }
0x2a: {  	vm0 =	vlt.s32 v4, $0xC451;
	v4 =	vor.u32 s1, v3  }
0x2b: {  	v5 =	vsel vm0, $0xFFFFFFFF, v2;
	v6 =	vsel vm0, $0x1, v2;
	v4 =	vnsel vm0, $0x7FFFFFFF, v4;
	s5 =	spop (v2sf)  }
0x2c: {  	(xrf0) =	vadd.scan.msk.s32 $0xffff, v6;
	s5 =	sxor.u32 $0x80000000, s5  }
0x2d: {  	(xrf0) =	vmax.scan.msk.u32 $0xffff, v4;
	_ =	sdelay $0x4  }
0x2e: {  	v4, _, _ =	vpop (xrf0);
	s6 =	spop (v2sf)  }
0x2f: {  	v6 =	vxor.u32 $0x80000000, v4;
	v7, _, _ =	vpop (xrf0);
	s6 =	sxor.u32 $0x80000000, s6  }
0x30: {  	(xrf0) =	vmax.scan.msk.u32 $0xffff, v6;
	(v2sf) =	vpush v7, $0xF;
	s2 =	sadd.s32 s2, s6;
	p1 =	sgt.s32 s6, $0x0  }
0x31: {  	v5 =	vadd.s32 s2, v5;
	s0 =	smov.u32 @p1 s5  }
0x32: {  	v4 =	vadd.s32 v4, v5;
	_ =	sdelay $0x1  }
.Ltmp2:
0x33: {  	(pc) =	sbr.rel @p0 .LBB2_2-.Ltmp2, $4  }
0x34: {  	_ = 	snop  }
0x35: {  	v5 =	vor.u32 s1, v0;
	s1 =	smov.u32 s4;
	v6, _, _ =	vpop (xrf0)  }
0x36: {  	[tilespmem:v4+s14+$0x0] =	vst.idx.msk vm0, v5;
	(v2sf) =	vpush v6, $0xF  }
0x37: {  	s3 =	sadd.s32 $0x10, s3;
	s4 =	sadd.s32 $0x10, s4  }
0x38: {  	v4 =	vld [tilespmem:s3+$0x0];
	_ =	sdelay $0x4  }
0x39: {  	vm0 =	vlt.s32 v4, $0xC451  }
0x3a: {  	v4 =	vsel vm0, $0x1, v2  }
0x3b: {  	(xrf0) =	vadd.scan.msk.s32 $0xffff, v4;
	_ =	sdelay $0x4  }
0x3c: {  	v4 =	vor.u32 s1, v3  }
0x3d: {  	v4 =	vnsel vm0, $0x7FFFFFFF, v4;
	v5, _, _ =	vpop (xrf0)  }
0x3e: {  	(xrf0) =	vmax.scan.msk.u32 $0xffff, v4;
	v4 =	vxor.u32 $0x80000000, v5  }
0x3f: {  	(xrf0) =	vmax.scan.msk.u32 $0xffff, v4;
	_ =	sdelay $0x4  }
0x40: {  	v4, _, _ =	vpop (xrf0)  }
0x41: {  	(v2sf) =	vpush v4, $0xF;
	v4, _, _ =	vpop (xrf0)  }
0x42: {  	(v2sf) =	vpush v4, $0xF;
	_ =	sdelay $0xb  }
0x43: {  	s15 =	spop (v2sf)  }
0x44: {  	s4 =	spop (v2sf)  }
0x45: {  	s5 =	spop (v2sf)  }
0x46: {  	s4 =	sxor.u32 $0x80000000, s4;
	s6 =	spop (v2sf)  }
0x47: {  	s2 =	sadd.s32 s2, s4;
	s6 =	sxor.u32 $0x80000000, s6  }
0x48: {  	s7 =	sadd.s32 s2, s6  }
0x49: {  	s8 =	sadd.s32 $0xF, s7  }
0x4a: {  	s9 =	sand.u32 $0xF, s8  }
0x4b: {  	s12 =	sshra.s32 s8, $0x1F;
	p0 =	slt.s32 s8, $0x1;
	p1 =	sne.s32 s9, $0x0  }
0x4c: {  	s16 =	sshrl.u32 s12, $0x1C;
	p0 =	por !p0, !p1  }
0x4d: {  	s9 =	simm.s32 $0x1;
	s8 =	sadd.s32 s16, s8;
	p0 =	por !p0, !p0  }
0x4e: {  	s8 =	sshra.s32 s8, $0x4;
	s9 =	simm.s32 @!p0 $0x0  }
0x4f: {  	s18 =	ssub.s32 s8, s9  }
0x50: {  	s8 =	sadd.s32 $0x5, s18  }
0x51: {  	s17 =	smulhi.u32 $0x2AAAAAAB, s8;
	s8 =	sshra.s32 s8, $0x1F  }
0x52: {  	s8 =	smul.u32 $0x2AAAAAAB, s8;
	_ =	sdelay $0x1  }
0x53: {  	s3 =	simm.s32 $0x1;
	s21 =	sshra.s32 s7, $0x1F;
	s8 =	sadd.s32 s8, s17  }
0x54: {  	v4 =	vsel vm0, $0xFFFFFFFF, v2;
	s23 =	sand.u32 $0xF, s7;
	p3 =	slt.s32 s7, $0x1;
	s9 =	sshrl.u32 s8, $0x1F  }
0x55: {  	v4 =	vadd.s32 s2, v4;
	s22 =	sshrl.u32 s21, $0x1C;
	p4 =	sne.s32 s23, $0x0;
	s8 =	sadd.s32 s9, s8  }
0x56: {  	v4 =	vadd.s32 v5, v4;
	s2 =	sadd.s32 s22, s7;
	s12 =	simm.s32 $0x1;
	s9 =	smul.u32 $0xFFFFFFFA, s8  }
0x57: {  	s2 =	sshrl.u32 s2, $0x4;
	p0 =	por !p3, !p4;
	s25 =	ssub.s32 $0xFFFFFFFB, s18  }
0x58: {  	p0 =	por !p0, !p0;
	p6 =	slt.s32 s18, $0xFFFFFFFC;
	p5 =	sne.s32 s9, s25  }
0x59: {  	p1 =	sgt.s32 s4, $0x0;
	s12 =	simm.s32 @!p0 $0x0;
	p0 =	por !p6, !p5  }
0x5a: {  	v5 =	vor.u32 s1, v0;
	s4 =	sxor.u32 $0x80000000, s5;
	s24 =	ssub.s32 s2, s12;
	p0 =	por !p0, !p0  }
0x5b: {  	[tilespmem:v4+s14+$0x0] =	vst.idx.msk vm0, v5;
	s2 =	sxor.u32 $0x80000000, s15;
	s1 =	sshll.u32 s24, $0x4;
	s3 =	simm.s32 @!p0 $0x0  }
0x5c: {  	s0 =	smov.u32 @p1 s2;
	v4 =	vld [tilespmem:s1+$0x1900];
	p0 =	sgt.s32 s6, $0x0;
	s16 =	ssub.s32 s8, s3  }
0x5d: {  	s0 =	smov.u32 @p0 s4;
	p0 =	slt.s32 s16, $0x1  }
.Ltmp3:
0x5e: {  	s26 =	ssub.s32 s7, s1;
	(pc) =	sbr.rel @!p0 .LBB2_4-.Ltmp3, $4  }
.Ltmp4:
0x5f: {  	s30 =	simm.s32 $0x0;
	v5 =	vmov s26;
	(pc) =	sbr.rel @p0 .LBB2_14-.Ltmp4, $4  }
0x60: {  	s29 =	simm.s32 $0x0;
	[dreg:$0x11] =	wrdreg s30;
	vm15 =	vgt.s32 v5, v0  }
0x61: {  	s23 =	simm.s32 $0x0;
	s22 =	simm.s32 $0x0;
	s24 =	simm.s32 $0x0;
	v4 =	vnsel vm15, s0, v4  }
0x62: {  	s25 =	simm.s32 $0x0;
	s6 =	simm.s32 $0x0;
	[dreg:$0x12] =	wrdreg s16;
	[tilespmem:s1+$0x1900] =	vst v4  }
0x63: {  	_ = 	snop  }
.LBB2_6:
0x64: {  	s16 =	rddreg [dreg:$0x11]  }
.LBB2_11:
0x65: {  	(xrf0) =	vmax.scan.msk.u32 $0xffff, v28;
	_ =	sdelay $0x1  }
0x66: {  	v61, _, _ =	vpop (xrf0)  }
0x67: {  	(v2sf) =	vpush v61, $0xF  }
0x68: {  	(v2sf) =	vpush v27, $0xF;
	v62, _, _ =	vpop (xrf0)  }
0x69: {  	(v2sf) =	vpush v62, $0xF  }
0x6a: {  	v63, _, _ =	vpop (xrf0)  }
0x6b: {  	(v2sf) =	vpush v63, $0xF;
	_ =	sdelay $0xa  }
0x6c: {  	s6 =	spop (v2sf)  }
0x6d: {  	s8 =	spop (v2sf)  }
0x6e: {  	v24 =	vadd.s32 s25, v24;
	p0 =	por !p0, !p6;
	s13 =	spop (v2sf)  }
0x6f: {  	v24 =	vadd.s32 v25, v24;
	s17 =	smov.u32 @p0 s16;
	s6 =	sxor.u32 $0x80000000, s6;
	s13 =	sxor.u32 $0x80000000, s13  }
0x70: {  	v23 =	vadd.s32 v23, v26;
	s8 =	sxor.u32 $0x80000000, s8;
	s15 =	spop (v2sf);
	s22 =	sadd.s32 s22, s13  }
0x71: {  	p0 =	sgt.s32 s13, $0x0;
	s13 =	rddreg [dreg:$0x11];
	s15 =	sxor.u32 $0x80000000, s15  }
0x72: {  	s13 =	smov.u32 @p6 s17;
	s17 =	sld [smem:$0x7FC];
	p1 =	sgt.s32 s15, $0x0  }
0x73: {  	s16 =	rddreg [dreg:$0x12];
	s23 =	smov.u32 @p0 s8;
	s13 =	smov.u32 @p1 s6  }
0x74: {  	[tilespmem:v24+s19+$0x0] =	vst.idx.msk vm7, v22;
	s8 =	simm.s32 @!p5 $0x15580;
	s25 =	sadd.s32 s25, s15;
	[dreg:$0x11] =	wrdreg s13  }
0x75: {  	[tilespmem:v23+s20+$0x0] =	vst.idx.msk vm6, v22;
	p1 =	seq.s32 s17, $0x1;
	s17 =	rddreg [dreg:$0x13];
	s13 =	simm.s32 @!p5 $0x17D80  }
.LBB2_12:
0x76: {  	s6 =	simm.s32 @!p1 $0x1  }
0x77: {  	_ =	swait.ge @!p1 [sflag:s6], $0x3000  }
0x78: {  	[sflag:s6] =	ssyncset.done @!p1 $0x0  }
0x79: {  	[sflag:s6] =	ssyncadd.s32 @!p1 $0xFFFFD000  }
0x7a: {  	v22 =	vld @!p1 [tilespmem:s17+$0x1900];
	_ =	sdelay $0x4  }
0x7b: {  	v23 =	vadd.s32 @!p1 v1, v22  }
0x7c: {  	v23 =	vshrl.u32 @!p1 v23, $0x3  }
0x7d: {  	v23 =	vmul.u32 @!p1 $0x30, v23  }
0x7e: {  	v22 =	vand.u32 @!p1 $0x7, v22  }
0x7f: {  	v22 =	vor.u32 @!p1 v22, v23  }
0x80: {  	v5 =	vperm.xlane @!p1 v22, v5;
	_ =	sdelay $0x1  }
0x81: {  	v5 =	vadd.s32 @!p1 v4, v5;
	_ =	sdelay $0x3  }
0x82: {  	s6 =	rddreg [dreg:$0x14];
	v6 =	vperm.xlane @!p1 v22, v6  }
0x83: {  	[hbm4b:s28+s30] =	stream.indirect_vreg.scatter @!p1 [tilespmem:s6], [sflag:$0x7], $0x80, v5, vm0, $0xb8;
	[tilespmem:$0x18580] =	vst v63  }
0x84: {  	v4 =	vadd.s32 @!p1 v4, v6;
	s6 =	rddreg [dreg:$0x15]  }
0x85: {  	[hbm4b:s10+s30] =	stream.indirect_vreg.scatter @!p1 [tilespmem:s6], [sflag:$0x7], $0x80, v5, vm0, $0xb8;
	[tilespmem:$0x18580] =	vst v63  }
0x86: {  	s6 =	rddreg [dreg:$0x16]  }
0x87: {  	[hbm4b:s11+s30] =	stream.indirect_vreg.scatter @!p1 [tilespmem:s6], [sflag:$0x7], $0x80, v5, vm0, $0xb8;
	[tilespmem:$0x18580] =	vst v63  }
0x88: {  	s6 =	rddreg [dreg:$0x17]  }
0x89: {  	[hbm4b:s28+s30] =	stream.indirect_vreg.scatter @!p1 [tilespmem:s6], [sflag:$0x7], $0x80, v4, vm0, $0xb8;
	[tilespmem:$0x18580] =	vst v63  }
0x8a: {  	s6 =	rddreg [dreg:$0x18]  }
0x8b: {  	[hbm4b:s10+s30] =	stream.indirect_vreg.scatter @!p1 [tilespmem:s6], [sflag:$0x7], $0x80, v4, vm0, $0xb8;
	[tilespmem:$0x18580] =	vst v63  }
0x8c: {  	s6 =	rddreg [dreg:$0x19]  }
0x8d: {  	[hbm4b:s11+s30] =	stream.indirect_vreg.scatter @!p1 [tilespmem:s6], [sflag:$0x7], $0x80, v4, vm0, $0xb8;
	[tilespmem:$0x18580] =	vst v63  }
0x8e: {  	s30 =	sld [smem:$0x7FD];
	_ =	sdelay $0x2  }
0x8f: {  	p0 =	seq.s32 s30, $0x1  }
0x90: {  	s6 =	simm.s32 @!p0 $0x2  }
0x91: {  	_ =	swait.ge @!p0 [sflag:s6], $0x3000  }
0x92: {  	[sflag:s6] =	ssyncset.done @!p0 $0x0  }
0x93: {  	[sflag:s6] =	ssyncadd.s32 @!p0 $0xFFFFD000  }
0x94: {  	v4 =	vld @!p0 [tilespmem:s9+$0x1900];
	_ =	sdelay $0x4  }
0x95: {  	v5 =	vadd.s32 @!p0 v1, v4  }
0x96: {  	v5 =	vshrl.u32 @!p0 v5, $0x3  }
0x97: {  	v5 =	vmul.u32 @!p0 $0x30, v5  }
0x98: {  	v4 =	vand.u32 @!p0 $0x7, v4  }
0x99: {  	v4 =	vor.u32 @!p0 v4, v5  }
0x9a: {  	v5 =	vperm.xlane @!p0 v4, v8;
	_ =	sdelay $0x1  }
0x9b: {  	v5 =	vadd.s32 @!p0 v7, v5;
	_ =	sdelay $0x3  }
0x9c: {  	s6 =	rddreg [dreg:$0x1a];
	v4 =	vperm.xlane @!p0 v4, v9  }
0x9d: {  	[hbm4b:s28+s3] =	stream.indirect_vreg.scatter @!p0 [tilespmem:s6], [sflag:$0x8], $0x80, v5, vm1, $0xb8;
	[tilespmem:$0x18580] =	vst v63  }
0x9e: {  	v4 =	vadd.s32 @!p0 v7, v4;
	s6 =	rddreg [dreg:$0x1b]  }
0x9f: {  	[hbm4b:s10+s3] =	stream.indirect_vreg.scatter @!p0 [tilespmem:s6], [sflag:$0x8], $0x80, v5, vm1, $0xb8;
	[tilespmem:$0x18580] =	vst v63  }
0xa0: {  	s6 =	rddreg [dreg:$0x1c]  }
0xa1: {  	[hbm4b:s11+s3] =	stream.indirect_vreg.scatter @!p0 [tilespmem:s6], [sflag:$0x8], $0x80, v5, vm1, $0xb8;
	[tilespmem:$0x18580] =	vst v63  }
0xa2: {  	s6 =	rddreg [dreg:$0x1d]  }
0xa3: {  	[hbm4b:s28+s3] =	stream.indirect_vreg.scatter @!p0 [tilespmem:s6], [sflag:$0x8], $0x80, v4, vm1, $0xb8;
	[tilespmem:$0x18580] =	vst v63  }
0xa4: {  	s6 =	rddreg [dreg:$0x1e]  }
0xa5: {  	[hbm4b:s10+s3] =	stream.indirect_vreg.scatter @!p0 [tilespmem:s6], [sflag:$0x8], $0x80, v4, vm1, $0xb8;
	[tilespmem:$0x18580] =	vst v63  }
0xa6: {  	s6 =	rddreg [dreg:$0x1f]  }
0xa7: {  	[hbm4b:s11+s3] =	stream.indirect_vreg.scatter @!p0 [tilespmem:s6], [sflag:$0x8], $0x80, v4, vm1, $0xb8;
	[tilespmem:$0x18580] =	vst v63  }
0xa8: {  	s3 =	simm.s32 @!p2 $0x3  }
0xa9: {  	_ =	swait.ge @!p2 [sflag:s3], $0x3000  }
0xaa: {  	[sflag:s3] =	ssyncset.done @!p2 $0x0  }
0xab: {  	[sflag:s3] =	ssyncadd.s32 @!p2 $0xFFFFD000  }
0xac: {  	v4 =	vld @!p2 [tilespmem:s5+$0x1900];
	_ =	sdelay $0x4  }
0xad: {  	v5 =	vadd.s32 @!p2 v1, v4  }
0xae: {  	v5 =	vshrl.u32 @!p2 v5, $0x3  }
0xaf: {  	v5 =	vmul.u32 @!p2 $0x30, v5  }
0xb0: {  	v4 =	vand.u32 @!p2 $0x7, v4  }
0xb1: {  	v4 =	vor.u32 @!p2 v4, v5  }
0xb2: {  	v5 =	vperm.xlane @!p2 v4, v11;
	_ =	sdelay $0x1  }
0xb3: {  	v5 =	vadd.s32 @!p2 v10, v5;
	_ =	sdelay $0x3  }
0xb4: {  	s3 =	simm.s32 @!p2 $0xC580;
	v4 =	vperm.xlane @!p2 v4, v12  }
0xb5: {  	[hbm4b:s28+s1] =	stream.indirect_vreg.scatter @!p2 [tilespmem:s3], [sflag:$0x9], $0x80, v5, vm2, $0xb8;
	[tilespmem:$0x18580] =	vst v63  }
0xb6: {  	v4 =	vadd.s32 @!p2 v10, v4;
	s3 =	simm.s32 @!p2 $0xCD80  }
0xb7: {  	[hbm4b:s10+s1] =	stream.indirect_vreg.scatter @!p2 [tilespmem:s3], [sflag:$0x9], $0x80, v5, vm2, $0xb8;
	[tilespmem:$0x18580] =	vst v63  }
0xb8: {  	s3 =	simm.s32 @!p2 $0xD580  }
0xb9: {  	[hbm4b:s11+s1] =	stream.indirect_vreg.scatter @!p2 [tilespmem:s3], [sflag:$0x9], $0x80, v5, vm2, $0xb8;
	[tilespmem:$0x18580] =	vst v63  }
0xba: {  	s3 =	simm.s32 @!p2 $0xDD80  }
0xbb: {  	[hbm4b:s28+s1] =	stream.indirect_vreg.scatter @!p2 [tilespmem:s3], [sflag:$0x9], $0x80, v4, vm2, $0xb8;
	[tilespmem:$0x18580] =	vst v63  }
0xbc: {  	s3 =	simm.s32 @!p2 $0xE580  }
0xbd: {  	[hbm4b:s10+s1] =	stream.indirect_vreg.scatter @!p2 [tilespmem:s3], [sflag:$0x9], $0x80, v4, vm2, $0xb8;
	[tilespmem:$0x18580] =	vst v63  }
0xbe: {  	s3 =	simm.s32 @!p2 $0xED80  }
0xbf: {  	[hbm4b:s11+s1] =	stream.indirect_vreg.scatter @!p2 [tilespmem:s3], [sflag:$0x9], $0x80, v4, vm2, $0xb8;
	[tilespmem:$0x18580] =	vst v63  }
0xc0: {  	s1 =	simm.s32 @!p3 $0x4  }
0xc1: {  	_ =	swait.ge @!p3 [sflag:s1], $0x3000  }
0xc2: {  	[sflag:s1] =	ssyncset.done @!p3 $0x0  }
0xc3: {  	[sflag:s1] =	ssyncadd.s32 @!p3 $0xFFFFD000  }
0xc4: {  	v4 =	vld @!p3 [tilespmem:s2+$0x1900];
	_ =	sdelay $0x4  }
0xc5: {  	v5 =	vadd.s32 @!p3 v1, v4  }
0xc6: {  	v5 =	vshrl.u32 @!p3 v5, $0x3  }
0xc7: {  	v5 =	vmul.u32 @!p3 $0x30, v5  }
0xc8: {  	v4 =	vand.u32 @!p3 $0x7, v4  }
0xc9: {  	v4 =	vor.u32 @!p3 v4, v5  }
0xca: {  	v5 =	vperm.xlane @!p3 v4, v14;
	_ =	sdelay $0x1  }
0xcb: {  	v5 =	vadd.s32 @!p3 v13, v5;
	_ =	sdelay $0x3  }
0xcc: {  	s1 =	simm.s32 @!p3 $0xF580;
	v4 =	vperm.xlane @!p3 v4, v15  }
0xcd: {  	[hbm4b:s28+s21] =	stream.indirect_vreg.scatter @!p3 [tilespmem:s1], [sflag:$0xA], $0x80, v5, vm3, $0xb8;
	[tilespmem:$0x18580] =	vst v63  }
0xce: {  	v4 =	vadd.s32 @!p3 v13, v4;
	s1 =	simm.s32 @!p3 $0xFD80  }
0xcf: {  	[hbm4b:s10+s21] =	stream.indirect_vreg.scatter @!p3 [tilespmem:s1], [sflag:$0xA], $0x80, v5, vm3, $0xb8;
	[tilespmem:$0x18580] =	vst v63  }
0xd0: {  	s1 =	simm.s32 @!p3 $0x10580  }
0xd1: {  	[hbm4b:s11+s21] =	stream.indirect_vreg.scatter @!p3 [tilespmem:s1], [sflag:$0xA], $0x80, v5, vm3, $0xb8;
	[tilespmem:$0x18580] =	vst v63  }
0xd2: {  	s1 =	simm.s32 @!p3 $0x10D80  }
0xd3: {  	[hbm4b:s28+s21] =	stream.indirect_vreg.scatter @!p3 [tilespmem:s1], [sflag:$0xA], $0x80, v4, vm3, $0xb8;
	[tilespmem:$0x18580] =	vst v63  }
0xd4: {  	s1 =	simm.s32 @!p3 $0x11580  }
0xd5: {  	[hbm4b:s10+s21] =	stream.indirect_vreg.scatter @!p3 [tilespmem:s1], [sflag:$0xA], $0x80, v4, vm3, $0xb8;
	[tilespmem:$0x18580] =	vst v63  }
0xd6: {  	s1 =	simm.s32 @!p3 $0x11D80  }
0xd7: {  	[hbm4b:s11+s21] =	stream.indirect_vreg.scatter @!p3 [tilespmem:s1], [sflag:$0xA], $0x80, v4, vm3, $0xb8;
	[tilespmem:$0x18580] =	vst v63  }
0xd8: {  	s1 =	simm.s32 @!p4 $0x5  }
0xd9: {  	_ =	swait.ge @!p4 [sflag:s1], $0x3000  }
0xda: {  	[sflag:s1] =	ssyncset.done @!p4 $0x0  }
0xdb: {  	[sflag:s1] =	ssyncadd.s32 @!p4 $0xFFFFD000  }
0xdc: {  	v4 =	vld @!p4 [tilespmem:s0+$0x1900];
	_ =	sdelay $0x4  }
0xdd: {  	v5 =	vadd.s32 @!p4 v1, v4  }
0xde: {  	v5 =	vshrl.u32 @!p4 v5, $0x3  }
0xdf: {  	v5 =	vmul.u32 @!p4 $0x30, v5  }
0xe0: {  	v4 =	vand.u32 @!p4 $0x7, v4  }
0xe1: {  	v4 =	vor.u32 @!p4 v4, v5  }
0xe2: {  	v5 =	vperm.xlane @!p4 v4, v17;
	_ =	sdelay $0x1  }
0xe3: {  	v5 =	vadd.s32 @!p4 v16, v5;
	_ =	sdelay $0x3  }
0xe4: {  	s0 =	simm.s32 @!p4 $0x12580;
	v4 =	vperm.xlane @!p4 v4, v18  }
0xe5: {  	[hbm4b:s28+s4] =	stream.indirect_vreg.scatter @!p4 [tilespmem:s0], [sflag:$0xB], $0x80, v5, vm4, $0xb8;
	[tilespmem:$0x18580] =	vst v63  }
0xe6: {  	v4 =	vadd.s32 @!p4 v16, v4;
	s0 =	simm.s32 @!p4 $0x12D80  }
0xe7: {  	[hbm4b:s10+s4] =	stream.indirect_vreg.scatter @!p4 [tilespmem:s0], [sflag:$0xB], $0x80, v5, vm4, $0xb8;
	[tilespmem:$0x18580] =	vst v63  }
0xe8: {  	s0 =	simm.s32 @!p4 $0x13580  }
0xe9: {  	[hbm4b:s11+s4] =	stream.indirect_vreg.scatter @!p4 [tilespmem:s0], [sflag:$0xB], $0x80, v5, vm4, $0xb8;
	[tilespmem:$0x18580] =	vst v63  }
0xea: {  	s0 =	simm.s32 @!p4 $0x13D80  }
0xeb: {  	[hbm4b:s28+s4] =	stream.indirect_vreg.scatter @!p4 [tilespmem:s0], [sflag:$0xB], $0x80, v4, vm4, $0xb8;
	[tilespmem:$0x18580] =	vst v63  }
0xec: {  	s0 =	simm.s32 @!p4 $0x14580  }
0xed: {  	[hbm4b:s10+s4] =	stream.indirect_vreg.scatter @!p4 [tilespmem:s0], [sflag:$0xB], $0x80, v4, vm4, $0xb8;
	[tilespmem:$0x18580] =	vst v63  }
0xee: {  	s0 =	simm.s32 @!p4 $0x14D80  }
0xef: {  	[hbm4b:s11+s4] =	stream.indirect_vreg.scatter @!p4 [tilespmem:s0], [sflag:$0xB], $0x80, v4, vm4, $0xb8;
	[tilespmem:$0x18580] =	vst v63  }
0xf0: {  	s0 =	simm.s32 @!p5 $0x6  }
0xf1: {  	_ =	swait.ge @!p5 [sflag:s0], $0x3000  }
0xf2: {  	[sflag:s0] =	ssyncset.done @!p5 $0x0  }
0xf3: {  	[sflag:s0] =	ssyncadd.s32 @!p5 $0xFFFFD000  }
0xf4: {  	v4 =	vld @!p5 [tilespmem:s26+$0x1900];
	_ =	sdelay $0x4  }
0xf5: {  	v5 =	vadd.s32 @!p5 v1, v4  }
0xf6: {  	v5 =	vshrl.u32 @!p5 v5, $0x3  }
0xf7: {  	v5 =	vmul.u32 @!p5 $0x30, v5  }
0xf8: {  	v4 =	vand.u32 @!p5 $0x7, v4  }
0xf9: {  	v4 =	vor.u32 @!p5 v4, v5  }
0xfa: {  	v5 =	vperm.xlane @!p5 v4, v20;
	_ =	sdelay $0x1  }
0xfb: {  	v5 =	vadd.s32 @!p5 v19, v5;
	_ =	sdelay $0x3  }
0xfc: {  	v4 =	vperm.xlane @!p5 v4, v21  }
0xfd: {  	[hbm4b:s28+s7] =	stream.indirect_vreg.scatter @!p5 [tilespmem:s8], [sflag:$0xC], $0x80, v5, vm5, $0xb8;
	[tilespmem:$0x18580] =	vst v63  }
0xfe: {  	s0 =	simm.s32 @!p5 $0x15D80;
	v4 =	vadd.s32 @!p5 v19, v4  }
0xff: {  	[hbm4b:s10+s7] =	stream.indirect_vreg.scatter @!p5 [tilespmem:s0], [sflag:$0xC], $0x80, v5, vm5, $0xb8;
	[tilespmem:$0x18580] =	vst v63  }
0x100: {  	s29 =	sadd.s32 $0x1, s29;
	s0 =	simm.s32 @!p5 $0x16580  }
0x101: {  	[hbm4b:s11+s7] =	stream.indirect_vreg.scatter @!p5 [tilespmem:s0], [sflag:$0xC], $0x80, v5, vm5, $0xb8;
	[tilespmem:$0x18580] =	vst v63  }
0x102: {  	p0 =	sne.s32 s29, s16;
	s0 =	simm.s32 @!p5 $0x16D80  }
0x103: {  	[hbm4b:s28+s7] =	stream.indirect_vreg.scatter @!p5 [tilespmem:s0], [sflag:$0xC], $0x80, v4, vm5, $0xb8;
	[tilespmem:$0x18580] =	vst v63  }
.Ltmp5:
0x104: {  	_ = 	snop;
	(pc) =	sbr.rel @!p0 .LBB2_13-.Ltmp5, $4  }
0x105: {  	s0 =	simm.s32 @!p5 $0x17580  }
0x106: {  	[hbm4b:s10+s7] =	stream.indirect_vreg.scatter @!p5 [tilespmem:s0], [sflag:$0xC], $0x80, v4, vm5, $0xb8;
	[tilespmem:$0x18580] =	vst v63  }
0x107: {  	s6 =	smov.u32 s24  }
0x108: {  	[hbm4b:s11+s7] =	stream.indirect_vreg.scatter @!p5 [tilespmem:s13], [sflag:$0xC], $0x80, v4, vm5, $0xb8;
	[tilespmem:$0x18580] =	vst v63  }
.LBB2_4:
0x109: {  	s7 =	smul.u32 $0x6, s29  }
0x10a: {  	p6 =	seq.s32 s29, $0x0  }
0x10b: {  	s0 =	simm.s32 @!p6 $0x7;
	p1 =	sge.s32 s7, s18  }
0x10c: {  	_ =	swait.ge @!p6 [sflag:s0], $0x3000;
	s1 =	smul.u32 @!p1 $0x180, s29  }
0x10d: {  	[sflag:s0] =	ssyncset.done @!p6 $0x0  }
0x10e: {  	[sflag:s0] =	ssyncadd.s32 @!p6 $0xFFFFD000;
	s17 =	sshra.s32 @!p1 s1, $0x2  }
0x10f: {  	v4 =	vld @!p1 [tilespmem:s17+$0x1900];
	_ =	sdelay $0x6  }
0x110: {  	s30 =	simm.s32 @!p1 $0x0  }
0x111: {  	v4 =	vld.idx.msk @!p1 [tilespmem:v4+s30+$0x0], $0xffff;
	_ =	sdelay $0x4  }
0x112: {  	v5 =	vshrl.u32 @!p1 v4, $0x3  }
0x113: {  	v5 =	vmul.u32 @!p1 $0x30, v5  }
0x114: {  	v6 =	vlaneseq.u32 @!p1;
	v4 =	vand.u32 @!p1 $0x7, v4  }
0x115: {  	v7 =	vor.u32 @!p1 v4, v5;
	v5 =	vand.u32 @!p1 $0x7, v6;
	v4 =	vshrl.u32 @!p1 v6, $0x3  }
0x116: {  	v8 =	vperm.xlane @!p1 v7, v5;
	v4 =	vmul.u32 @!p1 $0x8, v4;
	_ =	sdelay $0x1  }
0x117: {  	v8 =	vadd.s32 @!p1 v4, v8;
	_ =	sdelay $0x1  }
0x118: {  	s13 =	rddreg [dreg:$0x9]  }
0x119: {  	s15 =	rddreg [dreg:$0xa];
	v6 =	vor.u32 @!p1 $0x8, v6  }
0x11a: {  	vm0 =	vmmov @!p1 $0xffff;
	s0 =	simm.s32 @!p1 $0x6580;
	s1 =	simm.s32 @!p1 $0x6580;
	s12 =	rddreg [dreg:$0x1];
	v7 =	vperm.xlane @!p1 v7, v6  }
0x11b: {  	[tilespmem:s1], [sflag:$0x1] =	stream.indirect_vreg.gather @!p1 [hbm4b:s12+s30], $0x80, v8, vm0, $0xb8;
	[tilespmem:$0x18580] =	vst v63  }
0x11c: {  	[dreg:$0x14] =	wrdreg s0;
	s0 =	simm.s32 @!p1 $0x6D80;
	v7 =	vadd.s32 @!p1 v4, v7;
	s1 =	simm.s32 @!p1 $0x6D80  }
0x11d: {  	[tilespmem:s1], [sflag:$0x1] =	stream.indirect_vreg.gather @!p1 [hbm4b:s13+s30], $0x80, v8, vm0, $0xb8;
	[tilespmem:$0x18580] =	vst v63  }
0x11e: {  	[dreg:$0x15] =	wrdreg s0;
	s0 =	simm.s32 @!p1 $0x7580;
	s1 =	simm.s32 @!p1 $0x7580  }
0x11f: {  	[tilespmem:s1], [sflag:$0x1] =	stream.indirect_vreg.gather @!p1 [hbm4b:s15+s30], $0x80, v8, vm0, $0xb8;
	[tilespmem:$0x18580] =	vst v63  }
0x120: {  	[dreg:$0x16] =	wrdreg s0;
	s0 =	simm.s32 @!p1 $0x7D80;
	s1 =	simm.s32 @!p1 $0x7D80  }
0x121: {  	[tilespmem:s1], [sflag:$0x1] =	stream.indirect_vreg.gather @!p1 [hbm4b:s12+s30], $0x80, v7, vm0, $0xb8;
	[tilespmem:$0x18580] =	vst v63  }
0x122: {  	[dreg:$0x17] =	wrdreg s0;
	s0 =	simm.s32 @!p1 $0x8580;
	s1 =	simm.s32 @!p1 $0x8580  }
0x123: {  	[tilespmem:s1], [sflag:$0x1] =	stream.indirect_vreg.gather @!p1 [hbm4b:s13+s30], $0x80, v7, vm0, $0xb8;
	[tilespmem:$0x18580] =	vst v63  }
0x124: {  	[dreg:$0x18] =	wrdreg s0;
	s0 =	simm.s32 @!p1 $0x8D80;
	s1 =	simm.s32 @!p1 $0x8D80  }
0x125: {  	[tilespmem:s1], [sflag:$0x1] =	stream.indirect_vreg.gather @!p1 [hbm4b:s15+s30], $0x80, v7, vm0, $0xb8;
	[tilespmem:$0x18580] =	vst v63  }
0x126: {  	[dreg:$0x19] =	wrdreg s0;
	s0 =	sor.u32 $0x1, s7;
	s1 =	simm.s32 @!p6 $0x8  }
0x127: {  	p0 =	sge.s32 s0, s18;
	_ =	swait.ge @!p6 [sflag:s1], $0x3000  }
0x128: {  	s0 =	sshll.u32 @!p0 s0, $0x6;
	[sflag:s1] =	ssyncset.done @!p6 $0x0  }
0x129: {  	s9 =	sshra.s32 @!p0 s0, $0x2;
	[sflag:s1] =	ssyncadd.s32 @!p6 $0xFFFFD000  }
0x12a: {  	v7 =	vld @!p0 [tilespmem:s9+$0x1900];
	_ =	sdelay $0x6  }
0x12b: {  	s3 =	simm.s32 @!p0 $0x0  }
0x12c: {  	v7 =	vld.idx.msk @!p0 [tilespmem:v7+s3+$0x0], $0xffff;
	_ =	sdelay $0x4  }
0x12d: {  	v8 =	vshrl.u32 @!p0 v7, $0x3  }
0x12e: {  	v8 =	vmul.u32 @!p0 $0x30, v8  }
0x12f: {  	v9 =	vlaneseq.u32 @!p0;
	v7 =	vand.u32 @!p0 $0x7, v7  }
0x130: {  	v10 =	vor.u32 @!p0 v7, v8;
	v8 =	vand.u32 @!p0 $0x7, v9;
	v7 =	vshrl.u32 @!p0 v9, $0x3  }
0x131: {  	v11 =	vperm.xlane @!p0 v10, v8;
	v7 =	vmul.u32 @!p0 $0x8, v7;
	_ =	sdelay $0x1  }
0x132: {  	v11 =	vadd.s32 @!p0 v7, v11;
	_ =	sdelay $0x2  }
0x133: {  	v9 =	vor.u32 @!p0 $0x8, v9  }
0x134: {  	vm1 =	vmmov @!p0 $0xffff;
	s0 =	simm.s32 @!p0 $0x9580;
	s1 =	simm.s32 @!p0 $0x9580;
	v10 =	vperm.xlane @!p0 v10, v9  }
0x135: {  	[tilespmem:s1], [sflag:$0x2] =	stream.indirect_vreg.gather @!p0 [hbm4b:s12+s3], $0x80, v11, vm1, $0xb8;
	[tilespmem:$0x18580] =	vst v63  }
0x136: {  	[dreg:$0x1a] =	wrdreg s0;
	s0 =	simm.s32 @!p0 $0x9D80;
	v10 =	vadd.s32 @!p0 v7, v10;
	s1 =	simm.s32 @!p0 $0x9D80  }
0x137: {  	[tilespmem:s1], [sflag:$0x2] =	stream.indirect_vreg.gather @!p0 [hbm4b:s13+s3], $0x80, v11, vm1, $0xb8;
	[tilespmem:$0x18580] =	vst v63  }
0x138: {  	[dreg:$0x1b] =	wrdreg s0;
	s0 =	simm.s32 @!p0 $0xA580;
	s1 =	simm.s32 @!p0 $0xA580  }
0x139: {  	[tilespmem:s1], [sflag:$0x2] =	stream.indirect_vreg.gather @!p0 [hbm4b:s15+s3], $0x80, v11, vm1, $0xb8;
	[tilespmem:$0x18580] =	vst v63  }
0x13a: {  	[dreg:$0x1c] =	wrdreg s0;
	s0 =	simm.s32 @!p0 $0xAD80;
	s1 =	simm.s32 @!p0 $0xAD80  }
0x13b: {  	[tilespmem:s1], [sflag:$0x2] =	stream.indirect_vreg.gather @!p0 [hbm4b:s12+s3], $0x80, v10, vm1, $0xb8;
	[tilespmem:$0x18580] =	vst v63  }
0x13c: {  	[dreg:$0x1d] =	wrdreg s0;
	s0 =	simm.s32 @!p0 $0xB580;
	s1 =	simm.s32 @!p0 $0xB580  }
0x13d: {  	[tilespmem:s1], [sflag:$0x2] =	stream.indirect_vreg.gather @!p0 [hbm4b:s13+s3], $0x80, v10, vm1, $0xb8;
	[tilespmem:$0x18580] =	vst v63  }
0x13e: {  	[dreg:$0x1e] =	wrdreg s0;
	s0 =	simm.s32 @!p0 $0xBD80;
	s1 =	simm.s32 @!p0 $0x0  }
0x13f: {  	[dreg:$0x1f] =	wrdreg s0;
	s1 =	simm.s32 @p0 $0x1  }
0x140: {  	[tilespmem:s0], [sflag:$0x2] =	stream.indirect_vreg.gather @!p0 [hbm4b:s15+s3], $0x80, v10, vm1, $0xb8;
	[tilespmem:$0x18580] =	vst v63  }
0x141: {  	[smem:$0x7FD] =	sst s1;
	s0 =	sadd.s32 $0x2, s7;
	s1 =	simm.s32 @!p6 $0x9  }
0x142: {  	_ =	swait.ge @!p6 [sflag:s1], $0x3000;
	p2 =	sge.s32 s0, s18  }
0x143: {  	[sflag:s1] =	ssyncset.done @!p6 $0x0;
	s0 =	sshll.u32 @!p2 s0, $0x6  }
0x144: {  	[sflag:s1] =	ssyncadd.s32 @!p6 $0xFFFFD000;
	s5 =	sshra.s32 @!p2 s0, $0x2  }
0x145: {  	v10 =	vld @!p2 [tilespmem:s5+$0x1900];
	_ =	sdelay $0x6  }
0x146: {  	s1 =	simm.s32 @!p2 $0x0  }
0x147: {  	v10 =	vld.idx.msk @!p2 [tilespmem:v10+s1+$0x0], $0xffff;
	_ =	sdelay $0x4  }
0x148: {  	v11 =	vshrl.u32 @!p2 v10, $0x3  }
0x149: {  	v11 =	vmul.u32 @!p2 $0x30, v11  }
0x14a: {  	v12 =	vlaneseq.u32 @!p2;
	v10 =	vand.u32 @!p2 $0x7, v10  }
0x14b: {  	v13 =	vor.u32 @!p2 v10, v11;
	v11 =	vand.u32 @!p2 $0x7, v12;
	v10 =	vshrl.u32 @!p2 v12, $0x3  }
0x14c: {  	v14 =	vperm.xlane @!p2 v13, v11;
	v10 =	vmul.u32 @!p2 $0x8, v10;
	_ =	sdelay $0x1  }
0x14d: {  	v14 =	vadd.s32 @!p2 v10, v14;
	_ =	sdelay $0x2  }
0x14e: {  	v12 =	vor.u32 @!p2 $0x8, v12  }
0x14f: {  	vm2 =	vmmov @!p2 $0xffff;
	s0 =	simm.s32 @!p2 $0xC580;
	v13 =	vperm.xlane @!p2 v13, v12  }
0x150: {  	[tilespmem:s0], [sflag:$0x3] =	stream.indirect_vreg.gather @!p2 [hbm4b:s12+s1], $0x80, v14, vm2, $0xb8;
	[tilespmem:$0x18580] =	vst v63  }
0x151: {  	v13 =	vadd.s32 @!p2 v10, v13;
	s0 =	simm.s32 @!p2 $0xCD80  }
0x152: {  	[tilespmem:s0], [sflag:$0x3] =	stream.indirect_vreg.gather @!p2 [hbm4b:s13+s1], $0x80, v14, vm2, $0xb8;
	[tilespmem:$0x18580] =	vst v63  }
0x153: {  	s0 =	simm.s32 @!p2 $0xD580  }
0x154: {  	[tilespmem:s0], [sflag:$0x3] =	stream.indirect_vreg.gather @!p2 [hbm4b:s15+s1], $0x80, v14, vm2, $0xb8;
	[tilespmem:$0x18580] =	vst v63  }
0x155: {  	s0 =	simm.s32 @!p2 $0xDD80  }
0x156: {  	[tilespmem:s0], [sflag:$0x3] =	stream.indirect_vreg.gather @!p2 [hbm4b:s12+s1], $0x80, v13, vm2, $0xb8;
	[tilespmem:$0x18580] =	vst v63  }
0x157: {  	s0 =	simm.s32 @!p2 $0xE580  }
0x158: {  	[tilespmem:s0], [sflag:$0x3] =	stream.indirect_vreg.gather @!p2 [hbm4b:s13+s1], $0x80, v13, vm2, $0xb8;
	[tilespmem:$0x18580] =	vst v63  }
0x159: {  	s0 =	simm.s32 @!p2 $0xED80  }
0x15a: {  	[tilespmem:s0], [sflag:$0x3] =	stream.indirect_vreg.gather @!p2 [hbm4b:s15+s1], $0x80, v13, vm2, $0xb8;
	[tilespmem:$0x18580] =	vst v63  }
0x15b: {  	s2 =	simm.s32 @!p6 $0xA;
	s0 =	sadd.s32 $0x3, s7  }
0x15c: {  	_ =	swait.ge @!p6 [sflag:s2], $0x3000;
	p3 =	sge.s32 s0, s18  }
0x15d: {  	[sflag:s2] =	ssyncset.done @!p6 $0x0;
	s0 =	sshll.u32 @!p3 s0, $0x6  }
0x15e: {  	[sflag:s2] =	ssyncadd.s32 @!p6 $0xFFFFD000;
	s2 =	sshra.s32 @!p3 s0, $0x2  }
0x15f: {  	v13 =	vld @!p3 [tilespmem:s2+$0x1900];
	_ =	sdelay $0x6  }
0x160: {  	s21 =	simm.s32 @!p3 $0x0  }
0x161: {  	v13 =	vld.idx.msk @!p3 [tilespmem:v13+s21+$0x0], $0xffff;
	_ =	sdelay $0x4  }
0x162: {  	v14 =	vshrl.u32 @!p3 v13, $0x3  }
0x163: {  	v14 =	vmul.u32 @!p3 $0x30, v14  }
0x164: {  	v15 =	vlaneseq.u32 @!p3;
	v13 =	vand.u32 @!p3 $0x7, v13  }
0x165: {  	v16 =	vor.u32 @!p3 v13, v14;
	v14 =	vand.u32 @!p3 $0x7, v15;
	v13 =	vshrl.u32 @!p3 v15, $0x3  }
0x166: {  	v17 =	vperm.xlane @!p3 v16, v14;
	v13 =	vmul.u32 @!p3 $0x8, v13;
	_ =	sdelay $0x1  }
0x167: {  	v17 =	vadd.s32 @!p3 v13, v17;
	_ =	sdelay $0x2  }
0x168: {  	v15 =	vor.u32 @!p3 $0x8, v15  }
0x169: {  	vm3 =	vmmov @!p3 $0xffff;
	s0 =	simm.s32 @!p3 $0xF580;
	v16 =	vperm.xlane @!p3 v16, v15  }
0x16a: {  	[tilespmem:s0], [sflag:$0x4] =	stream.indirect_vreg.gather @!p3 [hbm4b:s12+s21], $0x80, v17, vm3, $0xb8;
	[tilespmem:$0x18580] =	vst v63  }
0x16b: {  	v16 =	vadd.s32 @!p3 v13, v16;
	s0 =	simm.s32 @!p3 $0xFD80  }
0x16c: {  	[tilespmem:s0], [sflag:$0x4] =	stream.indirect_vreg.gather @!p3 [hbm4b:s13+s21], $0x80, v17, vm3, $0xb8;
	[tilespmem:$0x18580] =	vst v63  }
0x16d: {  	s0 =	simm.s32 @!p3 $0x10580  }
0x16e: {  	[tilespmem:s0], [sflag:$0x4] =	stream.indirect_vreg.gather @!p3 [hbm4b:s15+s21], $0x80, v17, vm3, $0xb8;
	[tilespmem:$0x18580] =	vst v63  }
0x16f: {  	s0 =	simm.s32 @!p3 $0x10D80  }
0x170: {  	[tilespmem:s0], [sflag:$0x4] =	stream.indirect_vreg.gather @!p3 [hbm4b:s12+s21], $0x80, v16, vm3, $0xb8;
	[tilespmem:$0x18580] =	vst v63  }
0x171: {  	s0 =	simm.s32 @!p3 $0x11580  }
0x172: {  	[tilespmem:s0], [sflag:$0x4] =	stream.indirect_vreg.gather @!p3 [hbm4b:s13+s21], $0x80, v16, vm3, $0xb8;
	[tilespmem:$0x18580] =	vst v63  }
0x173: {  	s0 =	simm.s32 @!p3 $0x11D80  }
0x174: {  	[tilespmem:s0], [sflag:$0x4] =	stream.indirect_vreg.gather @!p3 [hbm4b:s15+s21], $0x80, v16, vm3, $0xb8;
	[tilespmem:$0x18580] =	vst v63  }
0x175: {  	s4 =	simm.s32 @!p6 $0xB;
	s0 =	sadd.s32 $0x4, s7  }
0x176: {  	_ =	swait.ge @!p6 [sflag:s4], $0x3000;
	p4 =	sge.s32 s0, s18  }
0x177: {  	[sflag:s4] =	ssyncset.done @!p6 $0x0;
	s0 =	sshll.u32 @!p4 s0, $0x6  }
0x178: {  	[sflag:s4] =	ssyncadd.s32 @!p6 $0xFFFFD000;
	s0 =	sshra.s32 @!p4 s0, $0x2  }
0x179: {  	v16 =	vld @!p4 [tilespmem:s0+$0x1900];
	_ =	sdelay $0x6  }
0x17a: {  	s4 =	simm.s32 @!p4 $0x0  }
0x17b: {  	v16 =	vld.idx.msk @!p4 [tilespmem:v16+s4+$0x0], $0xffff;
	_ =	sdelay $0x4  }
0x17c: {  	v17 =	vshrl.u32 @!p4 v16, $0x3  }
0x17d: {  	v17 =	vmul.u32 @!p4 $0x30, v17  }
0x17e: {  	v18 =	vlaneseq.u32 @!p4;
	v16 =	vand.u32 @!p4 $0x7, v16  }
0x17f: {  	v19 =	vor.u32 @!p4 v16, v17;
	v17 =	vand.u32 @!p4 $0x7, v18;
	v16 =	vshrl.u32 @!p4 v18, $0x3  }
0x180: {  	v20 =	vperm.xlane @!p4 v19, v17;
	v16 =	vmul.u32 @!p4 $0x8, v16;
	_ =	sdelay $0x1  }
0x181: {  	v20 =	vadd.s32 @!p4 v16, v20;
	_ =	sdelay $0x2  }
0x182: {  	v18 =	vor.u32 @!p4 $0x8, v18  }
0x183: {  	vm4 =	vmmov @!p4 $0xffff;
	s8 =	simm.s32 @!p4 $0x12580;
	v19 =	vperm.xlane @!p4 v19, v18  }
0x184: {  	[tilespmem:s8], [sflag:$0x5] =	stream.indirect_vreg.gather @!p4 [hbm4b:s12+s4], $0x80, v20, vm4, $0xb8;
	[tilespmem:$0x18580] =	vst v63  }
0x185: {  	v19 =	vadd.s32 @!p4 v16, v19;
	s8 =	simm.s32 @!p4 $0x12D80  }
0x186: {  	[tilespmem:s8], [sflag:$0x5] =	stream.indirect_vreg.gather @!p4 [hbm4b:s13+s4], $0x80, v20, vm4, $0xb8;
	[tilespmem:$0x18580] =	vst v63  }
0x187: {  	s8 =	simm.s32 @!p4 $0x13580  }
0x188: {  	[tilespmem:s8], [sflag:$0x5] =	stream.indirect_vreg.gather @!p4 [hbm4b:s15+s4], $0x80, v20, vm4, $0xb8;
	[tilespmem:$0x18580] =	vst v63  }
0x189: {  	s8 =	simm.s32 @!p4 $0x13D80  }
0x18a: {  	[tilespmem:s8], [sflag:$0x5] =	stream.indirect_vreg.gather @!p4 [hbm4b:s12+s4], $0x80, v19, vm4, $0xb8;
	[tilespmem:$0x18580] =	vst v63  }
0x18b: {  	s8 =	simm.s32 @!p4 $0x14580  }
0x18c: {  	[tilespmem:s8], [sflag:$0x5] =	stream.indirect_vreg.gather @!p4 [hbm4b:s13+s4], $0x80, v19, vm4, $0xb8;
	[tilespmem:$0x18580] =	vst v63  }
0x18d: {  	s8 =	simm.s32 @!p4 $0x14D80  }
0x18e: {  	[tilespmem:s8], [sflag:$0x5] =	stream.indirect_vreg.gather @!p4 [hbm4b:s15+s4], $0x80, v19, vm4, $0xb8;
	[tilespmem:$0x18580] =	vst v63  }
0x18f: {  	s7 =	sadd.s32 $0x5, s7;
	s8 =	simm.s32 @!p6 $0xC  }
0x190: {  	p5 =	sge.s32 s7, s18;
	_ =	swait.ge @!p6 [sflag:s8], $0x3000  }
0x191: {  	s7 =	sshll.u32 @!p5 s7, $0x6;
	[sflag:s8] =	ssyncset.done @!p6 $0x0  }
0x192: {  	s26 =	sshra.s32 @!p5 s7, $0x2;
	[sflag:s8] =	ssyncadd.s32 @!p6 $0xFFFFD000  }
0x193: {  	v19 =	vld @!p5 [tilespmem:s26+$0x1900];
	_ =	sdelay $0x6  }
0x194: {  	s7 =	simm.s32 @!p5 $0x0  }
0x195: {  	v19 =	vld.idx.msk @!p5 [tilespmem:v19+s7+$0x0], $0xffff;
	_ =	sdelay $0x4  }
0x196: {  	v20 =	vshrl.u32 @!p5 v19, $0x3  }
0x197: {  	v20 =	vmul.u32 @!p5 $0x30, v20  }
0x198: {  	v21 =	vlaneseq.u32 @!p5;
	v19 =	vand.u32 @!p5 $0x7, v19  }
0x199: {  	v22 =	vor.u32 @!p5 v19, v20;
	v20 =	vand.u32 @!p5 $0x7, v21;
	v19 =	vshrl.u32 @!p5 v21, $0x3  }
0x19a: {  	v23 =	vperm.xlane @!p5 v22, v20;
	v19 =	vmul.u32 @!p5 $0x8, v19;
	_ =	sdelay $0x1  }
0x19b: {  	v23 =	vadd.s32 @!p5 v19, v23;
	_ =	sdelay $0x2  }
0x19c: {  	v21 =	vor.u32 @!p5 $0x8, v21  }
0x19d: {  	vm5 =	vmmov @!p5 $0xffff;
	s8 =	simm.s32 @!p5 $0x15580;
	v22 =	vperm.xlane @!p5 v22, v21  }
0x19e: {  	[tilespmem:s8], [sflag:$0x6] =	stream.indirect_vreg.gather @!p5 [hbm4b:s12+s7], $0x80, v23, vm5, $0xb8;
	[tilespmem:$0x18580] =	vst v63  }
0x19f: {  	s24 =	simm.s32 @!p5 $0x15D80;
	v22 =	vadd.s32 @!p5 v19, v22  }
0x1a0: {  	[tilespmem:s24], [sflag:$0x6] =	stream.indirect_vreg.gather @!p5 [hbm4b:s13+s7], $0x80, v23, vm5, $0xb8;
	[tilespmem:$0x18580] =	vst v63  }
0x1a1: {  	s24 =	simm.s32 @!p5 $0x16580  }
0x1a2: {  	[tilespmem:s24], [sflag:$0x6] =	stream.indirect_vreg.gather @!p5 [hbm4b:s15+s7], $0x80, v23, vm5, $0xb8;
	[tilespmem:$0x18580] =	vst v63  }
0x1a3: {  	s24 =	simm.s32 @!p5 $0x16D80  }
0x1a4: {  	[tilespmem:s24], [sflag:$0x6] =	stream.indirect_vreg.gather @!p5 [hbm4b:s12+s7], $0x80, v22, vm5, $0xb8;
	[tilespmem:$0x18580] =	vst v63  }
0x1a5: {  	s12 =	simm.s32 @!p5 $0x17580  }
0x1a6: {  	[tilespmem:s12], [sflag:$0x6] =	stream.indirect_vreg.gather @!p5 [hbm4b:s13+s7], $0x80, v22, vm5, $0xb8;
	[tilespmem:$0x18580] =	vst v63  }
0x1a7: {  	s12 =	sadd.s32 $0x20, s6  }
0x1a8: {  	p0 =	slt.s32 s12, $0x190;
	s24 =	smov.u32 s12  }
0x1a9: {  	s24 =	simm.s32 @!p0 $0x190  }
0x1aa: {  	p0 =	sle.s32 s24, s6  }
.Ltmp6:
0x1ab: {  	_ = 	snop;
	(pc) =	sbr.rel @p0 .LBB2_12-.Ltmp6, $3  }
0x1ac: {  	_ =	sdelay $0x1  }
0x1ad: {  	s13 =	simm.s32 @!p5 $0x17D80  }
0x1ae: {  	[tilespmem:s13], [sflag:$0x6] =	stream.indirect_vreg.gather @!p5 [hbm4b:s15+s7], $0x80, v22, vm5, $0xb8;
	[tilespmem:$0x18580] =	vst v63  }
0x1af: {  	s8 =	simm.s32 @!p1 $0x0  }
0x1b0: {  	s16 =	sshll.u32 s6, $0x6;
	s8 =	simm.s32 @p1 $0x1  }
0x1b1: {  	[smem:$0x7FC] =	sst s8;
	s8 =	sshra.s32 s16, $0x2  }
0x1b2: {  	v22 =	vld [tilespmem:s8+$0x0];
	_ =	sdelay $0x4  }
0x1b3: {  	v23 =	vadd.s32 $0xFFFF3BAF, v22;
	vm6 =	vgt.s32 v22, $0x24AF0  }
0x1b4: {  	vm7 =	vlt.u32 v23, $0x186A0;
	v23 =	vsel vm6, $0x1, v2  }
0x1b5: {  	s15 =	sshll.u32 s6, $0x4;
	(xrf0) =	vadd.scan.msk.s32 $0xffff, v23  }
0x1b6: {  	v22 =	vor.u32 s15, v0  }
0x1b7: {  	v24 =	vxor.u32 $0x80000000, v22;
	v25 =	vsel vm7, $0x1, v2  }
0x1b8: {  	v23 =	vnsel vm6, $0x7FFFFFFF, v24;
	(xrf0) =	vadd.scan.msk.s32 $0xffff, v25  }
0x1b9: {  	[dreg:$0x13] =	wrdreg s17;
	s17 =	ssub.s32 s24, s6;
	(xrf0) =	vmax.scan.msk.u32 $0xffff, v23  }
0x1ba: {  	p0 =	sne.s32 s17, $0x1  }
.Ltmp7:
0x1bb: {  	v24 =	vnsel vm7, $0x7FFFFFFF, v24;
	v23, _, _ =	vpop (xrf0);
	(pc) =	sbr.rel @!p0 .LBB2_6-.Ltmp7, $3  }
0x1bc: {  	(xrf0) =	vmax.scan.msk.u32 $0xffff, v24;
	v27 =	vxor.u32 $0x80000000, v23;
	_ =	sdelay $0x1  }
0x1bd: {  	v26 =	vsel vm6, $0xFFFFFFFF, v2;
	v25, _, _ =	vpop (xrf0);
	(xrf0) =	vmax.scan.msk.u32 $0xffff, v27  }
0x1be: {  	p6 =	por $0x0, $0x0;
	s16 =	sadd.s32 $0xFFFFFFFF, s17;
	v26 =	vadd.s32 s22, v26;
	v24 =	vsel vm7, $0xFFFFFFFF, v2;
	v28 =	vxor.u32 $0x80000000, v25;
	v27, _, _ =	vpop (xrf0)  }
0x1bf: {  	v24 =	vadd.s32 s25, v24  }
0x1c0: {  	v24 =	vadd.s32 v25, v24  }
0x1c1: {  	(xrf0) =	vmax.scan.msk.u32 $0xffff, v28;
	v23 =	vadd.s32 v23, v26;
	_ =	sdelay $0x1  }
0x1c2: {  	v28, _, _ =	vpop (xrf0)  }
0x1c3: {  	(v2sf) =	vpush v28, $0xF  }
0x1c4: {  	v25, _, _ =	vpop (xrf0);
	(v2sf) =	vpush v27, $0xF;
	[tilespmem:v24+s19+$0x0] =	vst.idx.msk vm7, v22  }
0x1c5: {  	s6 =	sadd.s32 $0x10, s8;
	(v2sf) =	vpush v25, $0xF;
	[tilespmem:v23+s20+$0x0] =	vst.idx.msk vm6, v22  }
0x1c6: {  	v26, _, _ =	vpop (xrf0);
	v22 =	vld [tilespmem:s6+$0x0]  }
0x1c7: {  	(v2sf) =	vpush v26, $0xF;
	_ =	sdelay $0x3  }
0x1c8: {  	v23 =	vadd.s32 $0xFFFF3BAF, v22;
	vm6 =	vgt.s32 v22, $0x24AF0  }
0x1c9: {  	vm7 =	vlt.u32 v23, $0x186A0;
	v23 =	vsel vm6, $0x1, v2  }
0x1ca: {  	s8 =	sadd.s32 $0x10, s15;
	(xrf0) =	vadd.scan.msk.s32 $0xffff, v23  }
0x1cb: {  	v22 =	vor.u32 s8, v0  }
0x1cc: {  	v24 =	vxor.u32 $0x80000000, v22  }
0x1cd: {  	v25 =	vsel vm7, $0x1, v2;
	v23 =	vnsel vm6, $0x7FFFFFFF, v24  }
0x1ce: {  	(xrf0) =	vadd.scan.msk.s32 $0xffff, v25  }
0x1cf: {  	v24 =	vnsel vm7, $0x7FFFFFFF, v24;
	(xrf0) =	vmax.scan.msk.u32 $0xffff, v23;
	s17 =	spop (v2sf)  }
0x1d0: {  	p1 =	sne.s32 s16, $0x1;
	s28 =	spop (v2sf);
	v23, _, _ =	vpop (xrf0);
	(xrf0) =	vmax.scan.msk.u32 $0xffff, v24  }
.Ltmp8:
0x1d1: {  	s31 =	spop (v2sf);
	(pc) =	sbr.rel @!p1 .LBB2_8-.Ltmp8, $4  }
0x1d2: {  	s15 =	sadd.s32 $0xFFFFFFFF, s16;
	s17 =	sxor.u32 $0x80000000, s17;
	s31 =	sxor.u32 $0x80000000, s31;
	v27 =	vxor.u32 $0x80000000, v23  }
0x1d3: {  	s28 =	sxor.u32 $0x80000000, s28;
	s13 =	spop (v2sf);
	p6 =	sgt.s32 s31, $0x0  }
0x1d4: {  	v26 =	vsel vm6, $0xFFFFFFFF, v2;
	v25, _, _ =	vpop (xrf0);
	s22 =	sadd.s32 s22, s31;
	s16 =	sxor.u32 $0x80000000, s13;
	(xrf0) =	vmax.scan.msk.u32 $0xffff, v27;
	s23 =	smov.u32 @p6 s28  }
0x1d5: {  	v24 =	vsel vm7, $0xFFFFFFFF, v2;
	v28 =	vxor.u32 $0x80000000, v25;
	v26 =	vadd.s32 s22, v26;
	s25 =	sadd.s32 s25, s16;
	p0 =	sgt.s32 s16, $0x0;
	s16 =	rddreg [dreg:$0x11];
	v27, _, _ =	vpop (xrf0)  }
.LBB2_9:
0x1d6: {  	p6 =	sne.s32 s15, $0x1;
	s15 =	sadd.s32 $0xFFFFFFFF, s15;
	(xrf0) =	vmax.scan.msk.u32 $0xffff, v28;
	v28, _, _ =	vpop (xrf0);
	s16 =	smov.u32 @p0 s17  }
0x1d7: {  	v24 =	vadd.s32 s25, v24;
	(v2sf) =	vpush v28, $0xF  }
0x1d8: {  	v24 =	vadd.s32 v25, v24  }
0x1d9: {  	v23 =	vadd.s32 v23, v26;
	_ =	sdelay $0x1  }
0x1da: {  	v25, _, _ =	vpop (xrf0);
	(v2sf) =	vpush v27, $0xF  }
0x1db: {  	v26, _, _ =	vpop (xrf0);
	(v2sf) =	vpush v25, $0xF  }
0x1dc: {  	[tilespmem:v24+s19+$0x0] =	vst.idx.msk vm7, v22;
	(v2sf) =	vpush v26, $0xF  }
0x1dd: {  	s6 =	sadd.s32 $0x10, s6;
	[tilespmem:v23+s20+$0x0] =	vst.idx.msk vm6, v22  }
0x1de: {  	v23 =	vld [tilespmem:s6+$0x0];
	_ =	sdelay $0x2  }
0x1df: {  	s8 =	sadd.s32 $0x10, s8  }
0x1e0: {  	v22 =	vor.u32 s8, v0  }
0x1e1: {  	v25 =	vxor.u32 $0x80000000, v22;
	v24 =	vadd.s32 $0xFFFF3BAF, v23;
	vm6 =	vgt.s32 v23, $0x24AF0  }
0x1e2: {  	vm7 =	vlt.u32 v24, $0x186A0;
	v23 =	vsel vm6, $0x1, v2;
	v26 =	vnsel vm6, $0x7FFFFFFF, v25  }
0x1e3: {  	v24 =	vsel vm7, $0xFFFFFFFF, v2;
	v27 =	vsel vm7, $0x1, v2;
	v25 =	vnsel vm7, $0x7FFFFFFF, v25;
	(xrf0) =	vadd.scan.msk.s32 $0xffff, v23;
	s17 =	spop (v2sf)  }
0x1e4: {  	(xrf0) =	vadd.scan.msk.s32 $0xffff, v27  }
0x1e5: {  	(xrf0) =	vmax.scan.msk.u32 $0xffff, v26  }
0x1e6: {  	(xrf0) =	vmax.scan.msk.u32 $0xffff, v25  }
.Ltmp9:
0x1e7: {  	s28 =	spop (v2sf);
	(pc) =	sbr.rel @p6 .LBB2_9-.Ltmp9, $4  }
0x1e8: {  	s17 =	sxor.u32 $0x80000000, s17;
	s31 =	spop (v2sf)  }
0x1e9: {  	s28 =	sxor.u32 $0x80000000, s28;
	v23, _, _ =	vpop (xrf0);
	s31 =	sxor.u32 $0x80000000, s31;
	s13 =	spop (v2sf)  }
0x1ea: {  	v26 =	vsel vm6, $0xFFFFFFFF, v2;
	v29 =	vxor.u32 $0x80000000, v23;
	v25, _, _ =	vpop (xrf0);
	s13 =	sxor.u32 $0x80000000, s13;
	s22 =	sadd.s32 s22, s31;
	p1 =	sgt.s32 s31, $0x0  }
0x1eb: {  	v28 =	vxor.u32 $0x80000000, v25;
	v26 =	vadd.s32 s22, v26;
	(xrf0) =	vmax.scan.msk.u32 $0xffff, v29;
	v27, _, _ =	vpop (xrf0);
	s25 =	sadd.s32 s25, s13;
	p0 =	sgt.s32 s13, $0x0;
	s23 =	smov.u32 @p1 s28  }
.Ltmp10:
0x1ec: {  	(pc) =	sbr.rel .LBB2_11-.Ltmp10, $3  }
0x1ed: {  	_ =	sdelay $0x1  }
0x1ee: {  	s28 =	rddreg [dreg:$0x4]  }
0x1ef: {  	s31 =	rddreg [dreg:$0xb];
	p6 =	por $0x1, $0x1  }
.LBB2_8:
.Ltmp11:
0x1f0: {  	(pc) =	sbr.rel .LBB2_11-.Ltmp11, $4  }
0x1f1: {  	_ = 	snop  }
0x1f2: {  	s16 =	rddreg [dreg:$0x11]  }
0x1f3: {  	s28 =	rddreg [dreg:$0x4]  }
0x1f4: {  	s31 =	rddreg [dreg:$0xb];
	p6 =	por $0x1, $0x1  }
.LBB2_13:
0x1f5: {  	s0 =	smul.u32 $0x6, s16;
	_ =	sdelay $0x1  }
0x1f6: {  	s1 =	sadd.s32 $0xFFFFFFFA, s0  }
0x1f7: {  	p0 =	sge.s32 s1, s18  }
0x1f8: {  	s1 =	simm.s32 @!p0 $0x7  }
0x1f9: {  	s2 =	sadd.s32 $0xFFFFFFFB, s0;
	_ =	swait.ge @!p0 [sflag:s1], $0x3000  }
0x1fa: {  	p1 =	sge.s32 s2, s18;
	[sflag:s1] =	ssyncset.done @!p0 $0x0  }
0x1fb: {  	[sflag:s1] =	ssyncadd.s32 @!p0 $0xFFFFD000;
	s1 =	simm.s32 @!p1 $0x8  }
0x1fc: {  	s26 =	sadd.s32 $0xFFFFFFFC, s0;
	_ =	swait.ge @!p1 [sflag:s1], $0x3000  }
0x1fd: {  	p0 =	sge.s32 s26, s18;
	[sflag:s1] =	ssyncset.done @!p1 $0x0  }
0x1fe: {  	[sflag:s1] =	ssyncadd.s32 @!p1 $0xFFFFD000;
	s1 =	simm.s32 @!p0 $0x9  }
0x1ff: {  	s29 =	sadd.s32 $0xFFFFFFFD, s0;
	_ =	swait.ge @!p0 [sflag:s1], $0x3000  }
0x200: {  	p1 =	sge.s32 s29, s18;
	[sflag:s1] =	ssyncset.done @!p0 $0x0  }
0x201: {  	[sflag:s1] =	ssyncadd.s32 @!p0 $0xFFFFD000;
	s1 =	simm.s32 @!p1 $0xA  }
0x202: {  	s30 =	sadd.s32 $0xFFFFFFFE, s0;
	_ =	swait.ge @!p1 [sflag:s1], $0x3000  }
0x203: {  	p0 =	sge.s32 s30, s18;
	[sflag:s1] =	ssyncset.done @!p1 $0x0  }
0x204: {  	[sflag:s1] =	ssyncadd.s32 @!p1 $0xFFFFD000;
	s1 =	simm.s32 @!p0 $0xB  }
0x205: {  	_ =	swait.ge @!p0 [sflag:s1], $0x3000  }
0x206: {  	[sflag:s1] =	ssyncset.done @!p0 $0x0  }
0x207: {  	[sflag:s1] =	ssyncadd.s32 @!p0 $0xFFFFD000;
	p0 =	sgt.s32 s12, $0x18F  }
.Ltmp12:
0x208: {  	p1 =	sgt.s32 s0, s18;
	(pc) =	sbr.rel @p0 .LBB2_20-.Ltmp12, $4  }
0x209: {  	s0 =	simm.s32 @!p1 $0xC  }
0x20a: {  	_ =	swait.ge @!p1 [sflag:s0], $0x3000  }
0x20b: {  	[sflag:s0] =	ssyncset.done @!p1 $0x0  }
0x20c: {  	[sflag:s0] =	ssyncadd.s32 @!p1 $0xFFFFD000  }
.LBB2_14:
0x20d: {  	s0 =	sshll.u32 s24, $0x6  }
0x20e: {  	s0 =	sshra.s32 s0, $0x2  }
0x20f: {  	v4 =	vld [tilespmem:s0+$0x0];
	_ =	sdelay $0x4  }
0x210: {  	v5 =	vadd.s32 $0xFFFF3BAF, v4;
	vm0 =	vgt.s32 v4, $0x24AF0  }
0x211: {  	vm1 =	vlt.u32 v5, $0x186A0;
	v5 =	vsel vm0, $0x1, v2  }
0x212: {  	s1 =	sshll.u32 s24, $0x4;
	(xrf0) =	vadd.scan.msk.s32 $0xffff, v5  }
0x213: {  	v4 =	vor.u32 s1, v0  }
0x214: {  	v6 =	vxor.u32 $0x80000000, v4;
	v7 =	vsel vm1, $0x1, v2  }
0x215: {  	v5 =	vnsel vm0, $0x7FFFFFFF, v6;
	(xrf0) =	vadd.scan.msk.s32 $0xffff, v7  }
0x216: {  	s2 =	ssub.s32 $0x190, s24;
	(xrf0) =	vmax.scan.msk.u32 $0xffff, v5  }
0x217: {  	p1 =	sne.s32 s2, $0x1  }
.Ltmp13:
0x218: {  	v5, _, _ =	vpop (xrf0);
	(pc) =	sbr.rel @!p1 .LBB2_15-.Ltmp13, $4  }
0x219: {  	v9 =	vxor.u32 $0x80000000, v5  }
0x21a: {  	v6 =	vnsel vm1, $0x7FFFFFFF, v6  }
0x21b: {  	v8 =	vsel vm0, $0xFFFFFFFF, v2;
	(xrf0) =	vmax.scan.msk.u32 $0xffff, v6;
	v7, _, _ =	vpop (xrf0)  }
0x21c: {  	p0 =	por $0x0, $0x0;
	s2 =	sadd.s32 $0xFFFFFFFF, s2;
	v8 =	vadd.s32 s22, v8;
	v6 =	vsel vm1, $0xFFFFFFFF, v2;
	v10 =	vxor.u32 $0x80000000, v7;
	(xrf0) =	vmax.scan.msk.u32 $0xffff, v9;
	v9, _, _ =	vpop (xrf0)  }
0x21d: {  	v6 =	vadd.s32 s25, v6  }
0x21e: {  	(xrf0) =	vmax.scan.msk.u32 $0xffff, v10;
	v6 =	vadd.s32 v7, v6  }
0x21f: {  	v5 =	vadd.s32 v5, v8;
	_ =	sdelay $0x1  }
0x220: {  	v10, _, _ =	vpop (xrf0)  }
0x221: {  	(v2sf) =	vpush v10, $0xF  }
0x222: {  	v7, _, _ =	vpop (xrf0);
	(v2sf) =	vpush v9, $0xF;
	[tilespmem:v6+s19+$0x0] =	vst.idx.msk vm1, v4  }
0x223: {  	s0 =	sadd.s32 $0x10, s0;
	v8, _, _ =	vpop (xrf0);
	(v2sf) =	vpush v7, $0xF;
	[tilespmem:v5+s20+$0x0] =	vst.idx.msk vm0, v4  }
0x224: {  	(v2sf) =	vpush v8, $0xF;
	v4 =	vld [tilespmem:s0+$0x0];
	_ =	sdelay $0x4  }
0x225: {  	v5 =	vadd.s32 $0xFFFF3BAF, v4;
	vm0 =	vgt.s32 v4, $0x24AF0  }
0x226: {  	vm1 =	vlt.u32 v5, $0x186A0;
	v5 =	vsel vm0, $0x1, v2  }
0x227: {  	s1 =	sadd.s32 $0x10, s1;
	(xrf0) =	vadd.scan.msk.s32 $0xffff, v5  }
0x228: {  	v4 =	vor.u32 s1, v0  }
0x229: {  	v6 =	vxor.u32 $0x80000000, v4  }
0x22a: {  	v7 =	vsel vm1, $0x1, v2;
	v5 =	vnsel vm0, $0x7FFFFFFF, v6  }
0x22b: {  	(xrf0) =	vadd.scan.msk.s32 $0xffff, v7  }
0x22c: {  	v6 =	vnsel vm1, $0x7FFFFFFF, v6;
	(xrf0) =	vmax.scan.msk.u32 $0xffff, v5;
	s3 =	spop (v2sf)  }
0x22d: {  	p1 =	sne.s32 s2, $0x1;
	s5 =	spop (v2sf);
	v5, _, _ =	vpop (xrf0);
	(xrf0) =	vmax.scan.msk.u32 $0xffff, v6  }
.Ltmp14:
0x22e: {  	s2 =	sadd.s32 $0xFFFFFFFF, s2;
	s6 =	spop (v2sf);
	(pc) =	sbr.rel @!p1 .LBB2_17-.Ltmp14, $4  }
0x22f: {  	s4 =	sxor.u32 $0x80000000, s3;
	v9 =	vxor.u32 $0x80000000, v5;
	s30 =	spop (v2sf);
	s6 =	sxor.u32 $0x80000000, s6  }
0x230: {  	s5 =	sxor.u32 $0x80000000, s5;
	s3 =	sxor.u32 $0x80000000, s30;
	s22 =	sadd.s32 s22, s6  }
0x231: {  	v8 =	vsel vm0, $0xFFFFFFFF, v2;
	v7, _, _ =	vpop (xrf0);
	p0 =	sgt.s32 s6, $0x0;
	s25 =	sadd.s32 s25, s3;
	p2 =	sgt.s32 s3, $0x0  }
0x232: {  	v6 =	vsel vm1, $0xFFFFFFFF, v2;
	v10 =	vxor.u32 $0x80000000, v7;
	(xrf0) =	vmax.scan.msk.u32 $0xffff, v9;
	v8 =	vadd.s32 s22, v8;
	v9, _, _ =	vpop (xrf0);
	s23 =	smov.u32 @p0 s5;
	p0 =	por $0x1, $0x1;
	s3 =	rddreg [dreg:$0x11]  }
.LBB2_18:
0x233: {  	p1 =	sne.s32 s2, $0x1;
	s2 =	sadd.s32 $0xFFFFFFFF, s2;
	(xrf0) =	vmax.scan.msk.u32 $0xffff, v10;
	v10, _, _ =	vpop (xrf0);
	s3 =	smov.u32 @p2 s4  }
0x234: {  	v6 =	vadd.s32 s25, v6;
	(v2sf) =	vpush v10, $0xF  }
0x235: {  	v6 =	vadd.s32 v7, v6  }
0x236: {  	v5 =	vadd.s32 v5, v8;
	_ =	sdelay $0x1  }
0x237: {  	v7, _, _ =	vpop (xrf0);
	(v2sf) =	vpush v9, $0xF  }
0x238: {  	v8, _, _ =	vpop (xrf0);
	(v2sf) =	vpush v7, $0xF  }
0x239: {  	[tilespmem:v6+s19+$0x0] =	vst.idx.msk vm1, v4;
	(v2sf) =	vpush v8, $0xF  }
0x23a: {  	s0 =	sadd.s32 $0x10, s0;
	[tilespmem:v5+s20+$0x0] =	vst.idx.msk vm0, v4  }
0x23b: {  	v5 =	vld [tilespmem:s0+$0x0];
	_ =	sdelay $0x2  }
0x23c: {  	s1 =	sadd.s32 $0x10, s1  }
0x23d: {  	v4 =	vor.u32 s1, v0  }
0x23e: {  	v7 =	vxor.u32 $0x80000000, v4;
	v6 =	vadd.s32 $0xFFFF3BAF, v5;
	vm0 =	vgt.s32 v5, $0x24AF0  }
0x23f: {  	vm1 =	vlt.u32 v6, $0x186A0;
	v5 =	vsel vm0, $0x1, v2;
	v8 =	vnsel vm0, $0x7FFFFFFF, v7  }
0x240: {  	v6 =	vsel vm1, $0xFFFFFFFF, v2;
	v9 =	vsel vm1, $0x1, v2;
	v7 =	vnsel vm1, $0x7FFFFFFF, v7;
	(xrf0) =	vadd.scan.msk.s32 $0xffff, v5;
	s4 =	spop (v2sf)  }
0x241: {  	(xrf0) =	vadd.scan.msk.s32 $0xffff, v9  }
0x242: {  	(xrf0) =	vmax.scan.msk.u32 $0xffff, v8  }
0x243: {  	(xrf0) =	vmax.scan.msk.u32 $0xffff, v7  }
.Ltmp15:
0x244: {  	s5 =	spop (v2sf);
	(pc) =	sbr.rel @p1 .LBB2_18-.Ltmp15, $4  }
0x245: {  	s4 =	sxor.u32 $0x80000000, s4;
	s6 =	spop (v2sf)  }
0x246: {  	s5 =	sxor.u32 $0x80000000, s5;
	v5, _, _ =	vpop (xrf0);
	s6 =	sxor.u32 $0x80000000, s6;
	s7 =	spop (v2sf)  }
0x247: {  	v8 =	vsel vm0, $0xFFFFFFFF, v2;
	v11 =	vxor.u32 $0x80000000, v5;
	v7, _, _ =	vpop (xrf0);
	s7 =	sxor.u32 $0x80000000, s7;
	s22 =	sadd.s32 s22, s6;
	p3 =	sgt.s32 s6, $0x0  }
0x248: {  	v10 =	vxor.u32 $0x80000000, v7;
	v8 =	vadd.s32 s22, v8;
	(xrf0) =	vmax.scan.msk.u32 $0xffff, v11;
	v9, _, _ =	vpop (xrf0);
	s25 =	sadd.s32 s25, s7;
	p2 =	sgt.s32 s7, $0x0;
	s23 =	smov.u32 @p3 s5  }
.LBB2_19:
0x249: {  	(xrf0) =	vmax.scan.msk.u32 $0xffff, v10;
	_ =	sdelay $0x2  }
0x24a: {  	v61, _, _ =	vpop (xrf0)  }
0x24b: {  	(v2sf) =	vpush v61, $0xF  }
0x24c: {  	(v2sf) =	vpush v9, $0xF;
	v62, _, _ =	vpop (xrf0)  }
0x24d: {  	v63, _, _ =	vpop (xrf0);
	(v2sf) =	vpush v62, $0xF  }
0x24e: {  	(v2sf) =	vpush v63, $0xF;
	_ =	sdelay $0xb  }
0x24f: {  	s0 =	spop (v2sf)  }
0x250: {  	v6 =	vadd.s32 s25, v6;
	s1 =	spop (v2sf)  }
0x251: {  	v6 =	vadd.s32 v7, v6;
	s2 =	spop (v2sf)  }
0x252: {  	p1 =	por !p2, !p0;
	v5 =	vadd.s32 v5, v8;
	s30 =	spop (v2sf)  }
0x253: {  	s4 =	smov.u32 @p1 s3;
	s2 =	sxor.u32 $0x80000000, s2;
	s3 =	sxor.u32 $0x80000000, s30  }
0x254: {  	s22 =	sadd.s32 s22, s2;
	p1 =	sgt.s32 s2, $0x0;
	s2 =	rddreg [dreg:$0x11]  }
0x255: {  	s0 =	sxor.u32 $0x80000000, s0;
	p2 =	sgt.s32 s3, $0x0;
	s2 =	smov.u32 @p0 s4  }
0x256: {  	[tilespmem:v6+s19+$0x0] =	vst.idx.msk vm1, v4;
	s1 =	sxor.u32 $0x80000000, s1;
	s2 =	smov.u32 @p2 s0  }
0x257: {  	[tilespmem:v5+s20+$0x0] =	vst.idx.msk vm0, v4;
	s25 =	sadd.s32 s25, s3;
	s23 =	smov.u32 @p1 s1;
	[dreg:$0x11] =	wrdreg s2  }
.LBB2_20:
0x258: {  	s0 =	sshra.s32 s25, $0x1F;
	s1 =	sand.u32 $0xF, s25  }
0x259: {  	s2 =	sadd.s32 $0xF, s25;
	p0 =	slt.s32 s25, $0x1;
	s3 =	simm.s32 $0x1  }
0x25a: {  	s0 =	sshrl.u32 s0, $0x1C;
	p1 =	sne.s32 s1, $0x0;
	s13 =	sand.u32 $0xF, s2  }
0x25b: {  	p6 =	slt.s32 s2, $0x1;
	s15 =	sshra.s32 s2, $0x1F;
	s0 =	sadd.s32 s0, s25  }
0x25c: {  	p0 =	por !p0, !p1;
	p2 =	sne.s32 s13, $0x0;
	s1 =	sshrl.u32 s15, $0x1C  }
0x25d: {  	p1 =	por !p6, !p2;
	s0 =	sshrl.u32 s0, $0x4;
	p0 =	por !p0, !p0  }
0x25e: {  	s1 =	sadd.s32 s1, s2;
	s2 =	simm.s32 $0x1;
	p1 =	por !p1, !p1  }
0x25f: {  	s3 =	simm.s32 @!p0 $0x0;
	s1 =	sshra.s32 s1, $0x4;
	s2 =	simm.s32 @!p1 $0x0  }
0x260: {  	s3 =	ssub.s32 s0, s3;
	s0 =	ssub.s32 s1, s2  }
0x261: {  	s2 =	sadd.s32 $0x5, s0  }
0x262: {  	s4 =	smulhi.u32 $0x2AAAAAAB, s2;
	s2 =	sshra.s32 s2, $0x1F  }
0x263: {  	s2 =	smul.u32 $0x2AAAAAAB, s2  }
0x264: {  	s17 =	sand.u32 $0xF, s22  }
0x265: {  	s18 =	sshra.s32 s22, $0x1F;
	p4 =	slt.s32 s22, $0x1;
	s2 =	sadd.s32 s2, s4  }
0x266: {  	p3 =	sne.s32 s17, $0x0;
	s16 =	sshll.u32 s3, $0x4;
	s21 =	sshrl.u32 s2, $0x1F  }
0x267: {  	s24 =	rddreg [dreg:$0x11];
	p0 =	por !p4, !p3;
	v4 =	vld [tilespmem:s16+$0x3280];
	s2 =	sadd.s32 s21, s2  }
0x268: {  	s3 =	sshrl.u32 s18, $0x1C;
	s5 =	ssub.s32 s25, s16;
	s25 =	smul.u32 $0xFFFFFFFA, s2  }
0x269: {  	p0 =	por !p0, !p0;
	s3 =	sadd.s32 s3, s22;
	s29 =	ssub.s32 $0xFFFFFFFB, s0  }
0x26a: {  	p5 =	slt.s32 s0, $0xFFFFFFFC;
	v5 =	vmov s5;
	s4 =	simm.s32 $0x1;
	p6 =	sne.s32 s25, s29  }
0x26b: {  	s3 =	sshrl.u32 s3, $0x4;
	vm0 =	vgt.s32 v5, v0;
	s4 =	simm.s32 @!p0 $0x0;
	p0 =	por !p5, !p6  }
0x26c: {  	v4 =	vnsel vm0, s24, v4;
	s3 =	ssub.s32 s3, s4;
	s4 =	simm.s32 $0x1;
	p0 =	por !p0, !p0  }
0x26d: {  	[tilespmem:s16+$0x3280] =	vst v4;
	s26 =	sshll.u32 s3, $0x4;
	s4 =	simm.s32 @!p0 $0x0  }
0x26e: {  	v4 =	vld [tilespmem:s26+$0x4C00];
	s2 =	ssub.s32 s2, s4  }
0x26f: {  	p0 =	slt.s32 s2, $0x1  }
.Ltmp16:
0x270: {  	s30 =	ssub.s32 s22, s26;
	(pc) =	sbr.rel @p0 .LBB2_24-.Ltmp16, $4  }
0x271: {  	v5 =	vmov s30  }
0x272: {  	vm15 =	vgt.s32 v5, v0  }
0x273: {  	s18 =	rddreg [dreg:$0x2];
	v4 =	vnsel vm15, s23, v4  }
0x274: {  	s5 =	rddreg [dreg:$0xc];
	[tilespmem:s26+$0x4C00] =	vst v4  }
0x275: {  	[smem:$0x7FB] =	sst s2;
	s1 =	ssub.s32 $0x0, s2  }
0x276: {  	s2 =	simm.s32 $0x0;
	s3 =	simm.s32 $0x32B0;
	s4 =	simm.s32 $0x0  }
0x277: {  	s30 =	smov.u32 s31;
	s31 =	smov.u32 s28;
	[dreg:$0x6] =	wrdreg s1  }
.LBB2_22:
0x278: {  	p3 =	seq.s32 s4, $0x0  }
0x279: {  	s1 =	simm.s32 @!p3 $0x7  }
0x27a: {  	_ =	swait.ge @!p3 [sflag:s1], $0x3000  }
0x27b: {  	[sflag:s1] =	ssyncset.done @!p3 $0x0  }
0x27c: {  	p0 =	sge.s32 s2, s0;
	[sflag:s1] =	ssyncadd.s32 @!p3 $0xFFFFD000  }
0x27d: {  	v4 =	vld @!p0 [tilespmem:s3+$0xFFFFFFD0];
	_ =	sdelay $0x6  }
0x27e: {  	s6 =	simm.s32 @!p0 $0x0  }
0x27f: {  	v4 =	vld.idx.msk @!p0 [tilespmem:v4+s6+$0x0], $0xffff;
	_ =	sdelay $0x4  }
0x280: {  	v4 =	vadd.s32 @!p0 $0xFFFF3BAF, v4  }
0x281: {  	v5 =	vshrl.u32 @!p0 v4, $0x3  }
0x282: {  	v5 =	vmul.u32 @!p0 $0x30, v5  }
0x283: {  	v6 =	vlaneseq.u32 @!p0;
	v4 =	vand.u32 @!p0 $0x7, v4  }
0x284: {  	v7 =	vor.u32 @!p0 v4, v5;
	v5 =	vand.u32 @!p0 $0x7, v6;
	v4 =	vshrl.u32 @!p0 v6, $0x3  }
0x285: {  	v8 =	vperm.xlane @!p0 v7, v5;
	v4 =	vmul.u32 @!p0 $0x8, v4;
	_ =	sdelay $0x1  }
0x286: {  	v8 =	vadd.s32 @!p0 v4, v8;
	_ =	sdelay $0x2  }
0x287: {  	v6 =	vor.u32 @!p0 $0x8, v6  }
0x288: {  	vm0 =	vmmov @!p0 $0xffff;
	s1 =	simm.s32 @!p0 $0x6580;
	v7 =	vperm.xlane @!p0 v7, v6  }
0x289: {  	[tilespmem:s1], [sflag:$0x1] =	stream.indirect_vreg.gather @!p0 [hbm4b:s18+s6], $0x80, v8, vm0, $0xb8;
	[tilespmem:$0x18580] =	vst v63  }
0x28a: {  	v7 =	vadd.s32 @!p0 v4, v7;
	s1 =	simm.s32 @!p0 $0x6D80  }
0x28b: {  	[tilespmem:s1], [sflag:$0x1] =	stream.indirect_vreg.gather @!p0 [hbm4b:s30+s6], $0x80, v8, vm0, $0xb8;
	[tilespmem:$0x18580] =	vst v63  }
0x28c: {  	s1 =	simm.s32 @!p0 $0x7580  }
0x28d: {  	[tilespmem:s1], [sflag:$0x1] =	stream.indirect_vreg.gather @!p0 [hbm4b:s5+s6], $0x80, v8, vm0, $0xb8;
	[tilespmem:$0x18580] =	vst v63  }
0x28e: {  	s1 =	simm.s32 @!p0 $0x7D80  }
0x28f: {  	[tilespmem:s1], [sflag:$0x1] =	stream.indirect_vreg.gather @!p0 [hbm4b:s18+s6], $0x80, v7, vm0, $0xb8;
	[tilespmem:$0x18580] =	vst v63  }
0x290: {  	s1 =	simm.s32 @!p0 $0x8580  }
0x291: {  	[tilespmem:s1], [sflag:$0x1] =	stream.indirect_vreg.gather @!p0 [hbm4b:s30+s6], $0x80, v7, vm0, $0xb8;
	[tilespmem:$0x18580] =	vst v63  }
0x292: {  	s1 =	simm.s32 @!p0 $0x8D80  }
0x293: {  	[tilespmem:s1], [sflag:$0x1] =	stream.indirect_vreg.gather @!p0 [hbm4b:s5+s6], $0x80, v7, vm0, $0xb8;
	[tilespmem:$0x18580] =	vst v63  }
0x294: {  	s1 =	simm.s32 @!p3 $0x8  }
0x295: {  	_ =	swait.ge @!p3 [sflag:s1], $0x3000  }
0x296: {  	s24 =	sadd.s32 $0x1, s2;
	[sflag:s1] =	ssyncset.done @!p3 $0x0  }
0x297: {  	p1 =	sge.s32 s24, s0;
	[sflag:s1] =	ssyncadd.s32 @!p3 $0xFFFFD000  }
0x298: {  	v7 =	vld @!p1 [tilespmem:s3+$0xFFFFFFE0];
	_ =	sdelay $0x6  }
0x299: {  	s7 =	simm.s32 @!p1 $0x0  }
0x29a: {  	v7 =	vld.idx.msk @!p1 [tilespmem:v7+s7+$0x0], $0xffff;
	_ =	sdelay $0x4  }
0x29b: {  	v7 =	vadd.s32 @!p1 $0xFFFF3BAF, v7  }
0x29c: {  	v8 =	vshrl.u32 @!p1 v7, $0x3  }
0x29d: {  	v8 =	vmul.u32 @!p1 $0x30, v8  }
0x29e: {  	v9 =	vlaneseq.u32 @!p1;
	v7 =	vand.u32 @!p1 $0x7, v7  }
0x29f: {  	v10 =	vor.u32 @!p1 v7, v8;
	v8 =	vand.u32 @!p1 $0x7, v9;
	v7 =	vshrl.u32 @!p1 v9, $0x3  }
0x2a0: {  	v11 =	vperm.xlane @!p1 v10, v8;
	v7 =	vmul.u32 @!p1 $0x8, v7;
	_ =	sdelay $0x1  }
0x2a1: {  	v11 =	vadd.s32 @!p1 v7, v11;
	_ =	sdelay $0x2  }
0x2a2: {  	v9 =	vor.u32 @!p1 $0x8, v9  }
0x2a3: {  	vm1 =	vmmov @!p1 $0xffff;
	s1 =	simm.s32 @!p1 $0x9580;
	v10 =	vperm.xlane @!p1 v10, v9  }
0x2a4: {  	[tilespmem:s1], [sflag:$0x2] =	stream.indirect_vreg.gather @!p1 [hbm4b:s18+s7], $0x80, v11, vm1, $0xb8;
	[tilespmem:$0x18580] =	vst v63  }
0x2a5: {  	v10 =	vadd.s32 @!p1 v7, v10;
	s1 =	simm.s32 @!p1 $0x9D80  }
0x2a6: {  	[tilespmem:s1], [sflag:$0x2] =	stream.indirect_vreg.gather @!p1 [hbm4b:s30+s7], $0x80, v11, vm1, $0xb8;
	[tilespmem:$0x18580] =	vst v63  }
0x2a7: {  	s5 =	simm.s32 @!p1 $0xA580;
	s1 =	rddreg [dreg:$0xc]  }
0x2a8: {  	[tilespmem:s5], [sflag:$0x2] =	stream.indirect_vreg.gather @!p1 [hbm4b:s1+s7], $0x80, v11, vm1, $0xb8;
	[tilespmem:$0x18580] =	vst v63  }
0x2a9: {  	s1 =	simm.s32 @!p1 $0xAD80  }
0x2aa: {  	[tilespmem:s1], [sflag:$0x2] =	stream.indirect_vreg.gather @!p1 [hbm4b:s18+s7], $0x80, v10, vm1, $0xb8;
	[tilespmem:$0x18580] =	vst v63  }
0x2ab: {  	s1 =	simm.s32 @!p1 $0xB580  }
0x2ac: {  	[tilespmem:s1], [sflag:$0x2] =	stream.indirect_vreg.gather @!p1 [hbm4b:s30+s7], $0x80, v10, vm1, $0xb8;
	[tilespmem:$0x18580] =	vst v63  }
0x2ad: {  	s5 =	simm.s32 @!p1 $0xBD80;
	s1 =	rddreg [dreg:$0xc]  }
0x2ae: {  	[tilespmem:s5], [sflag:$0x2] =	stream.indirect_vreg.gather @!p1 [hbm4b:s1+s7], $0x80, v10, vm1, $0xb8;
	[tilespmem:$0x18580] =	vst v63  }
0x2af: {  	s1 =	simm.s32 @!p3 $0x9  }
0x2b0: {  	_ =	swait.ge @!p3 [sflag:s1], $0x3000  }
0x2b1: {  	s25 =	sadd.s32 $0x2, s2;
	[sflag:s1] =	ssyncset.done @!p3 $0x0  }
0x2b2: {  	p2 =	sge.s32 s25, s0;
	[sflag:s1] =	ssyncadd.s32 @!p3 $0xFFFFD000  }
0x2b3: {  	v10 =	vld @!p2 [tilespmem:s3+$0xFFFFFFF0];
	_ =	sdelay $0x6  }
0x2b4: {  	s25 =	simm.s32 @!p2 $0x0  }
0x2b5: {  	v10 =	vld.idx.msk @!p2 [tilespmem:v10+s25+$0x0], $0xffff;
	_ =	sdelay $0x4  }
0x2b6: {  	v10 =	vadd.s32 @!p2 $0xFFFF3BAF, v10  }
0x2b7: {  	v11 =	vshrl.u32 @!p2 v10, $0x3  }
0x2b8: {  	v11 =	vmul.u32 @!p2 $0x30, v11  }
0x2b9: {  	v12 =	vlaneseq.u32 @!p2;
	v10 =	vand.u32 @!p2 $0x7, v10  }
0x2ba: {  	v13 =	vor.u32 @!p2 v10, v11;
	v11 =	vand.u32 @!p2 $0x7, v12;
	v10 =	vshrl.u32 @!p2 v12, $0x3  }
0x2bb: {  	v14 =	vperm.xlane @!p2 v13, v11;
	v10 =	vmul.u32 @!p2 $0x8, v10;
	_ =	sdelay $0x1  }
0x2bc: {  	v14 =	vadd.s32 @!p2 v10, v14;
	_ =	sdelay $0x2  }
0x2bd: {  	v12 =	vor.u32 @!p2 $0x8, v12  }
0x2be: {  	vm2 =	vmmov @!p2 $0xffff;
	s1 =	simm.s32 @!p2 $0xC580;
	v13 =	vperm.xlane @!p2 v13, v12  }
0x2bf: {  	[tilespmem:s1], [sflag:$0x3] =	stream.indirect_vreg.gather @!p2 [hbm4b:s18+s25], $0x80, v14, vm2, $0xb8;
	[tilespmem:$0x18580] =	vst v63  }
0x2c0: {  	v13 =	vadd.s32 @!p2 v10, v13;
	s1 =	simm.s32 @!p2 $0xCD80  }
0x2c1: {  	[tilespmem:s1], [sflag:$0x3] =	stream.indirect_vreg.gather @!p2 [hbm4b:s30+s25], $0x80, v14, vm2, $0xb8;
	[tilespmem:$0x18580] =	vst v63  }
0x2c2: {  	s5 =	simm.s32 @!p2 $0xD580;
	s1 =	rddreg [dreg:$0xc]  }
0x2c3: {  	[tilespmem:s5], [sflag:$0x3] =	stream.indirect_vreg.gather @!p2 [hbm4b:s1+s25], $0x80, v14, vm2, $0xb8;
	[tilespmem:$0x18580] =	vst v63  }
0x2c4: {  	s1 =	simm.s32 @!p2 $0xDD80  }
0x2c5: {  	[tilespmem:s1], [sflag:$0x3] =	stream.indirect_vreg.gather @!p2 [hbm4b:s18+s25], $0x80, v13, vm2, $0xb8;
	[tilespmem:$0x18580] =	vst v63  }
0x2c6: {  	s1 =	simm.s32 @!p2 $0xE580  }
0x2c7: {  	[tilespmem:s1], [sflag:$0x3] =	stream.indirect_vreg.gather @!p2 [hbm4b:s30+s25], $0x80, v13, vm2, $0xb8;
	[tilespmem:$0x18580] =	vst v63  }
0x2c8: {  	s5 =	simm.s32 @!p2 $0xED80;
	s1 =	rddreg [dreg:$0xc]  }
0x2c9: {  	[tilespmem:s5], [sflag:$0x3] =	stream.indirect_vreg.gather @!p2 [hbm4b:s1+s25], $0x80, v13, vm2, $0xb8;
	[tilespmem:$0x18580] =	vst v63  }
0x2ca: {  	s1 =	simm.s32 @!p3 $0xA  }
0x2cb: {  	_ =	swait.ge @!p3 [sflag:s1], $0x3000  }
0x2cc: {  	s26 =	sadd.s32 $0x3, s2;
	[sflag:s1] =	ssyncset.done @!p3 $0x0  }
0x2cd: {  	p4 =	sge.s32 s26, s0;
	[sflag:s1] =	ssyncadd.s32 @!p3 $0xFFFFD000  }
0x2ce: {  	v13 =	vld @!p4 [tilespmem:s3+$0x0];
	_ =	sdelay $0x6  }
0x2cf: {  	s9 =	simm.s32 @!p4 $0x0  }
0x2d0: {  	v13 =	vld.idx.msk @!p4 [tilespmem:v13+s9+$0x0], $0xffff;
	_ =	sdelay $0x4  }
0x2d1: {  	v13 =	vadd.s32 @!p4 $0xFFFF3BAF, v13  }
0x2d2: {  	v14 =	vshrl.u32 @!p4 v13, $0x3  }
0x2d3: {  	v14 =	vmul.u32 @!p4 $0x30, v14  }
0x2d4: {  	v15 =	vlaneseq.u32 @!p4;
	v13 =	vand.u32 @!p4 $0x7, v13  }
0x2d5: {  	v16 =	vor.u32 @!p4 v13, v14;
	v14 =	vand.u32 @!p4 $0x7, v15;
	v13 =	vshrl.u32 @!p4 v15, $0x3  }
0x2d6: {  	v17 =	vperm.xlane @!p4 v16, v14;
	v13 =	vmul.u32 @!p4 $0x8, v13;
	_ =	sdelay $0x1  }
0x2d7: {  	v17 =	vadd.s32 @!p4 v13, v17;
	_ =	sdelay $0x2  }
0x2d8: {  	v15 =	vor.u32 @!p4 $0x8, v15  }
0x2d9: {  	vm3 =	vmmov @!p4 $0xffff;
	s1 =	simm.s32 @!p4 $0xF580;
	v16 =	vperm.xlane @!p4 v16, v15  }
0x2da: {  	[tilespmem:s1], [sflag:$0x4] =	stream.indirect_vreg.gather @!p4 [hbm4b:s18+s9], $0x80, v17, vm3, $0xb8;
	[tilespmem:$0x18580] =	vst v63  }
0x2db: {  	v16 =	vadd.s32 @!p4 v13, v16;
	s1 =	simm.s32 @!p4 $0xFD80  }
0x2dc: {  	[tilespmem:s1], [sflag:$0x4] =	stream.indirect_vreg.gather @!p4 [hbm4b:s30+s9], $0x80, v17, vm3, $0xb8;
	[tilespmem:$0x18580] =	vst v63  }
0x2dd: {  	s5 =	simm.s32 @!p4 $0x10580;
	s1 =	rddreg [dreg:$0xc]  }
0x2de: {  	[tilespmem:s5], [sflag:$0x4] =	stream.indirect_vreg.gather @!p4 [hbm4b:s1+s9], $0x80, v17, vm3, $0xb8;
	[tilespmem:$0x18580] =	vst v63  }
0x2df: {  	s1 =	simm.s32 @!p4 $0x10D80  }
0x2e0: {  	[tilespmem:s1], [sflag:$0x4] =	stream.indirect_vreg.gather @!p4 [hbm4b:s18+s9], $0x80, v16, vm3, $0xb8;
	[tilespmem:$0x18580] =	vst v63  }
0x2e1: {  	s1 =	simm.s32 @!p4 $0x11580  }
0x2e2: {  	[tilespmem:s1], [sflag:$0x4] =	stream.indirect_vreg.gather @!p4 [hbm4b:s30+s9], $0x80, v16, vm3, $0xb8;
	[tilespmem:$0x18580] =	vst v63  }
0x2e3: {  	s5 =	simm.s32 @!p4 $0x11D80;
	s1 =	rddreg [dreg:$0xc]  }
0x2e4: {  	[tilespmem:s5], [sflag:$0x4] =	stream.indirect_vreg.gather @!p4 [hbm4b:s1+s9], $0x80, v16, vm3, $0xb8;
	[tilespmem:$0x18580] =	vst v63  }
0x2e5: {  	s1 =	simm.s32 @!p3 $0xB  }
0x2e6: {  	_ =	swait.ge @!p3 [sflag:s1], $0x3000  }
0x2e7: {  	s28 =	sadd.s32 $0x4, s2;
	[sflag:s1] =	ssyncset.done @!p3 $0x0  }
0x2e8: {  	p5 =	sge.s32 s28, s0;
	[sflag:s1] =	ssyncadd.s32 @!p3 $0xFFFFD000  }
0x2e9: {  	v16 =	vld @!p5 [tilespmem:s3+$0x10];
	_ =	sdelay $0x6  }
0x2ea: {  	s5 =	simm.s32 @!p5 $0x0  }
0x2eb: {  	v16 =	vld.idx.msk @!p5 [tilespmem:v16+s5+$0x0], $0xffff;
	_ =	sdelay $0x4  }
0x2ec: {  	v16 =	vadd.s32 @!p5 $0xFFFF3BAF, v16  }
0x2ed: {  	v17 =	vshrl.u32 @!p5 v16, $0x3  }
0x2ee: {  	v17 =	vmul.u32 @!p5 $0x30, v17  }
0x2ef: {  	v18 =	vlaneseq.u32 @!p5;
	v16 =	vand.u32 @!p5 $0x7, v16  }
0x2f0: {  	v19 =	vor.u32 @!p5 v16, v17;
	v17 =	vand.u32 @!p5 $0x7, v18;
	v16 =	vshrl.u32 @!p5 v18, $0x3  }
0x2f1: {  	v20 =	vperm.xlane @!p5 v19, v17;
	v16 =	vmul.u32 @!p5 $0x8, v16;
	_ =	sdelay $0x1  }
0x2f2: {  	v20 =	vadd.s32 @!p5 v16, v20;
	_ =	sdelay $0x2  }
0x2f3: {  	v18 =	vor.u32 @!p5 $0x8, v18  }
0x2f4: {  	vm4 =	vmmov @!p5 $0xffff;
	s1 =	simm.s32 @!p5 $0x12580;
	v19 =	vperm.xlane @!p5 v19, v18  }
0x2f5: {  	[tilespmem:s1], [sflag:$0x5] =	stream.indirect_vreg.gather @!p5 [hbm4b:s18+s5], $0x80, v20, vm4, $0xb8;
	[tilespmem:$0x18580] =	vst v63  }
0x2f6: {  	s24 =	simm.s32 @!p5 $0x12D80;
	v19 =	vadd.s32 @!p5 v16, v19  }
0x2f7: {  	[tilespmem:s24], [sflag:$0x5] =	stream.indirect_vreg.gather @!p5 [hbm4b:s30+s5], $0x80, v20, vm4, $0xb8;
	[tilespmem:$0x18580] =	vst v63  }
0x2f8: {  	s23 =	simm.s32 @!p5 $0x13580;
	s1 =	rddreg [dreg:$0xc]  }
0x2f9: {  	[tilespmem:s23], [sflag:$0x5] =	stream.indirect_vreg.gather @!p5 [hbm4b:s1+s5], $0x80, v20, vm4, $0xb8;
	[tilespmem:$0x18580] =	vst v63  }
0x2fa: {  	s21 =	simm.s32 @!p5 $0x13D80  }
0x2fb: {  	[tilespmem:s21], [sflag:$0x5] =	stream.indirect_vreg.gather @!p5 [hbm4b:s18+s5], $0x80, v19, vm4, $0xb8;
	[tilespmem:$0x18580] =	vst v63  }
0x2fc: {  	s17 =	simm.s32 @!p5 $0x14580  }
0x2fd: {  	[tilespmem:s17], [sflag:$0x5] =	stream.indirect_vreg.gather @!p5 [hbm4b:s30+s5], $0x80, v19, vm4, $0xb8;
	[tilespmem:$0x18580] =	vst v63  }
0x2fe: {  	s15 =	simm.s32 @!p5 $0x14D80;
	s1 =	rddreg [dreg:$0xc]  }
0x2ff: {  	[tilespmem:s15], [sflag:$0x5] =	stream.indirect_vreg.gather @!p5 [hbm4b:s1+s5], $0x80, v19, vm4, $0xb8;
	[tilespmem:$0x18580] =	vst v63  }
0x300: {  	s1 =	simm.s32 @!p3 $0xC  }
0x301: {  	_ =	swait.ge @!p3 [sflag:s1], $0x3000  }
0x302: {  	s8 =	sadd.s32 $0x5, s2;
	[sflag:s1] =	ssyncset.done @!p3 $0x0  }
0x303: {  	[sflag:s1] =	ssyncadd.s32 @!p3 $0xFFFFD000;
	p3 =	sge.s32 s8, s0  }
0x304: {  	v19 =	vld @!p3 [tilespmem:s3+$0x20];
	_ =	sdelay $0x6  }
0x305: {  	s28 =	simm.s32 @!p3 $0x0  }
0x306: {  	v19 =	vld.idx.msk @!p3 [tilespmem:v19+s28+$0x0], $0xffff;
	_ =	sdelay $0x4  }
0x307: {  	v19 =	vadd.s32 @!p3 $0xFFFF3BAF, v19  }
0x308: {  	v20 =	vshrl.u32 @!p3 v19, $0x3  }
0x309: {  	v20 =	vmul.u32 @!p3 $0x30, v20  }
0x30a: {  	v21 =	vlaneseq.u32 @!p3;
	v19 =	vand.u32 @!p3 $0x7, v19  }
0x30b: {  	v22 =	vor.u32 @!p3 v19, v20;
	v20 =	vand.u32 @!p3 $0x7, v21;
	v19 =	vshrl.u32 @!p3 v21, $0x3  }
0x30c: {  	v23 =	vperm.xlane @!p3 v22, v20;
	v19 =	vmul.u32 @!p3 $0x8, v19;
	_ =	sdelay $0x1  }
0x30d: {  	v23 =	vadd.s32 @!p3 v19, v23;
	_ =	sdelay $0x2  }
0x30e: {  	v21 =	vor.u32 @!p3 $0x8, v21  }
0x30f: {  	vm5 =	vmmov @!p3 $0xffff;
	s13 =	simm.s32 @!p3 $0x15580;
	v22 =	vperm.xlane @!p3 v22, v21  }
0x310: {  	[tilespmem:s13], [sflag:$0x6] =	stream.indirect_vreg.gather @!p3 [hbm4b:s18+s28], $0x80, v23, vm5, $0xb8;
	[tilespmem:$0x18580] =	vst v63  }
0x311: {  	s16 =	simm.s32 @!p3 $0x15D80;
	v22 =	vadd.s32 @!p3 v19, v22  }
0x312: {  	[tilespmem:s16], [sflag:$0x6] =	stream.indirect_vreg.gather @!p3 [hbm4b:s30+s28], $0x80, v23, vm5, $0xb8;
	[tilespmem:$0x18580] =	vst v63  }
0x313: {  	s1 =	rddreg [dreg:$0xc];
	s26 =	simm.s32 @!p3 $0x16580  }
0x314: {  	[tilespmem:s26], [sflag:$0x6] =	stream.indirect_vreg.gather @!p3 [hbm4b:s1+s28], $0x80, v23, vm5, $0xb8;
	[tilespmem:$0x18580] =	vst v63  }
0x315: {  	s12 =	simm.s32 @!p3 $0x16D80  }
0x316: {  	[tilespmem:s12], [sflag:$0x6] =	stream.indirect_vreg.gather @!p3 [hbm4b:s18+s28], $0x80, v22, vm5, $0xb8;
	[tilespmem:$0x18580] =	vst v63  }
0x317: {  	s8 =	simm.s32 @!p3 $0x17580  }
0x318: {  	[tilespmem:s8], [sflag:$0x6] =	stream.indirect_vreg.gather @!p3 [hbm4b:s30+s28], $0x80, v22, vm5, $0xb8;
	[tilespmem:$0x18580] =	vst v63  }
0x319: {  	s1 =	simm.s32 @!p3 $0x17D80;
	s18 =	rddreg [dreg:$0xc]  }
0x31a: {  	[tilespmem:s1], [sflag:$0x6] =	stream.indirect_vreg.gather @!p3 [hbm4b:s18+s28], $0x80, v22, vm5, $0xb8;
	[tilespmem:$0x18580] =	vst v63  }
0x31b: {  	s18 =	simm.s32 @!p0 $0x1  }
0x31c: {  	_ =	swait.ge @!p0 [sflag:s18], $0x3000  }
0x31d: {  	[sflag:s18] =	ssyncset.done @!p0 $0x0  }
0x31e: {  	[sflag:s18] =	ssyncadd.s32 @!p0 $0xFFFFD000  }
0x31f: {  	v22 =	vld @!p0 [tilespmem:s3+$0xFFFFFFD0];
	_ =	sdelay $0x4  }
0x320: {  	v23 =	vadd.s32 @!p0 v1, v22  }
0x321: {  	v23 =	vshrl.u32 @!p0 v23, $0x3  }
0x322: {  	v23 =	vmul.u32 @!p0 $0x30, v23  }
0x323: {  	v22 =	vand.u32 @!p0 $0x7, v22  }
0x324: {  	v22 =	vor.u32 @!p0 v22, v23  }
0x325: {  	v5 =	vperm.xlane @!p0 v22, v5;
	_ =	sdelay $0x1  }
0x326: {  	v5 =	vadd.s32 @!p0 v4, v5;
	_ =	sdelay $0x3  }
0x327: {  	s29 =	simm.s32 @!p0 $0x6580;
	v6 =	vperm.xlane @!p0 v22, v6  }
0x328: {  	[hbm4b:s31+s6] =	stream.indirect_vreg.scatter @!p0 [tilespmem:s29], [sflag:$0x7], $0x80, v5, vm0, $0xb8;
	[tilespmem:$0x18580] =	vst v63  }
0x329: {  	v4 =	vadd.s32 @!p0 v4, v6;
	s29 =	simm.s32 @!p0 $0x6D80  }
0x32a: {  	[hbm4b:s10+s6] =	stream.indirect_vreg.scatter @!p0 [tilespmem:s29], [sflag:$0x7], $0x80, v5, vm0, $0xb8;
	[tilespmem:$0x18580] =	vst v63  }
0x32b: {  	s29 =	simm.s32 @!p0 $0x7580  }
0x32c: {  	[hbm4b:s11+s6] =	stream.indirect_vreg.scatter @!p0 [tilespmem:s29], [sflag:$0x7], $0x80, v5, vm0, $0xb8;
	[tilespmem:$0x18580] =	vst v63  }
0x32d: {  	s29 =	simm.s32 @!p0 $0x7D80  }
0x32e: {  	[hbm4b:s31+s6] =	stream.indirect_vreg.scatter @!p0 [tilespmem:s29], [sflag:$0x7], $0x80, v4, vm0, $0xb8;
	[tilespmem:$0x18580] =	vst v63  }
0x32f: {  	s29 =	simm.s32 @!p0 $0x8580  }
0x330: {  	[hbm4b:s10+s6] =	stream.indirect_vreg.scatter @!p0 [tilespmem:s29], [sflag:$0x7], $0x80, v4, vm0, $0xb8;
	[tilespmem:$0x18580] =	vst v63  }
0x331: {  	s29 =	simm.s32 @!p0 $0x8D80  }
0x332: {  	[hbm4b:s11+s6] =	stream.indirect_vreg.scatter @!p0 [tilespmem:s29], [sflag:$0x7], $0x80, v4, vm0, $0xb8;
	[tilespmem:$0x18580] =	vst v63  }
0x333: {  	s6 =	simm.s32 @!p1 $0x2  }
0x334: {  	s18 =	rddreg [dreg:$0x2];
	_ =	swait.ge @!p1 [sflag:s6], $0x3000  }
0x335: {  	[sflag:s6] =	ssyncset.done @!p1 $0x0  }
0x336: {  	[sflag:s6] =	ssyncadd.s32 @!p1 $0xFFFFD000  }
0x337: {  	v4 =	vld @!p1 [tilespmem:s3+$0xFFFFFFE0];
	_ =	sdelay $0x4  }
0x338: {  	v5 =	vadd.s32 @!p1 v1, v4  }
0x339: {  	v5 =	vshrl.u32 @!p1 v5, $0x3  }
0x33a: {  	v5 =	vmul.u32 @!p1 $0x30, v5  }
0x33b: {  	v4 =	vand.u32 @!p1 $0x7, v4  }
0x33c: {  	v4 =	vor.u32 @!p1 v4, v5  }
0x33d: {  	v5 =	vperm.xlane @!p1 v4, v8;
	_ =	sdelay $0x1  }
0x33e: {  	v5 =	vadd.s32 @!p1 v7, v5;
	_ =	sdelay $0x3  }
0x33f: {  	s6 =	simm.s32 @!p1 $0x9580;
	v4 =	vperm.xlane @!p1 v4, v9  }
0x340: {  	[hbm4b:s31+s7] =	stream.indirect_vreg.scatter @!p1 [tilespmem:s6], [sflag:$0x8], $0x80, v5, vm1, $0xb8;
	[tilespmem:$0x18580] =	vst v63  }
0x341: {  	v4 =	vadd.s32 @!p1 v7, v4;
	s6 =	simm.s32 @!p1 $0x9D80  }
0x342: {  	[hbm4b:s10+s7] =	stream.indirect_vreg.scatter @!p1 [tilespmem:s6], [sflag:$0x8], $0x80, v5, vm1, $0xb8;
	[tilespmem:$0x18580] =	vst v63  }
0x343: {  	s6 =	simm.s32 @!p1 $0xA580  }
0x344: {  	[hbm4b:s11+s7] =	stream.indirect_vreg.scatter @!p1 [tilespmem:s6], [sflag:$0x8], $0x80, v5, vm1, $0xb8;
	[tilespmem:$0x18580] =	vst v63  }
0x345: {  	s6 =	simm.s32 @!p1 $0xAD80  }
0x346: {  	[hbm4b:s31+s7] =	stream.indirect_vreg.scatter @!p1 [tilespmem:s6], [sflag:$0x8], $0x80, v4, vm1, $0xb8;
	[tilespmem:$0x18580] =	vst v63  }
0x347: {  	s6 =	simm.s32 @!p1 $0xB580  }
0x348: {  	[hbm4b:s10+s7] =	stream.indirect_vreg.scatter @!p1 [tilespmem:s6], [sflag:$0x8], $0x80, v4, vm1, $0xb8;
	[tilespmem:$0x18580] =	vst v63  }
0x349: {  	s6 =	simm.s32 @!p1 $0xBD80  }
0x34a: {  	[hbm4b:s11+s7] =	stream.indirect_vreg.scatter @!p1 [tilespmem:s6], [sflag:$0x8], $0x80, v4, vm1, $0xb8;
	[tilespmem:$0x18580] =	vst v63  }
0x34b: {  	s6 =	simm.s32 @!p2 $0x3  }
0x34c: {  	_ =	swait.ge @!p2 [sflag:s6], $0x3000  }
0x34d: {  	[sflag:s6] =	ssyncset.done @!p2 $0x0  }
0x34e: {  	[sflag:s6] =	ssyncadd.s32 @!p2 $0xFFFFD000  }
0x34f: {  	v4 =	vld @!p2 [tilespmem:s3+$0xFFFFFFF0];
	_ =	sdelay $0x4  }
0x350: {  	v5 =	vadd.s32 @!p2 v1, v4  }
0x351: {  	v5 =	vshrl.u32 @!p2 v5, $0x3  }
0x352: {  	v5 =	vmul.u32 @!p2 $0x30, v5  }
0x353: {  	v4 =	vand.u32 @!p2 $0x7, v4  }
0x354: {  	v4 =	vor.u32 @!p2 v4, v5  }
0x355: {  	v5 =	vperm.xlane @!p2 v4, v11;
	_ =	sdelay $0x1  }
0x356: {  	v5 =	vadd.s32 @!p2 v10, v5;
	_ =	sdelay $0x3  }
0x357: {  	s6 =	simm.s32 @!p2 $0xC580;
	v4 =	vperm.xlane @!p2 v4, v12  }
0x358: {  	[hbm4b:s31+s25] =	stream.indirect_vreg.scatter @!p2 [tilespmem:s6], [sflag:$0x9], $0x80, v5, vm2, $0xb8;
	[tilespmem:$0x18580] =	vst v63  }
0x359: {  	v4 =	vadd.s32 @!p2 v10, v4;
	s6 =	simm.s32 @!p2 $0xCD80  }
0x35a: {  	[hbm4b:s10+s25] =	stream.indirect_vreg.scatter @!p2 [tilespmem:s6], [sflag:$0x9], $0x80, v5, vm2, $0xb8;
	[tilespmem:$0x18580] =	vst v63  }
0x35b: {  	s6 =	simm.s32 @!p2 $0xD580  }
0x35c: {  	[hbm4b:s11+s25] =	stream.indirect_vreg.scatter @!p2 [tilespmem:s6], [sflag:$0x9], $0x80, v5, vm2, $0xb8;
	[tilespmem:$0x18580] =	vst v63  }
0x35d: {  	s6 =	simm.s32 @!p2 $0xDD80  }
0x35e: {  	[hbm4b:s31+s25] =	stream.indirect_vreg.scatter @!p2 [tilespmem:s6], [sflag:$0x9], $0x80, v4, vm2, $0xb8;
	[tilespmem:$0x18580] =	vst v63  }
0x35f: {  	s6 =	simm.s32 @!p2 $0xE580  }
0x360: {  	[hbm4b:s10+s25] =	stream.indirect_vreg.scatter @!p2 [tilespmem:s6], [sflag:$0x9], $0x80, v4, vm2, $0xb8;
	[tilespmem:$0x18580] =	vst v63  }
0x361: {  	s6 =	simm.s32 @!p2 $0xED80  }
0x362: {  	[hbm4b:s11+s25] =	stream.indirect_vreg.scatter @!p2 [tilespmem:s6], [sflag:$0x9], $0x80, v4, vm2, $0xb8;
	[tilespmem:$0x18580] =	vst v63  }
0x363: {  	s6 =	simm.s32 @!p4 $0x4  }
0x364: {  	_ =	swait.ge @!p4 [sflag:s6], $0x3000  }
0x365: {  	[sflag:s6] =	ssyncset.done @!p4 $0x0  }
0x366: {  	[sflag:s6] =	ssyncadd.s32 @!p4 $0xFFFFD000  }
0x367: {  	v4 =	vld @!p4 [tilespmem:s3+$0x0];
	_ =	sdelay $0x4  }
0x368: {  	v5 =	vadd.s32 @!p4 v1, v4  }
0x369: {  	v5 =	vshrl.u32 @!p4 v5, $0x3  }
0x36a: {  	v5 =	vmul.u32 @!p4 $0x30, v5  }
0x36b: {  	v4 =	vand.u32 @!p4 $0x7, v4  }
0x36c: {  	v4 =	vor.u32 @!p4 v4, v5  }
0x36d: {  	v5 =	vperm.xlane @!p4 v4, v14;
	_ =	sdelay $0x1  }
0x36e: {  	v5 =	vadd.s32 @!p4 v13, v5;
	_ =	sdelay $0x3  }
0x36f: {  	s6 =	simm.s32 @!p4 $0xF580;
	v4 =	vperm.xlane @!p4 v4, v15  }
0x370: {  	[hbm4b:s31+s9] =	stream.indirect_vreg.scatter @!p4 [tilespmem:s6], [sflag:$0xA], $0x80, v5, vm3, $0xb8;
	[tilespmem:$0x18580] =	vst v63  }
0x371: {  	v4 =	vadd.s32 @!p4 v13, v4;
	s6 =	simm.s32 @!p4 $0xFD80  }
0x372: {  	[hbm4b:s10+s9] =	stream.indirect_vreg.scatter @!p4 [tilespmem:s6], [sflag:$0xA], $0x80, v5, vm3, $0xb8;
	[tilespmem:$0x18580] =	vst v63  }
0x373: {  	s6 =	simm.s32 @!p4 $0x10580  }
0x374: {  	[hbm4b:s11+s9] =	stream.indirect_vreg.scatter @!p4 [tilespmem:s6], [sflag:$0xA], $0x80, v5, vm3, $0xb8;
	[tilespmem:$0x18580] =	vst v63  }
0x375: {  	s6 =	simm.s32 @!p4 $0x10D80  }
0x376: {  	[hbm4b:s31+s9] =	stream.indirect_vreg.scatter @!p4 [tilespmem:s6], [sflag:$0xA], $0x80, v4, vm3, $0xb8;
	[tilespmem:$0x18580] =	vst v63  }
0x377: {  	s6 =	simm.s32 @!p4 $0x11580  }
0x378: {  	[hbm4b:s10+s9] =	stream.indirect_vreg.scatter @!p4 [tilespmem:s6], [sflag:$0xA], $0x80, v4, vm3, $0xb8;
	[tilespmem:$0x18580] =	vst v63  }
0x379: {  	s6 =	simm.s32 @!p4 $0x11D80  }
0x37a: {  	[hbm4b:s11+s9] =	stream.indirect_vreg.scatter @!p4 [tilespmem:s6], [sflag:$0xA], $0x80, v4, vm3, $0xb8;
	[tilespmem:$0x18580] =	vst v63  }
0x37b: {  	s6 =	simm.s32 @!p5 $0x5  }
0x37c: {  	_ =	swait.ge @!p5 [sflag:s6], $0x3000  }
0x37d: {  	[sflag:s6] =	ssyncset.done @!p5 $0x0  }
0x37e: {  	[sflag:s6] =	ssyncadd.s32 @!p5 $0xFFFFD000  }
0x37f: {  	v4 =	vld @!p5 [tilespmem:s3+$0x10];
	_ =	sdelay $0x4  }
0x380: {  	v5 =	vadd.s32 @!p5 v1, v4  }
0x381: {  	v5 =	vshrl.u32 @!p5 v5, $0x3  }
0x382: {  	v5 =	vmul.u32 @!p5 $0x30, v5  }
0x383: {  	v4 =	vand.u32 @!p5 $0x7, v4  }
0x384: {  	v4 =	vor.u32 @!p5 v4, v5  }
0x385: {  	v5 =	vperm.xlane @!p5 v4, v17;
	_ =	sdelay $0x1  }
0x386: {  	v5 =	vadd.s32 @!p5 v16, v5;
	_ =	sdelay $0x3  }
0x387: {  	s6 =	simm.s32 @!p5 $0x12580;
	v4 =	vperm.xlane @!p5 v4, v18  }
0x388: {  	[hbm4b:s31+s5] =	stream.indirect_vreg.scatter @!p5 [tilespmem:s6], [sflag:$0xB], $0x80, v5, vm4, $0xb8;
	[tilespmem:$0x18580] =	vst v63  }
0x389: {  	v4 =	vadd.s32 @!p5 v16, v4  }
0x38a: {  	[hbm4b:s10+s5] =	stream.indirect_vreg.scatter @!p5 [tilespmem:s24], [sflag:$0xB], $0x80, v5, vm4, $0xb8;
	[tilespmem:$0x18580] =	vst v63  }
0x38b: {  	_ = 	snop  }
0x38c: {  	[hbm4b:s11+s5] =	stream.indirect_vreg.scatter @!p5 [tilespmem:s23], [sflag:$0xB], $0x80, v5, vm4, $0xb8;
	[tilespmem:$0x18580] =	vst v63  }
0x38d: {  	_ = 	snop  }
0x38e: {  	[hbm4b:s31+s5] =	stream.indirect_vreg.scatter @!p5 [tilespmem:s21], [sflag:$0xB], $0x80, v4, vm4, $0xb8;
	[tilespmem:$0x18580] =	vst v63  }
0x38f: {  	_ = 	snop  }
0x390: {  	[hbm4b:s10+s5] =	stream.indirect_vreg.scatter @!p5 [tilespmem:s17], [sflag:$0xB], $0x80, v4, vm4, $0xb8;
	[tilespmem:$0x18580] =	vst v63  }
0x391: {  	_ = 	snop  }
0x392: {  	[hbm4b:s11+s5] =	stream.indirect_vreg.scatter @!p5 [tilespmem:s15], [sflag:$0xB], $0x80, v4, vm4, $0xb8;
	[tilespmem:$0x18580] =	vst v63  }
0x393: {  	s5 =	simm.s32 @!p3 $0x6  }
0x394: {  	_ =	swait.ge @!p3 [sflag:s5], $0x3000  }
0x395: {  	[sflag:s5] =	ssyncset.done @!p3 $0x0  }
0x396: {  	[sflag:s5] =	ssyncadd.s32 @!p3 $0xFFFFD000  }
0x397: {  	v4 =	vld @!p3 [tilespmem:s3+$0x20];
	_ =	sdelay $0x4  }
0x398: {  	v5 =	vadd.s32 @!p3 v1, v4  }
0x399: {  	v5 =	vshrl.u32 @!p3 v5, $0x3  }
0x39a: {  	v5 =	vmul.u32 @!p3 $0x30, v5  }
0x39b: {  	v4 =	vand.u32 @!p3 $0x7, v4  }
0x39c: {  	v4 =	vor.u32 @!p3 v4, v5  }
0x39d: {  	v5 =	vperm.xlane @!p3 v4, v20;
	_ =	sdelay $0x1  }
0x39e: {  	v5 =	vadd.s32 @!p3 v19, v5;
	_ =	sdelay $0x3  }
0x39f: {  	v4 =	vperm.xlane @!p3 v4, v21  }
0x3a0: {  	[hbm4b:s31+s28] =	stream.indirect_vreg.scatter @!p3 [tilespmem:s13], [sflag:$0xC], $0x80, v5, vm5, $0xb8;
	[tilespmem:$0x18580] =	vst v63  }
0x3a1: {  	v4 =	vadd.s32 @!p3 v19, v4  }
0x3a2: {  	[hbm4b:s10+s28] =	stream.indirect_vreg.scatter @!p3 [tilespmem:s16], [sflag:$0xC], $0x80, v5, vm5, $0xb8;
	[tilespmem:$0x18580] =	vst v63  }
0x3a3: {  	s4 =	sadd.s32 $0xFFFFFFFF, s4;
	s29 =	rddreg [dreg:$0x6]  }
0x3a4: {  	[hbm4b:s11+s28] =	stream.indirect_vreg.scatter @!p3 [tilespmem:s26], [sflag:$0xC], $0x80, v5, vm5, $0xb8;
	[tilespmem:$0x18580] =	vst v63  }
0x3a5: {  	p0 =	sne.s32 s29, s4  }
0x3a6: {  	[hbm4b:s31+s28] =	stream.indirect_vreg.scatter @!p3 [tilespmem:s12], [sflag:$0xC], $0x80, v4, vm5, $0xb8;
	[tilespmem:$0x18580] =	vst v63  }
.Ltmp17:
0x3a7: {  	_ = 	snop;
	(pc) =	sbr.rel @p0 .LBB2_22-.Ltmp17, $4  }
0x3a8: {  	_ = 	snop  }
0x3a9: {  	[hbm4b:s10+s28] =	stream.indirect_vreg.scatter @!p3 [tilespmem:s8], [sflag:$0xC], $0x80, v4, vm5, $0xb8;
	[tilespmem:$0x18580] =	vst v63  }
0x3aa: {  	s2 =	sadd.s32 $0x6, s2;
	s5 =	rddreg [dreg:$0xc];
	s3 =	sadd.s32 $0x60, s3  }
0x3ab: {  	[hbm4b:s11+s28] =	stream.indirect_vreg.scatter @!p3 [tilespmem:s1], [sflag:$0xC], $0x80, v4, vm5, $0xb8;
	[tilespmem:$0x18580] =	vst v63  }
0x3ac: {  	s1 =	sld [smem:$0x7FB];
	_ =	sdelay $0x2  }
0x3ad: {  	s1 =	smul.u32 $0x6, s1;
	_ =	sdelay $0x1  }
0x3ae: {  	s2 =	sadd.s32 $0xFFFFFFFA, s1  }
0x3af: {  	p0 =	sge.s32 s2, s0  }
0x3b0: {  	s2 =	simm.s32 @!p0 $0x7  }
0x3b1: {  	s3 =	sadd.s32 $0xFFFFFFFB, s1;
	_ =	swait.ge @!p0 [sflag:s2], $0x3000  }
0x3b2: {  	p1 =	sge.s32 s3, s0;
	[sflag:s2] =	ssyncset.done @!p0 $0x0  }
0x3b3: {  	[sflag:s2] =	ssyncadd.s32 @!p0 $0xFFFFD000;
	s2 =	simm.s32 @!p1 $0x8  }
0x3b4: {  	s25 =	sadd.s32 $0xFFFFFFFC, s1;
	_ =	swait.ge @!p1 [sflag:s2], $0x3000  }
0x3b5: {  	p0 =	sge.s32 s25, s0;
	[sflag:s2] =	ssyncset.done @!p1 $0x0  }
0x3b6: {  	[sflag:s2] =	ssyncadd.s32 @!p1 $0xFFFFD000;
	s2 =	simm.s32 @!p0 $0x9  }
0x3b7: {  	s26 =	sadd.s32 $0xFFFFFFFD, s1;
	_ =	swait.ge @!p0 [sflag:s2], $0x3000  }
0x3b8: {  	p1 =	sge.s32 s26, s0;
	[sflag:s2] =	ssyncset.done @!p0 $0x0  }
0x3b9: {  	[sflag:s2] =	ssyncadd.s32 @!p0 $0xFFFFD000;
	s2 =	simm.s32 @!p1 $0xA  }
0x3ba: {  	s29 =	sadd.s32 $0xFFFFFFFE, s1;
	_ =	swait.ge @!p1 [sflag:s2], $0x3000  }
0x3bb: {  	p0 =	sge.s32 s29, s0;
	[sflag:s2] =	ssyncset.done @!p1 $0x0  }
0x3bc: {  	[sflag:s2] =	ssyncadd.s32 @!p1 $0xFFFFD000;
	s2 =	simm.s32 @!p0 $0xB  }
0x3bd: {  	_ =	swait.ge @!p0 [sflag:s2], $0x3000  }
0x3be: {  	p1 =	sgt.s32 s1, s0;
	[sflag:s2] =	ssyncset.done @!p0 $0x0  }
0x3bf: {  	s0 =	simm.s32 @!p1 $0xC;
	[sflag:s2] =	ssyncadd.s32 @!p0 $0xFFFFD000  }
0x3c0: {  	_ =	swait.ge @!p1 [sflag:s0], $0x3000  }
0x3c1: {  	[sflag:s0] =	ssyncset.done @!p1 $0x0  }
0x3c2: {  	s28 =	smov.u32 s31;
	s31 =	smov.u32 s30;
	[sflag:s0] =	ssyncadd.s32 @!p1 $0xFFFFD000  }
.LBB2_24:
0x3c3: {  	s0 =	sadd.s32 $0xF, s22  }
0x3c4: {  	s1 =	sand.u32 $0xF, s0  }
0x3c5: {  	s2 =	sshra.s32 s0, $0x1F;
	p0 =	slt.s32 s0, $0x1;
	p1 =	sne.s32 s1, $0x0  }
0x3c6: {  	s26 =	sshrl.u32 s2, $0x1C;
	p0 =	por !p0, !p1  }
0x3c7: {  	s1 =	simm.s32 $0x1;
	s0 =	sadd.s32 s26, s0;
	p0 =	por !p0, !p0  }
0x3c8: {  	s0 =	sshra.s32 s0, $0x4;
	s1 =	simm.s32 @!p0 $0x0  }
0x3c9: {  	s0 =	ssub.s32 s0, s1  }
0x3ca: {  	s1 =	sadd.s32 $0x5, s0  }
0x3cb: {  	s29 =	smulhi.u32 $0x2AAAAAAB, s1;
	s1 =	sshra.s32 s1, $0x1F  }
0x3cc: {  	s1 =	smul.u32 $0x2AAAAAAB, s1;
	_ =	sdelay $0x1  }
0x3cd: {  	s1 =	sadd.s32 s1, s29  }
0x3ce: {  	s2 =	sshrl.u32 s1, $0x1F  }
0x3cf: {  	s1 =	sadd.s32 s2, s1  }
0x3d0: {  	s2 =	smul.u32 $0xFFFFFFFA, s1  }
0x3d1: {  	s3 =	ssub.s32 $0xFFFFFFFB, s0  }
0x3d2: {  	p5 =	slt.s32 s0, $0xFFFFFFFC;
	p6 =	sne.s32 s2, s3  }
0x3d3: {  	p0 =	por !p5, !p6  }
0x3d4: {  	s2 =	simm.s32 $0x1;
	p0 =	por !p0, !p0  }
0x3d5: {  	s2 =	simm.s32 @!p0 $0x0  }
0x3d6: {  	s2 =	ssub.s32 s1, s2  }
0x3d7: {  	p0 =	slt.s32 s2, $0x1  }
.Ltmp18:
0x3d8: {  	_ = 	snop;
	(pc) =	sbr.rel @p0 .LBB2_28-.Ltmp18, $4  }
0x3d9: {  	s30 =	rddreg [dreg:$0xd]  }
0x3da: {  	s7 =	rddreg [dreg:$0xe]  }
0x3db: {  	s26 =	rddreg [dreg:$0x3]  }
0x3dc: {  	s1 =	rddreg [dreg:$0x10]  }
0x3dd: {  	[smem:$0x7FA] =	sst s2;
	s1 =	ssub.s32 $0x0, s2;
	s2 =	simm.s32 $0x0  }
0x3de: {  	s3 =	simm.s32 $0x4C30;
	s4 =	simm.s32 $0x0;
	[dreg:$0x7] =	wrdreg s1  }
.LBB2_26:
0x3df: {  	p3 =	seq.s32 s4, $0x0  }
0x3e0: {  	s1 =	simm.s32 @!p3 $0x7  }
0x3e1: {  	_ =	swait.ge @!p3 [sflag:s1], $0x3000  }
0x3e2: {  	[sflag:s1] =	ssyncset.done @!p3 $0x0  }
0x3e3: {  	p0 =	sge.s32 s2, s0;
	[sflag:s1] =	ssyncadd.s32 @!p3 $0xFFFFD000  }
0x3e4: {  	v4 =	vld @!p0 [tilespmem:s3+$0xFFFFFFD0];
	_ =	sdelay $0x6  }
0x3e5: {  	s6 =	simm.s32 @!p0 $0x0  }
0x3e6: {  	v4 =	vld.idx.msk @!p0 [tilespmem:v4+s6+$0x0], $0xffff;
	_ =	sdelay $0x4  }
0x3e7: {  	v4 =	vadd.s32 @!p0 $0xFFFDB50F, v4  }
0x3e8: {  	v5 =	vshrl.u32 @!p0 v4, $0x3  }
0x3e9: {  	v5 =	vmul.u32 @!p0 $0x30, v5  }
0x3ea: {  	v6 =	vlaneseq.u32 @!p0;
	v4 =	vand.u32 @!p0 $0x7, v4  }
0x3eb: {  	v7 =	vor.u32 @!p0 v4, v5;
	v5 =	vand.u32 @!p0 $0x7, v6;
	v4 =	vshrl.u32 @!p0 v6, $0x3  }
0x3ec: {  	v8 =	vperm.xlane @!p0 v7, v5;
	v4 =	vmul.u32 @!p0 $0x8, v4;
	_ =	sdelay $0x1  }
0x3ed: {  	v8 =	vadd.s32 @!p0 v4, v8;
	_ =	sdelay $0x2  }
0x3ee: {  	v6 =	vor.u32 @!p0 $0x8, v6  }
0x3ef: {  	vm0 =	vmmov @!p0 $0xffff;
	s1 =	simm.s32 @!p0 $0x6580;
	v7 =	vperm.xlane @!p0 v7, v6  }
0x3f0: {  	[tilespmem:s1], [sflag:$0x1] =	stream.indirect_vreg.gather @!p0 [hbm4b:s26+s6], $0x80, v8, vm0, $0xb8;
	[tilespmem:$0x18580] =	vst v63  }
0x3f1: {  	v7 =	vadd.s32 @!p0 v4, v7;
	s1 =	simm.s32 @!p0 $0x6D80  }
0x3f2: {  	[tilespmem:s1], [sflag:$0x1] =	stream.indirect_vreg.gather @!p0 [hbm4b:s30+s6], $0x80, v8, vm0, $0xb8;
	[tilespmem:$0x18580] =	vst v63  }
0x3f3: {  	s1 =	simm.s32 @!p0 $0x7580  }
0x3f4: {  	[tilespmem:s1], [sflag:$0x1] =	stream.indirect_vreg.gather @!p0 [hbm4b:s7+s6], $0x80, v8, vm0, $0xb8;
	[tilespmem:$0x18580] =	vst v63  }
0x3f5: {  	s1 =	simm.s32 @!p0 $0x7D80  }
0x3f6: {  	[tilespmem:s1], [sflag:$0x1] =	stream.indirect_vreg.gather @!p0 [hbm4b:s26+s6], $0x80, v7, vm0, $0xb8;
	[tilespmem:$0x18580] =	vst v63  }
0x3f7: {  	s1 =	simm.s32 @!p0 $0x8580  }
0x3f8: {  	[tilespmem:s1], [sflag:$0x1] =	stream.indirect_vreg.gather @!p0 [hbm4b:s30+s6], $0x80, v7, vm0, $0xb8;
	[tilespmem:$0x18580] =	vst v63  }
0x3f9: {  	s1 =	simm.s32 @!p0 $0x8D80  }
0x3fa: {  	[tilespmem:s1], [sflag:$0x1] =	stream.indirect_vreg.gather @!p0 [hbm4b:s7+s6], $0x80, v7, vm0, $0xb8;
	[tilespmem:$0x18580] =	vst v63  }
0x3fb: {  	s1 =	simm.s32 @!p3 $0x8  }
0x3fc: {  	_ =	swait.ge @!p3 [sflag:s1], $0x3000  }
0x3fd: {  	s5 =	sadd.s32 $0x1, s2;
	[sflag:s1] =	ssyncset.done @!p3 $0x0  }
0x3fe: {  	p1 =	sge.s32 s5, s0;
	[sflag:s1] =	ssyncadd.s32 @!p3 $0xFFFFD000  }
0x3ff: {  	v7 =	vld @!p1 [tilespmem:s3+$0xFFFFFFE0];
	_ =	sdelay $0x6  }
0x400: {  	s7 =	simm.s32 @!p1 $0x0  }
0x401: {  	v7 =	vld.idx.msk @!p1 [tilespmem:v7+s7+$0x0], $0xffff;
	_ =	sdelay $0x4  }
0x402: {  	v7 =	vadd.s32 @!p1 $0xFFFDB50F, v7  }
0x403: {  	v8 =	vshrl.u32 @!p1 v7, $0x3  }
0x404: {  	v8 =	vmul.u32 @!p1 $0x30, v8  }
0x405: {  	v9 =	vlaneseq.u32 @!p1;
	v7 =	vand.u32 @!p1 $0x7, v7  }
0x406: {  	v10 =	vor.u32 @!p1 v7, v8;
	v8 =	vand.u32 @!p1 $0x7, v9;
	v7 =	vshrl.u32 @!p1 v9, $0x3  }
0x407: {  	v11 =	vperm.xlane @!p1 v10, v8;
	v7 =	vmul.u32 @!p1 $0x8, v7;
	_ =	sdelay $0x1  }
0x408: {  	v11 =	vadd.s32 @!p1 v7, v11;
	_ =	sdelay $0x2  }
0x409: {  	v9 =	vor.u32 @!p1 $0x8, v9  }
0x40a: {  	vm1 =	vmmov @!p1 $0xffff;
	s1 =	simm.s32 @!p1 $0x9580;
	v10 =	vperm.xlane @!p1 v10, v9  }
0x40b: {  	[tilespmem:s1], [sflag:$0x2] =	stream.indirect_vreg.gather @!p1 [hbm4b:s26+s7], $0x80, v11, vm1, $0xb8;
	[tilespmem:$0x18580] =	vst v63  }
0x40c: {  	v10 =	vadd.s32 @!p1 v7, v10;
	s1 =	simm.s32 @!p1 $0x9D80  }
0x40d: {  	[tilespmem:s1], [sflag:$0x2] =	stream.indirect_vreg.gather @!p1 [hbm4b:s30+s7], $0x80, v11, vm1, $0xb8;
	[tilespmem:$0x18580] =	vst v63  }
0x40e: {  	s5 =	simm.s32 @!p1 $0xA580;
	s1 =	rddreg [dreg:$0xe]  }
0x40f: {  	[tilespmem:s5], [sflag:$0x2] =	stream.indirect_vreg.gather @!p1 [hbm4b:s1+s7], $0x80, v11, vm1, $0xb8;
	[tilespmem:$0x18580] =	vst v63  }
0x410: {  	s1 =	simm.s32 @!p1 $0xAD80  }
0x411: {  	[tilespmem:s1], [sflag:$0x2] =	stream.indirect_vreg.gather @!p1 [hbm4b:s26+s7], $0x80, v10, vm1, $0xb8;
	[tilespmem:$0x18580] =	vst v63  }
0x412: {  	s1 =	simm.s32 @!p1 $0xB580  }
0x413: {  	[tilespmem:s1], [sflag:$0x2] =	stream.indirect_vreg.gather @!p1 [hbm4b:s30+s7], $0x80, v10, vm1, $0xb8;
	[tilespmem:$0x18580] =	vst v63  }
0x414: {  	s5 =	simm.s32 @!p1 $0xBD80;
	s1 =	rddreg [dreg:$0xe]  }
0x415: {  	[tilespmem:s5], [sflag:$0x2] =	stream.indirect_vreg.gather @!p1 [hbm4b:s1+s7], $0x80, v10, vm1, $0xb8;
	[tilespmem:$0x18580] =	vst v63  }
0x416: {  	s1 =	simm.s32 @!p3 $0x9  }
0x417: {  	_ =	swait.ge @!p3 [sflag:s1], $0x3000  }
0x418: {  	s9 =	sadd.s32 $0x2, s2;
	[sflag:s1] =	ssyncset.done @!p3 $0x0  }
0x419: {  	p2 =	sge.s32 s9, s0;
	[sflag:s1] =	ssyncadd.s32 @!p3 $0xFFFFD000  }
0x41a: {  	v10 =	vld @!p2 [tilespmem:s3+$0xFFFFFFF0];
	_ =	sdelay $0x6  }
0x41b: {  	s24 =	simm.s32 @!p2 $0x0  }
0x41c: {  	v10 =	vld.idx.msk @!p2 [tilespmem:v10+s24+$0x0], $0xffff;
	_ =	sdelay $0x4  }
0x41d: {  	v10 =	vadd.s32 @!p2 $0xFFFDB50F, v10  }
0x41e: {  	v11 =	vshrl.u32 @!p2 v10, $0x3  }
0x41f: {  	v11 =	vmul.u32 @!p2 $0x30, v11  }
0x420: {  	v12 =	vlaneseq.u32 @!p2;
	v10 =	vand.u32 @!p2 $0x7, v10  }
0x421: {  	v13 =	vor.u32 @!p2 v10, v11;
	v11 =	vand.u32 @!p2 $0x7, v12;
	v10 =	vshrl.u32 @!p2 v12, $0x3  }
0x422: {  	v14 =	vperm.xlane @!p2 v13, v11;
	v10 =	vmul.u32 @!p2 $0x8, v10;
	_ =	sdelay $0x1  }
0x423: {  	v14 =	vadd.s32 @!p2 v10, v14;
	_ =	sdelay $0x2  }
0x424: {  	v12 =	vor.u32 @!p2 $0x8, v12  }
0x425: {  	vm2 =	vmmov @!p2 $0xffff;
	s1 =	simm.s32 @!p2 $0xC580;
	v13 =	vperm.xlane @!p2 v13, v12  }
0x426: {  	[tilespmem:s1], [sflag:$0x3] =	stream.indirect_vreg.gather @!p2 [hbm4b:s26+s24], $0x80, v14, vm2, $0xb8;
	[tilespmem:$0x18580] =	vst v63  }
0x427: {  	v13 =	vadd.s32 @!p2 v10, v13;
	s1 =	simm.s32 @!p2 $0xCD80  }
0x428: {  	[tilespmem:s1], [sflag:$0x3] =	stream.indirect_vreg.gather @!p2 [hbm4b:s30+s24], $0x80, v14, vm2, $0xb8;
	[tilespmem:$0x18580] =	vst v63  }
0x429: {  	s5 =	simm.s32 @!p2 $0xD580;
	s1 =	rddreg [dreg:$0xe]  }
0x42a: {  	[tilespmem:s5], [sflag:$0x3] =	stream.indirect_vreg.gather @!p2 [hbm4b:s1+s24], $0x80, v14, vm2, $0xb8;
	[tilespmem:$0x18580] =	vst v63  }
0x42b: {  	s1 =	simm.s32 @!p2 $0xDD80  }
0x42c: {  	[tilespmem:s1], [sflag:$0x3] =	stream.indirect_vreg.gather @!p2 [hbm4b:s26+s24], $0x80, v13, vm2, $0xb8;
	[tilespmem:$0x18580] =	vst v63  }
0x42d: {  	s1 =	simm.s32 @!p2 $0xE580  }
0x42e: {  	[tilespmem:s1], [sflag:$0x3] =	stream.indirect_vreg.gather @!p2 [hbm4b:s30+s24], $0x80, v13, vm2, $0xb8;
	[tilespmem:$0x18580] =	vst v63  }
0x42f: {  	s5 =	simm.s32 @!p2 $0xED80;
	s1 =	rddreg [dreg:$0xe]  }
0x430: {  	[tilespmem:s5], [sflag:$0x3] =	stream.indirect_vreg.gather @!p2 [hbm4b:s1+s24], $0x80, v13, vm2, $0xb8;
	[tilespmem:$0x18580] =	vst v63  }
0x431: {  	s1 =	simm.s32 @!p3 $0xA  }
0x432: {  	_ =	swait.ge @!p3 [sflag:s1], $0x3000  }
0x433: {  	s12 =	sadd.s32 $0x3, s2;
	[sflag:s1] =	ssyncset.done @!p3 $0x0  }
0x434: {  	p4 =	sge.s32 s12, s0;
	[sflag:s1] =	ssyncadd.s32 @!p3 $0xFFFFD000  }
0x435: {  	v13 =	vld @!p4 [tilespmem:s3+$0x0];
	_ =	sdelay $0x6  }
0x436: {  	s9 =	simm.s32 @!p4 $0x0  }
0x437: {  	v13 =	vld.idx.msk @!p4 [tilespmem:v13+s9+$0x0], $0xffff;
	_ =	sdelay $0x4  }
0x438: {  	v13 =	vadd.s32 @!p4 $0xFFFDB50F, v13  }
0x439: {  	v14 =	vshrl.u32 @!p4 v13, $0x3  }
0x43a: {  	v14 =	vmul.u32 @!p4 $0x30, v14  }
0x43b: {  	v15 =	vlaneseq.u32 @!p4;
	v13 =	vand.u32 @!p4 $0x7, v13  }
0x43c: {  	v16 =	vor.u32 @!p4 v13, v14;
	v14 =	vand.u32 @!p4 $0x7, v15;
	v13 =	vshrl.u32 @!p4 v15, $0x3  }
0x43d: {  	v17 =	vperm.xlane @!p4 v16, v14;
	v13 =	vmul.u32 @!p4 $0x8, v13;
	_ =	sdelay $0x1  }
0x43e: {  	v17 =	vadd.s32 @!p4 v13, v17;
	_ =	sdelay $0x2  }
0x43f: {  	v15 =	vor.u32 @!p4 $0x8, v15  }
0x440: {  	vm3 =	vmmov @!p4 $0xffff;
	s1 =	simm.s32 @!p4 $0xF580;
	v16 =	vperm.xlane @!p4 v16, v15  }
0x441: {  	[tilespmem:s1], [sflag:$0x4] =	stream.indirect_vreg.gather @!p4 [hbm4b:s26+s9], $0x80, v17, vm3, $0xb8;
	[tilespmem:$0x18580] =	vst v63  }
0x442: {  	v16 =	vadd.s32 @!p4 v13, v16;
	s1 =	simm.s32 @!p4 $0xFD80  }
0x443: {  	[tilespmem:s1], [sflag:$0x4] =	stream.indirect_vreg.gather @!p4 [hbm4b:s30+s9], $0x80, v17, vm3, $0xb8;
	[tilespmem:$0x18580] =	vst v63  }
0x444: {  	s5 =	simm.s32 @!p4 $0x10580;
	s1 =	rddreg [dreg:$0xe]  }
0x445: {  	[tilespmem:s5], [sflag:$0x4] =	stream.indirect_vreg.gather @!p4 [hbm4b:s1+s9], $0x80, v17, vm3, $0xb8;
	[tilespmem:$0x18580] =	vst v63  }
0x446: {  	s1 =	simm.s32 @!p4 $0x10D80  }
0x447: {  	[tilespmem:s1], [sflag:$0x4] =	stream.indirect_vreg.gather @!p4 [hbm4b:s26+s9], $0x80, v16, vm3, $0xb8;
	[tilespmem:$0x18580] =	vst v63  }
0x448: {  	s1 =	simm.s32 @!p4 $0x11580  }
0x449: {  	[tilespmem:s1], [sflag:$0x4] =	stream.indirect_vreg.gather @!p4 [hbm4b:s30+s9], $0x80, v16, vm3, $0xb8;
	[tilespmem:$0x18580] =	vst v63  }
0x44a: {  	s28 =	simm.s32 @!p4 $0x11D80;
	s1 =	rddreg [dreg:$0xe]  }
0x44b: {  	[tilespmem:s28], [sflag:$0x4] =	stream.indirect_vreg.gather @!p4 [hbm4b:s1+s9], $0x80, v16, vm3, $0xb8;
	[tilespmem:$0x18580] =	vst v63  }
0x44c: {  	s1 =	simm.s32 @!p3 $0xB  }
0x44d: {  	_ =	swait.ge @!p3 [sflag:s1], $0x3000  }
0x44e: {  	s13 =	sadd.s32 $0x4, s2;
	[sflag:s1] =	ssyncset.done @!p3 $0x0  }
0x44f: {  	p5 =	sge.s32 s13, s0;
	[sflag:s1] =	ssyncadd.s32 @!p3 $0xFFFFD000  }
0x450: {  	v16 =	vld @!p5 [tilespmem:s3+$0x10];
	_ =	sdelay $0x6  }
0x451: {  	s17 =	simm.s32 @!p5 $0x0  }
0x452: {  	v16 =	vld.idx.msk @!p5 [tilespmem:v16+s17+$0x0], $0xffff;
	_ =	sdelay $0x4  }
0x453: {  	v16 =	vadd.s32 @!p5 $0xFFFDB50F, v16  }
0x454: {  	v17 =	vshrl.u32 @!p5 v16, $0x3  }
0x455: {  	v17 =	vmul.u32 @!p5 $0x30, v17  }
0x456: {  	v18 =	vlaneseq.u32 @!p5;
	v16 =	vand.u32 @!p5 $0x7, v16  }
0x457: {  	v19 =	vor.u32 @!p5 v16, v17;
	v17 =	vand.u32 @!p5 $0x7, v18;
	v16 =	vshrl.u32 @!p5 v18, $0x3  }
0x458: {  	v20 =	vperm.xlane @!p5 v19, v17;
	v16 =	vmul.u32 @!p5 $0x8, v16;
	_ =	sdelay $0x1  }
0x459: {  	v20 =	vadd.s32 @!p5 v16, v20;
	_ =	sdelay $0x2  }
0x45a: {  	v18 =	vor.u32 @!p5 $0x8, v18  }
0x45b: {  	vm4 =	vmmov @!p5 $0xffff;
	s25 =	simm.s32 @!p5 $0x12580;
	v19 =	vperm.xlane @!p5 v19, v18  }
0x45c: {  	[tilespmem:s25], [sflag:$0x5] =	stream.indirect_vreg.gather @!p5 [hbm4b:s26+s17], $0x80, v20, vm4, $0xb8;
	[tilespmem:$0x18580] =	vst v63  }
0x45d: {  	s23 =	simm.s32 @!p5 $0x12D80;
	v19 =	vadd.s32 @!p5 v16, v19  }
0x45e: {  	[tilespmem:s23], [sflag:$0x5] =	stream.indirect_vreg.gather @!p5 [hbm4b:s30+s17], $0x80, v20, vm4, $0xb8;
	[tilespmem:$0x18580] =	vst v63  }
0x45f: {  	s22 =	simm.s32 @!p5 $0x13580;
	s1 =	rddreg [dreg:$0xe]  }
0x460: {  	[tilespmem:s22], [sflag:$0x5] =	stream.indirect_vreg.gather @!p5 [hbm4b:s1+s17], $0x80, v20, vm4, $0xb8;
	[tilespmem:$0x18580] =	vst v63  }
0x461: {  	s21 =	simm.s32 @!p5 $0x13D80  }
0x462: {  	[tilespmem:s21], [sflag:$0x5] =	stream.indirect_vreg.gather @!p5 [hbm4b:s26+s17], $0x80, v19, vm4, $0xb8;
	[tilespmem:$0x18580] =	vst v63  }
0x463: {  	s18 =	simm.s32 @!p5 $0x14580  }
0x464: {  	[tilespmem:s18], [sflag:$0x5] =	stream.indirect_vreg.gather @!p5 [hbm4b:s30+s17], $0x80, v19, vm4, $0xb8;
	[tilespmem:$0x18580] =	vst v63  }
0x465: {  	s16 =	simm.s32 @!p5 $0x14D80;
	s1 =	rddreg [dreg:$0xe]  }
0x466: {  	[tilespmem:s16], [sflag:$0x5] =	stream.indirect_vreg.gather @!p5 [hbm4b:s1+s17], $0x80, v19, vm4, $0xb8;
	[tilespmem:$0x18580] =	vst v63  }
0x467: {  	s1 =	simm.s32 @!p3 $0xC  }
0x468: {  	_ =	swait.ge @!p3 [sflag:s1], $0x3000  }
0x469: {  	s15 =	sadd.s32 $0x5, s2;
	[sflag:s1] =	ssyncset.done @!p3 $0x0  }
0x46a: {  	[sflag:s1] =	ssyncadd.s32 @!p3 $0xFFFFD000;
	p3 =	sge.s32 s15, s0  }
0x46b: {  	v19 =	vld @!p3 [tilespmem:s3+$0x20];
	_ =	sdelay $0x6  }
0x46c: {  	s31 =	simm.s32 @!p3 $0x0  }
0x46d: {  	v19 =	vld.idx.msk @!p3 [tilespmem:v19+s31+$0x0], $0xffff;
	_ =	sdelay $0x4  }
0x46e: {  	v19 =	vadd.s32 @!p3 $0xFFFDB50F, v19  }
0x46f: {  	v20 =	vshrl.u32 @!p3 v19, $0x3  }
0x470: {  	v20 =	vmul.u32 @!p3 $0x30, v20  }
0x471: {  	v21 =	vlaneseq.u32 @!p3;
	v19 =	vand.u32 @!p3 $0x7, v19  }
0x472: {  	v22 =	vor.u32 @!p3 v19, v20;
	v20 =	vand.u32 @!p3 $0x7, v21;
	v19 =	vshrl.u32 @!p3 v21, $0x3  }
0x473: {  	v23 =	vperm.xlane @!p3 v22, v20;
	v19 =	vmul.u32 @!p3 $0x8, v19;
	_ =	sdelay $0x1  }
0x474: {  	v23 =	vadd.s32 @!p3 v19, v23;
	_ =	sdelay $0x2  }
0x475: {  	v21 =	vor.u32 @!p3 $0x8, v21  }
0x476: {  	vm5 =	vmmov @!p3 $0xffff;
	s12 =	simm.s32 @!p3 $0x15580;
	v22 =	vperm.xlane @!p3 v22, v21  }
0x477: {  	[tilespmem:s12], [sflag:$0x6] =	stream.indirect_vreg.gather @!p3 [hbm4b:s26+s31], $0x80, v23, vm5, $0xb8;
	[tilespmem:$0x18580] =	vst v63  }
0x478: {  	s15 =	simm.s32 @!p3 $0x15D80;
	v22 =	vadd.s32 @!p3 v19, v22  }
0x479: {  	[tilespmem:s15], [sflag:$0x6] =	stream.indirect_vreg.gather @!p3 [hbm4b:s30+s31], $0x80, v23, vm5, $0xb8;
	[tilespmem:$0x18580] =	vst v63  }
0x47a: {  	s1 =	rddreg [dreg:$0xe];
	s13 =	simm.s32 @!p3 $0x16580  }
0x47b: {  	[tilespmem:s13], [sflag:$0x6] =	stream.indirect_vreg.gather @!p3 [hbm4b:s1+s31], $0x80, v23, vm5, $0xb8;
	[tilespmem:$0x18580] =	vst v63  }
0x47c: {  	s8 =	simm.s32 @!p3 $0x16D80  }
0x47d: {  	[tilespmem:s8], [sflag:$0x6] =	stream.indirect_vreg.gather @!p3 [hbm4b:s26+s31], $0x80, v22, vm5, $0xb8;
	[tilespmem:$0x18580] =	vst v63  }
0x47e: {  	s1 =	simm.s32 @!p3 $0x17580  }
0x47f: {  	[tilespmem:s1], [sflag:$0x6] =	stream.indirect_vreg.gather @!p3 [hbm4b:s30+s31], $0x80, v22, vm5, $0xb8;
	[tilespmem:$0x18580] =	vst v63  }
0x480: {  	s5 =	simm.s32 @!p3 $0x17D80;
	s26 =	rddreg [dreg:$0xe]  }
0x481: {  	[tilespmem:s5], [sflag:$0x6] =	stream.indirect_vreg.gather @!p3 [hbm4b:s26+s31], $0x80, v22, vm5, $0xb8;
	[tilespmem:$0x18580] =	vst v63  }
0x482: {  	s26 =	simm.s32 @!p0 $0x1  }
0x483: {  	_ =	swait.ge @!p0 [sflag:s26], $0x3000  }
0x484: {  	[sflag:s26] =	ssyncset.done @!p0 $0x0  }
0x485: {  	[sflag:s26] =	ssyncadd.s32 @!p0 $0xFFFFD000  }
0x486: {  	v22 =	vld @!p0 [tilespmem:s3+$0xFFFFFFD0];
	_ =	sdelay $0x4  }
0x487: {  	v23 =	vadd.s32 @!p0 v1, v22  }
0x488: {  	v23 =	vshrl.u32 @!p0 v23, $0x3  }
0x489: {  	v23 =	vmul.u32 @!p0 $0x30, v23  }
0x48a: {  	v22 =	vand.u32 @!p0 $0x7, v22  }
0x48b: {  	v22 =	vor.u32 @!p0 v22, v23  }
0x48c: {  	v5 =	vperm.xlane @!p0 v22, v5;
	_ =	sdelay $0x1  }
0x48d: {  	v5 =	vadd.s32 @!p0 v4, v5;
	_ =	sdelay $0x3  }
0x48e: {  	s29 =	simm.s32 @!p0 $0x6580;
	s30 =	rddreg [dreg:$0x4];
	v6 =	vperm.xlane @!p0 v22, v6  }
0x48f: {  	[hbm4b:s30+s6] =	stream.indirect_vreg.scatter @!p0 [tilespmem:s29], [sflag:$0x7], $0x80, v5, vm0, $0xb8;
	[tilespmem:$0x18580] =	vst v63  }
0x490: {  	v4 =	vadd.s32 @!p0 v4, v6;
	s29 =	simm.s32 @!p0 $0x6D80  }
0x491: {  	[hbm4b:s10+s6] =	stream.indirect_vreg.scatter @!p0 [tilespmem:s29], [sflag:$0x7], $0x80, v5, vm0, $0xb8;
	[tilespmem:$0x18580] =	vst v63  }
0x492: {  	s29 =	simm.s32 @!p0 $0x7580  }
0x493: {  	[hbm4b:s11+s6] =	stream.indirect_vreg.scatter @!p0 [tilespmem:s29], [sflag:$0x7], $0x80, v5, vm0, $0xb8;
	[tilespmem:$0x18580] =	vst v63  }
0x494: {  	s30 =	rddreg [dreg:$0x4];
	s29 =	simm.s32 @!p0 $0x7D80  }
0x495: {  	[hbm4b:s30+s6] =	stream.indirect_vreg.scatter @!p0 [tilespmem:s29], [sflag:$0x7], $0x80, v4, vm0, $0xb8;
	[tilespmem:$0x18580] =	vst v63  }
0x496: {  	s29 =	simm.s32 @!p0 $0x8580  }
0x497: {  	[hbm4b:s10+s6] =	stream.indirect_vreg.scatter @!p0 [tilespmem:s29], [sflag:$0x7], $0x80, v4, vm0, $0xb8;
	[tilespmem:$0x18580] =	vst v63  }
0x498: {  	s29 =	simm.s32 @!p0 $0x8D80  }
0x499: {  	[hbm4b:s11+s6] =	stream.indirect_vreg.scatter @!p0 [tilespmem:s29], [sflag:$0x7], $0x80, v4, vm0, $0xb8;
	[tilespmem:$0x18580] =	vst v63  }
0x49a: {  	s26 =	rddreg [dreg:$0x3];
	s6 =	simm.s32 @!p1 $0x2  }
0x49b: {  	s30 =	rddreg [dreg:$0xd];
	_ =	swait.ge @!p1 [sflag:s6], $0x3000  }
0x49c: {  	[sflag:s6] =	ssyncset.done @!p1 $0x0  }
0x49d: {  	[sflag:s6] =	ssyncadd.s32 @!p1 $0xFFFFD000  }
0x49e: {  	v4 =	vld @!p1 [tilespmem:s3+$0xFFFFFFE0];
	_ =	sdelay $0x4  }
0x49f: {  	v5 =	vadd.s32 @!p1 v1, v4  }
0x4a0: {  	v5 =	vshrl.u32 @!p1 v5, $0x3  }
0x4a1: {  	v5 =	vmul.u32 @!p1 $0x30, v5  }
0x4a2: {  	v4 =	vand.u32 @!p1 $0x7, v4  }
0x4a3: {  	v4 =	vor.u32 @!p1 v4, v5  }
0x4a4: {  	v5 =	vperm.xlane @!p1 v4, v8;
	_ =	sdelay $0x1  }
0x4a5: {  	v5 =	vadd.s32 @!p1 v7, v5;
	_ =	sdelay $0x3  }
0x4a6: {  	s29 =	simm.s32 @!p1 $0x9580;
	s6 =	rddreg [dreg:$0x4];
	v4 =	vperm.xlane @!p1 v4, v9  }
0x4a7: {  	[hbm4b:s6+s7] =	stream.indirect_vreg.scatter @!p1 [tilespmem:s29], [sflag:$0x8], $0x80, v5, vm1, $0xb8;
	[tilespmem:$0x18580] =	vst v63  }
0x4a8: {  	v4 =	vadd.s32 @!p1 v7, v4;
	s6 =	simm.s32 @!p1 $0x9D80  }
0x4a9: {  	[hbm4b:s10+s7] =	stream.indirect_vreg.scatter @!p1 [tilespmem:s6], [sflag:$0x8], $0x80, v5, vm1, $0xb8;
	[tilespmem:$0x18580] =	vst v63  }
0x4aa: {  	s6 =	simm.s32 @!p1 $0xA580  }
0x4ab: {  	[hbm4b:s11+s7] =	stream.indirect_vreg.scatter @!p1 [tilespmem:s6], [sflag:$0x8], $0x80, v5, vm1, $0xb8;
	[tilespmem:$0x18580] =	vst v63  }
0x4ac: {  	s29 =	simm.s32 @!p1 $0xAD80;
	s6 =	rddreg [dreg:$0x4]  }
0x4ad: {  	[hbm4b:s6+s7] =	stream.indirect_vreg.scatter @!p1 [tilespmem:s29], [sflag:$0x8], $0x80, v4, vm1, $0xb8;
	[tilespmem:$0x18580] =	vst v63  }
0x4ae: {  	s6 =	simm.s32 @!p1 $0xB580  }
0x4af: {  	[hbm4b:s10+s7] =	stream.indirect_vreg.scatter @!p1 [tilespmem:s6], [sflag:$0x8], $0x80, v4, vm1, $0xb8;
	[tilespmem:$0x18580] =	vst v63  }
0x4b0: {  	s6 =	simm.s32 @!p1 $0xBD80  }
0x4b1: {  	[hbm4b:s11+s7] =	stream.indirect_vreg.scatter @!p1 [tilespmem:s6], [sflag:$0x8], $0x80, v4, vm1, $0xb8;
	[tilespmem:$0x18580] =	vst v63  }
0x4b2: {  	s6 =	simm.s32 @!p2 $0x3  }
0x4b3: {  	s7 =	rddreg [dreg:$0xe];
	_ =	swait.ge @!p2 [sflag:s6], $0x3000  }
0x4b4: {  	[sflag:s6] =	ssyncset.done @!p2 $0x0  }
0x4b5: {  	[sflag:s6] =	ssyncadd.s32 @!p2 $0xFFFFD000  }
0x4b6: {  	v4 =	vld @!p2 [tilespmem:s3+$0xFFFFFFF0];
	_ =	sdelay $0x4  }
0x4b7: {  	v5 =	vadd.s32 @!p2 v1, v4  }
0x4b8: {  	v5 =	vshrl.u32 @!p2 v5, $0x3  }
0x4b9: {  	v5 =	vmul.u32 @!p2 $0x30, v5  }
0x4ba: {  	v4 =	vand.u32 @!p2 $0x7, v4  }
0x4bb: {  	v4 =	vor.u32 @!p2 v4, v5  }
0x4bc: {  	v5 =	vperm.xlane @!p2 v4, v11;
	_ =	sdelay $0x1  }
0x4bd: {  	v5 =	vadd.s32 @!p2 v10, v5;
	_ =	sdelay $0x3  }
0x4be: {  	s29 =	simm.s32 @!p2 $0xC580;
	s6 =	rddreg [dreg:$0x4];
	v4 =	vperm.xlane @!p2 v4, v12  }
0x4bf: {  	[hbm4b:s6+s24] =	stream.indirect_vreg.scatter @!p2 [tilespmem:s29], [sflag:$0x9], $0x80, v5, vm2, $0xb8;
	[tilespmem:$0x18580] =	vst v63  }
0x4c0: {  	v4 =	vadd.s32 @!p2 v10, v4;
	s6 =	simm.s32 @!p2 $0xCD80  }
0x4c1: {  	[hbm4b:s10+s24] =	stream.indirect_vreg.scatter @!p2 [tilespmem:s6], [sflag:$0x9], $0x80, v5, vm2, $0xb8;
	[tilespmem:$0x18580] =	vst v63  }
0x4c2: {  	s6 =	simm.s32 @!p2 $0xD580  }
0x4c3: {  	[hbm4b:s11+s24] =	stream.indirect_vreg.scatter @!p2 [tilespmem:s6], [sflag:$0x9], $0x80, v5, vm2, $0xb8;
	[tilespmem:$0x18580] =	vst v63  }
0x4c4: {  	s29 =	simm.s32 @!p2 $0xDD80;
	s6 =	rddreg [dreg:$0x4]  }
0x4c5: {  	[hbm4b:s6+s24] =	stream.indirect_vreg.scatter @!p2 [tilespmem:s29], [sflag:$0x9], $0x80, v4, vm2, $0xb8;
	[tilespmem:$0x18580] =	vst v63  }
0x4c6: {  	s6 =	simm.s32 @!p2 $0xE580  }
0x4c7: {  	[hbm4b:s10+s24] =	stream.indirect_vreg.scatter @!p2 [tilespmem:s6], [sflag:$0x9], $0x80, v4, vm2, $0xb8;
	[tilespmem:$0x18580] =	vst v63  }
0x4c8: {  	s6 =	simm.s32 @!p2 $0xED80  }
0x4c9: {  	[hbm4b:s11+s24] =	stream.indirect_vreg.scatter @!p2 [tilespmem:s6], [sflag:$0x9], $0x80, v4, vm2, $0xb8;
	[tilespmem:$0x18580] =	vst v63  }
0x4ca: {  	s6 =	simm.s32 @!p4 $0x4  }
0x4cb: {  	_ =	swait.ge @!p4 [sflag:s6], $0x3000  }
0x4cc: {  	[sflag:s6] =	ssyncset.done @!p4 $0x0  }
0x4cd: {  	[sflag:s6] =	ssyncadd.s32 @!p4 $0xFFFFD000  }
0x4ce: {  	v4 =	vld @!p4 [tilespmem:s3+$0x0];
	_ =	sdelay $0x4  }
0x4cf: {  	v5 =	vadd.s32 @!p4 v1, v4  }
0x4d0: {  	v5 =	vshrl.u32 @!p4 v5, $0x3  }
0x4d1: {  	v5 =	vmul.u32 @!p4 $0x30, v5  }
0x4d2: {  	v4 =	vand.u32 @!p4 $0x7, v4  }
0x4d3: {  	v4 =	vor.u32 @!p4 v4, v5  }
0x4d4: {  	v5 =	vperm.xlane @!p4 v4, v14;
	_ =	sdelay $0x1  }
0x4d5: {  	v5 =	vadd.s32 @!p4 v13, v5;
	_ =	sdelay $0x3  }
0x4d6: {  	s24 =	simm.s32 @!p4 $0xF580;
	s6 =	rddreg [dreg:$0x4];
	v4 =	vperm.xlane @!p4 v4, v15  }
0x4d7: {  	[hbm4b:s6+s9] =	stream.indirect_vreg.scatter @!p4 [tilespmem:s24], [sflag:$0xA], $0x80, v5, vm3, $0xb8;
	[tilespmem:$0x18580] =	vst v63  }
0x4d8: {  	v4 =	vadd.s32 @!p4 v13, v4;
	s6 =	simm.s32 @!p4 $0xFD80  }
0x4d9: {  	[hbm4b:s10+s9] =	stream.indirect_vreg.scatter @!p4 [tilespmem:s6], [sflag:$0xA], $0x80, v5, vm3, $0xb8;
	[tilespmem:$0x18580] =	vst v63  }
0x4da: {  	s6 =	simm.s32 @!p4 $0x10580  }
0x4db: {  	[hbm4b:s11+s9] =	stream.indirect_vreg.scatter @!p4 [tilespmem:s6], [sflag:$0xA], $0x80, v5, vm3, $0xb8;
	[tilespmem:$0x18580] =	vst v63  }
0x4dc: {  	s24 =	simm.s32 @!p4 $0x10D80;
	s6 =	rddreg [dreg:$0x4]  }
0x4dd: {  	[hbm4b:s6+s9] =	stream.indirect_vreg.scatter @!p4 [tilespmem:s24], [sflag:$0xA], $0x80, v4, vm3, $0xb8;
	[tilespmem:$0x18580] =	vst v63  }
0x4de: {  	s6 =	simm.s32 @!p4 $0x11580  }
0x4df: {  	[hbm4b:s10+s9] =	stream.indirect_vreg.scatter @!p4 [tilespmem:s6], [sflag:$0xA], $0x80, v4, vm3, $0xb8;
	[tilespmem:$0x18580] =	vst v63  }
0x4e0: {  	s6 =	simm.s32 @!p5 $0x5  }
0x4e1: {  	[hbm4b:s11+s9] =	stream.indirect_vreg.scatter @!p4 [tilespmem:s28], [sflag:$0xA], $0x80, v4, vm3, $0xb8;
	[tilespmem:$0x18580] =	vst v63  }
0x4e2: {  	s28 =	rddreg [dreg:$0x4];
	_ =	swait.ge @!p5 [sflag:s6], $0x3000  }
0x4e3: {  	[sflag:s6] =	ssyncset.done @!p5 $0x0  }
0x4e4: {  	[sflag:s6] =	ssyncadd.s32 @!p5 $0xFFFFD000  }
0x4e5: {  	v4 =	vld @!p5 [tilespmem:s3+$0x10];
	_ =	sdelay $0x4  }
0x4e6: {  	v5 =	vadd.s32 @!p5 v1, v4  }
0x4e7: {  	v5 =	vshrl.u32 @!p5 v5, $0x3  }
0x4e8: {  	v5 =	vmul.u32 @!p5 $0x30, v5  }
0x4e9: {  	v4 =	vand.u32 @!p5 $0x7, v4  }
0x4ea: {  	v4 =	vor.u32 @!p5 v4, v5  }
0x4eb: {  	v5 =	vperm.xlane @!p5 v4, v17;
	_ =	sdelay $0x1  }
0x4ec: {  	v5 =	vadd.s32 @!p5 v16, v5;
	_ =	sdelay $0x3  }
0x4ed: {  	v4 =	vperm.xlane @!p5 v4, v18  }
0x4ee: {  	[hbm4b:s28+s17] =	stream.indirect_vreg.scatter @!p5 [tilespmem:s25], [sflag:$0xB], $0x80, v5, vm4, $0xb8;
	[tilespmem:$0x18580] =	vst v63  }
0x4ef: {  	v4 =	vadd.s32 @!p5 v16, v4  }
0x4f0: {  	[hbm4b:s10+s17] =	stream.indirect_vreg.scatter @!p5 [tilespmem:s23], [sflag:$0xB], $0x80, v5, vm4, $0xb8;
	[tilespmem:$0x18580] =	vst v63  }
0x4f1: {  	_ = 	snop  }
0x4f2: {  	[hbm4b:s11+s17] =	stream.indirect_vreg.scatter @!p5 [tilespmem:s22], [sflag:$0xB], $0x80, v5, vm4, $0xb8;
	[tilespmem:$0x18580] =	vst v63  }
0x4f3: {  	_ = 	snop  }
0x4f4: {  	[hbm4b:s28+s17] =	stream.indirect_vreg.scatter @!p5 [tilespmem:s21], [sflag:$0xB], $0x80, v4, vm4, $0xb8;
	[tilespmem:$0x18580] =	vst v63  }
0x4f5: {  	_ = 	snop  }
0x4f6: {  	[hbm4b:s10+s17] =	stream.indirect_vreg.scatter @!p5 [tilespmem:s18], [sflag:$0xB], $0x80, v4, vm4, $0xb8;
	[tilespmem:$0x18580] =	vst v63  }
0x4f7: {  	s6 =	simm.s32 @!p3 $0x6  }
0x4f8: {  	[hbm4b:s11+s17] =	stream.indirect_vreg.scatter @!p5 [tilespmem:s16], [sflag:$0xB], $0x80, v4, vm4, $0xb8;
	[tilespmem:$0x18580] =	vst v63  }
0x4f9: {  	_ =	swait.ge @!p3 [sflag:s6], $0x3000  }
0x4fa: {  	[sflag:s6] =	ssyncset.done @!p3 $0x0  }
0x4fb: {  	[sflag:s6] =	ssyncadd.s32 @!p3 $0xFFFFD000  }
0x4fc: {  	v4 =	vld @!p3 [tilespmem:s3+$0x20];
	_ =	sdelay $0x4  }
0x4fd: {  	v5 =	vadd.s32 @!p3 v1, v4  }
0x4fe: {  	v5 =	vshrl.u32 @!p3 v5, $0x3  }
0x4ff: {  	v5 =	vmul.u32 @!p3 $0x30, v5  }
0x500: {  	v4 =	vand.u32 @!p3 $0x7, v4  }
0x501: {  	v4 =	vor.u32 @!p3 v4, v5  }
0x502: {  	v5 =	vperm.xlane @!p3 v4, v20;
	_ =	sdelay $0x1  }
0x503: {  	v5 =	vadd.s32 @!p3 v19, v5;
	_ =	sdelay $0x3  }
0x504: {  	v4 =	vperm.xlane @!p3 v4, v21  }
0x505: {  	[hbm4b:s28+s31] =	stream.indirect_vreg.scatter @!p3 [tilespmem:s12], [sflag:$0xC], $0x80, v5, vm5, $0xb8;
	[tilespmem:$0x18580] =	vst v63  }
0x506: {  	v4 =	vadd.s32 @!p3 v19, v4  }
0x507: {  	[hbm4b:s10+s31] =	stream.indirect_vreg.scatter @!p3 [tilespmem:s15], [sflag:$0xC], $0x80, v5, vm5, $0xb8;
	[tilespmem:$0x18580] =	vst v63  }
0x508: {  	s4 =	sadd.s32 $0xFFFFFFFF, s4;
	s29 =	rddreg [dreg:$0x7]  }
0x509: {  	[hbm4b:s11+s31] =	stream.indirect_vreg.scatter @!p3 [tilespmem:s13], [sflag:$0xC], $0x80, v5, vm5, $0xb8;
	[tilespmem:$0x18580] =	vst v63  }
0x50a: {  	p0 =	sne.s32 s29, s4  }
0x50b: {  	[hbm4b:s28+s31] =	stream.indirect_vreg.scatter @!p3 [tilespmem:s8], [sflag:$0xC], $0x80, v4, vm5, $0xb8;
	[tilespmem:$0x18580] =	vst v63  }
.Ltmp19:
0x50c: {  	_ = 	snop;
	(pc) =	sbr.rel @p0 .LBB2_26-.Ltmp19, $4  }
0x50d: {  	_ = 	snop  }
0x50e: {  	[hbm4b:s10+s31] =	stream.indirect_vreg.scatter @!p3 [tilespmem:s1], [sflag:$0xC], $0x80, v4, vm5, $0xb8;
	[tilespmem:$0x18580] =	vst v63  }
0x50f: {  	s2 =	sadd.s32 $0x6, s2;
	s3 =	sadd.s32 $0x60, s3  }
0x510: {  	[hbm4b:s11+s31] =	stream.indirect_vreg.scatter @!p3 [tilespmem:s5], [sflag:$0xC], $0x80, v4, vm5, $0xb8;
	[tilespmem:$0x18580] =	vst v63  }
0x511: {  	s1 =	sld [smem:$0x7FA];
	_ =	sdelay $0x2  }
0x512: {  	s1 =	smul.u32 $0x6, s1;
	_ =	sdelay $0x1  }
0x513: {  	s2 =	sadd.s32 $0xFFFFFFFA, s1  }
0x514: {  	p0 =	sge.s32 s2, s0  }
0x515: {  	s2 =	simm.s32 @!p0 $0x7  }
0x516: {  	s3 =	sadd.s32 $0xFFFFFFFB, s1;
	_ =	swait.ge @!p0 [sflag:s2], $0x3000  }
0x517: {  	p1 =	sge.s32 s3, s0;
	[sflag:s2] =	ssyncset.done @!p0 $0x0  }
0x518: {  	[sflag:s2] =	ssyncadd.s32 @!p0 $0xFFFFD000;
	s2 =	simm.s32 @!p1 $0x8  }
0x519: {  	s26 =	sadd.s32 $0xFFFFFFFC, s1;
	_ =	swait.ge @!p1 [sflag:s2], $0x3000  }
0x51a: {  	p0 =	sge.s32 s26, s0;
	[sflag:s2] =	ssyncset.done @!p1 $0x0  }
0x51b: {  	[sflag:s2] =	ssyncadd.s32 @!p1 $0xFFFFD000;
	s2 =	simm.s32 @!p0 $0x9  }
0x51c: {  	s29 =	sadd.s32 $0xFFFFFFFD, s1;
	_ =	swait.ge @!p0 [sflag:s2], $0x3000  }
0x51d: {  	p1 =	sge.s32 s29, s0;
	[sflag:s2] =	ssyncset.done @!p0 $0x0  }
0x51e: {  	[sflag:s2] =	ssyncadd.s32 @!p0 $0xFFFFD000;
	s2 =	simm.s32 @!p1 $0xA  }
0x51f: {  	s30 =	sadd.s32 $0xFFFFFFFE, s1;
	_ =	swait.ge @!p1 [sflag:s2], $0x3000  }
0x520: {  	p0 =	sge.s32 s30, s0;
	[sflag:s2] =	ssyncset.done @!p1 $0x0  }
0x521: {  	[sflag:s2] =	ssyncadd.s32 @!p1 $0xFFFFD000;
	s2 =	simm.s32 @!p0 $0xB  }
0x522: {  	_ =	swait.ge @!p0 [sflag:s2], $0x3000  }
.Ltmp20:
0x523: {  	p1 =	sgt.s32 s1, s0;
	[sflag:s2] =	ssyncset.done @!p0 $0x0;
	(pc) =	sbr.rel .LBB2_28-.Ltmp20, $4  }
0x524: {  	s0 =	simm.s32 @!p1 $0xC;
	[sflag:s2] =	ssyncadd.s32 @!p0 $0xFFFFD000  }
0x525: {  	_ =	swait.ge @!p1 [sflag:s0], $0x3000  }
0x526: {  	[sflag:s0] =	ssyncset.done @!p1 $0x0;
	s31 =	rddreg [dreg:$0xb]  }
0x527: {  	s1 =	rddreg [dreg:$0x10];
	[sflag:s0] =	ssyncadd.s32 @!p1 $0xFFFFD000  }
.LBB2_15:
.Ltmp21:
0x528: {  	(pc) =	sbr.rel .LBB2_19-.Ltmp21, $2  }
0x529: {  	_ =	sdelay $0x2  }
0x52a: {  	s3 =	rddreg [dreg:$0x11]  }
.LBB2_17:
.Ltmp22:
0x52b: {  	(pc) =	sbr.rel .LBB2_19-.Ltmp22, $2  }
0x52c: {  	_ =	sdelay $0x2  }
0x52d: {  	s3 =	rddreg [dreg:$0x11]  }
.LBB2_29:
0x52e: {  	_ =	sfence.sel $0x180000  }
0x52f: {  	[bflag:$0x0] =	sbarrier.arrive $0xFFFF  }
0x530: {  	_ =	strace $0x90000047  }
0x531: {  	s0 =	stileid.u32;
	[bflag:$0x2] =	sbarrier.arrive $0xFFFF  }
0x532: {  	p0 =	sne.s32 s0, $0x0;
	s0 =	rddreg [dreg:$0x5]  }
0x533: {  	s0 =	sadd.s32 @!p0 $0x100000, s0  }
0x534: {  	[sflag:s0] =	ssyncadd.tile.s32 @!p0 $0x1;
	_ =	shalt  }
.Lfunc_end2:
_tile_overlayer_lowered:
.L_overlay_start_2:
0x535: {  	(tag) =	ssettag $0x2  }
0x536: {  	s0 =	rddreg [dreg:$0x0];
	s2 =	stileid.u32  }
0x537: {  	s1 =	rddreg [dreg:$0x1];
	p0 =	sne.s32 s2, $0x0  }
0x538: {  	s3 =	rddreg [dreg:$0x2];
	[bflag:$0x3] =	sbarrier.arrive $0xFFFF;
	s2 =	simm.s32 @!p0 $0x1C0D  }
0x539: {  	[timem:s3], [sflag:s2] =	dma.local @!p0 [hbm:s0], s1  }
0x53a: {  	s0 =	simm.s32 @!p0 $0xD  }
0x53b: {  	_ =	swait.ge @!p0 [sflag:s0], s1  }
0x53c: {  	s1 =	ssub.s32 @!p0 $0x0, s1;
	[sflag:s0] =	ssyncset.done @!p0 $0x0  }
0x53d: {  	[sflag:s0] =	ssyncadd.s32 @!p0 s1  }
0x53e: {  	[bflag:$0x3] =	sbarrier.arrive $0xFFFF  }
0x53f: {  	_ =	shalt  }

</sc_bundles>
